<compile_context>
chip_gen: v7x
topology: tpu7x:2x2x1
jax: 0.10.2.dev20260603
libtpu: 0.0.44.dev20260713+nightly
codegen_flags: <defaults>
</compile_context>

<pallas_src>
import functools

import jax
import jax.numpy as jnp
import numpy as np
from jax.experimental import pallas as pl
from jax.experimental.pallas import tpu as pltpu
from jax.experimental.pallas import tpu_sc as plsc

N_POINTS = 1048576
NUM_LEVELS = 16
BASE_RES = 16
MAX_RES = 2048
HASHMAP = 2 ** 19
HIDDEN = 64
OUT_DIM = 1
PER_LEVEL_SCALE = float(np.exp2(np.log2(MAX_RES / BASE_RES) / (NUM_LEVELS - 1)))
P1 = np.int32(np.uint32(2654435761).astype(np.int64) - (1 << 32))
P2 = np.int32(805459861)

_res, _params, _offs, _scales = [], [], [0], []
for _l in range(NUM_LEVELS):
    _scale = BASE_RES * (PER_LEVEL_SCALE ** _l) - 1.0
    _r = int(np.ceil(_scale)) + 1
    _p = min(HASHMAP, _r ** 3)
    _p = int(np.ceil(_p / 8.0) * 8)
    _res.append(_r)
    _params.append(_p)
    _offs.append(_offs[-1] + _p)
    _scales.append(np.float32(_scale))
TOTAL_PARAMS = _offs[-1]
HASHED = [(_res[l] ** 3) > HASHMAP for l in range(NUM_LEVELS)]

_k = np.arange(128)
_C = _k // 16
_L = _k % 16
CX128 = ((_C >> 2) & 1).astype(np.float32).reshape(1, 128)
CY128 = ((_C >> 1) & 1).astype(np.float32).reshape(1, 128)
CZ128 = (_C & 1).astype(np.float32).reshape(1, 128)
CX128I = CX128.astype(np.int32)
CY128I = CY128.astype(np.int32)
CZ128I = CZ128.astype(np.int32)
SCALE128 = np.asarray([_scales[l] for l in _L], np.float32).reshape(1, 128)
RES128 = np.asarray([_res[l] for l in _L], np.int32).reshape(1, 128)
RES2128 = np.asarray([_res[l] ** 2 for l in _L], np.int32).reshape(1, 128)
RESM1128 = np.asarray([_res[l] - 1 for l in _L], np.int32).reshape(1, 128)
OFF128 = np.asarray([_offs[l] for l in _L], np.int32).reshape(1, 128)
HASH128 = np.asarray([HASHED[l] for l in _L], np.int32).reshape(1, 128)

BLK_A = 1024
BLK_C = 1024


def _idx_body(x_ref, scale_ref, cxi_ref, cyi_ref, czi_ref, resm1_ref,
              res_ref, res2_ref, offs_ref, hmask_ref, idx_ref):
    x0 = x_ref[:, 0:1]
    y0 = x_ref[:, 1:2]
    z0 = x_ref[:, 2:3]
    scale = scale_ref[...]
    resm1 = resm1_ref[...]
    ix = jnp.minimum(
        jnp.floor(x0 * scale + 0.5).astype(jnp.int32) + cxi_ref[...], resm1)
    iy = jnp.minimum(
        jnp.floor(y0 * scale + 0.5).astype(jnp.int32) + cyi_ref[...], resm1)
    iz = jnp.minimum(
        jnp.floor(z0 * scale + 0.5).astype(jnp.int32) + czi_ref[...], resm1)
    hidx = (ix ^ (iy * P1) ^ (iz * P2)) & np.int32(HASHMAP - 1)
    didx = ix + iy * res_ref[...] + iz * res2_ref[...]
    idx_ref[...] = jnp.where(hmask_ref[...] != 0, hidx, didx) + offs_ref[...]


def _stage_a(x, n):
    full = lambda i: (0, 0)
    row = pl.BlockSpec((1, 128), full)
    out_blk = pl.BlockSpec((BLK_A, 128), lambda i: (i, 0))
    return pl.pallas_call(
        _idx_body,
        grid=(n // BLK_A,),
        in_specs=[pl.BlockSpec((BLK_A, 3), lambda i: (i, 0)),
                  row, row, row, row, row, row, row, row, row],
        out_specs=out_blk,
        out_shape=jax.ShapeDtypeStruct((n, 128), jnp.int32),
        compiler_params=pltpu.CompilerParams(
            dimension_semantics=("parallel",)),
    )(x, jnp.asarray(SCALE128), jnp.asarray(CX128I), jnp.asarray(CY128I),
      jnp.asarray(CZ128I), jnp.asarray(RESM1128), jnp.asarray(RES128),
      jnp.asarray(RES2128), jnp.asarray(OFF128), jnp.asarray(HASH128))


GATHER_ROWS = 4


def _sc_gather(tab0, tab1, idx, n):
    mesh = plsc.VectorSubcoreMesh(core_axis_name="c", subcore_axis_name="s")

    @functools.partial(
        pl.kernel,
        out_type=[jax.ShapeDtypeStruct((n, 128), jnp.float32),
                  jax.ShapeDtypeStruct((n, 128), jnp.float32)],
        mesh=mesh,
        scratch_types=[pltpu.SemaphoreType.DMA],
    )
    def k(t0_hbm, t1_hbm, i_hbm, o0_hbm, o1_hbm, sem):
        def body(i_vmem, o0_vmem, o1_vmem):
            @pl.loop(0, GATHER_ROWS)
            def _(j):
                pltpu.async_copy(t0_hbm.at[i_vmem.at[j]], o0_vmem.at[j], sem)
                pltpu.async_copy(t1_hbm.at[i_vmem.at[j]], o1_vmem.at[j], sem)

            @pl.loop(0, GATHER_ROWS)
            def _(j):
                pltpu.make_async_copy(
                    t0_hbm.at[i_vmem.at[j]], o0_vmem.at[j], sem).wait()
                pltpu.make_async_copy(
                    t1_hbm.at[i_vmem.at[j]], o1_vmem.at[j], sem).wait()

        blk = pl.BlockSpec((GATHER_ROWS, 128), index_map=lambda i: (i, 0))
        pltpu.emit_pipeline(
            body,
            grid=(n // GATHER_ROWS,),
            in_specs=[blk],
            out_specs=[blk, blk],
            core_axis_name=("c", "s"),
            dimension_semantics=(pltpu.PARALLEL,),
        )(i_hbm, o0_hbm, o1_hbm)

    return k(tab0, tab1, idx)


def _mlp_body(x_ref, g0_ref, g1_ref, scale_ref, cx_ref, cy_ref, cz_ref,
              m0_ref, m1_ref, b0_ref, w1_ref, b1_ref, w2_ref, b2_ref,
              w3_ref, b3_ref, o_ref):
    x0 = x_ref[:, 0:1]
    y0 = x_ref[:, 1:2]
    z0 = x_ref[:, 2:3]
    scale = scale_ref[...]
    posx = x0 * scale + 0.5
    posy = y0 * scale + 0.5
    posz = z0 * scale + 0.5
    fx = posx - jnp.floor(posx)
    fy = posy - jnp.floor(posy)
    fz = posz - jnp.floor(posz)
    cxm = cx_ref[...]
    cym = cy_ref[...]
    czm = cz_ref[...]
    wx = cxm * fx + (1.0 - cxm) * (1.0 - fx)
    wy = cym * fy + (1.0 - cym) * (1.0 - fy)
    wz = czm * fz + (1.0 - czm) * (1.0 - fz)
    w = wx * wy * wz
    wg0 = w * g0_ref[...]
    wg1 = w * g1_ref[...]
    h = (jnp.dot(wg0, m0_ref[...], preferred_element_type=jnp.float32)
         + jnp.dot(wg1, m1_ref[...], preferred_element_type=jnp.float32)
         + b0_ref[...])
    h = jnp.maximum(h, 0.0)
    h = jnp.maximum(
        jnp.dot(h, w1_ref[...], preferred_element_type=jnp.float32)
        + b1_ref[...], 0.0)
    h = jnp.maximum(
        jnp.dot(h, w2_ref[...], preferred_element_type=jnp.float32)
        + b2_ref[...], 0.0)
    out = jnp.sum(h * w3_ref[...], axis=1, keepdims=True) + b3_ref[...]
    o_ref[...] = out


def _stage_c(x, g0, g1, M0, M1, b0, W1, b1, W2, b2, W3, b3, n):
    full = lambda i: (0, 0)
    return pl.pallas_call(
        _mlp_body,
        grid=(n // BLK_C,),
        in_specs=[
            pl.BlockSpec((BLK_C, 3), lambda i: (i, 0)),
            pl.BlockSpec((BLK_C, 128), lambda i: (i, 0)),
            pl.BlockSpec((BLK_C, 128), lambda i: (i, 0)),
            pl.BlockSpec((1, 128), full),
            pl.BlockSpec((1, 128), full),
            pl.BlockSpec((1, 128), full),
            pl.BlockSpec((1, 128), full),
            pl.BlockSpec((128, HIDDEN), full),
            pl.BlockSpec((128, HIDDEN), full),
            pl.BlockSpec((1, HIDDEN), full),
            pl.BlockSpec((HIDDEN, HIDDEN), full),
            pl.BlockSpec((1, HIDDEN), full),
            pl.BlockSpec((HIDDEN, HIDDEN), full),
            pl.BlockSpec((1, HIDDEN), full),
            pl.BlockSpec((1, HIDDEN), full),
            pl.BlockSpec((1, 1), full),
        ],
        out_specs=pl.BlockSpec((BLK_C, 1), lambda i: (i, 0)),
        out_shape=jax.ShapeDtypeStruct((n, OUT_DIM), jnp.float32),
        compiler_params=pltpu.CompilerParams(
            dimension_semantics=("parallel",)),
    )(x, g0, g1, jnp.asarray(SCALE128), jnp.asarray(CX128),
      jnp.asarray(CY128), jnp.asarray(CZ128), M0, M1, b0, W1, b1, W2, b2,
      W3, b3)


NCHUNK = 4


def kernel(x, table, W0, b0, W1, b1, W2, b2, W3, b3):
    tab0 = table[:, 0]
    tab1 = table[:, 1]
    M0 = jnp.tile(W0[0::2], (8, 1))
    M1 = jnp.tile(W0[1::2], (8, 1))
    nc = N_POINTS // NCHUNK
    outs = []
    for i in range(NCHUNK):
        xs = jax.lax.slice(x, (i * nc, 0), ((i + 1) * nc, 3))
        idx = _stage_a(xs, nc)
        g0, g1 = _sc_gather(tab0, tab1, idx, nc)
        outs.append(_stage_c(
            xs, g0, g1, M0, M1, b0.reshape(1, HIDDEN), W1,
            b1.reshape(1, HIDDEN), W2, b2.reshape(1, HIDDEN),
            W3.reshape(1, HIDDEN), b3.reshape(1, 1), nc))
    return jnp.concatenate(outs, axis=0)

# --- scband reference (transcript-rebuilt; emitter-appended) ---
"""Pipeline reference for scband-hash-pinn-35665408426720 (READ-ONLY COPY).

The authoritative reference and input builder live on the scoring server;
editing this copy changes nothing except your own understanding.
"""

import jax, jax.numpy as jnp
import numpy as np

N_POINTS = 1048576
NUM_LEVELS = 16
LEVEL_DIM = 2
BASE_RES = 16
MAX_RES = 2048
HASHMAP = 2 ** 19
HIDDEN = 64
OUT_DIM = 1
PER_LEVEL_SCALE = float(np.exp2(np.log2(MAX_RES / BASE_RES) / (NUM_LEVELS - 1)))
PRIMES = (np.uint32(1), np.uint32(2654435761), np.uint32(805459861))


def _level_meta():
    res_list, params_list, offsets = [], [], [0]
    for l in range(NUM_LEVELS):
        scale = BASE_RES * (PER_LEVEL_SCALE ** l) - 1.0
        res = int(np.ceil(scale)) + 1
        p = min(HASHMAP, res ** 3)
        p = int(np.ceil(p / 8.0) * 8)
        res_list.append(res)
        params_list.append(p)
        offsets.append(offsets[-1] + p)
    return res_list, params_list, offsets

RES_LIST, PARAMS_LIST, OFFSETS = _level_meta()
TOTAL_PARAMS = OFFSETS[-1]
ENC_DIM = NUM_LEVELS * LEVEL_DIM


def setup_inputs(seed: int = 0) -> dict:
    key = jax.random.key(seed)
    ks = jax.random.split(key, 12)
    x = jax.random.uniform(ks[0], (N_POINTS, 3), dtype=jnp.float32)
    table = (jax.random.uniform(ks[1], (TOTAL_PARAMS, LEVEL_DIM), dtype=jnp.float32) * 2.0 - 1.0) * 1e-4
    def lin(k, fi, fo):
        return jax.random.normal(k, (fi, fo), dtype=jnp.float32) * (1.0 / np.sqrt(fi))
    W0 = lin(ks[2], ENC_DIM, HIDDEN); b0 = jnp.zeros((HIDDEN,), jnp.float32)
    W1 = lin(ks[3], HIDDEN, HIDDEN); b1 = jnp.zeros((HIDDEN,), jnp.float32)
    W2 = lin(ks[4], HIDDEN, HIDDEN); b2 = jnp.zeros((HIDDEN,), jnp.float32)
    W3 = lin(ks[5], HIDDEN, OUT_DIM); b3 = jnp.zeros((OUT_DIM,), jnp.float32)
    return {"x": x, "table": table, "W0": W0, "b0": b0, "W1": W1, "b1": b1, "W2": W2, "b2": b2, "W3": W3, "b3": b3}


def _grid_encode(x, table):
    feats = []
    for l in range(NUM_LEVELS):
        res = RES_LIST[l]
        p = PARAMS_LIST[l]
        off = OFFSETS[l]
        hashed = (res ** 3) > HASHMAP
        scale = BASE_RES * (PER_LEVEL_SCALE ** l) - 1.0
        pos = x * jnp.float32(scale) + 0.5
        pg_f = jnp.floor(pos)
        frac = pos - pg_f
        pg = pg_f.astype(jnp.uint32)
        feat = jnp.zeros((x.shape[0], LEVEL_DIM), dtype=jnp.float32)
        for cx in (0, 1):
            for cy in (0, 1):
                for cz in (0, 1):
                    corner = pg + jnp.array([cx, cy, cz], dtype=jnp.uint32)[None, :]
                    corner = jnp.minimum(corner, jnp.uint32(res - 1))
                    wx = frac[:, 0] if cx else (1.0 - frac[:, 0])
                    wy = frac[:, 1] if cy else (1.0 - frac[:, 1])
                    wz = frac[:, 2] if cz else (1.0 - frac[:, 2])
                    w = wx * wy * wz
                    if hashed:
                        idx = (corner[:, 0] * PRIMES[0]) ^ (corner[:, 1] * PRIMES[1]) ^ (corner[:, 2] * PRIMES[2])
                        idx = idx % jnp.uint32(p)
                    else:
                        idx = corner[:, 0] + corner[:, 1] * jnp.uint32(res) + corner[:, 2] * jnp.uint32(res * res)
                    vals = jnp.take(table, off + idx.astype(jnp.int32), axis=0)
                    feat = feat + w[:, None] * vals
        feats.append(feat)
    return jnp.concatenate(feats, axis=-1)


def reference(x, table, W0, b0, W1, b1, W2, b2, W3, b3):
    h = _grid_encode(x, table)
    h = jax.nn.relu(h @ W0 + b0)
    h = jax.nn.relu(h @ W1 + b1)
    h = jax.nn.relu(h @ W2 + b2)
    out = h @ W3 + b3
    return out

if __name__ == "__main__":
    import jax
    _d = setup_inputs()
    print(jax.jit(kernel)(*tuple(_d.values())))

</pallas_src>

<mosaic_0001>
#map = affine_map<(d0, d1) -> (0)>
#map1 = affine_map<(d0, d1) -> (0, 0)>
module attributes {stable_mosaic.version = 14 : i64} {
  func.func @k(%arg0: i32, %arg1: i32, %arg2: memref<6098120xf32, #tpu.memory_space<hbm>>, %arg3: memref<6098120xf32, #tpu.memory_space<hbm>>, %arg4: memref<262144x128xi32, #tpu.memory_space<hbm>>, %arg5: memref<262144x128xf32, #tpu.memory_space<hbm>>, %arg6: memref<262144x128xf32, #tpu.memory_space<hbm>>, %arg7: memref<!tpu.dma_semaphore, #tpu.memory_space<semaphore_mem>>) attributes {dimension_semantics = [#tpu.dimension_semantics<core_parallel>, #tpu.dimension_semantics<subcore_parallel>], iteration_bounds = array<i64: 2, 16>, scalar_prefetch = 0 : i64, scratch_operands = 1 : i64, tpu.core_type = #tpu.core_type<sc_vector_subcore>, window_params = [{transform_indices = #map}, {transform_indices = #map}, {transform_indices = #map1}, {transform_indices = #map1}, {transform_indices = #map1}]} {
    %mul3A = arith.constant 1 : i32
    %mul3A_0 = arith.muli %arg1, %mul3A : i32
    %add3A = arith.constant 0 : i32
    %add3A_1 = arith.addi %add3A, %mul3A_0 : i32
    %mul3A_2 = arith.constant 16 : i32
    %mul3A_3 = arith.muli %arg0, %mul3A_2 : i32
    %add3A_4 = arith.addi %add3A_1, %mul3A_3 : i32
    %mul3A_5 = arith.constant 2048 : i32
    %mul3A_6 = arith.muli %add3A_4, %mul3A_5 : i32
    "tpu.region"() ({
      %run_scoped3A = memref.alloca() : memref<2x4x128xi32, #tpu.memory_space<vmem>>
      %run_scoped3A_7 = tpu.sem_alloc : memref<2x!tpu.dma_semaphore, #tpu.memory_space<semaphore_mem>>
      %run_scoped3A_8 = memref.alloca() : memref<2x4x128xf32, #tpu.memory_space<vmem>>
      %run_scoped3A_9 = tpu.sem_alloc : memref<2x!tpu.dma_semaphore, #tpu.memory_space<semaphore_mem>>
      %run_scoped3A_10 = memref.alloca() : memref<2x4x128xf32, #tpu.memory_space<vmem>>
      %run_scoped3A_11 = tpu.sem_alloc : memref<2x!tpu.dma_semaphore, #tpu.memory_space<semaphore_mem>>
      %add3A_12 = arith.constant 0 : i32
      %add3A_13 = arith.addi %add3A_12, %mul3A_6 : i32
      %select_n3A = arith.constant true
      %select_n3A_14 = arith.constant 0 : i32
      %select_n3A_15 = arith.constant -1 : i32
      %select_n3A_16 = arith.select %select_n3A, %select_n3A_15, %select_n3A_14 : i32
      %eq3A = arith.constant -1 : i32
      %eq3A_17 = arith.cmpi eq, %select_n3A_16, %eq3A : i32
      %select_n3A_18 = arith.constant 2047 : i32
      %select_n3A_19 = arith.select %eq3A_17, %select_n3A_18, %select_n3A_16 : i32
      %add3A_20 = arith.addi %select_n3A_19, %mul3A_6 : i32
      %select_n3A_21 = arith.constant true
      %select_n3A_22 = arith.constant 0 : i32
      %select_n3A_23 = arith.constant 1 : i32
      %select_n3A_24 = arith.select %select_n3A_21, %select_n3A_23, %select_n3A_22 : i32
      %eq3A_25 = arith.constant 2048 : i32
      %eq3A_26 = arith.cmpi eq, %select_n3A_24, %eq3A_25 : i32
      %select_n3A_27 = arith.constant 0 : i32
      %select_n3A_28 = arith.select %eq3A_26, %select_n3A_27, %select_n3A_24 : i32
      %add3A_29 = arith.addi %select_n3A_28, %mul3A_6 : i32
      %add3A_30 = arith.constant 1 : i32
      %add3A_31 = arith.addi %select_n3A_28, %add3A_30 : i32
      %select_n3A_32 = arith.constant true
      %select_n3A_33 = arith.select %select_n3A_32, %add3A_31, %select_n3A_28 : i32
      %eq3A_34 = arith.constant 2048 : i32
      %eq3A_35 = arith.cmpi eq, %select_n3A_33, %eq3A_34 : i32
      %select_n3A_36 = arith.constant 0 : i32
      %select_n3A_37 = arith.select %eq3A_35, %select_n3A_36, %select_n3A_33 : i32
      %add3A_38 = arith.addi %select_n3A_37, %mul3A_6 : i32
      "tpu.trace_start"() <{level = 10 : i32, message = "ep_initialize_0"}> : () -> ()
      %rem3A = arith.constant 0 : i32
      %rem3A_39 = arith.constant 2 : i32
      %rem3A_40 = arith.remui %rem3A, %rem3A_39 : i32
      %mul3A_41 = arith.constant 4 : i32
      %mul3A_42 = arith.muli %mul3A_41, %add3A_13 : i32
      %dma_start3A = arith.constant 0 : i32
      %dma_start3A_43 = arith.constant 0 : i32
      %dma_start3A_44 = tpu.memref_slice %run_scoped3A[%rem3A_40, %dma_start3A, %dma_start3A_43] : memref<2x4x128xi32, #tpu.memory_space<vmem>> -> memref<1x4x128xi32, #tpu.memory_space<vmem>>
      %dma_start3A_45 = tpu.memref_squeeze %dma_start3A_44 : memref<1x4x128xi32, #tpu.memory_space<vmem>> -> memref<4x128xi32, #tpu.memory_space<vmem>>
      %dma_start3A_46 = arith.constant 0 : i32
      %dma_start3A_47 = tpu.memref_slice %arg4[%mul3A_42, %dma_start3A_46] : memref<262144x128xi32, #tpu.memory_space<hbm>> -> memref<4x128xi32, #tpu.memory_space<hbm>>
      %dma_start3A_48 = tpu.memref_slice %run_scoped3A_7[%rem3A_40] : memref<2x!tpu.dma_semaphore, #tpu.memory_space<semaphore_mem>> -> memref<1x!tpu.dma_semaphore, #tpu.memory_space<semaphore_mem>>
      %dma_start3A_49 = tpu.memref_squeeze %dma_start3A_48 : memref<1x!tpu.dma_semaphore, #tpu.memory_space<semaphore_mem>> -> memref<!tpu.dma_semaphore, #tpu.memory_space<semaphore_mem>>
      %dma_start3A_50 = arith.constant 0 : i32
      %dma_start3A_51 = arith.constant 0 : i32
      %dma_start3A_52 = tpu.memref_slice %run_scoped3A[%rem3A_40, %dma_start3A_50, %dma_start3A_51] : memref<2x4x128xi32, #tpu.memory_space<vmem>> -> memref<1x4x128xi32, #tpu.memory_space<vmem>>
      %dma_start3A_53 = tpu.memref_squeeze %dma_start3A_52 : memref<1x4x128xi32, #tpu.memory_space<vmem>> -> memref<4x128xi32, #tpu.memory_space<vmem>>
      %dma_start3A_54 = arith.constant 0 : i32
      %dma_start3A_55 = tpu.memref_slice %arg4[%mul3A_42, %dma_start3A_54] : memref<262144x128xi32, #tpu.memory_space<hbm>> -> memref<4x128xi32, #tpu.memory_space<hbm>>
      tpu.enqueue_dma source(%dma_start3A_55 : memref<4x128xi32, #tpu.memory_space<hbm>>) target(%dma_start3A_53 : memref<4x128xi32, #tpu.memory_space<vmem>>) target_semaphore(%dma_start3A_49 : memref<!tpu.dma_semaphore, #tpu.memory_space<semaphore_mem>>)
      %add3A_56 = arith.constant 0 : i32
      %add3A_57 = arith.constant 1 : i32
      %add3A_58 = arith.addi %add3A_56, %add3A_57 : i32
      %select_n3A_59 = arith.constant true
      %select_n3A_60 = arith.constant 0 : i32
      %select_n3A_61 = arith.select %select_n3A_59, %add3A_58, %select_n3A_60 : i32
      "tpu.trace_stop"() : () -> ()
      %scan3A = arith.constant 0 : i32
      %scan3A_62 = arith.constant 0 : i32
      %scan3A_63 = arith.constant 0 : i32
      %scan3A_64 = arith.constant 0 : i32
      %scan3A_65 = arith.constant 0 : i32
      %scan3A_66 = arith.constant 0 : i32
      %scan3A_67 = arith.constant 0 : i32
      %scan3A_68 = arith.constant 2048 : i32
      %scan3A_69 = arith.addi %scan3A_67, %scan3A_68 : i32
      %scan3A_70 = arith.constant 1 : i32
      %scan3A_71:7 = scf.for %scan3A_143 = %scan3A_67 to %scan3A_69 step %scan3A_70 iter_args(%scan3A_144 = %select_n3A_61, %scan3A_145 = %scan3A, %scan3A_146 = %scan3A_62, %scan3A_147 = %scan3A_63, %scan3A_148 = %scan3A_64, %scan3A_149 = %scan3A_65, %scan3A_150 = %scan3A_66) -> (i32, i32, i32, i32, i32, i32, i32)  : i32 {
        %eq3A_151 = arith.constant 0 : i32
        %eq3A_152 = arith.cmpi eq, %scan3A_143, %eq3A_151 : i32
        %eq3A_153 = arith.constant 2047 : i32
        %eq3A_154 = arith.cmpi eq, %scan3A_143, %eq3A_153 : i32
        %add3A_155 = arith.addi %scan3A_150, %mul3A_6 : i32
        %sub3A_156 = arith.constant 1 : i32
        %sub3A_157 = arith.subi %scan3A_150, %sub3A_156 : i32
        %select_n3A_158 = arith.constant true
        %select_n3A_159 = arith.select %select_n3A_158, %sub3A_157, %scan3A_150 : i32
        %eq3A_160 = arith.constant -1 : i32
        %eq3A_161 = arith.cmpi eq, %select_n3A_159, %eq3A_160 : i32
        %select_n3A_162 = arith.constant 2047 : i32
        %select_n3A_163 = arith.select %eq3A_161, %select_n3A_162, %select_n3A_159 : i32
        %add3A_164 = arith.addi %select_n3A_163, %mul3A_6 : i32
        %add3A_165 = arith.constant 1 : i32
        %add3A_166 = arith.addi %scan3A_150, %add3A_165 : i32
        %select_n3A_167 = arith.constant true
        %select_n3A_168 = arith.select %select_n3A_167, %add3A_166, %scan3A_150 : i32
        %eq3A_169 = arith.constant 2048 : i32
        %eq3A_170 = arith.cmpi eq, %select_n3A_168, %eq3A_169 : i32
        %select_n3A_171 = arith.constant 0 : i32
        %select_n3A_172 = arith.select %eq3A_170, %select_n3A_171, %select_n3A_168 : i32
        %add3A_173 = arith.addi %select_n3A_172, %mul3A_6 : i32
        %add3A_174 = arith.constant 1 : i32
        %add3A_175 = arith.addi %select_n3A_172, %add3A_174 : i32
        %select_n3A_176 = arith.constant true
        %select_n3A_177 = arith.select %select_n3A_176, %add3A_175, %select_n3A_172 : i32
        %eq3A_178 = arith.constant 2048 : i32
        %eq3A_179 = arith.cmpi eq, %select_n3A_177, %eq3A_178 : i32
        %select_n3A_180 = arith.constant 0 : i32
        %select_n3A_181 = arith.select %eq3A_179, %select_n3A_180, %select_n3A_177 : i32
        %add3A_182 = arith.addi %select_n3A_181, %mul3A_6 : i32
        %ne3A = arith.cmpi ne, %add3A_155, %add3A_173 : i32
        %or3A = arith.constant false
        %or3A_183 = arith.ori %or3A, %ne3A : i1
        %or3A_184 = arith.constant false
        %or3A_185 = arith.ori %or3A_183, %or3A_184 : i1
        %ge3A = arith.constant 2047 : i32
        %ge3A_186 = arith.cmpi sge, %scan3A_143, %ge3A : i32
        %not3A = arith.constant true
        %not3A_187 = arith.xori %ge3A_186, %not3A : i1
        %and3A = arith.andi %or3A_185, %not3A_187 : i1
        %convert_element_type3A = arith.extui %and3A : i1 to i32
        %cond3A = arith.constant 0 : i32
        %cond3A_188 = arith.cmpi ne, %convert_element_type3A, %cond3A : i32
        scf.if %cond3A_188 {
          "tpu.trace_start"() <{level = 10 : i32, message = "ep_copy_in"}> : () -> ()
          %rem3A_358 = arith.constant 2 : i32
          %rem3A_359 = arith.remui %scan3A_144, %rem3A_358 : i32
          %mul3A_360 = arith.constant 4 : i32
          %mul3A_361 = arith.muli %mul3A_360, %add3A_173 : i32
          %dma_start3A_362 = arith.constant 0 : i32
          %dma_start3A_363 = arith.constant 0 : i32
          %dma_start3A_364 = tpu.memref_slice %run_scoped3A[%rem3A_359, %dma_start3A_362, %dma_start3A_363] : memref<2x4x128xi32, #tpu.memory_space<vmem>> -> memref<1x4x128xi32, #tpu.memory_space<vmem>>
          %dma_start3A_365 = tpu.memref_squeeze %dma_start3A_364 : memref<1x4x128xi32, #tpu.memory_space<vmem>> -> memref<4x128xi32, #tpu.memory_space<vmem>>
          %dma_start3A_366 = arith.constant 0 : i32
          %dma_start3A_367 = tpu.memref_slice %arg4[%mul3A_361, %dma_start3A_366] : memref<262144x128xi32, #tpu.memory_space<hbm>> -> memref<4x128xi32, #tpu.memory_space<hbm>>
          %dma_start3A_368 = tpu.memref_slice %run_scoped3A_7[%rem3A_359] : memref<2x!tpu.dma_semaphore, #tpu.memory_space<semaphore_mem>> -> memref<1x!tpu.dma_semaphore, #tpu.memory_space<semaphore_mem>>
          %dma_start3A_369 = tpu.memref_squeeze %dma_start3A_368 : memref<1x!tpu.dma_semaphore, #tpu.memory_space<semaphore_mem>> -> memref<!tpu.dma_semaphore, #tpu.memory_space<semaphore_mem>>
          %dma_start3A_370 = arith.constant 0 : i32
          %dma_start3A_371 = arith.constant 0 : i32
          %dma_start3A_372 = tpu.memref_slice %run_scoped3A[%rem3A_359, %dma_start3A_370, %dma_start3A_371] : memref<2x4x128xi32, #tpu.memory_space<vmem>> -> memref<1x4x128xi32, #tpu.memory_space<vmem>>
          %dma_start3A_373 = tpu.memref_squeeze %dma_start3A_372 : memref<1x4x128xi32, #tpu.memory_space<vmem>> -> memref<4x128xi32, #tpu.memory_space<vmem>>
          %dma_start3A_374 = arith.constant 0 : i32
          %dma_start3A_375 = tpu.memref_slice %arg4[%mul3A_361, %dma_start3A_374] : memref<262144x128xi32, #tpu.memory_space<hbm>> -> memref<4x128xi32, #tpu.memory_space<hbm>>
          tpu.enqueue_dma source(%dma_start3A_375 : memref<4x128xi32, #tpu.memory_space<hbm>>) target(%dma_start3A_373 : memref<4x128xi32, #tpu.memory_space<vmem>>) target_semaphore(%dma_start3A_369 : memref<!tpu.dma_semaphore, #tpu.memory_space<semaphore_mem>>)
          "tpu.trace_stop"() : () -> ()
        } else {
        }
        %and3A_189 = arith.constant true
        %and3A_190 = arith.andi %and3A, %and3A_189 : i1
        %add3A_191 = arith.constant 1 : i32
        %add3A_192 = arith.addi %scan3A_144, %add3A_191 : i32
        %select_n3A_193 = arith.select %and3A_190, %add3A_192, %scan3A_144 : i32
        %ne3A_194 = arith.cmpi ne, %add3A_155, %add3A_173 : i32
        %or3A_195 = arith.constant false
        %or3A_196 = arith.ori %or3A_195, %ne3A_194 : i1
        %or3A_197 = arith.constant false
        %or3A_198 = arith.ori %or3A_196, %or3A_197 : i1
        %ge3A_199 = arith.constant 2047 : i32
        %ge3A_200 = arith.cmpi sge, %scan3A_143, %ge3A_199 : i32
        %not3A_201 = arith.constant true
        %not3A_202 = arith.xori %ge3A_200, %not3A_201 : i1
        %and3A_203 = arith.andi %or3A_198, %not3A_202 : i1
        %ne3A_204 = arith.cmpi ne, %add3A_155, %add3A_173 : i32
        %or3A_205 = arith.constant false
        %or3A_206 = arith.ori %or3A_205, %ne3A_204 : i1
        %or3A_207 = arith.constant false
        %or3A_208 = arith.ori %or3A_206, %or3A_207 : i1
        %ge3A_209 = arith.constant 2047 : i32
        %ge3A_210 = arith.cmpi sge, %scan3A_143, %ge3A_209 : i32
        %not3A_211 = arith.constant true
        %not3A_212 = arith.xori %ge3A_210, %not3A_211 : i1
        %and3A_213 = arith.andi %or3A_208, %not3A_212 : i1
        %ne3A_214 = arith.cmpi ne, %add3A_155, %add3A_164 : i32
        %or3A_215 = arith.constant false
        %or3A_216 = arith.ori %or3A_215, %ne3A_214 : i1
        %or3A_217 = arith.constant false
        %or3A_218 = arith.ori %or3A_216, %or3A_217 : i1
        %or3A_219 = arith.ori %or3A_218, %eq3A_152 : i1
        %convert_element_type3A_220 = arith.extui %or3A_219 : i1 to i32
        %cond3A_221 = arith.constant 0 : i32
        %cond3A_222 = arith.cmpi ne, %convert_element_type3A_220, %cond3A_221 : i32
        scf.if %cond3A_222 {
          "tpu.trace_start"() <{level = 10 : i32, message = "ep_wait_in"}> : () -> ()
          %mul3A_358 = arith.constant 4 : i32
          %mul3A_359 = arith.muli %mul3A_358, %add3A_155 : i32
          %rem3A_360 = arith.constant 2 : i32
          %rem3A_361 = arith.remui %scan3A_145, %rem3A_360 : i32
          %dma_wait3A_362 = arith.constant 0 : i32
          %dma_wait3A_363 = arith.constant 0 : i32
          %dma_wait3A_364 = tpu.memref_slice %run_scoped3A[%rem3A_361, %dma_wait3A_362, %dma_wait3A_363] : memref<2x4x128xi32, #tpu.memory_space<vmem>> -> memref<1x4x128xi32, #tpu.memory_space<vmem>>
          %dma_wait3A_365 = tpu.memref_squeeze %dma_wait3A_364 : memref<1x4x128xi32, #tpu.memory_space<vmem>> -> memref<4x128xi32, #tpu.memory_space<vmem>>
          %dma_wait3A_366 = arith.constant 0 : i32
          %dma_wait3A_367 = tpu.memref_slice %arg4[%mul3A_359, %dma_wait3A_366] : memref<262144x128xi32, #tpu.memory_space<hbm>> -> memref<4x128xi32, #tpu.memory_space<hbm>>
          %dma_wait3A_368 = tpu.memref_slice %run_scoped3A_7[%rem3A_361] : memref<2x!tpu.dma_semaphore, #tpu.memory_space<semaphore_mem>> -> memref<1x!tpu.dma_semaphore, #tpu.memory_space<semaphore_mem>>
          %dma_wait3A_369 = tpu.memref_squeeze %dma_wait3A_368 : memref<1x!tpu.dma_semaphore, #tpu.memory_space<semaphore_mem>> -> memref<!tpu.dma_semaphore, #tpu.memory_space<semaphore_mem>>
          %dma_wait3A_370 = arith.constant 0 : i32
          %dma_wait3A_371 = arith.constant 0 : i32
          %dma_wait3A_372 = tpu.memref_slice %run_scoped3A[%rem3A_361, %dma_wait3A_370, %dma_wait3A_371] : memref<2x4x128xi32, #tpu.memory_space<vmem>> -> memref<1x4x128xi32, #tpu.memory_space<vmem>>
          %dma_wait3A_373 = tpu.memref_squeeze %dma_wait3A_372 : memref<1x4x128xi32, #tpu.memory_space<vmem>> -> memref<4x128xi32, #tpu.memory_space<vmem>>
          %dma_wait3A_374 = arith.constant 0 : i32
          %dma_wait3A_375 = tpu.memref_slice %arg4[%mul3A_359, %dma_wait3A_374] : memref<262144x128xi32, #tpu.memory_space<hbm>> -> memref<4x128xi32, #tpu.memory_space<hbm>>
          tpu.wait_dma2 semaphore(%dma_wait3A_369 : memref<!tpu.dma_semaphore, #tpu.memory_space<semaphore_mem>>) src(%dma_wait3A_375 : memref<4x128xi32, #tpu.memory_space<hbm>>) dst(%dma_wait3A_373 : memref<4x128xi32, #tpu.memory_space<vmem>>)
          "tpu.trace_stop"() : () -> ()
        } else {
        }
        %ne3A_223 = arith.cmpi ne, %add3A_155, %add3A_164 : i32
        %or3A_224 = arith.constant false
        %or3A_225 = arith.ori %or3A_224, %ne3A_223 : i1
        %or3A_226 = arith.constant false
        %or3A_227 = arith.ori %or3A_225, %or3A_226 : i1
        %or3A_228 = arith.ori %or3A_227, %eq3A_152 : i1
        %convert_element_type3A_229 = arith.extui %or3A_228 : i1 to i32
        %cond3A_230 = arith.constant 0 : i32
        %cond3A_231 = arith.cmpi ne, %convert_element_type3A_229, %cond3A_230 : i32
        scf.if %cond3A_231 {
        } else {
        }
        %ne3A_232 = arith.cmpi ne, %add3A_155, %add3A_164 : i32
        %or3A_233 = arith.constant false
        %or3A_234 = arith.ori %or3A_233, %ne3A_232 : i1
        %or3A_235 = arith.constant false
        %or3A_236 = arith.ori %or3A_234, %or3A_235 : i1
        %or3A_237 = arith.ori %or3A_236, %eq3A_152 : i1
        %convert_element_type3A_238 = arith.extui %or3A_237 : i1 to i32
        %cond3A_239 = arith.constant 0 : i32
        %cond3A_240 = arith.cmpi ne, %convert_element_type3A_238, %cond3A_239 : i32
        scf.if %cond3A_240 {
        } else {
        }
        %rem3A_241 = arith.constant 2 : i32
        %rem3A_242 = arith.remui %scan3A_145, %rem3A_241 : i32
        %rem3A_243 = arith.constant 2 : i32
        %rem3A_244 = arith.remui %scan3A_146, %rem3A_243 : i32
        %rem3A_245 = arith.constant 2 : i32
        %rem3A_246 = arith.remui %scan3A_148, %rem3A_245 : i32
        "tpu.trace_start"() <{level = 10 : i32, message = "ep_run_kernel"}> : () -> ()
        %scan3A_247 = arith.constant 0 : i32
        %scan3A_248 = arith.constant 4 : i32
        %scan3A_249 = arith.addi %scan3A_247, %scan3A_248 : i32
        %scan3A_250 = arith.constant 1 : i32
        scf.for %scan3A_358 = %scan3A_247 to %scan3A_249 step %scan3A_250  : i32 {
          %mul3A_359 = arith.constant 1 : i32
          %mul3A_360 = arith.muli %scan3A_358, %mul3A_359 : i32
          %add3A_361 = arith.constant 0 : i32
          %add3A_362 = arith.addi %add3A_361, %mul3A_360 : i32
          %dma_start3A_363 = arith.constant 0 : i32
          %dma_start3A_364 = arith.constant 0 : i32
          %dma_start3A_365 = tpu.memref_slice %run_scoped3A_8[%rem3A_244, %dma_start3A_363, %dma_start3A_364] : memref<2x4x128xf32, #tpu.memory_space<vmem>> -> memref<1x4x128xf32, #tpu.memory_space<vmem>>
          %dma_start3A_366 = tpu.memref_squeeze %dma_start3A_365 : memref<1x4x128xf32, #tpu.memory_space<vmem>> -> memref<4x128xf32, #tpu.memory_space<vmem>>
          %dma_start3A_367 = arith.constant 0 : i32
          %dma_start3A_368 = tpu.memref_slice %dma_start3A_366[%add3A_362, %dma_start3A_367] : memref<4x128xf32, #tpu.memory_space<vmem>> -> memref<1x128xf32, #tpu.memory_space<vmem>>
          %dma_start3A_369 = tpu.memref_squeeze %dma_start3A_368 : memref<1x128xf32, #tpu.memory_space<vmem>> -> memref<128xf32, #tpu.memory_space<vmem>>
          %dma_start3A_370 = arith.constant 0 : i32
          %dma_start3A_371 = arith.constant 0 : i32
          %dma_start3A_372 = tpu.memref_slice %run_scoped3A[%rem3A_242, %dma_start3A_370, %dma_start3A_371] : memref<2x4x128xi32, #tpu.memory_space<vmem>> -> memref<1x4x128xi32, #tpu.memory_space<vmem>>
          %dma_start3A_373 = tpu.memref_squeeze %dma_start3A_372 : memref<1x4x128xi32, #tpu.memory_space<vmem>> -> memref<4x128xi32, #tpu.memory_space<vmem>>
          %dma_start3A_374 = arith.constant 0 : i32
          %dma_start3A_375 = tpu.memref_slice %dma_start3A_373[%add3A_362, %dma_start3A_374] : memref<4x128xi32, #tpu.memory_space<vmem>> -> memref<1x128xi32, #tpu.memory_space<vmem>>
          %dma_start3A_376 = tpu.memref_squeeze %dma_start3A_375 : memref<1x128xi32, #tpu.memory_space<vmem>> -> memref<128xi32, #tpu.memory_space<vmem>>
          %dma_start3A_377 = arith.constant 0 : i32
          %dma_start3A_378 = tpu.memref_slice %arg2[%dma_start3A_377] : memref<6098120xf32, #tpu.memory_space<hbm>> -> memref<6098120xf32, #tpu.memory_space<hbm>>
          tpu.enqueue_indirect_dma source(%dma_start3A_378 : memref<6098120xf32, #tpu.memory_space<hbm>>) target(%dma_start3A_369 : memref<128xf32, #tpu.memory_space<vmem>>) offsets(%dma_start3A_376 : memref<128xi32, #tpu.memory_space<vmem>>) semaphore(%arg7 : memref<!tpu.dma_semaphore, #tpu.memory_space<semaphore_mem>>)
          %dma_start3A_379 = arith.constant 0 : i32
          %dma_start3A_380 = arith.constant 0 : i32
          %dma_start3A_381 = tpu.memref_slice %run_scoped3A_10[%rem3A_246, %dma_start3A_379, %dma_start3A_380] : memref<2x4x128xf32, #tpu.memory_space<vmem>> -> memref<1x4x128xf32, #tpu.memory_space<vmem>>
          %dma_start3A_382 = tpu.memref_squeeze %dma_start3A_381 : memref<1x4x128xf32, #tpu.memory_space<vmem>> -> memref<4x128xf32, #tpu.memory_space<vmem>>
          %dma_start3A_383 = arith.constant 0 : i32
          %dma_start3A_384 = tpu.memref_slice %dma_start3A_382[%add3A_362, %dma_start3A_383] : memref<4x128xf32, #tpu.memory_space<vmem>> -> memref<1x128xf32, #tpu.memory_space<vmem>>
          %dma_start3A_385 = tpu.memref_squeeze %dma_start3A_384 : memref<1x128xf32, #tpu.memory_space<vmem>> -> memref<128xf32, #tpu.memory_space<vmem>>
          %dma_start3A_386 = arith.constant 0 : i32
          %dma_start3A_387 = arith.constant 0 : i32
          %dma_start3A_388 = tpu.memref_slice %run_scoped3A[%rem3A_242, %dma_start3A_386, %dma_start3A_387] : memref<2x4x128xi32, #tpu.memory_space<vmem>> -> memref<1x4x128xi32, #tpu.memory_space<vmem>>
          %dma_start3A_389 = tpu.memref_squeeze %dma_start3A_388 : memref<1x4x128xi32, #tpu.memory_space<vmem>> -> memref<4x128xi32, #tpu.memory_space<vmem>>
          %dma_start3A_390 = arith.constant 0 : i32
          %dma_start3A_391 = tpu.memref_slice %dma_start3A_389[%add3A_362, %dma_start3A_390] : memref<4x128xi32, #tpu.memory_space<vmem>> -> memref<1x128xi32, #tpu.memory_space<vmem>>
          %dma_start3A_392 = tpu.memref_squeeze %dma_start3A_391 : memref<1x128xi32, #tpu.memory_space<vmem>> -> memref<128xi32, #tpu.memory_space<vmem>>
          %dma_start3A_393 = arith.constant 0 : i32
          %dma_start3A_394 = tpu.memref_slice %arg3[%dma_start3A_393] : memref<6098120xf32, #tpu.memory_space<hbm>> -> memref<6098120xf32, #tpu.memory_space<hbm>>
          tpu.enqueue_indirect_dma source(%dma_start3A_394 : memref<6098120xf32, #tpu.memory_space<hbm>>) target(%dma_start3A_385 : memref<128xf32, #tpu.memory_space<vmem>>) offsets(%dma_start3A_392 : memref<128xi32, #tpu.memory_space<vmem>>) semaphore(%arg7 : memref<!tpu.dma_semaphore, #tpu.memory_space<semaphore_mem>>)
        }
        %scan3A_251 = arith.constant 4 : i32
        %scan3A_252 = arith.constant 0 : i32
        %scan3A_253 = arith.constant 4 : i32
        %scan3A_254 = arith.addi %scan3A_252, %scan3A_253 : i32
        %scan3A_255 = arith.constant 1 : i32
        scf.for %scan3A_358 = %scan3A_252 to %scan3A_254 step %scan3A_255  : i32 {
          %mul3A_359 = arith.constant 1 : i32
          %mul3A_360 = arith.muli %scan3A_358, %mul3A_359 : i32
          %add3A_361 = arith.constant 0 : i32
          %add3A_362 = arith.addi %add3A_361, %mul3A_360 : i32
          %dma_wait3A_363 = arith.constant 0 : i32
          %dma_wait3A_364 = arith.constant 0 : i32
          %dma_wait3A_365 = tpu.memref_slice %run_scoped3A_8[%rem3A_244, %dma_wait3A_363, %dma_wait3A_364] : memref<2x4x128xf32, #tpu.memory_space<vmem>> -> memref<1x4x128xf32, #tpu.memory_space<vmem>>
          %dma_wait3A_366 = tpu.memref_squeeze %dma_wait3A_365 : memref<1x4x128xf32, #tpu.memory_space<vmem>> -> memref<4x128xf32, #tpu.memory_space<vmem>>
          %dma_wait3A_367 = arith.constant 0 : i32
          %dma_wait3A_368 = tpu.memref_slice %dma_wait3A_366[%add3A_362, %dma_wait3A_367] : memref<4x128xf32, #tpu.memory_space<vmem>> -> memref<1x128xf32, #tpu.memory_space<vmem>>
          %dma_wait3A_369 = tpu.memref_squeeze %dma_wait3A_368 : memref<1x128xf32, #tpu.memory_space<vmem>> -> memref<128xf32, #tpu.memory_space<vmem>>
          %dma_wait3A_370 = arith.constant 0 : i32
          %dma_wait3A_371 = arith.constant 0 : i32
          %dma_wait3A_372 = tpu.memref_slice %run_scoped3A[%rem3A_242, %dma_wait3A_370, %dma_wait3A_371] : memref<2x4x128xi32, #tpu.memory_space<vmem>> -> memref<1x4x128xi32, #tpu.memory_space<vmem>>
          %dma_wait3A_373 = tpu.memref_squeeze %dma_wait3A_372 : memref<1x4x128xi32, #tpu.memory_space<vmem>> -> memref<4x128xi32, #tpu.memory_space<vmem>>
          %dma_wait3A_374 = arith.constant 0 : i32
          %dma_wait3A_375 = tpu.memref_slice %dma_wait3A_373[%add3A_362, %dma_wait3A_374] : memref<4x128xi32, #tpu.memory_space<vmem>> -> memref<1x128xi32, #tpu.memory_space<vmem>>
          %dma_wait3A_376 = tpu.memref_squeeze %dma_wait3A_375 : memref<1x128xi32, #tpu.memory_space<vmem>> -> memref<128xi32, #tpu.memory_space<vmem>>
          %dma_wait3A_377 = arith.constant 0 : i32
          %dma_wait3A_378 = tpu.memref_slice %arg2[%dma_wait3A_377] : memref<6098120xf32, #tpu.memory_space<hbm>> -> memref<6098120xf32, #tpu.memory_space<hbm>>
          tpu.wait_indirect_dma semaphore(%arg7 : memref<!tpu.dma_semaphore, #tpu.memory_space<semaphore_mem>>) src(%dma_wait3A_378 : memref<6098120xf32, #tpu.memory_space<hbm>>) dst(%dma_wait3A_369 : memref<128xf32, #tpu.memory_space<vmem>>)
          %dma_wait3A_379 = arith.constant 0 : i32
          %dma_wait3A_380 = arith.constant 0 : i32
          %dma_wait3A_381 = tpu.memref_slice %run_scoped3A_10[%rem3A_246, %dma_wait3A_379, %dma_wait3A_380] : memref<2x4x128xf32, #tpu.memory_space<vmem>> -> memref<1x4x128xf32, #tpu.memory_space<vmem>>
          %dma_wait3A_382 = tpu.memref_squeeze %dma_wait3A_381 : memref<1x4x128xf32, #tpu.memory_space<vmem>> -> memref<4x128xf32, #tpu.memory_space<vmem>>
          %dma_wait3A_383 = arith.constant 0 : i32
          %dma_wait3A_384 = tpu.memref_slice %dma_wait3A_382[%add3A_362, %dma_wait3A_383] : memref<4x128xf32, #tpu.memory_space<vmem>> -> memref<1x128xf32, #tpu.memory_space<vmem>>
          %dma_wait3A_385 = tpu.memref_squeeze %dma_wait3A_384 : memref<1x128xf32, #tpu.memory_space<vmem>> -> memref<128xf32, #tpu.memory_space<vmem>>
          %dma_wait3A_386 = arith.constant 0 : i32
          %dma_wait3A_387 = arith.constant 0 : i32
          %dma_wait3A_388 = tpu.memref_slice %run_scoped3A[%rem3A_242, %dma_wait3A_386, %dma_wait3A_387] : memref<2x4x128xi32, #tpu.memory_space<vmem>> -> memref<1x4x128xi32, #tpu.memory_space<vmem>>
          %dma_wait3A_389 = tpu.memref_squeeze %dma_wait3A_388 : memref<1x4x128xi32, #tpu.memory_space<vmem>> -> memref<4x128xi32, #tpu.memory_space<vmem>>
          %dma_wait3A_390 = arith.constant 0 : i32
          %dma_wait3A_391 = tpu.memref_slice %dma_wait3A_389[%add3A_362, %dma_wait3A_390] : memref<4x128xi32, #tpu.memory_space<vmem>> -> memref<1x128xi32, #tpu.memory_space<vmem>>
          %dma_wait3A_392 = tpu.memref_squeeze %dma_wait3A_391 : memref<1x128xi32, #tpu.memory_space<vmem>> -> memref<128xi32, #tpu.memory_space<vmem>>
          %dma_wait3A_393 = arith.constant 0 : i32
          %dma_wait3A_394 = tpu.memref_slice %arg3[%dma_wait3A_393] : memref<6098120xf32, #tpu.memory_space<hbm>> -> memref<6098120xf32, #tpu.memory_space<hbm>>
          tpu.wait_indirect_dma semaphore(%arg7 : memref<!tpu.dma_semaphore, #tpu.memory_space<semaphore_mem>>) src(%dma_wait3A_394 : memref<6098120xf32, #tpu.memory_space<hbm>>) dst(%dma_wait3A_385 : memref<128xf32, #tpu.memory_space<vmem>>)
        }
        %scan3A_256 = arith.constant 4 : i32
        "tpu.trace_stop"() : () -> ()
        %ne3A_257 = arith.cmpi ne, %add3A_155, %add3A_173 : i32
        %or3A_258 = arith.constant false
        %or3A_259 = arith.ori %or3A_258, %ne3A_257 : i1
        %or3A_260 = arith.constant false
        %or3A_261 = arith.ori %or3A_259, %or3A_260 : i1
        %or3A_262 = arith.ori %or3A_261, %eq3A_154 : i1
        %convert_element_type3A_263 = arith.extui %or3A_262 : i1 to i32
        %cond3A_264 = arith.constant 0 : i32
        %cond3A_265 = arith.cmpi ne, %convert_element_type3A_263, %cond3A_264 : i32
        scf.if %cond3A_265 {
        } else {
        }
        %and3A_266 = arith.constant false
        %and3A_267 = arith.andi %or3A_262, %and3A_266 : i1
        %ne3A_268 = arith.cmpi ne, %add3A_155, %add3A_173 : i32
        %or3A_269 = arith.constant false
        %or3A_270 = arith.ori %or3A_269, %ne3A_268 : i1
        %or3A_271 = arith.constant false
        %or3A_272 = arith.ori %or3A_270, %or3A_271 : i1
        %or3A_273 = arith.ori %or3A_272, %eq3A_154 : i1
        %convert_element_type3A_274 = arith.extui %or3A_273 : i1 to i32
        %cond3A_275 = arith.constant 0 : i32
        %cond3A_276 = arith.cmpi ne, %convert_element_type3A_274, %cond3A_275 : i32
        scf.if %cond3A_276 {
          "tpu.trace_start"() <{level = 10 : i32, message = "ep_copy_out"}> : () -> ()
          %rem3A_358 = arith.constant 2 : i32
          %rem3A_359 = arith.remui %scan3A_146, %rem3A_358 : i32
          %mul3A_360 = arith.constant 4 : i32
          %mul3A_361 = arith.muli %mul3A_360, %add3A_155 : i32
          %dma_start3A_362 = arith.constant 0 : i32
          %dma_start3A_363 = arith.constant 0 : i32
          %dma_start3A_364 = tpu.memref_slice %run_scoped3A_8[%rem3A_359, %dma_start3A_362, %dma_start3A_363] : memref<2x4x128xf32, #tpu.memory_space<vmem>> -> memref<1x4x128xf32, #tpu.memory_space<vmem>>
          %dma_start3A_365 = tpu.memref_squeeze %dma_start3A_364 : memref<1x4x128xf32, #tpu.memory_space<vmem>> -> memref<4x128xf32, #tpu.memory_space<vmem>>
          %dma_start3A_366 = arith.constant 0 : i32
          %dma_start3A_367 = tpu.memref_slice %arg5[%mul3A_361, %dma_start3A_366] : memref<262144x128xf32, #tpu.memory_space<hbm>> -> memref<4x128xf32, #tpu.memory_space<hbm>>
          %dma_start3A_368 = tpu.memref_slice %run_scoped3A_9[%rem3A_359] : memref<2x!tpu.dma_semaphore, #tpu.memory_space<semaphore_mem>> -> memref<1x!tpu.dma_semaphore, #tpu.memory_space<semaphore_mem>>
          %dma_start3A_369 = tpu.memref_squeeze %dma_start3A_368 : memref<1x!tpu.dma_semaphore, #tpu.memory_space<semaphore_mem>> -> memref<!tpu.dma_semaphore, #tpu.memory_space<semaphore_mem>>
          %dma_start3A_370 = arith.constant 0 : i32
          %dma_start3A_371 = tpu.memref_slice %arg5[%mul3A_361, %dma_start3A_370] : memref<262144x128xf32, #tpu.memory_space<hbm>> -> memref<4x128xf32, #tpu.memory_space<hbm>>
          %dma_start3A_372 = arith.constant 0 : i32
          %dma_start3A_373 = arith.constant 0 : i32
          %dma_start3A_374 = tpu.memref_slice %run_scoped3A_8[%rem3A_359, %dma_start3A_372, %dma_start3A_373] : memref<2x4x128xf32, #tpu.memory_space<vmem>> -> memref<1x4x128xf32, #tpu.memory_space<vmem>>
          %dma_start3A_375 = tpu.memref_squeeze %dma_start3A_374 : memref<1x4x128xf32, #tpu.memory_space<vmem>> -> memref<4x128xf32, #tpu.memory_space<vmem>>
          tpu.enqueue_dma source(%dma_start3A_375 : memref<4x128xf32, #tpu.memory_space<vmem>>) target(%dma_start3A_371 : memref<4x128xf32, #tpu.memory_space<hbm>>) target_semaphore(%dma_start3A_369 : memref<!tpu.dma_semaphore, #tpu.memory_space<semaphore_mem>>)
          "tpu.trace_stop"() : () -> ()
        } else {
        }
        %and3A_277 = arith.constant true
        %and3A_278 = arith.andi %or3A_273, %and3A_277 : i1
        %add3A_279 = arith.constant 1 : i32
        %add3A_280 = arith.addi %scan3A_146, %add3A_279 : i32
        %select_n3A_281 = arith.select %and3A_278, %add3A_280, %scan3A_146 : i32
        %ne3A_282 = arith.cmpi ne, %add3A_155, %add3A_173 : i32
        %or3A_283 = arith.constant false
        %or3A_284 = arith.ori %or3A_283, %ne3A_282 : i1
        %or3A_285 = arith.constant false
        %or3A_286 = arith.ori %or3A_284, %or3A_285 : i1
        %or3A_287 = arith.ori %or3A_286, %eq3A_154 : i1
        %convert_element_type3A_288 = arith.extui %or3A_287 : i1 to i32
        %cond3A_289 = arith.constant 0 : i32
        %cond3A_290 = arith.cmpi ne, %convert_element_type3A_288, %cond3A_289 : i32
        scf.if %cond3A_290 {
          "tpu.trace_start"() <{level = 10 : i32, message = "ep_copy_out"}> : () -> ()
          %rem3A_358 = arith.constant 2 : i32
          %rem3A_359 = arith.remui %scan3A_148, %rem3A_358 : i32
          %mul3A_360 = arith.constant 4 : i32
          %mul3A_361 = arith.muli %mul3A_360, %add3A_155 : i32
          %dma_start3A_362 = arith.constant 0 : i32
          %dma_start3A_363 = arith.constant 0 : i32
          %dma_start3A_364 = tpu.memref_slice %run_scoped3A_10[%rem3A_359, %dma_start3A_362, %dma_start3A_363] : memref<2x4x128xf32, #tpu.memory_space<vmem>> -> memref<1x4x128xf32, #tpu.memory_space<vmem>>
          %dma_start3A_365 = tpu.memref_squeeze %dma_start3A_364 : memref<1x4x128xf32, #tpu.memory_space<vmem>> -> memref<4x128xf32, #tpu.memory_space<vmem>>
          %dma_start3A_366 = arith.constant 0 : i32
          %dma_start3A_367 = tpu.memref_slice %arg6[%mul3A_361, %dma_start3A_366] : memref<262144x128xf32, #tpu.memory_space<hbm>> -> memref<4x128xf32, #tpu.memory_space<hbm>>
          %dma_start3A_368 = tpu.memref_slice %run_scoped3A_11[%rem3A_359] : memref<2x!tpu.dma_semaphore, #tpu.memory_space<semaphore_mem>> -> memref<1x!tpu.dma_semaphore, #tpu.memory_space<semaphore_mem>>
          %dma_start3A_369 = tpu.memref_squeeze %dma_start3A_368 : memref<1x!tpu.dma_semaphore, #tpu.memory_space<semaphore_mem>> -> memref<!tpu.dma_semaphore, #tpu.memory_space<semaphore_mem>>
          %dma_start3A_370 = arith.constant 0 : i32
          %dma_start3A_371 = tpu.memref_slice %arg6[%mul3A_361, %dma_start3A_370] : memref<262144x128xf32, #tpu.memory_space<hbm>> -> memref<4x128xf32, #tpu.memory_space<hbm>>
          %dma_start3A_372 = arith.constant 0 : i32
          %dma_start3A_373 = arith.constant 0 : i32
          %dma_start3A_374 = tpu.memref_slice %run_scoped3A_10[%rem3A_359, %dma_start3A_372, %dma_start3A_373] : memref<2x4x128xf32, #tpu.memory_space<vmem>> -> memref<1x4x128xf32, #tpu.memory_space<vmem>>
          %dma_start3A_375 = tpu.memref_squeeze %dma_start3A_374 : memref<1x4x128xf32, #tpu.memory_space<vmem>> -> memref<4x128xf32, #tpu.memory_space<vmem>>
          tpu.enqueue_dma source(%dma_start3A_375 : memref<4x128xf32, #tpu.memory_space<vmem>>) target(%dma_start3A_371 : memref<4x128xf32, #tpu.memory_space<hbm>>) target_semaphore(%dma_start3A_369 : memref<!tpu.dma_semaphore, #tpu.memory_space<semaphore_mem>>)
          "tpu.trace_stop"() : () -> ()
        } else {
        }
        %and3A_291 = arith.constant true
        %and3A_292 = arith.andi %or3A_287, %and3A_291 : i1
        %add3A_293 = arith.constant 1 : i32
        %add3A_294 = arith.addi %scan3A_148, %add3A_293 : i32
        %select_n3A_295 = arith.select %and3A_292, %add3A_294, %scan3A_148 : i32
        %ne3A_296 = arith.cmpi ne, %add3A_155, %add3A_164 : i32
        %or3A_297 = arith.constant false
        %or3A_298 = arith.ori %or3A_297, %ne3A_296 : i1
        %or3A_299 = arith.constant false
        %or3A_300 = arith.ori %or3A_298, %or3A_299 : i1
        %not3A_301 = arith.constant true
        %not3A_302 = arith.xori %eq3A_152, %not3A_301 : i1
        %and3A_303 = arith.andi %or3A_300, %not3A_302 : i1
        %convert_element_type3A_304 = arith.extui %and3A_303 : i1 to i32
        %cond3A_305 = arith.constant 0 : i32
        %cond3A_306 = arith.cmpi ne, %convert_element_type3A_304, %cond3A_305 : i32
        scf.if %cond3A_306 {
        } else {
        }
        %and3A_307 = arith.constant false
        %and3A_308 = arith.andi %and3A_303, %and3A_307 : i1
        %ne3A_309 = arith.cmpi ne, %add3A_155, %add3A_164 : i32
        %or3A_310 = arith.constant false
        %or3A_311 = arith.ori %or3A_310, %ne3A_309 : i1
        %or3A_312 = arith.constant false
        %or3A_313 = arith.ori %or3A_311, %or3A_312 : i1
        %not3A_314 = arith.constant true
        %not3A_315 = arith.xori %eq3A_152, %not3A_314 : i1
        %and3A_316 = arith.andi %or3A_313, %not3A_315 : i1
        %convert_element_type3A_317 = arith.extui %and3A_316 : i1 to i32
        %cond3A_318 = arith.constant 0 : i32
        %cond3A_319 = arith.cmpi ne, %convert_element_type3A_317, %cond3A_318 : i32
        scf.if %cond3A_319 {
          "tpu.trace_start"() <{level = 10 : i32, message = "ep_wait_out"}> : () -> ()
          %rem3A_358 = arith.constant 2 : i32
          %rem3A_359 = arith.remui %scan3A_147, %rem3A_358 : i32
          %mul3A_360 = arith.constant 4 : i32
          %mul3A_361 = arith.muli %mul3A_360, %add3A_164 : i32
          %dma_wait3A_362 = arith.constant 0 : i32
          %dma_wait3A_363 = arith.constant 0 : i32
          %dma_wait3A_364 = tpu.memref_slice %run_scoped3A_8[%rem3A_359, %dma_wait3A_362, %dma_wait3A_363] : memref<2x4x128xf32, #tpu.memory_space<vmem>> -> memref<1x4x128xf32, #tpu.memory_space<vmem>>
          %dma_wait3A_365 = tpu.memref_squeeze %dma_wait3A_364 : memref<1x4x128xf32, #tpu.memory_space<vmem>> -> memref<4x128xf32, #tpu.memory_space<vmem>>
          %dma_wait3A_366 = arith.constant 0 : i32
          %dma_wait3A_367 = tpu.memref_slice %arg5[%mul3A_361, %dma_wait3A_366] : memref<262144x128xf32, #tpu.memory_space<hbm>> -> memref<4x128xf32, #tpu.memory_space<hbm>>
          %dma_wait3A_368 = tpu.memref_slice %run_scoped3A_9[%rem3A_359] : memref<2x!tpu.dma_semaphore, #tpu.memory_space<semaphore_mem>> -> memref<1x!tpu.dma_semaphore, #tpu.memory_space<semaphore_mem>>
          %dma_wait3A_369 = tpu.memref_squeeze %dma_wait3A_368 : memref<1x!tpu.dma_semaphore, #tpu.memory_space<semaphore_mem>> -> memref<!tpu.dma_semaphore, #tpu.memory_space<semaphore_mem>>
          %dma_wait3A_370 = arith.constant 0 : i32
          %dma_wait3A_371 = tpu.memref_slice %arg5[%mul3A_361, %dma_wait3A_370] : memref<262144x128xf32, #tpu.memory_space<hbm>> -> memref<4x128xf32, #tpu.memory_space<hbm>>
          %dma_wait3A_372 = arith.constant 0 : i32
          %dma_wait3A_373 = arith.constant 0 : i32
          %dma_wait3A_374 = tpu.memref_slice %run_scoped3A_8[%rem3A_359, %dma_wait3A_372, %dma_wait3A_373] : memref<2x4x128xf32, #tpu.memory_space<vmem>> -> memref<1x4x128xf32, #tpu.memory_space<vmem>>
          %dma_wait3A_375 = tpu.memref_squeeze %dma_wait3A_374 : memref<1x4x128xf32, #tpu.memory_space<vmem>> -> memref<4x128xf32, #tpu.memory_space<vmem>>
          tpu.wait_dma2 semaphore(%dma_wait3A_369 : memref<!tpu.dma_semaphore, #tpu.memory_space<semaphore_mem>>) src(%dma_wait3A_375 : memref<4x128xf32, #tpu.memory_space<vmem>>) dst(%dma_wait3A_371 : memref<4x128xf32, #tpu.memory_space<hbm>>)
          "tpu.trace_stop"() : () -> ()
        } else {
        }
        %and3A_320 = arith.constant true
        %and3A_321 = arith.andi %and3A_316, %and3A_320 : i1
        %add3A_322 = arith.constant 1 : i32
        %add3A_323 = arith.addi %scan3A_147, %add3A_322 : i32
        %select_n3A_324 = arith.select %and3A_321, %add3A_323, %scan3A_147 : i32
        %ne3A_325 = arith.cmpi ne, %add3A_155, %add3A_164 : i32
        %or3A_326 = arith.constant false
        %or3A_327 = arith.ori %or3A_326, %ne3A_325 : i1
        %or3A_328 = arith.constant false
        %or3A_329 = arith.ori %or3A_327, %or3A_328 : i1
        %not3A_330 = arith.constant true
        %not3A_331 = arith.xori %eq3A_152, %not3A_330 : i1
        %and3A_332 = arith.andi %or3A_329, %not3A_331 : i1
        %convert_element_type3A_333 = arith.extui %and3A_332 : i1 to i32
        %cond3A_334 = arith.constant 0 : i32
        %cond3A_335 = arith.cmpi ne, %convert_element_type3A_333, %cond3A_334 : i32
        scf.if %cond3A_335 {
          "tpu.trace_start"() <{level = 10 : i32, message = "ep_wait_out"}> : () -> ()
          %rem3A_358 = arith.constant 2 : i32
          %rem3A_359 = arith.remui %scan3A_149, %rem3A_358 : i32
          %mul3A_360 = arith.constant 4 : i32
          %mul3A_361 = arith.muli %mul3A_360, %add3A_164 : i32
          %dma_wait3A_362 = arith.constant 0 : i32
          %dma_wait3A_363 = arith.constant 0 : i32
          %dma_wait3A_364 = tpu.memref_slice %run_scoped3A_10[%rem3A_359, %dma_wait3A_362, %dma_wait3A_363] : memref<2x4x128xf32, #tpu.memory_space<vmem>> -> memref<1x4x128xf32, #tpu.memory_space<vmem>>
          %dma_wait3A_365 = tpu.memref_squeeze %dma_wait3A_364 : memref<1x4x128xf32, #tpu.memory_space<vmem>> -> memref<4x128xf32, #tpu.memory_space<vmem>>
          %dma_wait3A_366 = arith.constant 0 : i32
          %dma_wait3A_367 = tpu.memref_slice %arg6[%mul3A_361, %dma_wait3A_366] : memref<262144x128xf32, #tpu.memory_space<hbm>> -> memref<4x128xf32, #tpu.memory_space<hbm>>
          %dma_wait3A_368 = tpu.memref_slice %run_scoped3A_11[%rem3A_359] : memref<2x!tpu.dma_semaphore, #tpu.memory_space<semaphore_mem>> -> memref<1x!tpu.dma_semaphore, #tpu.memory_space<semaphore_mem>>
          %dma_wait3A_369 = tpu.memref_squeeze %dma_wait3A_368 : memref<1x!tpu.dma_semaphore, #tpu.memory_space<semaphore_mem>> -> memref<!tpu.dma_semaphore, #tpu.memory_space<semaphore_mem>>
          %dma_wait3A_370 = arith.constant 0 : i32
          %dma_wait3A_371 = tpu.memref_slice %arg6[%mul3A_361, %dma_wait3A_370] : memref<262144x128xf32, #tpu.memory_space<hbm>> -> memref<4x128xf32, #tpu.memory_space<hbm>>
          %dma_wait3A_372 = arith.constant 0 : i32
          %dma_wait3A_373 = arith.constant 0 : i32
          %dma_wait3A_374 = tpu.memref_slice %run_scoped3A_10[%rem3A_359, %dma_wait3A_372, %dma_wait3A_373] : memref<2x4x128xf32, #tpu.memory_space<vmem>> -> memref<1x4x128xf32, #tpu.memory_space<vmem>>
          %dma_wait3A_375 = tpu.memref_squeeze %dma_wait3A_374 : memref<1x4x128xf32, #tpu.memory_space<vmem>> -> memref<4x128xf32, #tpu.memory_space<vmem>>
          tpu.wait_dma2 semaphore(%dma_wait3A_369 : memref<!tpu.dma_semaphore, #tpu.memory_space<semaphore_mem>>) src(%dma_wait3A_375 : memref<4x128xf32, #tpu.memory_space<vmem>>) dst(%dma_wait3A_371 : memref<4x128xf32, #tpu.memory_space<hbm>>)
          "tpu.trace_stop"() : () -> ()
        } else {
        }
        %and3A_336 = arith.constant true
        %and3A_337 = arith.andi %and3A_332, %and3A_336 : i1
        %add3A_338 = arith.constant 1 : i32
        %add3A_339 = arith.addi %scan3A_149, %add3A_338 : i32
        %select_n3A_340 = arith.select %and3A_337, %add3A_339, %scan3A_149 : i32
        %ne3A_341 = arith.cmpi ne, %add3A_155, %add3A_173 : i32
        %or3A_342 = arith.constant false
        %or3A_343 = arith.ori %or3A_342, %ne3A_341 : i1
        %or3A_344 = arith.constant false
        %or3A_345 = arith.ori %or3A_343, %or3A_344 : i1
        %or3A_346 = arith.ori %or3A_345, %eq3A_154 : i1
        %add3A_347 = arith.constant 1 : i32
        %add3A_348 = arith.addi %scan3A_145, %add3A_347 : i32
        %select_n3A_349 = arith.select %or3A_346, %add3A_348, %scan3A_145 : i32
        %add3A_350 = arith.constant 1 : i32
        %add3A_351 = arith.addi %scan3A_150, %add3A_350 : i32
        %select_n3A_352 = arith.constant true
        %select_n3A_353 = arith.select %select_n3A_352, %add3A_351, %scan3A_150 : i32
        %eq3A_354 = arith.constant 2048 : i32
        %eq3A_355 = arith.cmpi eq, %select_n3A_353, %eq3A_354 : i32
        %select_n3A_356 = arith.constant 0 : i32
        %select_n3A_357 = arith.select %eq3A_355, %select_n3A_356, %select_n3A_353 : i32
        scf.yield %select_n3A_193, %select_n3A_349, %select_n3A_281, %select_n3A_324, %select_n3A_295, %select_n3A_340, %select_n3A_357 : i32, i32, i32, i32, i32, i32, i32
      }
      %scan3A_72 = arith.constant 2048 : i32
      %sub3A = arith.constant 1 : i32
      %sub3A_73 = arith.subi %scan3A_71#6, %sub3A : i32
      %select_n3A_74 = arith.constant true
      %select_n3A_75 = arith.select %select_n3A_74, %sub3A_73, %scan3A_71#6 : i32
      %eq3A_76 = arith.constant -1 : i32
      %eq3A_77 = arith.cmpi eq, %select_n3A_75, %eq3A_76 : i32
      %select_n3A_78 = arith.constant 2047 : i32
      %select_n3A_79 = arith.select %eq3A_77, %select_n3A_78, %select_n3A_75 : i32
      %add3A_80 = arith.addi %select_n3A_79, %mul3A_6 : i32
      %sub3A_81 = arith.constant 1 : i32
      %sub3A_82 = arith.subi %select_n3A_79, %sub3A_81 : i32
      %select_n3A_83 = arith.constant true
      %select_n3A_84 = arith.select %select_n3A_83, %sub3A_82, %select_n3A_79 : i32
      %eq3A_85 = arith.constant -1 : i32
      %eq3A_86 = arith.cmpi eq, %select_n3A_84, %eq3A_85 : i32
      %select_n3A_87 = arith.constant 2047 : i32
      %select_n3A_88 = arith.select %eq3A_86, %select_n3A_87, %select_n3A_84 : i32
      %add3A_89 = arith.addi %select_n3A_88, %mul3A_6 : i32
      %add3A_90 = arith.constant 1 : i32
      %add3A_91 = arith.addi %select_n3A_79, %add3A_90 : i32
      %select_n3A_92 = arith.constant true
      %select_n3A_93 = arith.select %select_n3A_92, %add3A_91, %select_n3A_79 : i32
      %eq3A_94 = arith.constant 2048 : i32
      %eq3A_95 = arith.cmpi eq, %select_n3A_93, %eq3A_94 : i32
      %select_n3A_96 = arith.constant 0 : i32
      %select_n3A_97 = arith.select %eq3A_95, %select_n3A_96, %select_n3A_93 : i32
      %add3A_98 = arith.addi %select_n3A_97, %mul3A_6 : i32
      %add3A_99 = arith.constant 1 : i32
      %add3A_100 = arith.addi %select_n3A_97, %add3A_99 : i32
      %select_n3A_101 = arith.constant true
      %select_n3A_102 = arith.select %select_n3A_101, %add3A_100, %select_n3A_97 : i32
      %eq3A_103 = arith.constant 2048 : i32
      %eq3A_104 = arith.cmpi eq, %select_n3A_102, %eq3A_103 : i32
      %select_n3A_105 = arith.constant 0 : i32
      %select_n3A_106 = arith.select %eq3A_104, %select_n3A_105, %select_n3A_102 : i32
      %add3A_107 = arith.addi %select_n3A_106, %mul3A_6 : i32
      "tpu.trace_start"() <{level = 10 : i32, message = "ep_finalize"}> : () -> ()
      %rem3A_108 = arith.constant 2 : i32
      %rem3A_109 = arith.remui %scan3A_71#3, %rem3A_108 : i32
      %mul3A_110 = arith.constant 4 : i32
      %mul3A_111 = arith.muli %mul3A_110, %add3A_80 : i32
      %dma_wait3A = arith.constant 0 : i32
      %dma_wait3A_112 = arith.constant 0 : i32
      %dma_wait3A_113 = tpu.memref_slice %run_scoped3A_8[%rem3A_109, %dma_wait3A, %dma_wait3A_112] : memref<2x4x128xf32, #tpu.memory_space<vmem>> -> memref<1x4x128xf32, #tpu.memory_space<vmem>>
      %dma_wait3A_114 = tpu.memref_squeeze %dma_wait3A_113 : memref<1x4x128xf32, #tpu.memory_space<vmem>> -> memref<4x128xf32, #tpu.memory_space<vmem>>
      %dma_wait3A_115 = arith.constant 0 : i32
      %dma_wait3A_116 = tpu.memref_slice %arg5[%mul3A_111, %dma_wait3A_115] : memref<262144x128xf32, #tpu.memory_space<hbm>> -> memref<4x128xf32, #tpu.memory_space<hbm>>
      %dma_wait3A_117 = tpu.memref_slice %run_scoped3A_9[%rem3A_109] : memref<2x!tpu.dma_semaphore, #tpu.memory_space<semaphore_mem>> -> memref<1x!tpu.dma_semaphore, #tpu.memory_space<semaphore_mem>>
      %dma_wait3A_118 = tpu.memref_squeeze %dma_wait3A_117 : memref<1x!tpu.dma_semaphore, #tpu.memory_space<semaphore_mem>> -> memref<!tpu.dma_semaphore, #tpu.memory_space<semaphore_mem>>
      %dma_wait3A_119 = arith.constant 0 : i32
      %dma_wait3A_120 = tpu.memref_slice %arg5[%mul3A_111, %dma_wait3A_119] : memref<262144x128xf32, #tpu.memory_space<hbm>> -> memref<4x128xf32, #tpu.memory_space<hbm>>
      %dma_wait3A_121 = arith.constant 0 : i32
      %dma_wait3A_122 = arith.constant 0 : i32
      %dma_wait3A_123 = tpu.memref_slice %run_scoped3A_8[%rem3A_109, %dma_wait3A_121, %dma_wait3A_122] : memref<2x4x128xf32, #tpu.memory_space<vmem>> -> memref<1x4x128xf32, #tpu.memory_space<vmem>>
      %dma_wait3A_124 = tpu.memref_squeeze %dma_wait3A_123 : memref<1x4x128xf32, #tpu.memory_space<vmem>> -> memref<4x128xf32, #tpu.memory_space<vmem>>
      tpu.wait_dma2 semaphore(%dma_wait3A_118 : memref<!tpu.dma_semaphore, #tpu.memory_space<semaphore_mem>>) src(%dma_wait3A_124 : memref<4x128xf32, #tpu.memory_space<vmem>>) dst(%dma_wait3A_120 : memref<4x128xf32, #tpu.memory_space<hbm>>)
      %rem3A_125 = arith.constant 2 : i32
      %rem3A_126 = arith.remui %scan3A_71#5, %rem3A_125 : i32
      %mul3A_127 = arith.constant 4 : i32
      %mul3A_128 = arith.muli %mul3A_127, %add3A_80 : i32
      %dma_wait3A_129 = arith.constant 0 : i32
      %dma_wait3A_130 = arith.constant 0 : i32
      %dma_wait3A_131 = tpu.memref_slice %run_scoped3A_10[%rem3A_126, %dma_wait3A_129, %dma_wait3A_130] : memref<2x4x128xf32, #tpu.memory_space<vmem>> -> memref<1x4x128xf32, #tpu.memory_space<vmem>>
      %dma_wait3A_132 = tpu.memref_squeeze %dma_wait3A_131 : memref<1x4x128xf32, #tpu.memory_space<vmem>> -> memref<4x128xf32, #tpu.memory_space<vmem>>
      %dma_wait3A_133 = arith.constant 0 : i32
      %dma_wait3A_134 = tpu.memref_slice %arg6[%mul3A_128, %dma_wait3A_133] : memref<262144x128xf32, #tpu.memory_space<hbm>> -> memref<4x128xf32, #tpu.memory_space<hbm>>
      %dma_wait3A_135 = tpu.memref_slice %run_scoped3A_11[%rem3A_126] : memref<2x!tpu.dma_semaphore, #tpu.memory_space<semaphore_mem>> -> memref<1x!tpu.dma_semaphore, #tpu.memory_space<semaphore_mem>>
      %dma_wait3A_136 = tpu.memref_squeeze %dma_wait3A_135 : memref<1x!tpu.dma_semaphore, #tpu.memory_space<semaphore_mem>> -> memref<!tpu.dma_semaphore, #tpu.memory_space<semaphore_mem>>
      %dma_wait3A_137 = arith.constant 0 : i32
      %dma_wait3A_138 = tpu.memref_slice %arg6[%mul3A_128, %dma_wait3A_137] : memref<262144x128xf32, #tpu.memory_space<hbm>> -> memref<4x128xf32, #tpu.memory_space<hbm>>
      %dma_wait3A_139 = arith.constant 0 : i32
      %dma_wait3A_140 = arith.constant 0 : i32
      %dma_wait3A_141 = tpu.memref_slice %run_scoped3A_10[%rem3A_126, %dma_wait3A_139, %dma_wait3A_140] : memref<2x4x128xf32, #tpu.memory_space<vmem>> -> memref<1x4x128xf32, #tpu.memory_space<vmem>>
      %dma_wait3A_142 = tpu.memref_squeeze %dma_wait3A_141 : memref<1x4x128xf32, #tpu.memory_space<vmem>> -> memref<4x128xf32, #tpu.memory_space<vmem>>
      tpu.wait_dma2 semaphore(%dma_wait3A_136 : memref<!tpu.dma_semaphore, #tpu.memory_space<semaphore_mem>>) src(%dma_wait3A_142 : memref<4x128xf32, #tpu.memory_space<vmem>>) dst(%dma_wait3A_138 : memref<4x128xf32, #tpu.memory_space<hbm>>)
      "tpu.trace_stop"() : () -> ()
      tpu.yield
    }) : () -> ()
    return
  }
}

#map = affine_map<(d0, d1) -> (0)>
#map1 = affine_map<(d0, d1) -> (0, 0)>
module attributes {stable_mosaic.version = 14 : i64} {
  func.func @k(%arg0: i32, %arg1: i32, %arg2: memref<6098120xf32, #tpu.memory_space<hbm>>, %arg3: memref<6098120xf32, #tpu.memory_space<hbm>>, %arg4: memref<262144x128xi32, #tpu.memory_space<hbm>>, %arg5: memref<262144x128xf32, #tpu.memory_space<hbm>>, %arg6: memref<262144x128xf32, #tpu.memory_space<hbm>>, %arg7: memref<!tpu.dma_semaphore, #tpu.memory_space<semaphore_mem>>) attributes {dimension_semantics = [#tpu.dimension_semantics<core_parallel>, #tpu.dimension_semantics<subcore_parallel>], iteration_bounds = array<i64: 2, 16>, scalar_prefetch = 0 : i64, scratch_operands = 1 : i64, tpu.core_type = #tpu.core_type<sc_vector_subcore>, window_params = [{transform_indices = #map}, {transform_indices = #map}, {transform_indices = #map1}, {transform_indices = #map1}, {transform_indices = #map1}]} {
    %mul3A = arith.constant 1 : i32
    %mul3A_0 = arith.muli %arg1, %mul3A : i32
    %add3A = arith.constant 0 : i32
    %add3A_1 = arith.addi %add3A, %mul3A_0 : i32
    %mul3A_2 = arith.constant 16 : i32
    %mul3A_3 = arith.muli %arg0, %mul3A_2 : i32
    %add3A_4 = arith.addi %add3A_1, %mul3A_3 : i32
    %mul3A_5 = arith.constant 2048 : i32
    %mul3A_6 = arith.muli %add3A_4, %mul3A_5 : i32
    "tpu.region"() ({
      %run_scoped3A = memref.alloca() : memref<2x4x128xi32, #tpu.memory_space<vmem>>
      %run_scoped3A_7 = tpu.sem_alloc : memref<2x!tpu.dma_semaphore, #tpu.memory_space<semaphore_mem>>
      %run_scoped3A_8 = memref.alloca() : memref<2x4x128xf32, #tpu.memory_space<vmem>>
      %run_scoped3A_9 = tpu.sem_alloc : memref<2x!tpu.dma_semaphore, #tpu.memory_space<semaphore_mem>>
      %run_scoped3A_10 = memref.alloca() : memref<2x4x128xf32, #tpu.memory_space<vmem>>
      %run_scoped3A_11 = tpu.sem_alloc : memref<2x!tpu.dma_semaphore, #tpu.memory_space<semaphore_mem>>
      %add3A_12 = arith.constant 0 : i32
      %add3A_13 = arith.addi %add3A_12, %mul3A_6 : i32
      %select_n3A = arith.constant true
      %select_n3A_14 = arith.constant 0 : i32
      %select_n3A_15 = arith.constant -1 : i32
      %select_n3A_16 = arith.select %select_n3A, %select_n3A_15, %select_n3A_14 : i32
      %eq3A = arith.constant -1 : i32
      %eq3A_17 = arith.cmpi eq, %select_n3A_16, %eq3A : i32
      %select_n3A_18 = arith.constant 2047 : i32
      %select_n3A_19 = arith.select %eq3A_17, %select_n3A_18, %select_n3A_16 : i32
      %add3A_20 = arith.addi %select_n3A_19, %mul3A_6 : i32
      %select_n3A_21 = arith.constant true
      %select_n3A_22 = arith.constant 0 : i32
      %select_n3A_23 = arith.constant 1 : i32
      %select_n3A_24 = arith.select %select_n3A_21, %select_n3A_23, %select_n3A_22 : i32
      %eq3A_25 = arith.constant 2048 : i32
      %eq3A_26 = arith.cmpi eq, %select_n3A_24, %eq3A_25 : i32
      %select_n3A_27 = arith.constant 0 : i32
      %select_n3A_28 = arith.select %eq3A_26, %select_n3A_27, %select_n3A_24 : i32
      %add3A_29 = arith.addi %select_n3A_28, %mul3A_6 : i32
      %add3A_30 = arith.constant 1 : i32
      %add3A_31 = arith.addi %select_n3A_28, %add3A_30 : i32
      %select_n3A_32 = arith.constant true
      %select_n3A_33 = arith.select %select_n3A_32, %add3A_31, %select_n3A_28 : i32
      %eq3A_34 = arith.constant 2048 : i32
      %eq3A_35 = arith.cmpi eq, %select_n3A_33, %eq3A_34 : i32
      %select_n3A_36 = arith.constant 0 : i32
      %select_n3A_37 = arith.select %eq3A_35, %select_n3A_36, %select_n3A_33 : i32
      %add3A_38 = arith.addi %select_n3A_37, %mul3A_6 : i32
      "tpu.trace_start"() <{level = 10 : i32, message = "ep_initialize_0"}> : () -> ()
      %rem3A = arith.constant 0 : i32
      %rem3A_39 = arith.constant 2 : i32
      %rem3A_40 = arith.remui %rem3A, %rem3A_39 : i32
      %mul3A_41 = arith.constant 4 : i32
      %mul3A_42 = arith.muli %mul3A_41, %add3A_13 : i32
      %dma_start3A = arith.constant 0 : i32
      %dma_start3A_43 = arith.constant 0 : i32
      %dma_start3A_44 = tpu.memref_slice %run_scoped3A[%rem3A_40, %dma_start3A, %dma_start3A_43] : memref<2x4x128xi32, #tpu.memory_space<vmem>> -> memref<1x4x128xi32, #tpu.memory_space<vmem>>
      %dma_start3A_45 = tpu.memref_squeeze %dma_start3A_44 : memref<1x4x128xi32, #tpu.memory_space<vmem>> -> memref<4x128xi32, #tpu.memory_space<vmem>>
      %dma_start3A_46 = arith.constant 0 : i32
      %dma_start3A_47 = tpu.memref_slice %arg4[%mul3A_42, %dma_start3A_46] : memref<262144x128xi32, #tpu.memory_space<hbm>> -> memref<4x128xi32, #tpu.memory_space<hbm>>
      %dma_start3A_48 = tpu.memref_slice %run_scoped3A_7[%rem3A_40] : memref<2x!tpu.dma_semaphore, #tpu.memory_space<semaphore_mem>> -> memref<1x!tpu.dma_semaphore, #tpu.memory_space<semaphore_mem>>
      %dma_start3A_49 = tpu.memref_squeeze %dma_start3A_48 : memref<1x!tpu.dma_semaphore, #tpu.memory_space<semaphore_mem>> -> memref<!tpu.dma_semaphore, #tpu.memory_space<semaphore_mem>>
      %dma_start3A_50 = arith.constant 0 : i32
      %dma_start3A_51 = arith.constant 0 : i32
      %dma_start3A_52 = tpu.memref_slice %run_scoped3A[%rem3A_40, %dma_start3A_50, %dma_start3A_51] : memref<2x4x128xi32, #tpu.memory_space<vmem>> -> memref<1x4x128xi32, #tpu.memory_space<vmem>>
      %dma_start3A_53 = tpu.memref_squeeze %dma_start3A_52 : memref<1x4x128xi32, #tpu.memory_space<vmem>> -> memref<4x128xi32, #tpu.memory_space<vmem>>
      %dma_start3A_54 = arith.constant 0 : i32
      %dma_start3A_55 = tpu.memref_slice %arg4[%mul3A_42, %dma_start3A_54] : memref<262144x128xi32, #tpu.memory_space<hbm>> -> memref<4x128xi32, #tpu.memory_space<hbm>>
      tpu.enqueue_dma source(%dma_start3A_55 : memref<4x128xi32, #tpu.memory_space<hbm>>) target(%dma_start3A_53 : memref<4x128xi32, #tpu.memory_space<vmem>>) target_semaphore(%dma_start3A_49 : memref<!tpu.dma_semaphore, #tpu.memory_space<semaphore_mem>>)
      %add3A_56 = arith.constant 0 : i32
      %add3A_57 = arith.constant 1 : i32
      %add3A_58 = arith.addi %add3A_56, %add3A_57 : i32
      %select_n3A_59 = arith.constant true
      %select_n3A_60 = arith.constant 0 : i32
      %select_n3A_61 = arith.select %select_n3A_59, %add3A_58, %select_n3A_60 : i32
      "tpu.trace_stop"() : () -> ()
      %scan3A = arith.constant 0 : i32
      %scan3A_62 = arith.constant 0 : i32
      %scan3A_63 = arith.constant 0 : i32
      %scan3A_64 = arith.constant 0 : i32
      %scan3A_65 = arith.constant 0 : i32
      %scan3A_66 = arith.constant 0 : i32
      %scan3A_67 = arith.constant 0 : i32
      %scan3A_68 = arith.constant 2048 : i32
      %scan3A_69 = arith.addi %scan3A_67, %scan3A_68 : i32
      %scan3A_70 = arith.constant 1 : i32
      %scan3A_71:7 = scf.for %scan3A_143 = %scan3A_67 to %scan3A_69 step %scan3A_70 iter_args(%scan3A_144 = %select_n3A_61, %scan3A_145 = %scan3A, %scan3A_146 = %scan3A_62, %scan3A_147 = %scan3A_63, %scan3A_148 = %scan3A_64, %scan3A_149 = %scan3A_65, %scan3A_150 = %scan3A_66) -> (i32, i32, i32, i32, i32, i32, i32)  : i32 {
        %eq3A_151 = arith.constant 0 : i32
        %eq3A_152 = arith.cmpi eq, %scan3A_143, %eq3A_151 : i32
        %eq3A_153 = arith.constant 2047 : i32
        %eq3A_154 = arith.cmpi eq, %scan3A_143, %eq3A_153 : i32
        %add3A_155 = arith.addi %scan3A_150, %mul3A_6 : i32
        %sub3A_156 = arith.constant 1 : i32
        %sub3A_157 = arith.subi %scan3A_150, %sub3A_156 : i32
        %select_n3A_158 = arith.constant true
        %select_n3A_159 = arith.select %select_n3A_158, %sub3A_157, %scan3A_150 : i32
        %eq3A_160 = arith.constant -1 : i32
        %eq3A_161 = arith.cmpi eq, %select_n3A_159, %eq3A_160 : i32
        %select_n3A_162 = arith.constant 2047 : i32
        %select_n3A_163 = arith.select %eq3A_161, %select_n3A_162, %select_n3A_159 : i32
        %add3A_164 = arith.addi %select_n3A_163, %mul3A_6 : i32
        %add3A_165 = arith.constant 1 : i32
        %add3A_166 = arith.addi %scan3A_150, %add3A_165 : i32
        %select_n3A_167 = arith.constant true
        %select_n3A_168 = arith.select %select_n3A_167, %add3A_166, %scan3A_150 : i32
        %eq3A_169 = arith.constant 2048 : i32
        %eq3A_170 = arith.cmpi eq, %select_n3A_168, %eq3A_169 : i32
        %select_n3A_171 = arith.constant 0 : i32
        %select_n3A_172 = arith.select %eq3A_170, %select_n3A_171, %select_n3A_168 : i32
        %add3A_173 = arith.addi %select_n3A_172, %mul3A_6 : i32
        %add3A_174 = arith.constant 1 : i32
        %add3A_175 = arith.addi %select_n3A_172, %add3A_174 : i32
        %select_n3A_176 = arith.constant true
        %select_n3A_177 = arith.select %select_n3A_176, %add3A_175, %select_n3A_172 : i32
        %eq3A_178 = arith.constant 2048 : i32
        %eq3A_179 = arith.cmpi eq, %select_n3A_177, %eq3A_178 : i32
        %select_n3A_180 = arith.constant 0 : i32
        %select_n3A_181 = arith.select %eq3A_179, %select_n3A_180, %select_n3A_177 : i32
        %add3A_182 = arith.addi %select_n3A_181, %mul3A_6 : i32
        %ne3A = arith.cmpi ne, %add3A_155, %add3A_173 : i32
        %or3A = arith.constant false
        %or3A_183 = arith.ori %or3A, %ne3A : i1
        %or3A_184 = arith.constant false
        %or3A_185 = arith.ori %or3A_183, %or3A_184 : i1
        %ge3A = arith.constant 2047 : i32
        %ge3A_186 = arith.cmpi sge, %scan3A_143, %ge3A : i32
        %not3A = arith.constant true
        %not3A_187 = arith.xori %ge3A_186, %not3A : i1
        %and3A = arith.andi %or3A_185, %not3A_187 : i1
        %convert_element_type3A = arith.extui %and3A : i1 to i32
        %cond3A = arith.constant 0 : i32
        %cond3A_188 = arith.cmpi ne, %convert_element_type3A, %cond3A : i32
        scf.if %cond3A_188 {
          "tpu.trace_start"() <{level = 10 : i32, message = "ep_copy_in"}> : () -> ()
          %rem3A_358 = arith.constant 2 : i32
          %rem3A_359 = arith.remui %scan3A_144, %rem3A_358 : i32
          %mul3A_360 = arith.constant 4 : i32
          %mul3A_361 = arith.muli %mul3A_360, %add3A_173 : i32
          %dma_start3A_362 = arith.constant 0 : i32
          %dma_start3A_363 = arith.constant 0 : i32
          %dma_start3A_364 = tpu.memref_slice %run_scoped3A[%rem3A_359, %dma_start3A_362, %dma_start3A_363] : memref<2x4x128xi32, #tpu.memory_space<vmem>> -> memref<1x4x128xi32, #tpu.memory_space<vmem>>
          %dma_start3A_365 = tpu.memref_squeeze %dma_start3A_364 : memref<1x4x128xi32, #tpu.memory_space<vmem>> -> memref<4x128xi32, #tpu.memory_space<vmem>>
          %dma_start3A_366 = arith.constant 0 : i32
          %dma_start3A_367 = tpu.memref_slice %arg4[%mul3A_361, %dma_start3A_366] : memref<262144x128xi32, #tpu.memory_space<hbm>> -> memref<4x128xi32, #tpu.memory_space<hbm>>
          %dma_start3A_368 = tpu.memref_slice %run_scoped3A_7[%rem3A_359] : memref<2x!tpu.dma_semaphore, #tpu.memory_space<semaphore_mem>> -> memref<1x!tpu.dma_semaphore, #tpu.memory_space<semaphore_mem>>
          %dma_start3A_369 = tpu.memref_squeeze %dma_start3A_368 : memref<1x!tpu.dma_semaphore, #tpu.memory_space<semaphore_mem>> -> memref<!tpu.dma_semaphore, #tpu.memory_space<semaphore_mem>>
          %dma_start3A_370 = arith.constant 0 : i32
          %dma_start3A_371 = arith.constant 0 : i32
          %dma_start3A_372 = tpu.memref_slice %run_scoped3A[%rem3A_359, %dma_start3A_370, %dma_start3A_371] : memref<2x4x128xi32, #tpu.memory_space<vmem>> -> memref<1x4x128xi32, #tpu.memory_space<vmem>>
          %dma_start3A_373 = tpu.memref_squeeze %dma_start3A_372 : memref<1x4x128xi32, #tpu.memory_space<vmem>> -> memref<4x128xi32, #tpu.memory_space<vmem>>
          %dma_start3A_374 = arith.constant 0 : i32
          %dma_start3A_375 = tpu.memref_slice %arg4[%mul3A_361, %dma_start3A_374] : memref<262144x128xi32, #tpu.memory_space<hbm>> -> memref<4x128xi32, #tpu.memory_space<hbm>>
          tpu.enqueue_dma source(%dma_start3A_375 : memref<4x128xi32, #tpu.memory_space<hbm>>) target(%dma_start3A_373 : memref<4x128xi32, #tpu.memory_space<vmem>>) target_semaphore(%dma_start3A_369 : memref<!tpu.dma_semaphore, #tpu.memory_space<semaphore_mem>>)
          "tpu.trace_stop"() : () -> ()
        } else {
        }
        %and3A_189 = arith.constant true
        %and3A_190 = arith.andi %and3A, %and3A_189 : i1
        %add3A_191 = arith.constant 1 : i32
        %add3A_192 = arith.addi %scan3A_144, %add3A_191 : i32
        %select_n3A_193 = arith.select %and3A_190, %add3A_192, %scan3A_144 : i32
        %ne3A_194 = arith.cmpi ne, %add3A_155, %add3A_173 : i32
        %or3A_195 = arith.constant false
        %or3A_196 = arith.ori %or3A_195, %ne3A_194 : i1
        %or3A_197 = arith.constant false
        %or3A_198 = arith.ori %or3A_196, %or3A_197 : i1
        %ge3A_199 = arith.constant 2047 : i32
        %ge3A_200 = arith.cmpi sge, %scan3A_143, %ge3A_199 : i32
        %not3A_201 = arith.constant true
        %not3A_202 = arith.xori %ge3A_200, %not3A_201 : i1
        %and3A_203 = arith.andi %or3A_198, %not3A_202 : i1
        %ne3A_204 = arith.cmpi ne, %add3A_155, %add3A_173 : i32
        %or3A_205 = arith.constant false
        %or3A_206 = arith.ori %or3A_205, %ne3A_204 : i1
        %or3A_207 = arith.constant false
        %or3A_208 = arith.ori %or3A_206, %or3A_207 : i1
        %ge3A_209 = arith.constant 2047 : i32
        %ge3A_210 = arith.cmpi sge, %scan3A_143, %ge3A_209 : i32
        %not3A_211 = arith.constant true
        %not3A_212 = arith.xori %ge3A_210, %not3A_211 : i1
        %and3A_213 = arith.andi %or3A_208, %not3A_212 : i1
        %ne3A_214 = arith.cmpi ne, %add3A_155, %add3A_164 : i32
        %or3A_215 = arith.constant false
        %or3A_216 = arith.ori %or3A_215, %ne3A_214 : i1
        %or3A_217 = arith.constant false
        %or3A_218 = arith.ori %or3A_216, %or3A_217 : i1
        %or3A_219 = arith.ori %or3A_218, %eq3A_152 : i1
        %convert_element_type3A_220 = arith.extui %or3A_219 : i1 to i32
        %cond3A_221 = arith.constant 0 : i32
        %cond3A_222 = arith.cmpi ne, %convert_element_type3A_220, %cond3A_221 : i32
        scf.if %cond3A_222 {
          "tpu.trace_start"() <{level = 10 : i32, message = "ep_wait_in"}> : () -> ()
          %mul3A_358 = arith.constant 4 : i32
          %mul3A_359 = arith.muli %mul3A_358, %add3A_155 : i32
          %rem3A_360 = arith.constant 2 : i32
          %rem3A_361 = arith.remui %scan3A_145, %rem3A_360 : i32
          %dma_wait3A_362 = arith.constant 0 : i32
          %dma_wait3A_363 = arith.constant 0 : i32
          %dma_wait3A_364 = tpu.memref_slice %run_scoped3A[%rem3A_361, %dma_wait3A_362, %dma_wait3A_363] : memref<2x4x128xi32, #tpu.memory_space<vmem>> -> memref<1x4x128xi32, #tpu.memory_space<vmem>>
          %dma_wait3A_365 = tpu.memref_squeeze %dma_wait3A_364 : memref<1x4x128xi32, #tpu.memory_space<vmem>> -> memref<4x128xi32, #tpu.memory_space<vmem>>
          %dma_wait3A_366 = arith.constant 0 : i32
          %dma_wait3A_367 = tpu.memref_slice %arg4[%mul3A_359, %dma_wait3A_366] : memref<262144x128xi32, #tpu.memory_space<hbm>> -> memref<4x128xi32, #tpu.memory_space<hbm>>
          %dma_wait3A_368 = tpu.memref_slice %run_scoped3A_7[%rem3A_361] : memref<2x!tpu.dma_semaphore, #tpu.memory_space<semaphore_mem>> -> memref<1x!tpu.dma_semaphore, #tpu.memory_space<semaphore_mem>>
          %dma_wait3A_369 = tpu.memref_squeeze %dma_wait3A_368 : memref<1x!tpu.dma_semaphore, #tpu.memory_space<semaphore_mem>> -> memref<!tpu.dma_semaphore, #tpu.memory_space<semaphore_mem>>
          %dma_wait3A_370 = arith.constant 0 : i32
          %dma_wait3A_371 = arith.constant 0 : i32
          %dma_wait3A_372 = tpu.memref_slice %run_scoped3A[%rem3A_361, %dma_wait3A_370, %dma_wait3A_371] : memref<2x4x128xi32, #tpu.memory_space<vmem>> -> memref<1x4x128xi32, #tpu.memory_space<vmem>>
          %dma_wait3A_373 = tpu.memref_squeeze %dma_wait3A_372 : memref<1x4x128xi32, #tpu.memory_space<vmem>> -> memref<4x128xi32, #tpu.memory_space<vmem>>
          %dma_wait3A_374 = arith.constant 0 : i32
          %dma_wait3A_375 = tpu.memref_slice %arg4[%mul3A_359, %dma_wait3A_374] : memref<262144x128xi32, #tpu.memory_space<hbm>> -> memref<4x128xi32, #tpu.memory_space<hbm>>
          tpu.wait_dma2 semaphore(%dma_wait3A_369 : memref<!tpu.dma_semaphore, #tpu.memory_space<semaphore_mem>>) src(%dma_wait3A_375 : memref<4x128xi32, #tpu.memory_space<hbm>>) dst(%dma_wait3A_373 : memref<4x128xi32, #tpu.memory_space<vmem>>)
          "tpu.trace_stop"() : () -> ()
        } else {
        }
        %ne3A_223 = arith.cmpi ne, %add3A_155, %add3A_164 : i32
        %or3A_224 = arith.constant false
        %or3A_225 = arith.ori %or3A_224, %ne3A_223 : i1
        %or3A_226 = arith.constant false
        %or3A_227 = arith.ori %or3A_225, %or3A_226 : i1
        %or3A_228 = arith.ori %or3A_227, %eq3A_152 : i1
        %convert_element_type3A_229 = arith.extui %or3A_228 : i1 to i32
        %cond3A_230 = arith.constant 0 : i32
        %cond3A_231 = arith.cmpi ne, %convert_element_type3A_229, %cond3A_230 : i32
        scf.if %cond3A_231 {
        } else {
        }
        %ne3A_232 = arith.cmpi ne, %add3A_155, %add3A_164 : i32
        %or3A_233 = arith.constant false
        %or3A_234 = arith.ori %or3A_233, %ne3A_232 : i1
        %or3A_235 = arith.constant false
        %or3A_236 = arith.ori %or3A_234, %or3A_235 : i1
        %or3A_237 = arith.ori %or3A_236, %eq3A_152 : i1
        %convert_element_type3A_238 = arith.extui %or3A_237 : i1 to i32
        %cond3A_239 = arith.constant 0 : i32
        %cond3A_240 = arith.cmpi ne, %convert_element_type3A_238, %cond3A_239 : i32
        scf.if %cond3A_240 {
        } else {
        }
        %rem3A_241 = arith.constant 2 : i32
        %rem3A_242 = arith.remui %scan3A_145, %rem3A_241 : i32
        %rem3A_243 = arith.constant 2 : i32
        %rem3A_244 = arith.remui %scan3A_146, %rem3A_243 : i32
        %rem3A_245 = arith.constant 2 : i32
        %rem3A_246 = arith.remui %scan3A_148, %rem3A_245 : i32
        "tpu.trace_start"() <{level = 10 : i32, message = "ep_run_kernel"}> : () -> ()
        %scan3A_247 = arith.constant 0 : i32
        %scan3A_248 = arith.constant 4 : i32
        %scan3A_249 = arith.addi %scan3A_247, %scan3A_248 : i32
        %scan3A_250 = arith.constant 1 : i32
        scf.for %scan3A_358 = %scan3A_247 to %scan3A_249 step %scan3A_250  : i32 {
          %mul3A_359 = arith.constant 1 : i32
          %mul3A_360 = arith.muli %scan3A_358, %mul3A_359 : i32
          %add3A_361 = arith.constant 0 : i32
          %add3A_362 = arith.addi %add3A_361, %mul3A_360 : i32
          %dma_start3A_363 = arith.constant 0 : i32
          %dma_start3A_364 = arith.constant 0 : i32
          %dma_start3A_365 = tpu.memref_slice %run_scoped3A_8[%rem3A_244, %dma_start3A_363, %dma_start3A_364] : memref<2x4x128xf32, #tpu.memory_space<vmem>> -> memref<1x4x128xf32, #tpu.memory_space<vmem>>
          %dma_start3A_366 = tpu.memref_squeeze %dma_start3A_365 : memref<1x4x128xf32, #tpu.memory_space<vmem>> -> memref<4x128xf32, #tpu.memory_space<vmem>>
          %dma_start3A_367 = arith.constant 0 : i32
          %dma_start3A_368 = tpu.memref_slice %dma_start3A_366[%add3A_362, %dma_start3A_367] : memref<4x128xf32, #tpu.memory_space<vmem>> -> memref<1x128xf32, #tpu.memory_space<vmem>>
          %dma_start3A_369 = tpu.memref_squeeze %dma_start3A_368 : memref<1x128xf32, #tpu.memory_space<vmem>> -> memref<128xf32, #tpu.memory_space<vmem>>
          %dma_start3A_370 = arith.constant 0 : i32
          %dma_start3A_371 = arith.constant 0 : i32
          %dma_start3A_372 = tpu.memref_slice %run_scoped3A[%rem3A_242, %dma_start3A_370, %dma_start3A_371] : memref<2x4x128xi32, #tpu.memory_space<vmem>> -> memref<1x4x128xi32, #tpu.memory_space<vmem>>
          %dma_start3A_373 = tpu.memref_squeeze %dma_start3A_372 : memref<1x4x128xi32, #tpu.memory_space<vmem>> -> memref<4x128xi32, #tpu.memory_space<vmem>>
          %dma_start3A_374 = arith.constant 0 : i32
          %dma_start3A_375 = tpu.memref_slice %dma_start3A_373[%add3A_362, %dma_start3A_374] : memref<4x128xi32, #tpu.memory_space<vmem>> -> memref<1x128xi32, #tpu.memory_space<vmem>>
          %dma_start3A_376 = tpu.memref_squeeze %dma_start3A_375 : memref<1x128xi32, #tpu.memory_space<vmem>> -> memref<128xi32, #tpu.memory_space<vmem>>
          %dma_start3A_377 = arith.constant 0 : i32
          %dma_start3A_378 = tpu.memref_slice %arg2[%dma_start3A_377] : memref<6098120xf32, #tpu.memory_space<hbm>> -> memref<6098120xf32, #tpu.memory_space<hbm>>
          tpu.enqueue_indirect_dma source(%dma_start3A_378 : memref<6098120xf32, #tpu.memory_space<hbm>>) target(%dma_start3A_369 : memref<128xf32, #tpu.memory_space<vmem>>) offsets(%dma_start3A_376 : memref<128xi32, #tpu.memory_space<vmem>>) semaphore(%arg7 : memref<!tpu.dma_semaphore, #tpu.memory_space<semaphore_mem>>)
          %dma_start3A_379 = arith.constant 0 : i32
          %dma_start3A_380 = arith.constant 0 : i32
          %dma_start3A_381 = tpu.memref_slice %run_scoped3A_10[%rem3A_246, %dma_start3A_379, %dma_start3A_380] : memref<2x4x128xf32, #tpu.memory_space<vmem>> -> memref<1x4x128xf32, #tpu.memory_space<vmem>>
          %dma_start3A_382 = tpu.memref_squeeze %dma_start3A_381 : memref<1x4x128xf32, #tpu.memory_space<vmem>> -> memref<4x128xf32, #tpu.memory_space<vmem>>
          %dma_start3A_383 = arith.constant 0 : i32
          %dma_start3A_384 = tpu.memref_slice %dma_start3A_382[%add3A_362, %dma_start3A_383] : memref<4x128xf32, #tpu.memory_space<vmem>> -> memref<1x128xf32, #tpu.memory_space<vmem>>
          %dma_start3A_385 = tpu.memref_squeeze %dma_start3A_384 : memref<1x128xf32, #tpu.memory_space<vmem>> -> memref<128xf32, #tpu.memory_space<vmem>>
          %dma_start3A_386 = arith.constant 0 : i32
          %dma_start3A_387 = arith.constant 0 : i32
          %dma_start3A_388 = tpu.memref_slice %run_scoped3A[%rem3A_242, %dma_start3A_386, %dma_start3A_387] : memref<2x4x128xi32, #tpu.memory_space<vmem>> -> memref<1x4x128xi32, #tpu.memory_space<vmem>>
          %dma_start3A_389 = tpu.memref_squeeze %dma_start3A_388 : memref<1x4x128xi32, #tpu.memory_space<vmem>> -> memref<4x128xi32, #tpu.memory_space<vmem>>
          %dma_start3A_390 = arith.constant 0 : i32
          %dma_start3A_391 = tpu.memref_slice %dma_start3A_389[%add3A_362, %dma_start3A_390] : memref<4x128xi32, #tpu.memory_space<vmem>> -> memref<1x128xi32, #tpu.memory_space<vmem>>
          %dma_start3A_392 = tpu.memref_squeeze %dma_start3A_391 : memref<1x128xi32, #tpu.memory_space<vmem>> -> memref<128xi32, #tpu.memory_space<vmem>>
          %dma_start3A_393 = arith.constant 0 : i32
          %dma_start3A_394 = tpu.memref_slice %arg3[%dma_start3A_393] : memref<6098120xf32, #tpu.memory_space<hbm>> -> memref<6098120xf32, #tpu.memory_space<hbm>>
          tpu.enqueue_indirect_dma source(%dma_start3A_394 : memref<6098120xf32, #tpu.memory_space<hbm>>) target(%dma_start3A_385 : memref<128xf32, #tpu.memory_space<vmem>>) offsets(%dma_start3A_392 : memref<128xi32, #tpu.memory_space<vmem>>) semaphore(%arg7 : memref<!tpu.dma_semaphore, #tpu.memory_space<semaphore_mem>>)
        }
        %scan3A_251 = arith.constant 4 : i32
        %scan3A_252 = arith.constant 0 : i32
        %scan3A_253 = arith.constant 4 : i32
        %scan3A_254 = arith.addi %scan3A_252, %scan3A_253 : i32
        %scan3A_255 = arith.constant 1 : i32
        scf.for %scan3A_358 = %scan3A_252 to %scan3A_254 step %scan3A_255  : i32 {
          %mul3A_359 = arith.constant 1 : i32
          %mul3A_360 = arith.muli %scan3A_358, %mul3A_359 : i32
          %add3A_361 = arith.constant 0 : i32
          %add3A_362 = arith.addi %add3A_361, %mul3A_360 : i32
          %dma_wait3A_363 = arith.constant 0 : i32
          %dma_wait3A_364 = arith.constant 0 : i32
          %dma_wait3A_365 = tpu.memref_slice %run_scoped3A_8[%rem3A_244, %dma_wait3A_363, %dma_wait3A_364] : memref<2x4x128xf32, #tpu.memory_space<vmem>> -> memref<1x4x128xf32, #tpu.memory_space<vmem>>
          %dma_wait3A_366 = tpu.memref_squeeze %dma_wait3A_365 : memref<1x4x128xf32, #tpu.memory_space<vmem>> -> memref<4x128xf32, #tpu.memory_space<vmem>>
          %dma_wait3A_367 = arith.constant 0 : i32
          %dma_wait3A_368 = tpu.memref_slice %dma_wait3A_366[%add3A_362, %dma_wait3A_367] : memref<4x128xf32, #tpu.memory_space<vmem>> -> memref<1x128xf32, #tpu.memory_space<vmem>>
          %dma_wait3A_369 = tpu.memref_squeeze %dma_wait3A_368 : memref<1x128xf32, #tpu.memory_space<vmem>> -> memref<128xf32, #tpu.memory_space<vmem>>
          %dma_wait3A_370 = arith.constant 0 : i32
          %dma_wait3A_371 = arith.constant 0 : i32
          %dma_wait3A_372 = tpu.memref_slice %run_scoped3A[%rem3A_242, %dma_wait3A_370, %dma_wait3A_371] : memref<2x4x128xi32, #tpu.memory_space<vmem>> -> memref<1x4x128xi32, #tpu.memory_space<vmem>>
          %dma_wait3A_373 = tpu.memref_squeeze %dma_wait3A_372 : memref<1x4x128xi32, #tpu.memory_space<vmem>> -> memref<4x128xi32, #tpu.memory_space<vmem>>
          %dma_wait3A_374 = arith.constant 0 : i32
          %dma_wait3A_375 = tpu.memref_slice %dma_wait3A_373[%add3A_362, %dma_wait3A_374] : memref<4x128xi32, #tpu.memory_space<vmem>> -> memref<1x128xi32, #tpu.memory_space<vmem>>
          %dma_wait3A_376 = tpu.memref_squeeze %dma_wait3A_375 : memref<1x128xi32, #tpu.memory_space<vmem>> -> memref<128xi32, #tpu.memory_space<vmem>>
          %dma_wait3A_377 = arith.constant 0 : i32
          %dma_wait3A_378 = tpu.memref_slice %arg2[%dma_wait3A_377] : memref<6098120xf32, #tpu.memory_space<hbm>> -> memref<6098120xf32, #tpu.memory_space<hbm>>
          tpu.wait_indirect_dma semaphore(%arg7 : memref<!tpu.dma_semaphore, #tpu.memory_space<semaphore_mem>>) src(%dma_wait3A_378 : memref<6098120xf32, #tpu.memory_space<hbm>>) dst(%dma_wait3A_369 : memref<128xf32, #tpu.memory_space<vmem>>)
          %dma_wait3A_379 = arith.constant 0 : i32
          %dma_wait3A_380 = arith.constant 0 : i32
          %dma_wait3A_381 = tpu.memref_slice %run_scoped3A_10[%rem3A_246, %dma_wait3A_379, %dma_wait3A_380] : memref<2x4x128xf32, #tpu.memory_space<vmem>> -> memref<1x4x128xf32, #tpu.memory_space<vmem>>
          %dma_wait3A_382 = tpu.memref_squeeze %dma_wait3A_381 : memref<1x4x128xf32, #tpu.memory_space<vmem>> -> memref<4x128xf32, #tpu.memory_space<vmem>>
          %dma_wait3A_383 = arith.constant 0 : i32
          %dma_wait3A_384 = tpu.memref_slice %dma_wait3A_382[%add3A_362, %dma_wait3A_383] : memref<4x128xf32, #tpu.memory_space<vmem>> -> memref<1x128xf32, #tpu.memory_space<vmem>>
          %dma_wait3A_385 = tpu.memref_squeeze %dma_wait3A_384 : memref<1x128xf32, #tpu.memory_space<vmem>> -> memref<128xf32, #tpu.memory_space<vmem>>
          %dma_wait3A_386 = arith.constant 0 : i32
          %dma_wait3A_387 = arith.constant 0 : i32
          %dma_wait3A_388 = tpu.memref_slice %run_scoped3A[%rem3A_242, %dma_wait3A_386, %dma_wait3A_387] : memref<2x4x128xi32, #tpu.memory_space<vmem>> -> memref<1x4x128xi32, #tpu.memory_space<vmem>>
          %dma_wait3A_389 = tpu.memref_squeeze %dma_wait3A_388 : memref<1x4x128xi32, #tpu.memory_space<vmem>> -> memref<4x128xi32, #tpu.memory_space<vmem>>
          %dma_wait3A_390 = arith.constant 0 : i32
          %dma_wait3A_391 = tpu.memref_slice %dma_wait3A_389[%add3A_362, %dma_wait3A_390] : memref<4x128xi32, #tpu.memory_space<vmem>> -> memref<1x128xi32, #tpu.memory_space<vmem>>
          %dma_wait3A_392 = tpu.memref_squeeze %dma_wait3A_391 : memref<1x128xi32, #tpu.memory_space<vmem>> -> memref<128xi32, #tpu.memory_space<vmem>>
          %dma_wait3A_393 = arith.constant 0 : i32
          %dma_wait3A_394 = tpu.memref_slice %arg3[%dma_wait3A_393] : memref<6098120xf32, #tpu.memory_space<hbm>> -> memref<6098120xf32, #tpu.memory_space<hbm>>
          tpu.wait_indirect_dma semaphore(%arg7 : memref<!tpu.dma_semaphore, #tpu.memory_space<semaphore_mem>>) src(%dma_wait3A_394 : memref<6098120xf32, #tpu.memory_space<hbm>>) dst(%dma_wait3A_385 : memref<128xf32, #tpu.memory_space<vmem>>)
        }
        %scan3A_256 = arith.constant 4 : i32
        "tpu.trace_stop"() : () -> ()
        %ne3A_257 = arith.cmpi ne, %add3A_155, %add3A_173 : i32
        %or3A_258 = arith.constant false
        %or3A_259 = arith.ori %or3A_258, %ne3A_257 : i1
        %or3A_260 = arith.constant false
        %or3A_261 = arith.ori %or3A_259, %or3A_260 : i1
        %or3A_262 = arith.ori %or3A_261, %eq3A_154 : i1
        %convert_element_type3A_263 = arith.extui %or3A_262 : i1 to i32
        %cond3A_264 = arith.constant 0 : i32
        %cond3A_265 = arith.cmpi ne, %convert_element_type3A_263, %cond3A_264 : i32
        scf.if %cond3A_265 {
        } else {
        }
        %and3A_266 = arith.constant false
        %and3A_267 = arith.andi %or3A_262, %and3A_266 : i1
        %ne3A_268 = arith.cmpi ne, %add3A_155, %add3A_173 : i32
        %or3A_269 = arith.constant false
        %or3A_270 = arith.ori %or3A_269, %ne3A_268 : i1
        %or3A_271 = arith.constant false
        %or3A_272 = arith.ori %or3A_270, %or3A_271 : i1
        %or3A_273 = arith.ori %or3A_272, %eq3A_154 : i1
        %convert_element_type3A_274 = arith.extui %or3A_273 : i1 to i32
        %cond3A_275 = arith.constant 0 : i32
        %cond3A_276 = arith.cmpi ne, %convert_element_type3A_274, %cond3A_275 : i32
        scf.if %cond3A_276 {
          "tpu.trace_start"() <{level = 10 : i32, message = "ep_copy_out"}> : () -> ()
          %rem3A_358 = arith.constant 2 : i32
          %rem3A_359 = arith.remui %scan3A_146, %rem3A_358 : i32
          %mul3A_360 = arith.constant 4 : i32
          %mul3A_361 = arith.muli %mul3A_360, %add3A_155 : i32
          %dma_start3A_362 = arith.constant 0 : i32
          %dma_start3A_363 = arith.constant 0 : i32
          %dma_start3A_364 = tpu.memref_slice %run_scoped3A_8[%rem3A_359, %dma_start3A_362, %dma_start3A_363] : memref<2x4x128xf32, #tpu.memory_space<vmem>> -> memref<1x4x128xf32, #tpu.memory_space<vmem>>
          %dma_start3A_365 = tpu.memref_squeeze %dma_start3A_364 : memref<1x4x128xf32, #tpu.memory_space<vmem>> -> memref<4x128xf32, #tpu.memory_space<vmem>>
          %dma_start3A_366 = arith.constant 0 : i32
          %dma_start3A_367 = tpu.memref_slice %arg5[%mul3A_361, %dma_start3A_366] : memref<262144x128xf32, #tpu.memory_space<hbm>> -> memref<4x128xf32, #tpu.memory_space<hbm>>
          %dma_start3A_368 = tpu.memref_slice %run_scoped3A_9[%rem3A_359] : memref<2x!tpu.dma_semaphore, #tpu.memory_space<semaphore_mem>> -> memref<1x!tpu.dma_semaphore, #tpu.memory_space<semaphore_mem>>
          %dma_start3A_369 = tpu.memref_squeeze %dma_start3A_368 : memref<1x!tpu.dma_semaphore, #tpu.memory_space<semaphore_mem>> -> memref<!tpu.dma_semaphore, #tpu.memory_space<semaphore_mem>>
          %dma_start3A_370 = arith.constant 0 : i32
          %dma_start3A_371 = tpu.memref_slice %arg5[%mul3A_361, %dma_start3A_370] : memref<262144x128xf32, #tpu.memory_space<hbm>> -> memref<4x128xf32, #tpu.memory_space<hbm>>
          %dma_start3A_372 = arith.constant 0 : i32
          %dma_start3A_373 = arith.constant 0 : i32
          %dma_start3A_374 = tpu.memref_slice %run_scoped3A_8[%rem3A_359, %dma_start3A_372, %dma_start3A_373] : memref<2x4x128xf32, #tpu.memory_space<vmem>> -> memref<1x4x128xf32, #tpu.memory_space<vmem>>
          %dma_start3A_375 = tpu.memref_squeeze %dma_start3A_374 : memref<1x4x128xf32, #tpu.memory_space<vmem>> -> memref<4x128xf32, #tpu.memory_space<vmem>>
          tpu.enqueue_dma source(%dma_start3A_375 : memref<4x128xf32, #tpu.memory_space<vmem>>) target(%dma_start3A_371 : memref<4x128xf32, #tpu.memory_space<hbm>>) target_semaphore(%dma_start3A_369 : memref<!tpu.dma_semaphore, #tpu.memory_space<semaphore_mem>>)
          "tpu.trace_stop"() : () -> ()
        } else {
        }
        %and3A_277 = arith.constant true
        %and3A_278 = arith.andi %or3A_273, %and3A_277 : i1
        %add3A_279 = arith.constant 1 : i32
        %add3A_280 = arith.addi %scan3A_146, %add3A_279 : i32
        %select_n3A_281 = arith.select %and3A_278, %add3A_280, %scan3A_146 : i32
        %ne3A_282 = arith.cmpi ne, %add3A_155, %add3A_173 : i32
        %or3A_283 = arith.constant false
        %or3A_284 = arith.ori %or3A_283, %ne3A_282 : i1
        %or3A_285 = arith.constant false
        %or3A_286 = arith.ori %or3A_284, %or3A_285 : i1
        %or3A_287 = arith.ori %or3A_286, %eq3A_154 : i1
        %convert_element_type3A_288 = arith.extui %or3A_287 : i1 to i32
        %cond3A_289 = arith.constant 0 : i32
        %cond3A_290 = arith.cmpi ne, %convert_element_type3A_288, %cond3A_289 : i32
        scf.if %cond3A_290 {
          "tpu.trace_start"() <{level = 10 : i32, message = "ep_copy_out"}> : () -> ()
          %rem3A_358 = arith.constant 2 : i32
          %rem3A_359 = arith.remui %scan3A_148, %rem3A_358 : i32
          %mul3A_360 = arith.constant 4 : i32
          %mul3A_361 = arith.muli %mul3A_360, %add3A_155 : i32
          %dma_start3A_362 = arith.constant 0 : i32
          %dma_start3A_363 = arith.constant 0 : i32
          %dma_start3A_364 = tpu.memref_slice %run_scoped3A_10[%rem3A_359, %dma_start3A_362, %dma_start3A_363] : memref<2x4x128xf32, #tpu.memory_space<vmem>> -> memref<1x4x128xf32, #tpu.memory_space<vmem>>
          %dma_start3A_365 = tpu.memref_squeeze %dma_start3A_364 : memref<1x4x128xf32, #tpu.memory_space<vmem>> -> memref<4x128xf32, #tpu.memory_space<vmem>>
          %dma_start3A_366 = arith.constant 0 : i32
          %dma_start3A_367 = tpu.memref_slice %arg6[%mul3A_361, %dma_start3A_366] : memref<262144x128xf32, #tpu.memory_space<hbm>> -> memref<4x128xf32, #tpu.memory_space<hbm>>
          %dma_start3A_368 = tpu.memref_slice %run_scoped3A_11[%rem3A_359] : memref<2x!tpu.dma_semaphore, #tpu.memory_space<semaphore_mem>> -> memref<1x!tpu.dma_semaphore, #tpu.memory_space<semaphore_mem>>
          %dma_start3A_369 = tpu.memref_squeeze %dma_start3A_368 : memref<1x!tpu.dma_semaphore, #tpu.memory_space<semaphore_mem>> -> memref<!tpu.dma_semaphore, #tpu.memory_space<semaphore_mem>>
          %dma_start3A_370 = arith.constant 0 : i32
          %dma_start3A_371 = tpu.memref_slice %arg6[%mul3A_361, %dma_start3A_370] : memref<262144x128xf32, #tpu.memory_space<hbm>> -> memref<4x128xf32, #tpu.memory_space<hbm>>
          %dma_start3A_372 = arith.constant 0 : i32
          %dma_start3A_373 = arith.constant 0 : i32
          %dma_start3A_374 = tpu.memref_slice %run_scoped3A_10[%rem3A_359, %dma_start3A_372, %dma_start3A_373] : memref<2x4x128xf32, #tpu.memory_space<vmem>> -> memref<1x4x128xf32, #tpu.memory_space<vmem>>
          %dma_start3A_375 = tpu.memref_squeeze %dma_start3A_374 : memref<1x4x128xf32, #tpu.memory_space<vmem>> -> memref<4x128xf32, #tpu.memory_space<vmem>>
          tpu.enqueue_dma source(%dma_start3A_375 : memref<4x128xf32, #tpu.memory_space<vmem>>) target(%dma_start3A_371 : memref<4x128xf32, #tpu.memory_space<hbm>>) target_semaphore(%dma_start3A_369 : memref<!tpu.dma_semaphore, #tpu.memory_space<semaphore_mem>>)
          "tpu.trace_stop"() : () -> ()
        } else {
        }
        %and3A_291 = arith.constant true
        %and3A_292 = arith.andi %or3A_287, %and3A_291 : i1
        %add3A_293 = arith.constant 1 : i32
        %add3A_294 = arith.addi %scan3A_148, %add3A_293 : i32
        %select_n3A_295 = arith.select %and3A_292, %add3A_294, %scan3A_148 : i32
        %ne3A_296 = arith.cmpi ne, %add3A_155, %add3A_164 : i32
        %or3A_297 = arith.constant false
        %or3A_298 = arith.ori %or3A_297, %ne3A_296 : i1
        %or3A_299 = arith.constant false
        %or3A_300 = arith.ori %or3A_298, %or3A_299 : i1
        %not3A_301 = arith.constant true
        %not3A_302 = arith.xori %eq3A_152, %not3A_301 : i1
        %and3A_303 = arith.andi %or3A_300, %not3A_302 : i1
        %convert_element_type3A_304 = arith.extui %and3A_303 : i1 to i32
        %cond3A_305 = arith.constant 0 : i32
        %cond3A_306 = arith.cmpi ne, %convert_element_type3A_304, %cond3A_305 : i32
        scf.if %cond3A_306 {
        } else {
        }
        %and3A_307 = arith.constant false
        %and3A_308 = arith.andi %and3A_303, %and3A_307 : i1
        %ne3A_309 = arith.cmpi ne, %add3A_155, %add3A_164 : i32
        %or3A_310 = arith.constant false
        %or3A_311 = arith.ori %or3A_310, %ne3A_309 : i1
        %or3A_312 = arith.constant false
        %or3A_313 = arith.ori %or3A_311, %or3A_312 : i1
        %not3A_314 = arith.constant true
        %not3A_315 = arith.xori %eq3A_152, %not3A_314 : i1
        %and3A_316 = arith.andi %or3A_313, %not3A_315 : i1
        %convert_element_type3A_317 = arith.extui %and3A_316 : i1 to i32
        %cond3A_318 = arith.constant 0 : i32
        %cond3A_319 = arith.cmpi ne, %convert_element_type3A_317, %cond3A_318 : i32
        scf.if %cond3A_319 {
          "tpu.trace_start"() <{level = 10 : i32, message = "ep_wait_out"}> : () -> ()
          %rem3A_358 = arith.constant 2 : i32
          %rem3A_359 = arith.remui %scan3A_147, %rem3A_358 : i32
          %mul3A_360 = arith.constant 4 : i32
          %mul3A_361 = arith.muli %mul3A_360, %add3A_164 : i32
          %dma_wait3A_362 = arith.constant 0 : i32
          %dma_wait3A_363 = arith.constant 0 : i32
          %dma_wait3A_364 = tpu.memref_slice %run_scoped3A_8[%rem3A_359, %dma_wait3A_362, %dma_wait3A_363] : memref<2x4x128xf32, #tpu.memory_space<vmem>> -> memref<1x4x128xf32, #tpu.memory_space<vmem>>
          %dma_wait3A_365 = tpu.memref_squeeze %dma_wait3A_364 : memref<1x4x128xf32, #tpu.memory_space<vmem>> -> memref<4x128xf32, #tpu.memory_space<vmem>>
          %dma_wait3A_366 = arith.constant 0 : i32
          %dma_wait3A_367 = tpu.memref_slice %arg5[%mul3A_361, %dma_wait3A_366] : memref<262144x128xf32, #tpu.memory_space<hbm>> -> memref<4x128xf32, #tpu.memory_space<hbm>>
          %dma_wait3A_368 = tpu.memref_slice %run_scoped3A_9[%rem3A_359] : memref<2x!tpu.dma_semaphore, #tpu.memory_space<semaphore_mem>> -> memref<1x!tpu.dma_semaphore, #tpu.memory_space<semaphore_mem>>
          %dma_wait3A_369 = tpu.memref_squeeze %dma_wait3A_368 : memref<1x!tpu.dma_semaphore, #tpu.memory_space<semaphore_mem>> -> memref<!tpu.dma_semaphore, #tpu.memory_space<semaphore_mem>>
          %dma_wait3A_370 = arith.constant 0 : i32
          %dma_wait3A_371 = tpu.memref_slice %arg5[%mul3A_361, %dma_wait3A_370] : memref<262144x128xf32, #tpu.memory_space<hbm>> -> memref<4x128xf32, #tpu.memory_space<hbm>>
          %dma_wait3A_372 = arith.constant 0 : i32
          %dma_wait3A_373 = arith.constant 0 : i32
          %dma_wait3A_374 = tpu.memref_slice %run_scoped3A_8[%rem3A_359, %dma_wait3A_372, %dma_wait3A_373] : memref<2x4x128xf32, #tpu.memory_space<vmem>> -> memref<1x4x128xf32, #tpu.memory_space<vmem>>
          %dma_wait3A_375 = tpu.memref_squeeze %dma_wait3A_374 : memref<1x4x128xf32, #tpu.memory_space<vmem>> -> memref<4x128xf32, #tpu.memory_space<vmem>>
          tpu.wait_dma2 semaphore(%dma_wait3A_369 : memref<!tpu.dma_semaphore, #tpu.memory_space<semaphore_mem>>) src(%dma_wait3A_375 : memref<4x128xf32, #tpu.memory_space<vmem>>) dst(%dma_wait3A_371 : memref<4x128xf32, #tpu.memory_space<hbm>>)
          "tpu.trace_stop"() : () -> ()
        } else {
        }
        %and3A_320 = arith.constant true
        %and3A_321 = arith.andi %and3A_316, %and3A_320 : i1
        %add3A_322 = arith.constant 1 : i32
        %add3A_323 = arith.addi %scan3A_147, %add3A_322 : i32
        %select_n3A_324 = arith.select %and3A_321, %add3A_323, %scan3A_147 : i32
        %ne3A_325 = arith.cmpi ne, %add3A_155, %add3A_164 : i32
        %or3A_326 = arith.constant false
        %or3A_327 = arith.ori %or3A_326, %ne3A_325 : i1
        %or3A_328 = arith.constant false
        %or3A_329 = arith.ori %or3A_327, %or3A_328 : i1
        %not3A_330 = arith.constant true
        %not3A_331 = arith.xori %eq3A_152, %not3A_330 : i1
        %and3A_332 = arith.andi %or3A_329, %not3A_331 : i1
        %convert_element_type3A_333 = arith.extui %and3A_332 : i1 to i32
        %cond3A_334 = arith.constant 0 : i32
        %cond3A_335 = arith.cmpi ne, %convert_element_type3A_333, %cond3A_334 : i32
        scf.if %cond3A_335 {
          "tpu.trace_start"() <{level = 10 : i32, message = "ep_wait_out"}> : () -> ()
          %rem3A_358 = arith.constant 2 : i32
          %rem3A_359 = arith.remui %scan3A_149, %rem3A_358 : i32
          %mul3A_360 = arith.constant 4 : i32
          %mul3A_361 = arith.muli %mul3A_360, %add3A_164 : i32
          %dma_wait3A_362 = arith.constant 0 : i32
          %dma_wait3A_363 = arith.constant 0 : i32
          %dma_wait3A_364 = tpu.memref_slice %run_scoped3A_10[%rem3A_359, %dma_wait3A_362, %dma_wait3A_363] : memref<2x4x128xf32, #tpu.memory_space<vmem>> -> memref<1x4x128xf32, #tpu.memory_space<vmem>>
          %dma_wait3A_365 = tpu.memref_squeeze %dma_wait3A_364 : memref<1x4x128xf32, #tpu.memory_space<vmem>> -> memref<4x128xf32, #tpu.memory_space<vmem>>
          %dma_wait3A_366 = arith.constant 0 : i32
          %dma_wait3A_367 = tpu.memref_slice %arg6[%mul3A_361, %dma_wait3A_366] : memref<262144x128xf32, #tpu.memory_space<hbm>> -> memref<4x128xf32, #tpu.memory_space<hbm>>
          %dma_wait3A_368 = tpu.memref_slice %run_scoped3A_11[%rem3A_359] : memref<2x!tpu.dma_semaphore, #tpu.memory_space<semaphore_mem>> -> memref<1x!tpu.dma_semaphore, #tpu.memory_space<semaphore_mem>>
          %dma_wait3A_369 = tpu.memref_squeeze %dma_wait3A_368 : memref<1x!tpu.dma_semaphore, #tpu.memory_space<semaphore_mem>> -> memref<!tpu.dma_semaphore, #tpu.memory_space<semaphore_mem>>
          %dma_wait3A_370 = arith.constant 0 : i32
          %dma_wait3A_371 = tpu.memref_slice %arg6[%mul3A_361, %dma_wait3A_370] : memref<262144x128xf32, #tpu.memory_space<hbm>> -> memref<4x128xf32, #tpu.memory_space<hbm>>
          %dma_wait3A_372 = arith.constant 0 : i32
          %dma_wait3A_373 = arith.constant 0 : i32
          %dma_wait3A_374 = tpu.memref_slice %run_scoped3A_10[%rem3A_359, %dma_wait3A_372, %dma_wait3A_373] : memref<2x4x128xf32, #tpu.memory_space<vmem>> -> memref<1x4x128xf32, #tpu.memory_space<vmem>>
          %dma_wait3A_375 = tpu.memref_squeeze %dma_wait3A_374 : memref<1x4x128xf32, #tpu.memory_space<vmem>> -> memref<4x128xf32, #tpu.memory_space<vmem>>
          tpu.wait_dma2 semaphore(%dma_wait3A_369 : memref<!tpu.dma_semaphore, #tpu.memory_space<semaphore_mem>>) src(%dma_wait3A_375 : memref<4x128xf32, #tpu.memory_space<vmem>>) dst(%dma_wait3A_371 : memref<4x128xf32, #tpu.memory_space<hbm>>)
          "tpu.trace_stop"() : () -> ()
        } else {
        }
        %and3A_336 = arith.constant true
        %and3A_337 = arith.andi %and3A_332, %and3A_336 : i1
        %add3A_338 = arith.constant 1 : i32
        %add3A_339 = arith.addi %scan3A_149, %add3A_338 : i32
        %select_n3A_340 = arith.select %and3A_337, %add3A_339, %scan3A_149 : i32
        %ne3A_341 = arith.cmpi ne, %add3A_155, %add3A_173 : i32
        %or3A_342 = arith.constant false
        %or3A_343 = arith.ori %or3A_342, %ne3A_341 : i1
        %or3A_344 = arith.constant false
        %or3A_345 = arith.ori %or3A_343, %or3A_344 : i1
        %or3A_346 = arith.ori %or3A_345, %eq3A_154 : i1
        %add3A_347 = arith.constant 1 : i32
        %add3A_348 = arith.addi %scan3A_145, %add3A_347 : i32
        %select_n3A_349 = arith.select %or3A_346, %add3A_348, %scan3A_145 : i32
        %add3A_350 = arith.constant 1 : i32
        %add3A_351 = arith.addi %scan3A_150, %add3A_350 : i32
        %select_n3A_352 = arith.constant true
        %select_n3A_353 = arith.select %select_n3A_352, %add3A_351, %scan3A_150 : i32
        %eq3A_354 = arith.constant 2048 : i32
        %eq3A_355 = arith.cmpi eq, %select_n3A_353, %eq3A_354 : i32
        %select_n3A_356 = arith.constant 0 : i32
        %select_n3A_357 = arith.select %eq3A_355, %select_n3A_356, %select_n3A_353 : i32
        scf.yield %select_n3A_193, %select_n3A_349, %select_n3A_281, %select_n3A_324, %select_n3A_295, %select_n3A_340, %select_n3A_357 : i32, i32, i32, i32, i32, i32, i32
      }
      %scan3A_72 = arith.constant 2048 : i32
      %sub3A = arith.constant 1 : i32
      %sub3A_73 = arith.subi %scan3A_71#6, %sub3A : i32
      %select_n3A_74 = arith.constant true
      %select_n3A_75 = arith.select %select_n3A_74, %sub3A_73, %scan3A_71#6 : i32
      %eq3A_76 = arith.constant -1 : i32
      %eq3A_77 = arith.cmpi eq, %select_n3A_75, %eq3A_76 : i32
      %select_n3A_78 = arith.constant 2047 : i32
      %select_n3A_79 = arith.select %eq3A_77, %select_n3A_78, %select_n3A_75 : i32
      %add3A_80 = arith.addi %select_n3A_79, %mul3A_6 : i32
      %sub3A_81 = arith.constant 1 : i32
      %sub3A_82 = arith.subi %select_n3A_79, %sub3A_81 : i32
      %select_n3A_83 = arith.constant true
      %select_n3A_84 = arith.select %select_n3A_83, %sub3A_82, %select_n3A_79 : i32
      %eq3A_85 = arith.constant -1 : i32
      %eq3A_86 = arith.cmpi eq, %select_n3A_84, %eq3A_85 : i32
      %select_n3A_87 = arith.constant 2047 : i32
      %select_n3A_88 = arith.select %eq3A_86, %select_n3A_87, %select_n3A_84 : i32
      %add3A_89 = arith.addi %select_n3A_88, %mul3A_6 : i32
      %add3A_90 = arith.constant 1 : i32
      %add3A_91 = arith.addi %select_n3A_79, %add3A_90 : i32
      %select_n3A_92 = arith.constant true
      %select_n3A_93 = arith.select %select_n3A_92, %add3A_91, %select_n3A_79 : i32
      %eq3A_94 = arith.constant 2048 : i32
      %eq3A_95 = arith.cmpi eq, %select_n3A_93, %eq3A_94 : i32
      %select_n3A_96 = arith.constant 0 : i32
      %select_n3A_97 = arith.select %eq3A_95, %select_n3A_96, %select_n3A_93 : i32
      %add3A_98 = arith.addi %select_n3A_97, %mul3A_6 : i32
      %add3A_99 = arith.constant 1 : i32
      %add3A_100 = arith.addi %select_n3A_97, %add3A_99 : i32
      %select_n3A_101 = arith.constant true
      %select_n3A_102 = arith.select %select_n3A_101, %add3A_100, %select_n3A_97 : i32
      %eq3A_103 = arith.constant 2048 : i32
      %eq3A_104 = arith.cmpi eq, %select_n3A_102, %eq3A_103 : i32
      %select_n3A_105 = arith.constant 0 : i32
      %select_n3A_106 = arith.select %eq3A_104, %select_n3A_105, %select_n3A_102 : i32
      %add3A_107 = arith.addi %select_n3A_106, %mul3A_6 : i32
      "tpu.trace_start"() <{level = 10 : i32, message = "ep_finalize"}> : () -> ()
      %rem3A_108 = arith.constant 2 : i32
      %rem3A_109 = arith.remui %scan3A_71#3, %rem3A_108 : i32
      %mul3A_110 = arith.constant 4 : i32
      %mul3A_111 = arith.muli %mul3A_110, %add3A_80 : i32
      %dma_wait3A = arith.constant 0 : i32
      %dma_wait3A_112 = arith.constant 0 : i32
      %dma_wait3A_113 = tpu.memref_slice %run_scoped3A_8[%rem3A_109, %dma_wait3A, %dma_wait3A_112] : memref<2x4x128xf32, #tpu.memory_space<vmem>> -> memref<1x4x128xf32, #tpu.memory_space<vmem>>
      %dma_wait3A_114 = tpu.memref_squeeze %dma_wait3A_113 : memref<1x4x128xf32, #tpu.memory_space<vmem>> -> memref<4x128xf32, #tpu.memory_space<vmem>>
      %dma_wait3A_115 = arith.constant 0 : i32
      %dma_wait3A_116 = tpu.memref_slice %arg5[%mul3A_111, %dma_wait3A_115] : memref<262144x128xf32, #tpu.memory_space<hbm>> -> memref<4x128xf32, #tpu.memory_space<hbm>>
      %dma_wait3A_117 = tpu.memref_slice %run_scoped3A_9[%rem3A_109] : memref<2x!tpu.dma_semaphore, #tpu.memory_space<semaphore_mem>> -> memref<1x!tpu.dma_semaphore, #tpu.memory_space<semaphore_mem>>
      %dma_wait3A_118 = tpu.memref_squeeze %dma_wait3A_117 : memref<1x!tpu.dma_semaphore, #tpu.memory_space<semaphore_mem>> -> memref<!tpu.dma_semaphore, #tpu.memory_space<semaphore_mem>>
      %dma_wait3A_119 = arith.constant 0 : i32
      %dma_wait3A_120 = tpu.memref_slice %arg5[%mul3A_111, %dma_wait3A_119] : memref<262144x128xf32, #tpu.memory_space<hbm>> -> memref<4x128xf32, #tpu.memory_space<hbm>>
      %dma_wait3A_121 = arith.constant 0 : i32
      %dma_wait3A_122 = arith.constant 0 : i32
      %dma_wait3A_123 = tpu.memref_slice %run_scoped3A_8[%rem3A_109, %dma_wait3A_121, %dma_wait3A_122] : memref<2x4x128xf32, #tpu.memory_space<vmem>> -> memref<1x4x128xf32, #tpu.memory_space<vmem>>
      %dma_wait3A_124 = tpu.memref_squeeze %dma_wait3A_123 : memref<1x4x128xf32, #tpu.memory_space<vmem>> -> memref<4x128xf32, #tpu.memory_space<vmem>>
      tpu.wait_dma2 semaphore(%dma_wait3A_118 : memref<!tpu.dma_semaphore, #tpu.memory_space<semaphore_mem>>) src(%dma_wait3A_124 : memref<4x128xf32, #tpu.memory_space<vmem>>) dst(%dma_wait3A_120 : memref<4x128xf32, #tpu.memory_space<hbm>>)
      %rem3A_125 = arith.constant 2 : i32
      %rem3A_126 = arith.remui %scan3A_71#5, %rem3A_125 : i32
      %mul3A_127 = arith.constant 4 : i32
      %mul3A_128 = arith.muli %mul3A_127, %add3A_80 : i32
      %dma_wait3A_129 = arith.constant 0 : i32
      %dma_wait3A_130 = arith.constant 0 : i32
      %dma_wait3A_131 = tpu.memref_slice %run_scoped3A_10[%rem3A_126, %dma_wait3A_129, %dma_wait3A_130] : memref<2x4x128xf32, #tpu.memory_space<vmem>> -> memref<1x4x128xf32, #tpu.memory_space<vmem>>
      %dma_wait3A_132 = tpu.memref_squeeze %dma_wait3A_131 : memref<1x4x128xf32, #tpu.memory_space<vmem>> -> memref<4x128xf32, #tpu.memory_space<vmem>>
      %dma_wait3A_133 = arith.constant 0 : i32
      %dma_wait3A_134 = tpu.memref_slice %arg6[%mul3A_128, %dma_wait3A_133] : memref<262144x128xf32, #tpu.memory_space<hbm>> -> memref<4x128xf32, #tpu.memory_space<hbm>>
      %dma_wait3A_135 = tpu.memref_slice %run_scoped3A_11[%rem3A_126] : memref<2x!tpu.dma_semaphore, #tpu.memory_space<semaphore_mem>> -> memref<1x!tpu.dma_semaphore, #tpu.memory_space<semaphore_mem>>
      %dma_wait3A_136 = tpu.memref_squeeze %dma_wait3A_135 : memref<1x!tpu.dma_semaphore, #tpu.memory_space<semaphore_mem>> -> memref<!tpu.dma_semaphore, #tpu.memory_space<semaphore_mem>>
      %dma_wait3A_137 = arith.constant 0 : i32
      %dma_wait3A_138 = tpu.memref_slice %arg6[%mul3A_128, %dma_wait3A_137] : memref<262144x128xf32, #tpu.memory_space<hbm>> -> memref<4x128xf32, #tpu.memory_space<hbm>>
      %dma_wait3A_139 = arith.constant 0 : i32
      %dma_wait3A_140 = arith.constant 0 : i32
      %dma_wait3A_141 = tpu.memref_slice %run_scoped3A_10[%rem3A_126, %dma_wait3A_139, %dma_wait3A_140] : memref<2x4x128xf32, #tpu.memory_space<vmem>> -> memref<1x4x128xf32, #tpu.memory_space<vmem>>
      %dma_wait3A_142 = tpu.memref_squeeze %dma_wait3A_141 : memref<1x4x128xf32, #tpu.memory_space<vmem>> -> memref<4x128xf32, #tpu.memory_space<vmem>>
      tpu.wait_dma2 semaphore(%dma_wait3A_136 : memref<!tpu.dma_semaphore, #tpu.memory_space<semaphore_mem>>) src(%dma_wait3A_142 : memref<4x128xf32, #tpu.memory_space<vmem>>) dst(%dma_wait3A_138 : memref<4x128xf32, #tpu.memory_space<hbm>>)
      "tpu.trace_stop"() : () -> ()
      tpu.yield
    }) : () -> ()
    return
  }
}

#map = affine_map<(d0, d1) -> (0)>
#map1 = affine_map<(d0, d1) -> (0, 0)>
module attributes {stable_mosaic.version = 14 : i64} {
  func.func @k(%arg0: i32, %arg1: i32, %arg2: memref<6098120xf32, #tpu.memory_space<hbm>>, %arg3: memref<6098120xf32, #tpu.memory_space<hbm>>, %arg4: memref<262144x128xi32, #tpu.memory_space<hbm>>, %arg5: memref<262144x128xf32, #tpu.memory_space<hbm>>, %arg6: memref<262144x128xf32, #tpu.memory_space<hbm>>, %arg7: memref<!tpu.dma_semaphore, #tpu.memory_space<semaphore_mem>>) attributes {dimension_semantics = [#tpu.dimension_semantics<core_parallel>, #tpu.dimension_semantics<subcore_parallel>], iteration_bounds = array<i64: 2, 16>, scalar_prefetch = 0 : i64, scratch_operands = 1 : i64, tpu.core_type = #tpu.core_type<sc_vector_subcore>, window_params = [{transform_indices = #map}, {transform_indices = #map}, {transform_indices = #map1}, {transform_indices = #map1}, {transform_indices = #map1}]} {
    %mul3A = arith.constant 1 : i32
    %mul3A_0 = arith.muli %arg1, %mul3A : i32
    %add3A = arith.constant 0 : i32
    %add3A_1 = arith.addi %add3A, %mul3A_0 : i32
    %mul3A_2 = arith.constant 16 : i32
    %mul3A_3 = arith.muli %arg0, %mul3A_2 : i32
    %add3A_4 = arith.addi %add3A_1, %mul3A_3 : i32
    %mul3A_5 = arith.constant 2048 : i32
    %mul3A_6 = arith.muli %add3A_4, %mul3A_5 : i32
    "tpu.region"() ({
      %run_scoped3A = memref.alloca() : memref<2x4x128xi32, #tpu.memory_space<vmem>>
      %run_scoped3A_7 = tpu.sem_alloc : memref<2x!tpu.dma_semaphore, #tpu.memory_space<semaphore_mem>>
      %run_scoped3A_8 = memref.alloca() : memref<2x4x128xf32, #tpu.memory_space<vmem>>
      %run_scoped3A_9 = tpu.sem_alloc : memref<2x!tpu.dma_semaphore, #tpu.memory_space<semaphore_mem>>
      %run_scoped3A_10 = memref.alloca() : memref<2x4x128xf32, #tpu.memory_space<vmem>>
      %run_scoped3A_11 = tpu.sem_alloc : memref<2x!tpu.dma_semaphore, #tpu.memory_space<semaphore_mem>>
      %add3A_12 = arith.constant 0 : i32
      %add3A_13 = arith.addi %add3A_12, %mul3A_6 : i32
      %select_n3A = arith.constant true
      %select_n3A_14 = arith.constant 0 : i32
      %select_n3A_15 = arith.constant -1 : i32
      %select_n3A_16 = arith.select %select_n3A, %select_n3A_15, %select_n3A_14 : i32
      %eq3A = arith.constant -1 : i32
      %eq3A_17 = arith.cmpi eq, %select_n3A_16, %eq3A : i32
      %select_n3A_18 = arith.constant 2047 : i32
      %select_n3A_19 = arith.select %eq3A_17, %select_n3A_18, %select_n3A_16 : i32
      %add3A_20 = arith.addi %select_n3A_19, %mul3A_6 : i32
      %select_n3A_21 = arith.constant true
      %select_n3A_22 = arith.constant 0 : i32
      %select_n3A_23 = arith.constant 1 : i32
      %select_n3A_24 = arith.select %select_n3A_21, %select_n3A_23, %select_n3A_22 : i32
      %eq3A_25 = arith.constant 2048 : i32
      %eq3A_26 = arith.cmpi eq, %select_n3A_24, %eq3A_25 : i32
      %select_n3A_27 = arith.constant 0 : i32
      %select_n3A_28 = arith.select %eq3A_26, %select_n3A_27, %select_n3A_24 : i32
      %add3A_29 = arith.addi %select_n3A_28, %mul3A_6 : i32
      %add3A_30 = arith.constant 1 : i32
      %add3A_31 = arith.addi %select_n3A_28, %add3A_30 : i32
      %select_n3A_32 = arith.constant true
      %select_n3A_33 = arith.select %select_n3A_32, %add3A_31, %select_n3A_28 : i32
      %eq3A_34 = arith.constant 2048 : i32
      %eq3A_35 = arith.cmpi eq, %select_n3A_33, %eq3A_34 : i32
      %select_n3A_36 = arith.constant 0 : i32
      %select_n3A_37 = arith.select %eq3A_35, %select_n3A_36, %select_n3A_33 : i32
      %add3A_38 = arith.addi %select_n3A_37, %mul3A_6 : i32
      "tpu.trace_start"() <{level = 10 : i32, message = "ep_initialize_0"}> : () -> ()
      %rem3A = arith.constant 0 : i32
      %rem3A_39 = arith.constant 2 : i32
      %rem3A_40 = arith.remui %rem3A, %rem3A_39 : i32
      %mul3A_41 = arith.constant 4 : i32
      %mul3A_42 = arith.muli %mul3A_41, %add3A_13 : i32
      %dma_start3A = arith.constant 0 : i32
      %dma_start3A_43 = arith.constant 0 : i32
      %dma_start3A_44 = tpu.memref_slice %run_scoped3A[%rem3A_40, %dma_start3A, %dma_start3A_43] : memref<2x4x128xi32, #tpu.memory_space<vmem>> -> memref<1x4x128xi32, #tpu.memory_space<vmem>>
      %dma_start3A_45 = tpu.memref_squeeze %dma_start3A_44 : memref<1x4x128xi32, #tpu.memory_space<vmem>> -> memref<4x128xi32, #tpu.memory_space<vmem>>
      %dma_start3A_46 = arith.constant 0 : i32
      %dma_start3A_47 = tpu.memref_slice %arg4[%mul3A_42, %dma_start3A_46] : memref<262144x128xi32, #tpu.memory_space<hbm>> -> memref<4x128xi32, #tpu.memory_space<hbm>>
      %dma_start3A_48 = tpu.memref_slice %run_scoped3A_7[%rem3A_40] : memref<2x!tpu.dma_semaphore, #tpu.memory_space<semaphore_mem>> -> memref<1x!tpu.dma_semaphore, #tpu.memory_space<semaphore_mem>>
      %dma_start3A_49 = tpu.memref_squeeze %dma_start3A_48 : memref<1x!tpu.dma_semaphore, #tpu.memory_space<semaphore_mem>> -> memref<!tpu.dma_semaphore, #tpu.memory_space<semaphore_mem>>
      %dma_start3A_50 = arith.constant 0 : i32
      %dma_start3A_51 = arith.constant 0 : i32
      %dma_start3A_52 = tpu.memref_slice %run_scoped3A[%rem3A_40, %dma_start3A_50, %dma_start3A_51] : memref<2x4x128xi32, #tpu.memory_space<vmem>> -> memref<1x4x128xi32, #tpu.memory_space<vmem>>
      %dma_start3A_53 = tpu.memref_squeeze %dma_start3A_52 : memref<1x4x128xi32, #tpu.memory_space<vmem>> -> memref<4x128xi32, #tpu.memory_space<vmem>>
      %dma_start3A_54 = arith.constant 0 : i32
      %dma_start3A_55 = tpu.memref_slice %arg4[%mul3A_42, %dma_start3A_54] : memref<262144x128xi32, #tpu.memory_space<hbm>> -> memref<4x128xi32, #tpu.memory_space<hbm>>
      tpu.enqueue_dma source(%dma_start3A_55 : memref<4x128xi32, #tpu.memory_space<hbm>>) target(%dma_start3A_53 : memref<4x128xi32, #tpu.memory_space<vmem>>) target_semaphore(%dma_start3A_49 : memref<!tpu.dma_semaphore, #tpu.memory_space<semaphore_mem>>)
      %add3A_56 = arith.constant 0 : i32
      %add3A_57 = arith.constant 1 : i32
      %add3A_58 = arith.addi %add3A_56, %add3A_57 : i32
      %select_n3A_59 = arith.constant true
      %select_n3A_60 = arith.constant 0 : i32
      %select_n3A_61 = arith.select %select_n3A_59, %add3A_58, %select_n3A_60 : i32
      "tpu.trace_stop"() : () -> ()
      %scan3A = arith.constant 0 : i32
      %scan3A_62 = arith.constant 0 : i32
      %scan3A_63 = arith.constant 0 : i32
      %scan3A_64 = arith.constant 0 : i32
      %scan3A_65 = arith.constant 0 : i32
      %scan3A_66 = arith.constant 0 : i32
      %scan3A_67 = arith.constant 0 : i32
      %scan3A_68 = arith.constant 2048 : i32
      %scan3A_69 = arith.addi %scan3A_67, %scan3A_68 : i32
      %scan3A_70 = arith.constant 1 : i32
      %scan3A_71:7 = scf.for %scan3A_143 = %scan3A_67 to %scan3A_69 step %scan3A_70 iter_args(%scan3A_144 = %select_n3A_61, %scan3A_145 = %scan3A, %scan3A_146 = %scan3A_62, %scan3A_147 = %scan3A_63, %scan3A_148 = %scan3A_64, %scan3A_149 = %scan3A_65, %scan3A_150 = %scan3A_66) -> (i32, i32, i32, i32, i32, i32, i32)  : i32 {
        %eq3A_151 = arith.constant 0 : i32
        %eq3A_152 = arith.cmpi eq, %scan3A_143, %eq3A_151 : i32
        %eq3A_153 = arith.constant 2047 : i32
        %eq3A_154 = arith.cmpi eq, %scan3A_143, %eq3A_153 : i32
        %add3A_155 = arith.addi %scan3A_150, %mul3A_6 : i32
        %sub3A_156 = arith.constant 1 : i32
        %sub3A_157 = arith.subi %scan3A_150, %sub3A_156 : i32
        %select_n3A_158 = arith.constant true
        %select_n3A_159 = arith.select %select_n3A_158, %sub3A_157, %scan3A_150 : i32
        %eq3A_160 = arith.constant -1 : i32
        %eq3A_161 = arith.cmpi eq, %select_n3A_159, %eq3A_160 : i32
        %select_n3A_162 = arith.constant 2047 : i32
        %select_n3A_163 = arith.select %eq3A_161, %select_n3A_162, %select_n3A_159 : i32
        %add3A_164 = arith.addi %select_n3A_163, %mul3A_6 : i32
        %add3A_165 = arith.constant 1 : i32
        %add3A_166 = arith.addi %scan3A_150, %add3A_165 : i32
        %select_n3A_167 = arith.constant true
        %select_n3A_168 = arith.select %select_n3A_167, %add3A_166, %scan3A_150 : i32
        %eq3A_169 = arith.constant 2048 : i32
        %eq3A_170 = arith.cmpi eq, %select_n3A_168, %eq3A_169 : i32
        %select_n3A_171 = arith.constant 0 : i32
        %select_n3A_172 = arith.select %eq3A_170, %select_n3A_171, %select_n3A_168 : i32
        %add3A_173 = arith.addi %select_n3A_172, %mul3A_6 : i32
        %add3A_174 = arith.constant 1 : i32
        %add3A_175 = arith.addi %select_n3A_172, %add3A_174 : i32
        %select_n3A_176 = arith.constant true
        %select_n3A_177 = arith.select %select_n3A_176, %add3A_175, %select_n3A_172 : i32
        %eq3A_178 = arith.constant 2048 : i32
        %eq3A_179 = arith.cmpi eq, %select_n3A_177, %eq3A_178 : i32
        %select_n3A_180 = arith.constant 0 : i32
        %select_n3A_181 = arith.select %eq3A_179, %select_n3A_180, %select_n3A_177 : i32
        %add3A_182 = arith.addi %select_n3A_181, %mul3A_6 : i32
        %ne3A = arith.cmpi ne, %add3A_155, %add3A_173 : i32
        %or3A = arith.constant false
        %or3A_183 = arith.ori %or3A, %ne3A : i1
        %or3A_184 = arith.constant false
        %or3A_185 = arith.ori %or3A_183, %or3A_184 : i1
        %ge3A = arith.constant 2047 : i32
        %ge3A_186 = arith.cmpi sge, %scan3A_143, %ge3A : i32
        %not3A = arith.constant true
        %not3A_187 = arith.xori %ge3A_186, %not3A : i1
        %and3A = arith.andi %or3A_185, %not3A_187 : i1
        %convert_element_type3A = arith.extui %and3A : i1 to i32
        %cond3A = arith.constant 0 : i32
        %cond3A_188 = arith.cmpi ne, %convert_element_type3A, %cond3A : i32
        scf.if %cond3A_188 {
          "tpu.trace_start"() <{level = 10 : i32, message = "ep_copy_in"}> : () -> ()
          %rem3A_358 = arith.constant 2 : i32
          %rem3A_359 = arith.remui %scan3A_144, %rem3A_358 : i32
          %mul3A_360 = arith.constant 4 : i32
          %mul3A_361 = arith.muli %mul3A_360, %add3A_173 : i32
          %dma_start3A_362 = arith.constant 0 : i32
          %dma_start3A_363 = arith.constant 0 : i32
          %dma_start3A_364 = tpu.memref_slice %run_scoped3A[%rem3A_359, %dma_start3A_362, %dma_start3A_363] : memref<2x4x128xi32, #tpu.memory_space<vmem>> -> memref<1x4x128xi32, #tpu.memory_space<vmem>>
          %dma_start3A_365 = tpu.memref_squeeze %dma_start3A_364 : memref<1x4x128xi32, #tpu.memory_space<vmem>> -> memref<4x128xi32, #tpu.memory_space<vmem>>
          %dma_start3A_366 = arith.constant 0 : i32
          %dma_start3A_367 = tpu.memref_slice %arg4[%mul3A_361, %dma_start3A_366] : memref<262144x128xi32, #tpu.memory_space<hbm>> -> memref<4x128xi32, #tpu.memory_space<hbm>>
          %dma_start3A_368 = tpu.memref_slice %run_scoped3A_7[%rem3A_359] : memref<2x!tpu.dma_semaphore, #tpu.memory_space<semaphore_mem>> -> memref<1x!tpu.dma_semaphore, #tpu.memory_space<semaphore_mem>>
          %dma_start3A_369 = tpu.memref_squeeze %dma_start3A_368 : memref<1x!tpu.dma_semaphore, #tpu.memory_space<semaphore_mem>> -> memref<!tpu.dma_semaphore, #tpu.memory_space<semaphore_mem>>
          %dma_start3A_370 = arith.constant 0 : i32
          %dma_start3A_371 = arith.constant 0 : i32
          %dma_start3A_372 = tpu.memref_slice %run_scoped3A[%rem3A_359, %dma_start3A_370, %dma_start3A_371] : memref<2x4x128xi32, #tpu.memory_space<vmem>> -> memref<1x4x128xi32, #tpu.memory_space<vmem>>
          %dma_start3A_373 = tpu.memref_squeeze %dma_start3A_372 : memref<1x4x128xi32, #tpu.memory_space<vmem>> -> memref<4x128xi32, #tpu.memory_space<vmem>>
          %dma_start3A_374 = arith.constant 0 : i32
          %dma_start3A_375 = tpu.memref_slice %arg4[%mul3A_361, %dma_start3A_374] : memref<262144x128xi32, #tpu.memory_space<hbm>> -> memref<4x128xi32, #tpu.memory_space<hbm>>
          tpu.enqueue_dma source(%dma_start3A_375 : memref<4x128xi32, #tpu.memory_space<hbm>>) target(%dma_start3A_373 : memref<4x128xi32, #tpu.memory_space<vmem>>) target_semaphore(%dma_start3A_369 : memref<!tpu.dma_semaphore, #tpu.memory_space<semaphore_mem>>)
          "tpu.trace_stop"() : () -> ()
        } else {
        }
        %and3A_189 = arith.constant true
        %and3A_190 = arith.andi %and3A, %and3A_189 : i1
        %add3A_191 = arith.constant 1 : i32
        %add3A_192 = arith.addi %scan3A_144, %add3A_191 : i32
        %select_n3A_193 = arith.select %and3A_190, %add3A_192, %scan3A_144 : i32
        %ne3A_194 = arith.cmpi ne, %add3A_155, %add3A_173 : i32
        %or3A_195 = arith.constant false
        %or3A_196 = arith.ori %or3A_195, %ne3A_194 : i1
        %or3A_197 = arith.constant false
        %or3A_198 = arith.ori %or3A_196, %or3A_197 : i1
        %ge3A_199 = arith.constant 2047 : i32
        %ge3A_200 = arith.cmpi sge, %scan3A_143, %ge3A_199 : i32
        %not3A_201 = arith.constant true
        %not3A_202 = arith.xori %ge3A_200, %not3A_201 : i1
        %and3A_203 = arith.andi %or3A_198, %not3A_202 : i1
        %ne3A_204 = arith.cmpi ne, %add3A_155, %add3A_173 : i32
        %or3A_205 = arith.constant false
        %or3A_206 = arith.ori %or3A_205, %ne3A_204 : i1
        %or3A_207 = arith.constant false
        %or3A_208 = arith.ori %or3A_206, %or3A_207 : i1
        %ge3A_209 = arith.constant 2047 : i32
        %ge3A_210 = arith.cmpi sge, %scan3A_143, %ge3A_209 : i32
        %not3A_211 = arith.constant true
        %not3A_212 = arith.xori %ge3A_210, %not3A_211 : i1
        %and3A_213 = arith.andi %or3A_208, %not3A_212 : i1
        %ne3A_214 = arith.cmpi ne, %add3A_155, %add3A_164 : i32
        %or3A_215 = arith.constant false
        %or3A_216 = arith.ori %or3A_215, %ne3A_214 : i1
        %or3A_217 = arith.constant false
        %or3A_218 = arith.ori %or3A_216, %or3A_217 : i1
        %or3A_219 = arith.ori %or3A_218, %eq3A_152 : i1
        %convert_element_type3A_220 = arith.extui %or3A_219 : i1 to i32
        %cond3A_221 = arith.constant 0 : i32
        %cond3A_222 = arith.cmpi ne, %convert_element_type3A_220, %cond3A_221 : i32
        scf.if %cond3A_222 {
          "tpu.trace_start"() <{level = 10 : i32, message = "ep_wait_in"}> : () -> ()
          %mul3A_358 = arith.constant 4 : i32
          %mul3A_359 = arith.muli %mul3A_358, %add3A_155 : i32
          %rem3A_360 = arith.constant 2 : i32
          %rem3A_361 = arith.remui %scan3A_145, %rem3A_360 : i32
          %dma_wait3A_362 = arith.constant 0 : i32
          %dma_wait3A_363 = arith.constant 0 : i32
          %dma_wait3A_364 = tpu.memref_slice %run_scoped3A[%rem3A_361, %dma_wait3A_362, %dma_wait3A_363] : memref<2x4x128xi32, #tpu.memory_space<vmem>> -> memref<1x4x128xi32, #tpu.memory_space<vmem>>
          %dma_wait3A_365 = tpu.memref_squeeze %dma_wait3A_364 : memref<1x4x128xi32, #tpu.memory_space<vmem>> -> memref<4x128xi32, #tpu.memory_space<vmem>>
          %dma_wait3A_366 = arith.constant 0 : i32
          %dma_wait3A_367 = tpu.memref_slice %arg4[%mul3A_359, %dma_wait3A_366] : memref<262144x128xi32, #tpu.memory_space<hbm>> -> memref<4x128xi32, #tpu.memory_space<hbm>>
          %dma_wait3A_368 = tpu.memref_slice %run_scoped3A_7[%rem3A_361] : memref<2x!tpu.dma_semaphore, #tpu.memory_space<semaphore_mem>> -> memref<1x!tpu.dma_semaphore, #tpu.memory_space<semaphore_mem>>
          %dma_wait3A_369 = tpu.memref_squeeze %dma_wait3A_368 : memref<1x!tpu.dma_semaphore, #tpu.memory_space<semaphore_mem>> -> memref<!tpu.dma_semaphore, #tpu.memory_space<semaphore_mem>>
          %dma_wait3A_370 = arith.constant 0 : i32
          %dma_wait3A_371 = arith.constant 0 : i32
          %dma_wait3A_372 = tpu.memref_slice %run_scoped3A[%rem3A_361, %dma_wait3A_370, %dma_wait3A_371] : memref<2x4x128xi32, #tpu.memory_space<vmem>> -> memref<1x4x128xi32, #tpu.memory_space<vmem>>
          %dma_wait3A_373 = tpu.memref_squeeze %dma_wait3A_372 : memref<1x4x128xi32, #tpu.memory_space<vmem>> -> memref<4x128xi32, #tpu.memory_space<vmem>>
          %dma_wait3A_374 = arith.constant 0 : i32
          %dma_wait3A_375 = tpu.memref_slice %arg4[%mul3A_359, %dma_wait3A_374] : memref<262144x128xi32, #tpu.memory_space<hbm>> -> memref<4x128xi32, #tpu.memory_space<hbm>>
          tpu.wait_dma2 semaphore(%dma_wait3A_369 : memref<!tpu.dma_semaphore, #tpu.memory_space<semaphore_mem>>) src(%dma_wait3A_375 : memref<4x128xi32, #tpu.memory_space<hbm>>) dst(%dma_wait3A_373 : memref<4x128xi32, #tpu.memory_space<vmem>>)
          "tpu.trace_stop"() : () -> ()
        } else {
        }
        %ne3A_223 = arith.cmpi ne, %add3A_155, %add3A_164 : i32
        %or3A_224 = arith.constant false
        %or3A_225 = arith.ori %or3A_224, %ne3A_223 : i1
        %or3A_226 = arith.constant false
        %or3A_227 = arith.ori %or3A_225, %or3A_226 : i1
        %or3A_228 = arith.ori %or3A_227, %eq3A_152 : i1
        %convert_element_type3A_229 = arith.extui %or3A_228 : i1 to i32
        %cond3A_230 = arith.constant 0 : i32
        %cond3A_231 = arith.cmpi ne, %convert_element_type3A_229, %cond3A_230 : i32
        scf.if %cond3A_231 {
        } else {
        }
        %ne3A_232 = arith.cmpi ne, %add3A_155, %add3A_164 : i32
        %or3A_233 = arith.constant false
        %or3A_234 = arith.ori %or3A_233, %ne3A_232 : i1
        %or3A_235 = arith.constant false
        %or3A_236 = arith.ori %or3A_234, %or3A_235 : i1
        %or3A_237 = arith.ori %or3A_236, %eq3A_152 : i1
        %convert_element_type3A_238 = arith.extui %or3A_237 : i1 to i32
        %cond3A_239 = arith.constant 0 : i32
        %cond3A_240 = arith.cmpi ne, %convert_element_type3A_238, %cond3A_239 : i32
        scf.if %cond3A_240 {
        } else {
        }
        %rem3A_241 = arith.constant 2 : i32
        %rem3A_242 = arith.remui %scan3A_145, %rem3A_241 : i32
        %rem3A_243 = arith.constant 2 : i32
        %rem3A_244 = arith.remui %scan3A_146, %rem3A_243 : i32
        %rem3A_245 = arith.constant 2 : i32
        %rem3A_246 = arith.remui %scan3A_148, %rem3A_245 : i32
        "tpu.trace_start"() <{level = 10 : i32, message = "ep_run_kernel"}> : () -> ()
        %scan3A_247 = arith.constant 0 : i32
        %scan3A_248 = arith.constant 4 : i32
        %scan3A_249 = arith.addi %scan3A_247, %scan3A_248 : i32
        %scan3A_250 = arith.constant 1 : i32
        scf.for %scan3A_358 = %scan3A_247 to %scan3A_249 step %scan3A_250  : i32 {
          %mul3A_359 = arith.constant 1 : i32
          %mul3A_360 = arith.muli %scan3A_358, %mul3A_359 : i32
          %add3A_361 = arith.constant 0 : i32
          %add3A_362 = arith.addi %add3A_361, %mul3A_360 : i32
          %dma_start3A_363 = arith.constant 0 : i32
          %dma_start3A_364 = arith.constant 0 : i32
          %dma_start3A_365 = tpu.memref_slice %run_scoped3A_8[%rem3A_244, %dma_start3A_363, %dma_start3A_364] : memref<2x4x128xf32, #tpu.memory_space<vmem>> -> memref<1x4x128xf32, #tpu.memory_space<vmem>>
          %dma_start3A_366 = tpu.memref_squeeze %dma_start3A_365 : memref<1x4x128xf32, #tpu.memory_space<vmem>> -> memref<4x128xf32, #tpu.memory_space<vmem>>
          %dma_start3A_367 = arith.constant 0 : i32
          %dma_start3A_368 = tpu.memref_slice %dma_start3A_366[%add3A_362, %dma_start3A_367] : memref<4x128xf32, #tpu.memory_space<vmem>> -> memref<1x128xf32, #tpu.memory_space<vmem>>
          %dma_start3A_369 = tpu.memref_squeeze %dma_start3A_368 : memref<1x128xf32, #tpu.memory_space<vmem>> -> memref<128xf32, #tpu.memory_space<vmem>>
          %dma_start3A_370 = arith.constant 0 : i32
          %dma_start3A_371 = arith.constant 0 : i32
          %dma_start3A_372 = tpu.memref_slice %run_scoped3A[%rem3A_242, %dma_start3A_370, %dma_start3A_371] : memref<2x4x128xi32, #tpu.memory_space<vmem>> -> memref<1x4x128xi32, #tpu.memory_space<vmem>>
          %dma_start3A_373 = tpu.memref_squeeze %dma_start3A_372 : memref<1x4x128xi32, #tpu.memory_space<vmem>> -> memref<4x128xi32, #tpu.memory_space<vmem>>
          %dma_start3A_374 = arith.constant 0 : i32
          %dma_start3A_375 = tpu.memref_slice %dma_start3A_373[%add3A_362, %dma_start3A_374] : memref<4x128xi32, #tpu.memory_space<vmem>> -> memref<1x128xi32, #tpu.memory_space<vmem>>
          %dma_start3A_376 = tpu.memref_squeeze %dma_start3A_375 : memref<1x128xi32, #tpu.memory_space<vmem>> -> memref<128xi32, #tpu.memory_space<vmem>>
          %dma_start3A_377 = arith.constant 0 : i32
          %dma_start3A_378 = tpu.memref_slice %arg2[%dma_start3A_377] : memref<6098120xf32, #tpu.memory_space<hbm>> -> memref<6098120xf32, #tpu.memory_space<hbm>>
          tpu.enqueue_indirect_dma source(%dma_start3A_378 : memref<6098120xf32, #tpu.memory_space<hbm>>) target(%dma_start3A_369 : memref<128xf32, #tpu.memory_space<vmem>>) offsets(%dma_start3A_376 : memref<128xi32, #tpu.memory_space<vmem>>) semaphore(%arg7 : memref<!tpu.dma_semaphore, #tpu.memory_space<semaphore_mem>>)
          %dma_start3A_379 = arith.constant 0 : i32
          %dma_start3A_380 = arith.constant 0 : i32
          %dma_start3A_381 = tpu.memref_slice %run_scoped3A_10[%rem3A_246, %dma_start3A_379, %dma_start3A_380] : memref<2x4x128xf32, #tpu.memory_space<vmem>> -> memref<1x4x128xf32, #tpu.memory_space<vmem>>
          %dma_start3A_382 = tpu.memref_squeeze %dma_start3A_381 : memref<1x4x128xf32, #tpu.memory_space<vmem>> -> memref<4x128xf32, #tpu.memory_space<vmem>>
          %dma_start3A_383 = arith.constant 0 : i32
          %dma_start3A_384 = tpu.memref_slice %dma_start3A_382[%add3A_362, %dma_start3A_383] : memref<4x128xf32, #tpu.memory_space<vmem>> -> memref<1x128xf32, #tpu.memory_space<vmem>>
          %dma_start3A_385 = tpu.memref_squeeze %dma_start3A_384 : memref<1x128xf32, #tpu.memory_space<vmem>> -> memref<128xf32, #tpu.memory_space<vmem>>
          %dma_start3A_386 = arith.constant 0 : i32
          %dma_start3A_387 = arith.constant 0 : i32
          %dma_start3A_388 = tpu.memref_slice %run_scoped3A[%rem3A_242, %dma_start3A_386, %dma_start3A_387] : memref<2x4x128xi32, #tpu.memory_space<vmem>> -> memref<1x4x128xi32, #tpu.memory_space<vmem>>
          %dma_start3A_389 = tpu.memref_squeeze %dma_start3A_388 : memref<1x4x128xi32, #tpu.memory_space<vmem>> -> memref<4x128xi32, #tpu.memory_space<vmem>>
          %dma_start3A_390 = arith.constant 0 : i32
          %dma_start3A_391 = tpu.memref_slice %dma_start3A_389[%add3A_362, %dma_start3A_390] : memref<4x128xi32, #tpu.memory_space<vmem>> -> memref<1x128xi32, #tpu.memory_space<vmem>>
          %dma_start3A_392 = tpu.memref_squeeze %dma_start3A_391 : memref<1x128xi32, #tpu.memory_space<vmem>> -> memref<128xi32, #tpu.memory_space<vmem>>
          %dma_start3A_393 = arith.constant 0 : i32
          %dma_start3A_394 = tpu.memref_slice %arg3[%dma_start3A_393] : memref<6098120xf32, #tpu.memory_space<hbm>> -> memref<6098120xf32, #tpu.memory_space<hbm>>
          tpu.enqueue_indirect_dma source(%dma_start3A_394 : memref<6098120xf32, #tpu.memory_space<hbm>>) target(%dma_start3A_385 : memref<128xf32, #tpu.memory_space<vmem>>) offsets(%dma_start3A_392 : memref<128xi32, #tpu.memory_space<vmem>>) semaphore(%arg7 : memref<!tpu.dma_semaphore, #tpu.memory_space<semaphore_mem>>)
        }
        %scan3A_251 = arith.constant 4 : i32
        %scan3A_252 = arith.constant 0 : i32
        %scan3A_253 = arith.constant 4 : i32
        %scan3A_254 = arith.addi %scan3A_252, %scan3A_253 : i32
        %scan3A_255 = arith.constant 1 : i32
        scf.for %scan3A_358 = %scan3A_252 to %scan3A_254 step %scan3A_255  : i32 {
          %mul3A_359 = arith.constant 1 : i32
          %mul3A_360 = arith.muli %scan3A_358, %mul3A_359 : i32
          %add3A_361 = arith.constant 0 : i32
          %add3A_362 = arith.addi %add3A_361, %mul3A_360 : i32
          %dma_wait3A_363 = arith.constant 0 : i32
          %dma_wait3A_364 = arith.constant 0 : i32
          %dma_wait3A_365 = tpu.memref_slice %run_scoped3A_8[%rem3A_244, %dma_wait3A_363, %dma_wait3A_364] : memref<2x4x128xf32, #tpu.memory_space<vmem>> -> memref<1x4x128xf32, #tpu.memory_space<vmem>>
          %dma_wait3A_366 = tpu.memref_squeeze %dma_wait3A_365 : memref<1x4x128xf32, #tpu.memory_space<vmem>> -> memref<4x128xf32, #tpu.memory_space<vmem>>
          %dma_wait3A_367 = arith.constant 0 : i32
          %dma_wait3A_368 = tpu.memref_slice %dma_wait3A_366[%add3A_362, %dma_wait3A_367] : memref<4x128xf32, #tpu.memory_space<vmem>> -> memref<1x128xf32, #tpu.memory_space<vmem>>
          %dma_wait3A_369 = tpu.memref_squeeze %dma_wait3A_368 : memref<1x128xf32, #tpu.memory_space<vmem>> -> memref<128xf32, #tpu.memory_space<vmem>>
          %dma_wait3A_370 = arith.constant 0 : i32
          %dma_wait3A_371 = arith.constant 0 : i32
          %dma_wait3A_372 = tpu.memref_slice %run_scoped3A[%rem3A_242, %dma_wait3A_370, %dma_wait3A_371] : memref<2x4x128xi32, #tpu.memory_space<vmem>> -> memref<1x4x128xi32, #tpu.memory_space<vmem>>
          %dma_wait3A_373 = tpu.memref_squeeze %dma_wait3A_372 : memref<1x4x128xi32, #tpu.memory_space<vmem>> -> memref<4x128xi32, #tpu.memory_space<vmem>>
          %dma_wait3A_374 = arith.constant 0 : i32
          %dma_wait3A_375 = tpu.memref_slice %dma_wait3A_373[%add3A_362, %dma_wait3A_374] : memref<4x128xi32, #tpu.memory_space<vmem>> -> memref<1x128xi32, #tpu.memory_space<vmem>>
          %dma_wait3A_376 = tpu.memref_squeeze %dma_wait3A_375 : memref<1x128xi32, #tpu.memory_space<vmem>> -> memref<128xi32, #tpu.memory_space<vmem>>
          %dma_wait3A_377 = arith.constant 0 : i32
          %dma_wait3A_378 = tpu.memref_slice %arg2[%dma_wait3A_377] : memref<6098120xf32, #tpu.memory_space<hbm>> -> memref<6098120xf32, #tpu.memory_space<hbm>>
          tpu.wait_indirect_dma semaphore(%arg7 : memref<!tpu.dma_semaphore, #tpu.memory_space<semaphore_mem>>) src(%dma_wait3A_378 : memref<6098120xf32, #tpu.memory_space<hbm>>) dst(%dma_wait3A_369 : memref<128xf32, #tpu.memory_space<vmem>>)
          %dma_wait3A_379 = arith.constant 0 : i32
          %dma_wait3A_380 = arith.constant 0 : i32
          %dma_wait3A_381 = tpu.memref_slice %run_scoped3A_10[%rem3A_246, %dma_wait3A_379, %dma_wait3A_380] : memref<2x4x128xf32, #tpu.memory_space<vmem>> -> memref<1x4x128xf32, #tpu.memory_space<vmem>>
          %dma_wait3A_382 = tpu.memref_squeeze %dma_wait3A_381 : memref<1x4x128xf32, #tpu.memory_space<vmem>> -> memref<4x128xf32, #tpu.memory_space<vmem>>
          %dma_wait3A_383 = arith.constant 0 : i32
          %dma_wait3A_384 = tpu.memref_slice %dma_wait3A_382[%add3A_362, %dma_wait3A_383] : memref<4x128xf32, #tpu.memory_space<vmem>> -> memref<1x128xf32, #tpu.memory_space<vmem>>
          %dma_wait3A_385 = tpu.memref_squeeze %dma_wait3A_384 : memref<1x128xf32, #tpu.memory_space<vmem>> -> memref<128xf32, #tpu.memory_space<vmem>>
          %dma_wait3A_386 = arith.constant 0 : i32
          %dma_wait3A_387 = arith.constant 0 : i32
          %dma_wait3A_388 = tpu.memref_slice %run_scoped3A[%rem3A_242, %dma_wait3A_386, %dma_wait3A_387] : memref<2x4x128xi32, #tpu.memory_space<vmem>> -> memref<1x4x128xi32, #tpu.memory_space<vmem>>
          %dma_wait3A_389 = tpu.memref_squeeze %dma_wait3A_388 : memref<1x4x128xi32, #tpu.memory_space<vmem>> -> memref<4x128xi32, #tpu.memory_space<vmem>>
          %dma_wait3A_390 = arith.constant 0 : i32
          %dma_wait3A_391 = tpu.memref_slice %dma_wait3A_389[%add3A_362, %dma_wait3A_390] : memref<4x128xi32, #tpu.memory_space<vmem>> -> memref<1x128xi32, #tpu.memory_space<vmem>>
          %dma_wait3A_392 = tpu.memref_squeeze %dma_wait3A_391 : memref<1x128xi32, #tpu.memory_space<vmem>> -> memref<128xi32, #tpu.memory_space<vmem>>
          %dma_wait3A_393 = arith.constant 0 : i32
          %dma_wait3A_394 = tpu.memref_slice %arg3[%dma_wait3A_393] : memref<6098120xf32, #tpu.memory_space<hbm>> -> memref<6098120xf32, #tpu.memory_space<hbm>>
          tpu.wait_indirect_dma semaphore(%arg7 : memref<!tpu.dma_semaphore, #tpu.memory_space<semaphore_mem>>) src(%dma_wait3A_394 : memref<6098120xf32, #tpu.memory_space<hbm>>) dst(%dma_wait3A_385 : memref<128xf32, #tpu.memory_space<vmem>>)
        }
        %scan3A_256 = arith.constant 4 : i32
        "tpu.trace_stop"() : () -> ()
        %ne3A_257 = arith.cmpi ne, %add3A_155, %add3A_173 : i32
        %or3A_258 = arith.constant false
        %or3A_259 = arith.ori %or3A_258, %ne3A_257 : i1
        %or3A_260 = arith.constant false
        %or3A_261 = arith.ori %or3A_259, %or3A_260 : i1
        %or3A_262 = arith.ori %or3A_261, %eq3A_154 : i1
        %convert_element_type3A_263 = arith.extui %or3A_262 : i1 to i32
        %cond3A_264 = arith.constant 0 : i32
        %cond3A_265 = arith.cmpi ne, %convert_element_type3A_263, %cond3A_264 : i32
        scf.if %cond3A_265 {
        } else {
        }
        %and3A_266 = arith.constant false
        %and3A_267 = arith.andi %or3A_262, %and3A_266 : i1
        %ne3A_268 = arith.cmpi ne, %add3A_155, %add3A_173 : i32
        %or3A_269 = arith.constant false
        %or3A_270 = arith.ori %or3A_269, %ne3A_268 : i1
        %or3A_271 = arith.constant false
        %or3A_272 = arith.ori %or3A_270, %or3A_271 : i1
        %or3A_273 = arith.ori %or3A_272, %eq3A_154 : i1
        %convert_element_type3A_274 = arith.extui %or3A_273 : i1 to i32
        %cond3A_275 = arith.constant 0 : i32
        %cond3A_276 = arith.cmpi ne, %convert_element_type3A_274, %cond3A_275 : i32
        scf.if %cond3A_276 {
          "tpu.trace_start"() <{level = 10 : i32, message = "ep_copy_out"}> : () -> ()
          %rem3A_358 = arith.constant 2 : i32
          %rem3A_359 = arith.remui %scan3A_146, %rem3A_358 : i32
          %mul3A_360 = arith.constant 4 : i32
          %mul3A_361 = arith.muli %mul3A_360, %add3A_155 : i32
          %dma_start3A_362 = arith.constant 0 : i32
          %dma_start3A_363 = arith.constant 0 : i32
          %dma_start3A_364 = tpu.memref_slice %run_scoped3A_8[%rem3A_359, %dma_start3A_362, %dma_start3A_363] : memref<2x4x128xf32, #tpu.memory_space<vmem>> -> memref<1x4x128xf32, #tpu.memory_space<vmem>>
          %dma_start3A_365 = tpu.memref_squeeze %dma_start3A_364 : memref<1x4x128xf32, #tpu.memory_space<vmem>> -> memref<4x128xf32, #tpu.memory_space<vmem>>
          %dma_start3A_366 = arith.constant 0 : i32
          %dma_start3A_367 = tpu.memref_slice %arg5[%mul3A_361, %dma_start3A_366] : memref<262144x128xf32, #tpu.memory_space<hbm>> -> memref<4x128xf32, #tpu.memory_space<hbm>>
          %dma_start3A_368 = tpu.memref_slice %run_scoped3A_9[%rem3A_359] : memref<2x!tpu.dma_semaphore, #tpu.memory_space<semaphore_mem>> -> memref<1x!tpu.dma_semaphore, #tpu.memory_space<semaphore_mem>>
          %dma_start3A_369 = tpu.memref_squeeze %dma_start3A_368 : memref<1x!tpu.dma_semaphore, #tpu.memory_space<semaphore_mem>> -> memref<!tpu.dma_semaphore, #tpu.memory_space<semaphore_mem>>
          %dma_start3A_370 = arith.constant 0 : i32
          %dma_start3A_371 = tpu.memref_slice %arg5[%mul3A_361, %dma_start3A_370] : memref<262144x128xf32, #tpu.memory_space<hbm>> -> memref<4x128xf32, #tpu.memory_space<hbm>>
          %dma_start3A_372 = arith.constant 0 : i32
          %dma_start3A_373 = arith.constant 0 : i32
          %dma_start3A_374 = tpu.memref_slice %run_scoped3A_8[%rem3A_359, %dma_start3A_372, %dma_start3A_373] : memref<2x4x128xf32, #tpu.memory_space<vmem>> -> memref<1x4x128xf32, #tpu.memory_space<vmem>>
          %dma_start3A_375 = tpu.memref_squeeze %dma_start3A_374 : memref<1x4x128xf32, #tpu.memory_space<vmem>> -> memref<4x128xf32, #tpu.memory_space<vmem>>
          tpu.enqueue_dma source(%dma_start3A_375 : memref<4x128xf32, #tpu.memory_space<vmem>>) target(%dma_start3A_371 : memref<4x128xf32, #tpu.memory_space<hbm>>) target_semaphore(%dma_start3A_369 : memref<!tpu.dma_semaphore, #tpu.memory_space<semaphore_mem>>)
          "tpu.trace_stop"() : () -> ()
        } else {
        }
        %and3A_277 = arith.constant true
        %and3A_278 = arith.andi %or3A_273, %and3A_277 : i1
        %add3A_279 = arith.constant 1 : i32
        %add3A_280 = arith.addi %scan3A_146, %add3A_279 : i32
        %select_n3A_281 = arith.select %and3A_278, %add3A_280, %scan3A_146 : i32
        %ne3A_282 = arith.cmpi ne, %add3A_155, %add3A_173 : i32
        %or3A_283 = arith.constant false
        %or3A_284 = arith.ori %or3A_283, %ne3A_282 : i1
        %or3A_285 = arith.constant false
        %or3A_286 = arith.ori %or3A_284, %or3A_285 : i1
        %or3A_287 = arith.ori %or3A_286, %eq3A_154 : i1
        %convert_element_type3A_288 = arith.extui %or3A_287 : i1 to i32
        %cond3A_289 = arith.constant 0 : i32
        %cond3A_290 = arith.cmpi ne, %convert_element_type3A_288, %cond3A_289 : i32
        scf.if %cond3A_290 {
          "tpu.trace_start"() <{level = 10 : i32, message = "ep_copy_out"}> : () -> ()
          %rem3A_358 = arith.constant 2 : i32
          %rem3A_359 = arith.remui %scan3A_148, %rem3A_358 : i32
          %mul3A_360 = arith.constant 4 : i32
          %mul3A_361 = arith.muli %mul3A_360, %add3A_155 : i32
          %dma_start3A_362 = arith.constant 0 : i32
          %dma_start3A_363 = arith.constant 0 : i32
          %dma_start3A_364 = tpu.memref_slice %run_scoped3A_10[%rem3A_359, %dma_start3A_362, %dma_start3A_363] : memref<2x4x128xf32, #tpu.memory_space<vmem>> -> memref<1x4x128xf32, #tpu.memory_space<vmem>>
          %dma_start3A_365 = tpu.memref_squeeze %dma_start3A_364 : memref<1x4x128xf32, #tpu.memory_space<vmem>> -> memref<4x128xf32, #tpu.memory_space<vmem>>
          %dma_start3A_366 = arith.constant 0 : i32
          %dma_start3A_367 = tpu.memref_slice %arg6[%mul3A_361, %dma_start3A_366] : memref<262144x128xf32, #tpu.memory_space<hbm>> -> memref<4x128xf32, #tpu.memory_space<hbm>>
          %dma_start3A_368 = tpu.memref_slice %run_scoped3A_11[%rem3A_359] : memref<2x!tpu.dma_semaphore, #tpu.memory_space<semaphore_mem>> -> memref<1x!tpu.dma_semaphore, #tpu.memory_space<semaphore_mem>>
          %dma_start3A_369 = tpu.memref_squeeze %dma_start3A_368 : memref<1x!tpu.dma_semaphore, #tpu.memory_space<semaphore_mem>> -> memref<!tpu.dma_semaphore, #tpu.memory_space<semaphore_mem>>
          %dma_start3A_370 = arith.constant 0 : i32
          %dma_start3A_371 = tpu.memref_slice %arg6[%mul3A_361, %dma_start3A_370] : memref<262144x128xf32, #tpu.memory_space<hbm>> -> memref<4x128xf32, #tpu.memory_space<hbm>>
          %dma_start3A_372 = arith.constant 0 : i32
          %dma_start3A_373 = arith.constant 0 : i32
          %dma_start3A_374 = tpu.memref_slice %run_scoped3A_10[%rem3A_359, %dma_start3A_372, %dma_start3A_373] : memref<2x4x128xf32, #tpu.memory_space<vmem>> -> memref<1x4x128xf32, #tpu.memory_space<vmem>>
          %dma_start3A_375 = tpu.memref_squeeze %dma_start3A_374 : memref<1x4x128xf32, #tpu.memory_space<vmem>> -> memref<4x128xf32, #tpu.memory_space<vmem>>
          tpu.enqueue_dma source(%dma_start3A_375 : memref<4x128xf32, #tpu.memory_space<vmem>>) target(%dma_start3A_371 : memref<4x128xf32, #tpu.memory_space<hbm>>) target_semaphore(%dma_start3A_369 : memref<!tpu.dma_semaphore, #tpu.memory_space<semaphore_mem>>)
          "tpu.trace_stop"() : () -> ()
        } else {
        }
        %and3A_291 = arith.constant true
        %and3A_292 = arith.andi %or3A_287, %and3A_291 : i1
        %add3A_293 = arith.constant 1 : i32
        %add3A_294 = arith.addi %scan3A_148, %add3A_293 : i32
        %select_n3A_295 = arith.select %and3A_292, %add3A_294, %scan3A_148 : i32
        %ne3A_296 = arith.cmpi ne, %add3A_155, %add3A_164 : i32
        %or3A_297 = arith.constant false
        %or3A_298 = arith.ori %or3A_297, %ne3A_296 : i1
        %or3A_299 = arith.constant false
        %or3A_300 = arith.ori %or3A_298, %or3A_299 : i1
        %not3A_301 = arith.constant true
        %not3A_302 = arith.xori %eq3A_152, %not3A_301 : i1
        %and3A_303 = arith.andi %or3A_300, %not3A_302 : i1
        %convert_element_type3A_304 = arith.extui %and3A_303 : i1 to i32
        %cond3A_305 = arith.constant 0 : i32
        %cond3A_306 = arith.cmpi ne, %convert_element_type3A_304, %cond3A_305 : i32
        scf.if %cond3A_306 {
        } else {
        }
        %and3A_307 = arith.constant false
        %and3A_308 = arith.andi %and3A_303, %and3A_307 : i1
        %ne3A_309 = arith.cmpi ne, %add3A_155, %add3A_164 : i32
        %or3A_310 = arith.constant false
        %or3A_311 = arith.ori %or3A_310, %ne3A_309 : i1
        %or3A_312 = arith.constant false
        %or3A_313 = arith.ori %or3A_311, %or3A_312 : i1
        %not3A_314 = arith.constant true
        %not3A_315 = arith.xori %eq3A_152, %not3A_314 : i1
        %and3A_316 = arith.andi %or3A_313, %not3A_315 : i1
        %convert_element_type3A_317 = arith.extui %and3A_316 : i1 to i32
        %cond3A_318 = arith.constant 0 : i32
        %cond3A_319 = arith.cmpi ne, %convert_element_type3A_317, %cond3A_318 : i32
        scf.if %cond3A_319 {
          "tpu.trace_start"() <{level = 10 : i32, message = "ep_wait_out"}> : () -> ()
          %rem3A_358 = arith.constant 2 : i32
          %rem3A_359 = arith.remui %scan3A_147, %rem3A_358 : i32
          %mul3A_360 = arith.constant 4 : i32
          %mul3A_361 = arith.muli %mul3A_360, %add3A_164 : i32
          %dma_wait3A_362 = arith.constant 0 : i32
          %dma_wait3A_363 = arith.constant 0 : i32
          %dma_wait3A_364 = tpu.memref_slice %run_scoped3A_8[%rem3A_359, %dma_wait3A_362, %dma_wait3A_363] : memref<2x4x128xf32, #tpu.memory_space<vmem>> -> memref<1x4x128xf32, #tpu.memory_space<vmem>>
          %dma_wait3A_365 = tpu.memref_squeeze %dma_wait3A_364 : memref<1x4x128xf32, #tpu.memory_space<vmem>> -> memref<4x128xf32, #tpu.memory_space<vmem>>
          %dma_wait3A_366 = arith.constant 0 : i32
          %dma_wait3A_367 = tpu.memref_slice %arg5[%mul3A_361, %dma_wait3A_366] : memref<262144x128xf32, #tpu.memory_space<hbm>> -> memref<4x128xf32, #tpu.memory_space<hbm>>
          %dma_wait3A_368 = tpu.memref_slice %run_scoped3A_9[%rem3A_359] : memref<2x!tpu.dma_semaphore, #tpu.memory_space<semaphore_mem>> -> memref<1x!tpu.dma_semaphore, #tpu.memory_space<semaphore_mem>>
          %dma_wait3A_369 = tpu.memref_squeeze %dma_wait3A_368 : memref<1x!tpu.dma_semaphore, #tpu.memory_space<semaphore_mem>> -> memref<!tpu.dma_semaphore, #tpu.memory_space<semaphore_mem>>
          %dma_wait3A_370 = arith.constant 0 : i32
          %dma_wait3A_371 = tpu.memref_slice %arg5[%mul3A_361, %dma_wait3A_370] : memref<262144x128xf32, #tpu.memory_space<hbm>> -> memref<4x128xf32, #tpu.memory_space<hbm>>
          %dma_wait3A_372 = arith.constant 0 : i32
          %dma_wait3A_373 = arith.constant 0 : i32
          %dma_wait3A_374 = tpu.memref_slice %run_scoped3A_8[%rem3A_359, %dma_wait3A_372, %dma_wait3A_373] : memref<2x4x128xf32, #tpu.memory_space<vmem>> -> memref<1x4x128xf32, #tpu.memory_space<vmem>>
          %dma_wait3A_375 = tpu.memref_squeeze %dma_wait3A_374 : memref<1x4x128xf32, #tpu.memory_space<vmem>> -> memref<4x128xf32, #tpu.memory_space<vmem>>
          tpu.wait_dma2 semaphore(%dma_wait3A_369 : memref<!tpu.dma_semaphore, #tpu.memory_space<semaphore_mem>>) src(%dma_wait3A_375 : memref<4x128xf32, #tpu.memory_space<vmem>>) dst(%dma_wait3A_371 : memref<4x128xf32, #tpu.memory_space<hbm>>)
          "tpu.trace_stop"() : () -> ()
        } else {
        }
        %and3A_320 = arith.constant true
        %and3A_321 = arith.andi %and3A_316, %and3A_320 : i1
        %add3A_322 = arith.constant 1 : i32
        %add3A_323 = arith.addi %scan3A_147, %add3A_322 : i32
        %select_n3A_324 = arith.select %and3A_321, %add3A_323, %scan3A_147 : i32
        %ne3A_325 = arith.cmpi ne, %add3A_155, %add3A_164 : i32
        %or3A_326 = arith.constant false
        %or3A_327 = arith.ori %or3A_326, %ne3A_325 : i1
        %or3A_328 = arith.constant false
        %or3A_329 = arith.ori %or3A_327, %or3A_328 : i1
        %not3A_330 = arith.constant true
        %not3A_331 = arith.xori %eq3A_152, %not3A_330 : i1
        %and3A_332 = arith.andi %or3A_329, %not3A_331 : i1
        %convert_element_type3A_333 = arith.extui %and3A_332 : i1 to i32
        %cond3A_334 = arith.constant 0 : i32
        %cond3A_335 = arith.cmpi ne, %convert_element_type3A_333, %cond3A_334 : i32
        scf.if %cond3A_335 {
          "tpu.trace_start"() <{level = 10 : i32, message = "ep_wait_out"}> : () -> ()
          %rem3A_358 = arith.constant 2 : i32
          %rem3A_359 = arith.remui %scan3A_149, %rem3A_358 : i32
          %mul3A_360 = arith.constant 4 : i32
          %mul3A_361 = arith.muli %mul3A_360, %add3A_164 : i32
          %dma_wait3A_362 = arith.constant 0 : i32
          %dma_wait3A_363 = arith.constant 0 : i32
          %dma_wait3A_364 = tpu.memref_slice %run_scoped3A_10[%rem3A_359, %dma_wait3A_362, %dma_wait3A_363] : memref<2x4x128xf32, #tpu.memory_space<vmem>> -> memref<1x4x128xf32, #tpu.memory_space<vmem>>
          %dma_wait3A_365 = tpu.memref_squeeze %dma_wait3A_364 : memref<1x4x128xf32, #tpu.memory_space<vmem>> -> memref<4x128xf32, #tpu.memory_space<vmem>>
          %dma_wait3A_366 = arith.constant 0 : i32
          %dma_wait3A_367 = tpu.memref_slice %arg6[%mul3A_361, %dma_wait3A_366] : memref<262144x128xf32, #tpu.memory_space<hbm>> -> memref<4x128xf32, #tpu.memory_space<hbm>>
          %dma_wait3A_368 = tpu.memref_slice %run_scoped3A_11[%rem3A_359] : memref<2x!tpu.dma_semaphore, #tpu.memory_space<semaphore_mem>> -> memref<1x!tpu.dma_semaphore, #tpu.memory_space<semaphore_mem>>
          %dma_wait3A_369 = tpu.memref_squeeze %dma_wait3A_368 : memref<1x!tpu.dma_semaphore, #tpu.memory_space<semaphore_mem>> -> memref<!tpu.dma_semaphore, #tpu.memory_space<semaphore_mem>>
          %dma_wait3A_370 = arith.constant 0 : i32
          %dma_wait3A_371 = tpu.memref_slice %arg6[%mul3A_361, %dma_wait3A_370] : memref<262144x128xf32, #tpu.memory_space<hbm>> -> memref<4x128xf32, #tpu.memory_space<hbm>>
          %dma_wait3A_372 = arith.constant 0 : i32
          %dma_wait3A_373 = arith.constant 0 : i32
          %dma_wait3A_374 = tpu.memref_slice %run_scoped3A_10[%rem3A_359, %dma_wait3A_372, %dma_wait3A_373] : memref<2x4x128xf32, #tpu.memory_space<vmem>> -> memref<1x4x128xf32, #tpu.memory_space<vmem>>
          %dma_wait3A_375 = tpu.memref_squeeze %dma_wait3A_374 : memref<1x4x128xf32, #tpu.memory_space<vmem>> -> memref<4x128xf32, #tpu.memory_space<vmem>>
          tpu.wait_dma2 semaphore(%dma_wait3A_369 : memref<!tpu.dma_semaphore, #tpu.memory_space<semaphore_mem>>) src(%dma_wait3A_375 : memref<4x128xf32, #tpu.memory_space<vmem>>) dst(%dma_wait3A_371 : memref<4x128xf32, #tpu.memory_space<hbm>>)
          "tpu.trace_stop"() : () -> ()
        } else {
        }
        %and3A_336 = arith.constant true
        %and3A_337 = arith.andi %and3A_332, %and3A_336 : i1
        %add3A_338 = arith.constant 1 : i32
        %add3A_339 = arith.addi %scan3A_149, %add3A_338 : i32
        %select_n3A_340 = arith.select %and3A_337, %add3A_339, %scan3A_149 : i32
        %ne3A_341 = arith.cmpi ne, %add3A_155, %add3A_173 : i32
        %or3A_342 = arith.constant false
        %or3A_343 = arith.ori %or3A_342, %ne3A_341 : i1
        %or3A_344 = arith.constant false
        %or3A_345 = arith.ori %or3A_343, %or3A_344 : i1
        %or3A_346 = arith.ori %or3A_345, %eq3A_154 : i1
        %add3A_347 = arith.constant 1 : i32
        %add3A_348 = arith.addi %scan3A_145, %add3A_347 : i32
        %select_n3A_349 = arith.select %or3A_346, %add3A_348, %scan3A_145 : i32
        %add3A_350 = arith.constant 1 : i32
        %add3A_351 = arith.addi %scan3A_150, %add3A_350 : i32
        %select_n3A_352 = arith.constant true
        %select_n3A_353 = arith.select %select_n3A_352, %add3A_351, %scan3A_150 : i32
        %eq3A_354 = arith.constant 2048 : i32
        %eq3A_355 = arith.cmpi eq, %select_n3A_353, %eq3A_354 : i32
        %select_n3A_356 = arith.constant 0 : i32
        %select_n3A_357 = arith.select %eq3A_355, %select_n3A_356, %select_n3A_353 : i32
        scf.yield %select_n3A_193, %select_n3A_349, %select_n3A_281, %select_n3A_324, %select_n3A_295, %select_n3A_340, %select_n3A_357 : i32, i32, i32, i32, i32, i32, i32
      }
      %scan3A_72 = arith.constant 2048 : i32
      %sub3A = arith.constant 1 : i32
      %sub3A_73 = arith.subi %scan3A_71#6, %sub3A : i32
      %select_n3A_74 = arith.constant true
      %select_n3A_75 = arith.select %select_n3A_74, %sub3A_73, %scan3A_71#6 : i32
      %eq3A_76 = arith.constant -1 : i32
      %eq3A_77 = arith.cmpi eq, %select_n3A_75, %eq3A_76 : i32
      %select_n3A_78 = arith.constant 2047 : i32
      %select_n3A_79 = arith.select %eq3A_77, %select_n3A_78, %select_n3A_75 : i32
      %add3A_80 = arith.addi %select_n3A_79, %mul3A_6 : i32
      %sub3A_81 = arith.constant 1 : i32
      %sub3A_82 = arith.subi %select_n3A_79, %sub3A_81 : i32
      %select_n3A_83 = arith.constant true
      %select_n3A_84 = arith.select %select_n3A_83, %sub3A_82, %select_n3A_79 : i32
      %eq3A_85 = arith.constant -1 : i32
      %eq3A_86 = arith.cmpi eq, %select_n3A_84, %eq3A_85 : i32
      %select_n3A_87 = arith.constant 2047 : i32
      %select_n3A_88 = arith.select %eq3A_86, %select_n3A_87, %select_n3A_84 : i32
      %add3A_89 = arith.addi %select_n3A_88, %mul3A_6 : i32
      %add3A_90 = arith.constant 1 : i32
      %add3A_91 = arith.addi %select_n3A_79, %add3A_90 : i32
      %select_n3A_92 = arith.constant true
      %select_n3A_93 = arith.select %select_n3A_92, %add3A_91, %select_n3A_79 : i32
      %eq3A_94 = arith.constant 2048 : i32
      %eq3A_95 = arith.cmpi eq, %select_n3A_93, %eq3A_94 : i32
      %select_n3A_96 = arith.constant 0 : i32
      %select_n3A_97 = arith.select %eq3A_95, %select_n3A_96, %select_n3A_93 : i32
      %add3A_98 = arith.addi %select_n3A_97, %mul3A_6 : i32
      %add3A_99 = arith.constant 1 : i32
      %add3A_100 = arith.addi %select_n3A_97, %add3A_99 : i32
      %select_n3A_101 = arith.constant true
      %select_n3A_102 = arith.select %select_n3A_101, %add3A_100, %select_n3A_97 : i32
      %eq3A_103 = arith.constant 2048 : i32
      %eq3A_104 = arith.cmpi eq, %select_n3A_102, %eq3A_103 : i32
      %select_n3A_105 = arith.constant 0 : i32
      %select_n3A_106 = arith.select %eq3A_104, %select_n3A_105, %select_n3A_102 : i32
      %add3A_107 = arith.addi %select_n3A_106, %mul3A_6 : i32
      "tpu.trace_start"() <{level = 10 : i32, message = "ep_finalize"}> : () -> ()
      %rem3A_108 = arith.constant 2 : i32
      %rem3A_109 = arith.remui %scan3A_71#3, %rem3A_108 : i32
      %mul3A_110 = arith.constant 4 : i32
      %mul3A_111 = arith.muli %mul3A_110, %add3A_80 : i32
      %dma_wait3A = arith.constant 0 : i32
      %dma_wait3A_112 = arith.constant 0 : i32
      %dma_wait3A_113 = tpu.memref_slice %run_scoped3A_8[%rem3A_109, %dma_wait3A, %dma_wait3A_112] : memref<2x4x128xf32, #tpu.memory_space<vmem>> -> memref<1x4x128xf32, #tpu.memory_space<vmem>>
      %dma_wait3A_114 = tpu.memref_squeeze %dma_wait3A_113 : memref<1x4x128xf32, #tpu.memory_space<vmem>> -> memref<4x128xf32, #tpu.memory_space<vmem>>
      %dma_wait3A_115 = arith.constant 0 : i32
      %dma_wait3A_116 = tpu.memref_slice %arg5[%mul3A_111, %dma_wait3A_115] : memref<262144x128xf32, #tpu.memory_space<hbm>> -> memref<4x128xf32, #tpu.memory_space<hbm>>
      %dma_wait3A_117 = tpu.memref_slice %run_scoped3A_9[%rem3A_109] : memref<2x!tpu.dma_semaphore, #tpu.memory_space<semaphore_mem>> -> memref<1x!tpu.dma_semaphore, #tpu.memory_space<semaphore_mem>>
      %dma_wait3A_118 = tpu.memref_squeeze %dma_wait3A_117 : memref<1x!tpu.dma_semaphore, #tpu.memory_space<semaphore_mem>> -> memref<!tpu.dma_semaphore, #tpu.memory_space<semaphore_mem>>
      %dma_wait3A_119 = arith.constant 0 : i32
      %dma_wait3A_120 = tpu.memref_slice %arg5[%mul3A_111, %dma_wait3A_119] : memref<262144x128xf32, #tpu.memory_space<hbm>> -> memref<4x128xf32, #tpu.memory_space<hbm>>
      %dma_wait3A_121 = arith.constant 0 : i32
      %dma_wait3A_122 = arith.constant 0 : i32
      %dma_wait3A_123 = tpu.memref_slice %run_scoped3A_8[%rem3A_109, %dma_wait3A_121, %dma_wait3A_122] : memref<2x4x128xf32, #tpu.memory_space<vmem>> -> memref<1x4x128xf32, #tpu.memory_space<vmem>>
      %dma_wait3A_124 = tpu.memref_squeeze %dma_wait3A_123 : memref<1x4x128xf32, #tpu.memory_space<vmem>> -> memref<4x128xf32, #tpu.memory_space<vmem>>
      tpu.wait_dma2 semaphore(%dma_wait3A_118 : memref<!tpu.dma_semaphore, #tpu.memory_space<semaphore_mem>>) src(%dma_wait3A_124 : memref<4x128xf32, #tpu.memory_space<vmem>>) dst(%dma_wait3A_120 : memref<4x128xf32, #tpu.memory_space<hbm>>)
      %rem3A_125 = arith.constant 2 : i32
      %rem3A_126 = arith.remui %scan3A_71#5, %rem3A_125 : i32
      %mul3A_127 = arith.constant 4 : i32
      %mul3A_128 = arith.muli %mul3A_127, %add3A_80 : i32
      %dma_wait3A_129 = arith.constant 0 : i32
      %dma_wait3A_130 = arith.constant 0 : i32
      %dma_wait3A_131 = tpu.memref_slice %run_scoped3A_10[%rem3A_126, %dma_wait3A_129, %dma_wait3A_130] : memref<2x4x128xf32, #tpu.memory_space<vmem>> -> memref<1x4x128xf32, #tpu.memory_space<vmem>>
      %dma_wait3A_132 = tpu.memref_squeeze %dma_wait3A_131 : memref<1x4x128xf32, #tpu.memory_space<vmem>> -> memref<4x128xf32, #tpu.memory_space<vmem>>
      %dma_wait3A_133 = arith.constant 0 : i32
      %dma_wait3A_134 = tpu.memref_slice %arg6[%mul3A_128, %dma_wait3A_133] : memref<262144x128xf32, #tpu.memory_space<hbm>> -> memref<4x128xf32, #tpu.memory_space<hbm>>
      %dma_wait3A_135 = tpu.memref_slice %run_scoped3A_11[%rem3A_126] : memref<2x!tpu.dma_semaphore, #tpu.memory_space<semaphore_mem>> -> memref<1x!tpu.dma_semaphore, #tpu.memory_space<semaphore_mem>>
      %dma_wait3A_136 = tpu.memref_squeeze %dma_wait3A_135 : memref<1x!tpu.dma_semaphore, #tpu.memory_space<semaphore_mem>> -> memref<!tpu.dma_semaphore, #tpu.memory_space<semaphore_mem>>
      %dma_wait3A_137 = arith.constant 0 : i32
      %dma_wait3A_138 = tpu.memref_slice %arg6[%mul3A_128, %dma_wait3A_137] : memref<262144x128xf32, #tpu.memory_space<hbm>> -> memref<4x128xf32, #tpu.memory_space<hbm>>
      %dma_wait3A_139 = arith.constant 0 : i32
      %dma_wait3A_140 = arith.constant 0 : i32
      %dma_wait3A_141 = tpu.memref_slice %run_scoped3A_10[%rem3A_126, %dma_wait3A_139, %dma_wait3A_140] : memref<2x4x128xf32, #tpu.memory_space<vmem>> -> memref<1x4x128xf32, #tpu.memory_space<vmem>>
      %dma_wait3A_142 = tpu.memref_squeeze %dma_wait3A_141 : memref<1x4x128xf32, #tpu.memory_space<vmem>> -> memref<4x128xf32, #tpu.memory_space<vmem>>
      tpu.wait_dma2 semaphore(%dma_wait3A_136 : memref<!tpu.dma_semaphore, #tpu.memory_space<semaphore_mem>>) src(%dma_wait3A_142 : memref<4x128xf32, #tpu.memory_space<vmem>>) dst(%dma_wait3A_138 : memref<4x128xf32, #tpu.memory_space<hbm>>)
      "tpu.trace_stop"() : () -> ()
      tpu.yield
    }) : () -> ()
    return
  }
}

#map = affine_map<(d0, d1) -> (0)>
#map1 = affine_map<(d0, d1) -> (0, 0)>
module attributes {stable_mosaic.version = 14 : i64} {
  func.func @k(%arg0: i32, %arg1: i32, %arg2: memref<6098120xf32, #tpu.memory_space<hbm>>, %arg3: memref<6098120xf32, #tpu.memory_space<hbm>>, %arg4: memref<262144x128xi32, #tpu.memory_space<hbm>>, %arg5: memref<262144x128xf32, #tpu.memory_space<hbm>>, %arg6: memref<262144x128xf32, #tpu.memory_space<hbm>>, %arg7: memref<!tpu.dma_semaphore, #tpu.memory_space<semaphore_mem>>) attributes {dimension_semantics = [#tpu.dimension_semantics<core_parallel>, #tpu.dimension_semantics<subcore_parallel>], iteration_bounds = array<i64: 2, 16>, scalar_prefetch = 0 : i64, scratch_operands = 1 : i64, tpu.core_type = #tpu.core_type<sc_vector_subcore>, window_params = [{transform_indices = #map}, {transform_indices = #map}, {transform_indices = #map1}, {transform_indices = #map1}, {transform_indices = #map1}]} {
    %mul3A = arith.constant 1 : i32
    %mul3A_0 = arith.muli %arg1, %mul3A : i32
    %add3A = arith.constant 0 : i32
    %add3A_1 = arith.addi %add3A, %mul3A_0 : i32
    %mul3A_2 = arith.constant 16 : i32
    %mul3A_3 = arith.muli %arg0, %mul3A_2 : i32
    %add3A_4 = arith.addi %add3A_1, %mul3A_3 : i32
    %mul3A_5 = arith.constant 2048 : i32
    %mul3A_6 = arith.muli %add3A_4, %mul3A_5 : i32
    "tpu.region"() ({
      %run_scoped3A = memref.alloca() : memref<2x4x128xi32, #tpu.memory_space<vmem>>
      %run_scoped3A_7 = tpu.sem_alloc : memref<2x!tpu.dma_semaphore, #tpu.memory_space<semaphore_mem>>
      %run_scoped3A_8 = memref.alloca() : memref<2x4x128xf32, #tpu.memory_space<vmem>>
      %run_scoped3A_9 = tpu.sem_alloc : memref<2x!tpu.dma_semaphore, #tpu.memory_space<semaphore_mem>>
      %run_scoped3A_10 = memref.alloca() : memref<2x4x128xf32, #tpu.memory_space<vmem>>
      %run_scoped3A_11 = tpu.sem_alloc : memref<2x!tpu.dma_semaphore, #tpu.memory_space<semaphore_mem>>
      %add3A_12 = arith.constant 0 : i32
      %add3A_13 = arith.addi %add3A_12, %mul3A_6 : i32
      %select_n3A = arith.constant true
      %select_n3A_14 = arith.constant 0 : i32
      %select_n3A_15 = arith.constant -1 : i32
      %select_n3A_16 = arith.select %select_n3A, %select_n3A_15, %select_n3A_14 : i32
      %eq3A = arith.constant -1 : i32
      %eq3A_17 = arith.cmpi eq, %select_n3A_16, %eq3A : i32
      %select_n3A_18 = arith.constant 2047 : i32
      %select_n3A_19 = arith.select %eq3A_17, %select_n3A_18, %select_n3A_16 : i32
      %add3A_20 = arith.addi %select_n3A_19, %mul3A_6 : i32
      %select_n3A_21 = arith.constant true
      %select_n3A_22 = arith.constant 0 : i32
      %select_n3A_23 = arith.constant 1 : i32
      %select_n3A_24 = arith.select %select_n3A_21, %select_n3A_23, %select_n3A_22 : i32
      %eq3A_25 = arith.constant 2048 : i32
      %eq3A_26 = arith.cmpi eq, %select_n3A_24, %eq3A_25 : i32
      %select_n3A_27 = arith.constant 0 : i32
      %select_n3A_28 = arith.select %eq3A_26, %select_n3A_27, %select_n3A_24 : i32
      %add3A_29 = arith.addi %select_n3A_28, %mul3A_6 : i32
      %add3A_30 = arith.constant 1 : i32
      %add3A_31 = arith.addi %select_n3A_28, %add3A_30 : i32
      %select_n3A_32 = arith.constant true
      %select_n3A_33 = arith.select %select_n3A_32, %add3A_31, %select_n3A_28 : i32
      %eq3A_34 = arith.constant 2048 : i32
      %eq3A_35 = arith.cmpi eq, %select_n3A_33, %eq3A_34 : i32
      %select_n3A_36 = arith.constant 0 : i32
      %select_n3A_37 = arith.select %eq3A_35, %select_n3A_36, %select_n3A_33 : i32
      %add3A_38 = arith.addi %select_n3A_37, %mul3A_6 : i32
      "tpu.trace_start"() <{level = 10 : i32, message = "ep_initialize_0"}> : () -> ()
      %rem3A = arith.constant 0 : i32
      %rem3A_39 = arith.constant 2 : i32
      %rem3A_40 = arith.remui %rem3A, %rem3A_39 : i32
      %mul3A_41 = arith.constant 4 : i32
      %mul3A_42 = arith.muli %mul3A_41, %add3A_13 : i32
      %dma_start3A = arith.constant 0 : i32
      %dma_start3A_43 = arith.constant 0 : i32
      %dma_start3A_44 = tpu.memref_slice %run_scoped3A[%rem3A_40, %dma_start3A, %dma_start3A_43] : memref<2x4x128xi32, #tpu.memory_space<vmem>> -> memref<1x4x128xi32, #tpu.memory_space<vmem>>
      %dma_start3A_45 = tpu.memref_squeeze %dma_start3A_44 : memref<1x4x128xi32, #tpu.memory_space<vmem>> -> memref<4x128xi32, #tpu.memory_space<vmem>>
      %dma_start3A_46 = arith.constant 0 : i32
      %dma_start3A_47 = tpu.memref_slice %arg4[%mul3A_42, %dma_start3A_46] : memref<262144x128xi32, #tpu.memory_space<hbm>> -> memref<4x128xi32, #tpu.memory_space<hbm>>
      %dma_start3A_48 = tpu.memref_slice %run_scoped3A_7[%rem3A_40] : memref<2x!tpu.dma_semaphore, #tpu.memory_space<semaphore_mem>> -> memref<1x!tpu.dma_semaphore, #tpu.memory_space<semaphore_mem>>
      %dma_start3A_49 = tpu.memref_squeeze %dma_start3A_48 : memref<1x!tpu.dma_semaphore, #tpu.memory_space<semaphore_mem>> -> memref<!tpu.dma_semaphore, #tpu.memory_space<semaphore_mem>>
      %dma_start3A_50 = arith.constant 0 : i32
      %dma_start3A_51 = arith.constant 0 : i32
      %dma_start3A_52 = tpu.memref_slice %run_scoped3A[%rem3A_40, %dma_start3A_50, %dma_start3A_51] : memref<2x4x128xi32, #tpu.memory_space<vmem>> -> memref<1x4x128xi32, #tpu.memory_space<vmem>>
      %dma_start3A_53 = tpu.memref_squeeze %dma_start3A_52 : memref<1x4x128xi32, #tpu.memory_space<vmem>> -> memref<4x128xi32, #tpu.memory_space<vmem>>
      %dma_start3A_54 = arith.constant 0 : i32
      %dma_start3A_55 = tpu.memref_slice %arg4[%mul3A_42, %dma_start3A_54] : memref<262144x128xi32, #tpu.memory_space<hbm>> -> memref<4x128xi32, #tpu.memory_space<hbm>>
      tpu.enqueue_dma source(%dma_start3A_55 : memref<4x128xi32, #tpu.memory_space<hbm>>) target(%dma_start3A_53 : memref<4x128xi32, #tpu.memory_space<vmem>>) target_semaphore(%dma_start3A_49 : memref<!tpu.dma_semaphore, #tpu.memory_space<semaphore_mem>>)
      %add3A_56 = arith.constant 0 : i32
      %add3A_57 = arith.constant 1 : i32
      %add3A_58 = arith.addi %add3A_56, %add3A_57 : i32
      %select_n3A_59 = arith.constant true
      %select_n3A_60 = arith.constant 0 : i32
      %select_n3A_61 = arith.select %select_n3A_59, %add3A_58, %select_n3A_60 : i32
      "tpu.trace_stop"() : () -> ()
      %scan3A = arith.constant 0 : i32
      %scan3A_62 = arith.constant 0 : i32
      %scan3A_63 = arith.constant 0 : i32
      %scan3A_64 = arith.constant 0 : i32
      %scan3A_65 = arith.constant 0 : i32
      %scan3A_66 = arith.constant 0 : i32
      %scan3A_67 = arith.constant 0 : i32
      %scan3A_68 = arith.constant 2048 : i32
      %scan3A_69 = arith.addi %scan3A_67, %scan3A_68 : i32
      %scan3A_70 = arith.constant 1 : i32
      %scan3A_71:7 = scf.for %scan3A_143 = %scan3A_67 to %scan3A_69 step %scan3A_70 iter_args(%scan3A_144 = %select_n3A_61, %scan3A_145 = %scan3A, %scan3A_146 = %scan3A_62, %scan3A_147 = %scan3A_63, %scan3A_148 = %scan3A_64, %scan3A_149 = %scan3A_65, %scan3A_150 = %scan3A_66) -> (i32, i32, i32, i32, i32, i32, i32)  : i32 {
        %eq3A_151 = arith.constant 0 : i32
        %eq3A_152 = arith.cmpi eq, %scan3A_143, %eq3A_151 : i32
        %eq3A_153 = arith.constant 2047 : i32
        %eq3A_154 = arith.cmpi eq, %scan3A_143, %eq3A_153 : i32
        %add3A_155 = arith.addi %scan3A_150, %mul3A_6 : i32
        %sub3A_156 = arith.constant 1 : i32
        %sub3A_157 = arith.subi %scan3A_150, %sub3A_156 : i32
        %select_n3A_158 = arith.constant true
        %select_n3A_159 = arith.select %select_n3A_158, %sub3A_157, %scan3A_150 : i32
        %eq3A_160 = arith.constant -1 : i32
        %eq3A_161 = arith.cmpi eq, %select_n3A_159, %eq3A_160 : i32
        %select_n3A_162 = arith.constant 2047 : i32
        %select_n3A_163 = arith.select %eq3A_161, %select_n3A_162, %select_n3A_159 : i32
        %add3A_164 = arith.addi %select_n3A_163, %mul3A_6 : i32
        %add3A_165 = arith.constant 1 : i32
        %add3A_166 = arith.addi %scan3A_150, %add3A_165 : i32
        %select_n3A_167 = arith.constant true
        %select_n3A_168 = arith.select %select_n3A_167, %add3A_166, %scan3A_150 : i32
        %eq3A_169 = arith.constant 2048 : i32
        %eq3A_170 = arith.cmpi eq, %select_n3A_168, %eq3A_169 : i32
        %select_n3A_171 = arith.constant 0 : i32
        %select_n3A_172 = arith.select %eq3A_170, %select_n3A_171, %select_n3A_168 : i32
        %add3A_173 = arith.addi %select_n3A_172, %mul3A_6 : i32
        %add3A_174 = arith.constant 1 : i32
        %add3A_175 = arith.addi %select_n3A_172, %add3A_174 : i32
        %select_n3A_176 = arith.constant true
        %select_n3A_177 = arith.select %select_n3A_176, %add3A_175, %select_n3A_172 : i32
        %eq3A_178 = arith.constant 2048 : i32
        %eq3A_179 = arith.cmpi eq, %select_n3A_177, %eq3A_178 : i32
        %select_n3A_180 = arith.constant 0 : i32
        %select_n3A_181 = arith.select %eq3A_179, %select_n3A_180, %select_n3A_177 : i32
        %add3A_182 = arith.addi %select_n3A_181, %mul3A_6 : i32
        %ne3A = arith.cmpi ne, %add3A_155, %add3A_173 : i32
        %or3A = arith.constant false
        %or3A_183 = arith.ori %or3A, %ne3A : i1
        %or3A_184 = arith.constant false
        %or3A_185 = arith.ori %or3A_183, %or3A_184 : i1
        %ge3A = arith.constant 2047 : i32
        %ge3A_186 = arith.cmpi sge, %scan3A_143, %ge3A : i32
        %not3A = arith.constant true
        %not3A_187 = arith.xori %ge3A_186, %not3A : i1
        %and3A = arith.andi %or3A_185, %not3A_187 : i1
        %convert_element_type3A = arith.extui %and3A : i1 to i32
        %cond3A = arith.constant 0 : i32
        %cond3A_188 = arith.cmpi ne, %convert_element_type3A, %cond3A : i32
        scf.if %cond3A_188 {
          "tpu.trace_start"() <{level = 10 : i32, message = "ep_copy_in"}> : () -> ()
          %rem3A_358 = arith.constant 2 : i32
          %rem3A_359 = arith.remui %scan3A_144, %rem3A_358 : i32
          %mul3A_360 = arith.constant 4 : i32
          %mul3A_361 = arith.muli %mul3A_360, %add3A_173 : i32
          %dma_start3A_362 = arith.constant 0 : i32
          %dma_start3A_363 = arith.constant 0 : i32
          %dma_start3A_364 = tpu.memref_slice %run_scoped3A[%rem3A_359, %dma_start3A_362, %dma_start3A_363] : memref<2x4x128xi32, #tpu.memory_space<vmem>> -> memref<1x4x128xi32, #tpu.memory_space<vmem>>
          %dma_start3A_365 = tpu.memref_squeeze %dma_start3A_364 : memref<1x4x128xi32, #tpu.memory_space<vmem>> -> memref<4x128xi32, #tpu.memory_space<vmem>>
          %dma_start3A_366 = arith.constant 0 : i32
          %dma_start3A_367 = tpu.memref_slice %arg4[%mul3A_361, %dma_start3A_366] : memref<262144x128xi32, #tpu.memory_space<hbm>> -> memref<4x128xi32, #tpu.memory_space<hbm>>
          %dma_start3A_368 = tpu.memref_slice %run_scoped3A_7[%rem3A_359] : memref<2x!tpu.dma_semaphore, #tpu.memory_space<semaphore_mem>> -> memref<1x!tpu.dma_semaphore, #tpu.memory_space<semaphore_mem>>
          %dma_start3A_369 = tpu.memref_squeeze %dma_start3A_368 : memref<1x!tpu.dma_semaphore, #tpu.memory_space<semaphore_mem>> -> memref<!tpu.dma_semaphore, #tpu.memory_space<semaphore_mem>>
          %dma_start3A_370 = arith.constant 0 : i32
          %dma_start3A_371 = arith.constant 0 : i32
          %dma_start3A_372 = tpu.memref_slice %run_scoped3A[%rem3A_359, %dma_start3A_370, %dma_start3A_371] : memref<2x4x128xi32, #tpu.memory_space<vmem>> -> memref<1x4x128xi32, #tpu.memory_space<vmem>>
          %dma_start3A_373 = tpu.memref_squeeze %dma_start3A_372 : memref<1x4x128xi32, #tpu.memory_space<vmem>> -> memref<4x128xi32, #tpu.memory_space<vmem>>
          %dma_start3A_374 = arith.constant 0 : i32
          %dma_start3A_375 = tpu.memref_slice %arg4[%mul3A_361, %dma_start3A_374] : memref<262144x128xi32, #tpu.memory_space<hbm>> -> memref<4x128xi32, #tpu.memory_space<hbm>>
          tpu.enqueue_dma source(%dma_start3A_375 : memref<4x128xi32, #tpu.memory_space<hbm>>) target(%dma_start3A_373 : memref<4x128xi32, #tpu.memory_space<vmem>>) target_semaphore(%dma_start3A_369 : memref<!tpu.dma_semaphore, #tpu.memory_space<semaphore_mem>>)
          "tpu.trace_stop"() : () -> ()
        } else {
        }
        %and3A_189 = arith.constant true
        %and3A_190 = arith.andi %and3A, %and3A_189 : i1
        %add3A_191 = arith.constant 1 : i32
        %add3A_192 = arith.addi %scan3A_144, %add3A_191 : i32
        %select_n3A_193 = arith.select %and3A_190, %add3A_192, %scan3A_144 : i32
        %ne3A_194 = arith.cmpi ne, %add3A_155, %add3A_173 : i32
        %or3A_195 = arith.constant false
        %or3A_196 = arith.ori %or3A_195, %ne3A_194 : i1
        %or3A_197 = arith.constant false
        %or3A_198 = arith.ori %or3A_196, %or3A_197 : i1
        %ge3A_199 = arith.constant 2047 : i32
        %ge3A_200 = arith.cmpi sge, %scan3A_143, %ge3A_199 : i32
        %not3A_201 = arith.constant true
        %not3A_202 = arith.xori %ge3A_200, %not3A_201 : i1
        %and3A_203 = arith.andi %or3A_198, %not3A_202 : i1
        %ne3A_204 = arith.cmpi ne, %add3A_155, %add3A_173 : i32
        %or3A_205 = arith.constant false
        %or3A_206 = arith.ori %or3A_205, %ne3A_204 : i1
        %or3A_207 = arith.constant false
        %or3A_208 = arith.ori %or3A_206, %or3A_207 : i1
        %ge3A_209 = arith.constant 2047 : i32
        %ge3A_210 = arith.cmpi sge, %scan3A_143, %ge3A_209 : i32
        %not3A_211 = arith.constant true
        %not3A_212 = arith.xori %ge3A_210, %not3A_211 : i1
        %and3A_213 = arith.andi %or3A_208, %not3A_212 : i1
        %ne3A_214 = arith.cmpi ne, %add3A_155, %add3A_164 : i32
        %or3A_215 = arith.constant false
        %or3A_216 = arith.ori %or3A_215, %ne3A_214 : i1
        %or3A_217 = arith.constant false
        %or3A_218 = arith.ori %or3A_216, %or3A_217 : i1
        %or3A_219 = arith.ori %or3A_218, %eq3A_152 : i1
        %convert_element_type3A_220 = arith.extui %or3A_219 : i1 to i32
        %cond3A_221 = arith.constant 0 : i32
        %cond3A_222 = arith.cmpi ne, %convert_element_type3A_220, %cond3A_221 : i32
        scf.if %cond3A_222 {
          "tpu.trace_start"() <{level = 10 : i32, message = "ep_wait_in"}> : () -> ()
          %mul3A_358 = arith.constant 4 : i32
          %mul3A_359 = arith.muli %mul3A_358, %add3A_155 : i32
          %rem3A_360 = arith.constant 2 : i32
          %rem3A_361 = arith.remui %scan3A_145, %rem3A_360 : i32
          %dma_wait3A_362 = arith.constant 0 : i32
          %dma_wait3A_363 = arith.constant 0 : i32
          %dma_wait3A_364 = tpu.memref_slice %run_scoped3A[%rem3A_361, %dma_wait3A_362, %dma_wait3A_363] : memref<2x4x128xi32, #tpu.memory_space<vmem>> -> memref<1x4x128xi32, #tpu.memory_space<vmem>>
          %dma_wait3A_365 = tpu.memref_squeeze %dma_wait3A_364 : memref<1x4x128xi32, #tpu.memory_space<vmem>> -> memref<4x128xi32, #tpu.memory_space<vmem>>
          %dma_wait3A_366 = arith.constant 0 : i32
          %dma_wait3A_367 = tpu.memref_slice %arg4[%mul3A_359, %dma_wait3A_366] : memref<262144x128xi32, #tpu.memory_space<hbm>> -> memref<4x128xi32, #tpu.memory_space<hbm>>
          %dma_wait3A_368 = tpu.memref_slice %run_scoped3A_7[%rem3A_361] : memref<2x!tpu.dma_semaphore, #tpu.memory_space<semaphore_mem>> -> memref<1x!tpu.dma_semaphore, #tpu.memory_space<semaphore_mem>>
          %dma_wait3A_369 = tpu.memref_squeeze %dma_wait3A_368 : memref<1x!tpu.dma_semaphore, #tpu.memory_space<semaphore_mem>> -> memref<!tpu.dma_semaphore, #tpu.memory_space<semaphore_mem>>
          %dma_wait3A_370 = arith.constant 0 : i32
          %dma_wait3A_371 = arith.constant 0 : i32
          %dma_wait3A_372 = tpu.memref_slice %run_scoped3A[%rem3A_361, %dma_wait3A_370, %dma_wait3A_371] : memref<2x4x128xi32, #tpu.memory_space<vmem>> -> memref<1x4x128xi32, #tpu.memory_space<vmem>>
          %dma_wait3A_373 = tpu.memref_squeeze %dma_wait3A_372 : memref<1x4x128xi32, #tpu.memory_space<vmem>> -> memref<4x128xi32, #tpu.memory_space<vmem>>
          %dma_wait3A_374 = arith.constant 0 : i32
          %dma_wait3A_375 = tpu.memref_slice %arg4[%mul3A_359, %dma_wait3A_374] : memref<262144x128xi32, #tpu.memory_space<hbm>> -> memref<4x128xi32, #tpu.memory_space<hbm>>
          tpu.wait_dma2 semaphore(%dma_wait3A_369 : memref<!tpu.dma_semaphore, #tpu.memory_space<semaphore_mem>>) src(%dma_wait3A_375 : memref<4x128xi32, #tpu.memory_space<hbm>>) dst(%dma_wait3A_373 : memref<4x128xi32, #tpu.memory_space<vmem>>)
          "tpu.trace_stop"() : () -> ()
        } else {
        }
        %ne3A_223 = arith.cmpi ne, %add3A_155, %add3A_164 : i32
        %or3A_224 = arith.constant false
        %or3A_225 = arith.ori %or3A_224, %ne3A_223 : i1
        %or3A_226 = arith.constant false
        %or3A_227 = arith.ori %or3A_225, %or3A_226 : i1
        %or3A_228 = arith.ori %or3A_227, %eq3A_152 : i1
        %convert_element_type3A_229 = arith.extui %or3A_228 : i1 to i32
        %cond3A_230 = arith.constant 0 : i32
        %cond3A_231 = arith.cmpi ne, %convert_element_type3A_229, %cond3A_230 : i32
        scf.if %cond3A_231 {
        } else {
        }
        %ne3A_232 = arith.cmpi ne, %add3A_155, %add3A_164 : i32
        %or3A_233 = arith.constant false
        %or3A_234 = arith.ori %or3A_233, %ne3A_232 : i1
        %or3A_235 = arith.constant false
        %or3A_236 = arith.ori %or3A_234, %or3A_235 : i1
        %or3A_237 = arith.ori %or3A_236, %eq3A_152 : i1
        %convert_element_type3A_238 = arith.extui %or3A_237 : i1 to i32
        %cond3A_239 = arith.constant 0 : i32
        %cond3A_240 = arith.cmpi ne, %convert_element_type3A_238, %cond3A_239 : i32
        scf.if %cond3A_240 {
        } else {
        }
        %rem3A_241 = arith.constant 2 : i32
        %rem3A_242 = arith.remui %scan3A_145, %rem3A_241 : i32
        %rem3A_243 = arith.constant 2 : i32
        %rem3A_244 = arith.remui %scan3A_146, %rem3A_243 : i32
        %rem3A_245 = arith.constant 2 : i32
        %rem3A_246 = arith.remui %scan3A_148, %rem3A_245 : i32
        "tpu.trace_start"() <{level = 10 : i32, message = "ep_run_kernel"}> : () -> ()
        %scan3A_247 = arith.constant 0 : i32
        %scan3A_248 = arith.constant 4 : i32
        %scan3A_249 = arith.addi %scan3A_247, %scan3A_248 : i32
        %scan3A_250 = arith.constant 1 : i32
        scf.for %scan3A_358 = %scan3A_247 to %scan3A_249 step %scan3A_250  : i32 {
          %mul3A_359 = arith.constant 1 : i32
          %mul3A_360 = arith.muli %scan3A_358, %mul3A_359 : i32
          %add3A_361 = arith.constant 0 : i32
          %add3A_362 = arith.addi %add3A_361, %mul3A_360 : i32
          %dma_start3A_363 = arith.constant 0 : i32
          %dma_start3A_364 = arith.constant 0 : i32
          %dma_start3A_365 = tpu.memref_slice %run_scoped3A_8[%rem3A_244, %dma_start3A_363, %dma_start3A_364] : memref<2x4x128xf32, #tpu.memory_space<vmem>> -> memref<1x4x128xf32, #tpu.memory_space<vmem>>
          %dma_start3A_366 = tpu.memref_squeeze %dma_start3A_365 : memref<1x4x128xf32, #tpu.memory_space<vmem>> -> memref<4x128xf32, #tpu.memory_space<vmem>>
          %dma_start3A_367 = arith.constant 0 : i32
          %dma_start3A_368 = tpu.memref_slice %dma_start3A_366[%add3A_362, %dma_start3A_367] : memref<4x128xf32, #tpu.memory_space<vmem>> -> memref<1x128xf32, #tpu.memory_space<vmem>>
          %dma_start3A_369 = tpu.memref_squeeze %dma_start3A_368 : memref<1x128xf32, #tpu.memory_space<vmem>> -> memref<128xf32, #tpu.memory_space<vmem>>
          %dma_start3A_370 = arith.constant 0 : i32
          %dma_start3A_371 = arith.constant 0 : i32
          %dma_start3A_372 = tpu.memref_slice %run_scoped3A[%rem3A_242, %dma_start3A_370, %dma_start3A_371] : memref<2x4x128xi32, #tpu.memory_space<vmem>> -> memref<1x4x128xi32, #tpu.memory_space<vmem>>
          %dma_start3A_373 = tpu.memref_squeeze %dma_start3A_372 : memref<1x4x128xi32, #tpu.memory_space<vmem>> -> memref<4x128xi32, #tpu.memory_space<vmem>>
          %dma_start3A_374 = arith.constant 0 : i32
          %dma_start3A_375 = tpu.memref_slice %dma_start3A_373[%add3A_362, %dma_start3A_374] : memref<4x128xi32, #tpu.memory_space<vmem>> -> memref<1x128xi32, #tpu.memory_space<vmem>>
          %dma_start3A_376 = tpu.memref_squeeze %dma_start3A_375 : memref<1x128xi32, #tpu.memory_space<vmem>> -> memref<128xi32, #tpu.memory_space<vmem>>
          %dma_start3A_377 = arith.constant 0 : i32
          %dma_start3A_378 = tpu.memref_slice %arg2[%dma_start3A_377] : memref<6098120xf32, #tpu.memory_space<hbm>> -> memref<6098120xf32, #tpu.memory_space<hbm>>
          tpu.enqueue_indirect_dma source(%dma_start3A_378 : memref<6098120xf32, #tpu.memory_space<hbm>>) target(%dma_start3A_369 : memref<128xf32, #tpu.memory_space<vmem>>) offsets(%dma_start3A_376 : memref<128xi32, #tpu.memory_space<vmem>>) semaphore(%arg7 : memref<!tpu.dma_semaphore, #tpu.memory_space<semaphore_mem>>)
          %dma_start3A_379 = arith.constant 0 : i32
          %dma_start3A_380 = arith.constant 0 : i32
          %dma_start3A_381 = tpu.memref_slice %run_scoped3A_10[%rem3A_246, %dma_start3A_379, %dma_start3A_380] : memref<2x4x128xf32, #tpu.memory_space<vmem>> -> memref<1x4x128xf32, #tpu.memory_space<vmem>>
          %dma_start3A_382 = tpu.memref_squeeze %dma_start3A_381 : memref<1x4x128xf32, #tpu.memory_space<vmem>> -> memref<4x128xf32, #tpu.memory_space<vmem>>
          %dma_start3A_383 = arith.constant 0 : i32
          %dma_start3A_384 = tpu.memref_slice %dma_start3A_382[%add3A_362, %dma_start3A_383] : memref<4x128xf32, #tpu.memory_space<vmem>> -> memref<1x128xf32, #tpu.memory_space<vmem>>
          %dma_start3A_385 = tpu.memref_squeeze %dma_start3A_384 : memref<1x128xf32, #tpu.memory_space<vmem>> -> memref<128xf32, #tpu.memory_space<vmem>>
          %dma_start3A_386 = arith.constant 0 : i32
          %dma_start3A_387 = arith.constant 0 : i32
          %dma_start3A_388 = tpu.memref_slice %run_scoped3A[%rem3A_242, %dma_start3A_386, %dma_start3A_387] : memref<2x4x128xi32, #tpu.memory_space<vmem>> -> memref<1x4x128xi32, #tpu.memory_space<vmem>>
          %dma_start3A_389 = tpu.memref_squeeze %dma_start3A_388 : memref<1x4x128xi32, #tpu.memory_space<vmem>> -> memref<4x128xi32, #tpu.memory_space<vmem>>
          %dma_start3A_390 = arith.constant 0 : i32
          %dma_start3A_391 = tpu.memref_slice %dma_start3A_389[%add3A_362, %dma_start3A_390] : memref<4x128xi32, #tpu.memory_space<vmem>> -> memref<1x128xi32, #tpu.memory_space<vmem>>
          %dma_start3A_392 = tpu.memref_squeeze %dma_start3A_391 : memref<1x128xi32, #tpu.memory_space<vmem>> -> memref<128xi32, #tpu.memory_space<vmem>>
          %dma_start3A_393 = arith.constant 0 : i32
          %dma_start3A_394 = tpu.memref_slice %arg3[%dma_start3A_393] : memref<6098120xf32, #tpu.memory_space<hbm>> -> memref<6098120xf32, #tpu.memory_space<hbm>>
          tpu.enqueue_indirect_dma source(%dma_start3A_394 : memref<6098120xf32, #tpu.memory_space<hbm>>) target(%dma_start3A_385 : memref<128xf32, #tpu.memory_space<vmem>>) offsets(%dma_start3A_392 : memref<128xi32, #tpu.memory_space<vmem>>) semaphore(%arg7 : memref<!tpu.dma_semaphore, #tpu.memory_space<semaphore_mem>>)
        }
        %scan3A_251 = arith.constant 4 : i32
        %scan3A_252 = arith.constant 0 : i32
        %scan3A_253 = arith.constant 4 : i32
        %scan3A_254 = arith.addi %scan3A_252, %scan3A_253 : i32
        %scan3A_255 = arith.constant 1 : i32
        scf.for %scan3A_358 = %scan3A_252 to %scan3A_254 step %scan3A_255  : i32 {
          %mul3A_359 = arith.constant 1 : i32
          %mul3A_360 = arith.muli %scan3A_358, %mul3A_359 : i32
          %add3A_361 = arith.constant 0 : i32
          %add3A_362 = arith.addi %add3A_361, %mul3A_360 : i32
          %dma_wait3A_363 = arith.constant 0 : i32
          %dma_wait3A_364 = arith.constant 0 : i32
          %dma_wait3A_365 = tpu.memref_slice %run_scoped3A_8[%rem3A_244, %dma_wait3A_363, %dma_wait3A_364] : memref<2x4x128xf32, #tpu.memory_space<vmem>> -> memref<1x4x128xf32, #tpu.memory_space<vmem>>
          %dma_wait3A_366 = tpu.memref_squeeze %dma_wait3A_365 : memref<1x4x128xf32, #tpu.memory_space<vmem>> -> memref<4x128xf32, #tpu.memory_space<vmem>>
          %dma_wait3A_367 = arith.constant 0 : i32
          %dma_wait3A_368 = tpu.memref_slice %dma_wait3A_366[%add3A_362, %dma_wait3A_367] : memref<4x128xf32, #tpu.memory_space<vmem>> -> memref<1x128xf32, #tpu.memory_space<vmem>>
          %dma_wait3A_369 = tpu.memref_squeeze %dma_wait3A_368 : memref<1x128xf32, #tpu.memory_space<vmem>> -> memref<128xf32, #tpu.memory_space<vmem>>
          %dma_wait3A_370 = arith.constant 0 : i32
          %dma_wait3A_371 = arith.constant 0 : i32
          %dma_wait3A_372 = tpu.memref_slice %run_scoped3A[%rem3A_242, %dma_wait3A_370, %dma_wait3A_371] : memref<2x4x128xi32, #tpu.memory_space<vmem>> -> memref<1x4x128xi32, #tpu.memory_space<vmem>>
          %dma_wait3A_373 = tpu.memref_squeeze %dma_wait3A_372 : memref<1x4x128xi32, #tpu.memory_space<vmem>> -> memref<4x128xi32, #tpu.memory_space<vmem>>
          %dma_wait3A_374 = arith.constant 0 : i32
          %dma_wait3A_375 = tpu.memref_slice %dma_wait3A_373[%add3A_362, %dma_wait3A_374] : memref<4x128xi32, #tpu.memory_space<vmem>> -> memref<1x128xi32, #tpu.memory_space<vmem>>
          %dma_wait3A_376 = tpu.memref_squeeze %dma_wait3A_375 : memref<1x128xi32, #tpu.memory_space<vmem>> -> memref<128xi32, #tpu.memory_space<vmem>>
          %dma_wait3A_377 = arith.constant 0 : i32
          %dma_wait3A_378 = tpu.memref_slice %arg2[%dma_wait3A_377] : memref<6098120xf32, #tpu.memory_space<hbm>> -> memref<6098120xf32, #tpu.memory_space<hbm>>
          tpu.wait_indirect_dma semaphore(%arg7 : memref<!tpu.dma_semaphore, #tpu.memory_space<semaphore_mem>>) src(%dma_wait3A_378 : memref<6098120xf32, #tpu.memory_space<hbm>>) dst(%dma_wait3A_369 : memref<128xf32, #tpu.memory_space<vmem>>)
          %dma_wait3A_379 = arith.constant 0 : i32
          %dma_wait3A_380 = arith.constant 0 : i32
          %dma_wait3A_381 = tpu.memref_slice %run_scoped3A_10[%rem3A_246, %dma_wait3A_379, %dma_wait3A_380] : memref<2x4x128xf32, #tpu.memory_space<vmem>> -> memref<1x4x128xf32, #tpu.memory_space<vmem>>
          %dma_wait3A_382 = tpu.memref_squeeze %dma_wait3A_381 : memref<1x4x128xf32, #tpu.memory_space<vmem>> -> memref<4x128xf32, #tpu.memory_space<vmem>>
          %dma_wait3A_383 = arith.constant 0 : i32
          %dma_wait3A_384 = tpu.memref_slice %dma_wait3A_382[%add3A_362, %dma_wait3A_383] : memref<4x128xf32, #tpu.memory_space<vmem>> -> memref<1x128xf32, #tpu.memory_space<vmem>>
          %dma_wait3A_385 = tpu.memref_squeeze %dma_wait3A_384 : memref<1x128xf32, #tpu.memory_space<vmem>> -> memref<128xf32, #tpu.memory_space<vmem>>
          %dma_wait3A_386 = arith.constant 0 : i32
          %dma_wait3A_387 = arith.constant 0 : i32
          %dma_wait3A_388 = tpu.memref_slice %run_scoped3A[%rem3A_242, %dma_wait3A_386, %dma_wait3A_387] : memref<2x4x128xi32, #tpu.memory_space<vmem>> -> memref<1x4x128xi32, #tpu.memory_space<vmem>>
          %dma_wait3A_389 = tpu.memref_squeeze %dma_wait3A_388 : memref<1x4x128xi32, #tpu.memory_space<vmem>> -> memref<4x128xi32, #tpu.memory_space<vmem>>
          %dma_wait3A_390 = arith.constant 0 : i32
          %dma_wait3A_391 = tpu.memref_slice %dma_wait3A_389[%add3A_362, %dma_wait3A_390] : memref<4x128xi32, #tpu.memory_space<vmem>> -> memref<1x128xi32, #tpu.memory_space<vmem>>
          %dma_wait3A_392 = tpu.memref_squeeze %dma_wait3A_391 : memref<1x128xi32, #tpu.memory_space<vmem>> -> memref<128xi32, #tpu.memory_space<vmem>>
          %dma_wait3A_393 = arith.constant 0 : i32
          %dma_wait3A_394 = tpu.memref_slice %arg3[%dma_wait3A_393] : memref<6098120xf32, #tpu.memory_space<hbm>> -> memref<6098120xf32, #tpu.memory_space<hbm>>
          tpu.wait_indirect_dma semaphore(%arg7 : memref<!tpu.dma_semaphore, #tpu.memory_space<semaphore_mem>>) src(%dma_wait3A_394 : memref<6098120xf32, #tpu.memory_space<hbm>>) dst(%dma_wait3A_385 : memref<128xf32, #tpu.memory_space<vmem>>)
        }
        %scan3A_256 = arith.constant 4 : i32
        "tpu.trace_stop"() : () -> ()
        %ne3A_257 = arith.cmpi ne, %add3A_155, %add3A_173 : i32
        %or3A_258 = arith.constant false
        %or3A_259 = arith.ori %or3A_258, %ne3A_257 : i1
        %or3A_260 = arith.constant false
        %or3A_261 = arith.ori %or3A_259, %or3A_260 : i1
        %or3A_262 = arith.ori %or3A_261, %eq3A_154 : i1
        %convert_element_type3A_263 = arith.extui %or3A_262 : i1 to i32
        %cond3A_264 = arith.constant 0 : i32
        %cond3A_265 = arith.cmpi ne, %convert_element_type3A_263, %cond3A_264 : i32
        scf.if %cond3A_265 {
        } else {
        }
        %and3A_266 = arith.constant false
        %and3A_267 = arith.andi %or3A_262, %and3A_266 : i1
        %ne3A_268 = arith.cmpi ne, %add3A_155, %add3A_173 : i32
        %or3A_269 = arith.constant false
        %or3A_270 = arith.ori %or3A_269, %ne3A_268 : i1
        %or3A_271 = arith.constant false
        %or3A_272 = arith.ori %or3A_270, %or3A_271 : i1
        %or3A_273 = arith.ori %or3A_272, %eq3A_154 : i1
        %convert_element_type3A_274 = arith.extui %or3A_273 : i1 to i32
        %cond3A_275 = arith.constant 0 : i32
        %cond3A_276 = arith.cmpi ne, %convert_element_type3A_274, %cond3A_275 : i32
        scf.if %cond3A_276 {
          "tpu.trace_start"() <{level = 10 : i32, message = "ep_copy_out"}> : () -> ()
          %rem3A_358 = arith.constant 2 : i32
          %rem3A_359 = arith.remui %scan3A_146, %rem3A_358 : i32
          %mul3A_360 = arith.constant 4 : i32
          %mul3A_361 = arith.muli %mul3A_360, %add3A_155 : i32
          %dma_start3A_362 = arith.constant 0 : i32
          %dma_start3A_363 = arith.constant 0 : i32
          %dma_start3A_364 = tpu.memref_slice %run_scoped3A_8[%rem3A_359, %dma_start3A_362, %dma_start3A_363] : memref<2x4x128xf32, #tpu.memory_space<vmem>> -> memref<1x4x128xf32, #tpu.memory_space<vmem>>
          %dma_start3A_365 = tpu.memref_squeeze %dma_start3A_364 : memref<1x4x128xf32, #tpu.memory_space<vmem>> -> memref<4x128xf32, #tpu.memory_space<vmem>>
          %dma_start3A_366 = arith.constant 0 : i32
          %dma_start3A_367 = tpu.memref_slice %arg5[%mul3A_361, %dma_start3A_366] : memref<262144x128xf32, #tpu.memory_space<hbm>> -> memref<4x128xf32, #tpu.memory_space<hbm>>
          %dma_start3A_368 = tpu.memref_slice %run_scoped3A_9[%rem3A_359] : memref<2x!tpu.dma_semaphore, #tpu.memory_space<semaphore_mem>> -> memref<1x!tpu.dma_semaphore, #tpu.memory_space<semaphore_mem>>
          %dma_start3A_369 = tpu.memref_squeeze %dma_start3A_368 : memref<1x!tpu.dma_semaphore, #tpu.memory_space<semaphore_mem>> -> memref<!tpu.dma_semaphore, #tpu.memory_space<semaphore_mem>>
          %dma_start3A_370 = arith.constant 0 : i32
          %dma_start3A_371 = tpu.memref_slice %arg5[%mul3A_361, %dma_start3A_370] : memref<262144x128xf32, #tpu.memory_space<hbm>> -> memref<4x128xf32, #tpu.memory_space<hbm>>
          %dma_start3A_372 = arith.constant 0 : i32
          %dma_start3A_373 = arith.constant 0 : i32
          %dma_start3A_374 = tpu.memref_slice %run_scoped3A_8[%rem3A_359, %dma_start3A_372, %dma_start3A_373] : memref<2x4x128xf32, #tpu.memory_space<vmem>> -> memref<1x4x128xf32, #tpu.memory_space<vmem>>
          %dma_start3A_375 = tpu.memref_squeeze %dma_start3A_374 : memref<1x4x128xf32, #tpu.memory_space<vmem>> -> memref<4x128xf32, #tpu.memory_space<vmem>>
          tpu.enqueue_dma source(%dma_start3A_375 : memref<4x128xf32, #tpu.memory_space<vmem>>) target(%dma_start3A_371 : memref<4x128xf32, #tpu.memory_space<hbm>>) target_semaphore(%dma_start3A_369 : memref<!tpu.dma_semaphore, #tpu.memory_space<semaphore_mem>>)
          "tpu.trace_stop"() : () -> ()
        } else {
        }
        %and3A_277 = arith.constant true
        %and3A_278 = arith.andi %or3A_273, %and3A_277 : i1
        %add3A_279 = arith.constant 1 : i32
        %add3A_280 = arith.addi %scan3A_146, %add3A_279 : i32
        %select_n3A_281 = arith.select %and3A_278, %add3A_280, %scan3A_146 : i32
        %ne3A_282 = arith.cmpi ne, %add3A_155, %add3A_173 : i32
        %or3A_283 = arith.constant false
        %or3A_284 = arith.ori %or3A_283, %ne3A_282 : i1
        %or3A_285 = arith.constant false
        %or3A_286 = arith.ori %or3A_284, %or3A_285 : i1
        %or3A_287 = arith.ori %or3A_286, %eq3A_154 : i1
        %convert_element_type3A_288 = arith.extui %or3A_287 : i1 to i32
        %cond3A_289 = arith.constant 0 : i32
        %cond3A_290 = arith.cmpi ne, %convert_element_type3A_288, %cond3A_289 : i32
        scf.if %cond3A_290 {
          "tpu.trace_start"() <{level = 10 : i32, message = "ep_copy_out"}> : () -> ()
          %rem3A_358 = arith.constant 2 : i32
          %rem3A_359 = arith.remui %scan3A_148, %rem3A_358 : i32
          %mul3A_360 = arith.constant 4 : i32
          %mul3A_361 = arith.muli %mul3A_360, %add3A_155 : i32
          %dma_start3A_362 = arith.constant 0 : i32
          %dma_start3A_363 = arith.constant 0 : i32
          %dma_start3A_364 = tpu.memref_slice %run_scoped3A_10[%rem3A_359, %dma_start3A_362, %dma_start3A_363] : memref<2x4x128xf32, #tpu.memory_space<vmem>> -> memref<1x4x128xf32, #tpu.memory_space<vmem>>
          %dma_start3A_365 = tpu.memref_squeeze %dma_start3A_364 : memref<1x4x128xf32, #tpu.memory_space<vmem>> -> memref<4x128xf32, #tpu.memory_space<vmem>>
          %dma_start3A_366 = arith.constant 0 : i32
          %dma_start3A_367 = tpu.memref_slice %arg6[%mul3A_361, %dma_start3A_366] : memref<262144x128xf32, #tpu.memory_space<hbm>> -> memref<4x128xf32, #tpu.memory_space<hbm>>
          %dma_start3A_368 = tpu.memref_slice %run_scoped3A_11[%rem3A_359] : memref<2x!tpu.dma_semaphore, #tpu.memory_space<semaphore_mem>> -> memref<1x!tpu.dma_semaphore, #tpu.memory_space<semaphore_mem>>
          %dma_start3A_369 = tpu.memref_squeeze %dma_start3A_368 : memref<1x!tpu.dma_semaphore, #tpu.memory_space<semaphore_mem>> -> memref<!tpu.dma_semaphore, #tpu.memory_space<semaphore_mem>>
          %dma_start3A_370 = arith.constant 0 : i32
          %dma_start3A_371 = tpu.memref_slice %arg6[%mul3A_361, %dma_start3A_370] : memref<262144x128xf32, #tpu.memory_space<hbm>> -> memref<4x128xf32, #tpu.memory_space<hbm>>
          %dma_start3A_372 = arith.constant 0 : i32
          %dma_start3A_373 = arith.constant 0 : i32
          %dma_start3A_374 = tpu.memref_slice %run_scoped3A_10[%rem3A_359, %dma_start3A_372, %dma_start3A_373] : memref<2x4x128xf32, #tpu.memory_space<vmem>> -> memref<1x4x128xf32, #tpu.memory_space<vmem>>
          %dma_start3A_375 = tpu.memref_squeeze %dma_start3A_374 : memref<1x4x128xf32, #tpu.memory_space<vmem>> -> memref<4x128xf32, #tpu.memory_space<vmem>>
          tpu.enqueue_dma source(%dma_start3A_375 : memref<4x128xf32, #tpu.memory_space<vmem>>) target(%dma_start3A_371 : memref<4x128xf32, #tpu.memory_space<hbm>>) target_semaphore(%dma_start3A_369 : memref<!tpu.dma_semaphore, #tpu.memory_space<semaphore_mem>>)
          "tpu.trace_stop"() : () -> ()
        } else {
        }
        %and3A_291 = arith.constant true
        %and3A_292 = arith.andi %or3A_287, %and3A_291 : i1
        %add3A_293 = arith.constant 1 : i32
        %add3A_294 = arith.addi %scan3A_148, %add3A_293 : i32
        %select_n3A_295 = arith.select %and3A_292, %add3A_294, %scan3A_148 : i32
        %ne3A_296 = arith.cmpi ne, %add3A_155, %add3A_164 : i32
        %or3A_297 = arith.constant false
        %or3A_298 = arith.ori %or3A_297, %ne3A_296 : i1
        %or3A_299 = arith.constant false
        %or3A_300 = arith.ori %or3A_298, %or3A_299 : i1
        %not3A_301 = arith.constant true
        %not3A_302 = arith.xori %eq3A_152, %not3A_301 : i1
        %and3A_303 = arith.andi %or3A_300, %not3A_302 : i1
        %convert_element_type3A_304 = arith.extui %and3A_303 : i1 to i32
        %cond3A_305 = arith.constant 0 : i32
        %cond3A_306 = arith.cmpi ne, %convert_element_type3A_304, %cond3A_305 : i32
        scf.if %cond3A_306 {
        } else {
        }
        %and3A_307 = arith.constant false
        %and3A_308 = arith.andi %and3A_303, %and3A_307 : i1
        %ne3A_309 = arith.cmpi ne, %add3A_155, %add3A_164 : i32
        %or3A_310 = arith.constant false
        %or3A_311 = arith.ori %or3A_310, %ne3A_309 : i1
        %or3A_312 = arith.constant false
        %or3A_313 = arith.ori %or3A_311, %or3A_312 : i1
        %not3A_314 = arith.constant true
        %not3A_315 = arith.xori %eq3A_152, %not3A_314 : i1
        %and3A_316 = arith.andi %or3A_313, %not3A_315 : i1
        %convert_element_type3A_317 = arith.extui %and3A_316 : i1 to i32
        %cond3A_318 = arith.constant 0 : i32
        %cond3A_319 = arith.cmpi ne, %convert_element_type3A_317, %cond3A_318 : i32
        scf.if %cond3A_319 {
          "tpu.trace_start"() <{level = 10 : i32, message = "ep_wait_out"}> : () -> ()
          %rem3A_358 = arith.constant 2 : i32
          %rem3A_359 = arith.remui %scan3A_147, %rem3A_358 : i32
          %mul3A_360 = arith.constant 4 : i32
          %mul3A_361 = arith.muli %mul3A_360, %add3A_164 : i32
          %dma_wait3A_362 = arith.constant 0 : i32
          %dma_wait3A_363 = arith.constant 0 : i32
          %dma_wait3A_364 = tpu.memref_slice %run_scoped3A_8[%rem3A_359, %dma_wait3A_362, %dma_wait3A_363] : memref<2x4x128xf32, #tpu.memory_space<vmem>> -> memref<1x4x128xf32, #tpu.memory_space<vmem>>
          %dma_wait3A_365 = tpu.memref_squeeze %dma_wait3A_364 : memref<1x4x128xf32, #tpu.memory_space<vmem>> -> memref<4x128xf32, #tpu.memory_space<vmem>>
          %dma_wait3A_366 = arith.constant 0 : i32
          %dma_wait3A_367 = tpu.memref_slice %arg5[%mul3A_361, %dma_wait3A_366] : memref<262144x128xf32, #tpu.memory_space<hbm>> -> memref<4x128xf32, #tpu.memory_space<hbm>>
          %dma_wait3A_368 = tpu.memref_slice %run_scoped3A_9[%rem3A_359] : memref<2x!tpu.dma_semaphore, #tpu.memory_space<semaphore_mem>> -> memref<1x!tpu.dma_semaphore, #tpu.memory_space<semaphore_mem>>
          %dma_wait3A_369 = tpu.memref_squeeze %dma_wait3A_368 : memref<1x!tpu.dma_semaphore, #tpu.memory_space<semaphore_mem>> -> memref<!tpu.dma_semaphore, #tpu.memory_space<semaphore_mem>>
          %dma_wait3A_370 = arith.constant 0 : i32
          %dma_wait3A_371 = tpu.memref_slice %arg5[%mul3A_361, %dma_wait3A_370] : memref<262144x128xf32, #tpu.memory_space<hbm>> -> memref<4x128xf32, #tpu.memory_space<hbm>>
          %dma_wait3A_372 = arith.constant 0 : i32
          %dma_wait3A_373 = arith.constant 0 : i32
          %dma_wait3A_374 = tpu.memref_slice %run_scoped3A_8[%rem3A_359, %dma_wait3A_372, %dma_wait3A_373] : memref<2x4x128xf32, #tpu.memory_space<vmem>> -> memref<1x4x128xf32, #tpu.memory_space<vmem>>
          %dma_wait3A_375 = tpu.memref_squeeze %dma_wait3A_374 : memref<1x4x128xf32, #tpu.memory_space<vmem>> -> memref<4x128xf32, #tpu.memory_space<vmem>>
          tpu.wait_dma2 semaphore(%dma_wait3A_369 : memref<!tpu.dma_semaphore, #tpu.memory_space<semaphore_mem>>) src(%dma_wait3A_375 : memref<4x128xf32, #tpu.memory_space<vmem>>) dst(%dma_wait3A_371 : memref<4x128xf32, #tpu.memory_space<hbm>>)
          "tpu.trace_stop"() : () -> ()
        } else {
        }
        %and3A_320 = arith.constant true
        %and3A_321 = arith.andi %and3A_316, %and3A_320 : i1
        %add3A_322 = arith.constant 1 : i32
        %add3A_323 = arith.addi %scan3A_147, %add3A_322 : i32
        %select_n3A_324 = arith.select %and3A_321, %add3A_323, %scan3A_147 : i32
        %ne3A_325 = arith.cmpi ne, %add3A_155, %add3A_164 : i32
        %or3A_326 = arith.constant false
        %or3A_327 = arith.ori %or3A_326, %ne3A_325 : i1
        %or3A_328 = arith.constant false
        %or3A_329 = arith.ori %or3A_327, %or3A_328 : i1
        %not3A_330 = arith.constant true
        %not3A_331 = arith.xori %eq3A_152, %not3A_330 : i1
        %and3A_332 = arith.andi %or3A_329, %not3A_331 : i1
        %convert_element_type3A_333 = arith.extui %and3A_332 : i1 to i32
        %cond3A_334 = arith.constant 0 : i32
        %cond3A_335 = arith.cmpi ne, %convert_element_type3A_333, %cond3A_334 : i32
        scf.if %cond3A_335 {
          "tpu.trace_start"() <{level = 10 : i32, message = "ep_wait_out"}> : () -> ()
          %rem3A_358 = arith.constant 2 : i32
          %rem3A_359 = arith.remui %scan3A_149, %rem3A_358 : i32
          %mul3A_360 = arith.constant 4 : i32
          %mul3A_361 = arith.muli %mul3A_360, %add3A_164 : i32
          %dma_wait3A_362 = arith.constant 0 : i32
          %dma_wait3A_363 = arith.constant 0 : i32
          %dma_wait3A_364 = tpu.memref_slice %run_scoped3A_10[%rem3A_359, %dma_wait3A_362, %dma_wait3A_363] : memref<2x4x128xf32, #tpu.memory_space<vmem>> -> memref<1x4x128xf32, #tpu.memory_space<vmem>>
          %dma_wait3A_365 = tpu.memref_squeeze %dma_wait3A_364 : memref<1x4x128xf32, #tpu.memory_space<vmem>> -> memref<4x128xf32, #tpu.memory_space<vmem>>
          %dma_wait3A_366 = arith.constant 0 : i32
          %dma_wait3A_367 = tpu.memref_slice %arg6[%mul3A_361, %dma_wait3A_366] : memref<262144x128xf32, #tpu.memory_space<hbm>> -> memref<4x128xf32, #tpu.memory_space<hbm>>
          %dma_wait3A_368 = tpu.memref_slice %run_scoped3A_11[%rem3A_359] : memref<2x!tpu.dma_semaphore, #tpu.memory_space<semaphore_mem>> -> memref<1x!tpu.dma_semaphore, #tpu.memory_space<semaphore_mem>>
          %dma_wait3A_369 = tpu.memref_squeeze %dma_wait3A_368 : memref<1x!tpu.dma_semaphore, #tpu.memory_space<semaphore_mem>> -> memref<!tpu.dma_semaphore, #tpu.memory_space<semaphore_mem>>
          %dma_wait3A_370 = arith.constant 0 : i32
          %dma_wait3A_371 = tpu.memref_slice %arg6[%mul3A_361, %dma_wait3A_370] : memref<262144x128xf32, #tpu.memory_space<hbm>> -> memref<4x128xf32, #tpu.memory_space<hbm>>
          %dma_wait3A_372 = arith.constant 0 : i32
          %dma_wait3A_373 = arith.constant 0 : i32
          %dma_wait3A_374 = tpu.memref_slice %run_scoped3A_10[%rem3A_359, %dma_wait3A_372, %dma_wait3A_373] : memref<2x4x128xf32, #tpu.memory_space<vmem>> -> memref<1x4x128xf32, #tpu.memory_space<vmem>>
          %dma_wait3A_375 = tpu.memref_squeeze %dma_wait3A_374 : memref<1x4x128xf32, #tpu.memory_space<vmem>> -> memref<4x128xf32, #tpu.memory_space<vmem>>
          tpu.wait_dma2 semaphore(%dma_wait3A_369 : memref<!tpu.dma_semaphore, #tpu.memory_space<semaphore_mem>>) src(%dma_wait3A_375 : memref<4x128xf32, #tpu.memory_space<vmem>>) dst(%dma_wait3A_371 : memref<4x128xf32, #tpu.memory_space<hbm>>)
          "tpu.trace_stop"() : () -> ()
        } else {
        }
        %and3A_336 = arith.constant true
        %and3A_337 = arith.andi %and3A_332, %and3A_336 : i1
        %add3A_338 = arith.constant 1 : i32
        %add3A_339 = arith.addi %scan3A_149, %add3A_338 : i32
        %select_n3A_340 = arith.select %and3A_337, %add3A_339, %scan3A_149 : i32
        %ne3A_341 = arith.cmpi ne, %add3A_155, %add3A_173 : i32
        %or3A_342 = arith.constant false
        %or3A_343 = arith.ori %or3A_342, %ne3A_341 : i1
        %or3A_344 = arith.constant false
        %or3A_345 = arith.ori %or3A_343, %or3A_344 : i1
        %or3A_346 = arith.ori %or3A_345, %eq3A_154 : i1
        %add3A_347 = arith.constant 1 : i32
        %add3A_348 = arith.addi %scan3A_145, %add3A_347 : i32
        %select_n3A_349 = arith.select %or3A_346, %add3A_348, %scan3A_145 : i32
        %add3A_350 = arith.constant 1 : i32
        %add3A_351 = arith.addi %scan3A_150, %add3A_350 : i32
        %select_n3A_352 = arith.constant true
        %select_n3A_353 = arith.select %select_n3A_352, %add3A_351, %scan3A_150 : i32
        %eq3A_354 = arith.constant 2048 : i32
        %eq3A_355 = arith.cmpi eq, %select_n3A_353, %eq3A_354 : i32
        %select_n3A_356 = arith.constant 0 : i32
        %select_n3A_357 = arith.select %eq3A_355, %select_n3A_356, %select_n3A_353 : i32
        scf.yield %select_n3A_193, %select_n3A_349, %select_n3A_281, %select_n3A_324, %select_n3A_295, %select_n3A_340, %select_n3A_357 : i32, i32, i32, i32, i32, i32, i32
      }
      %scan3A_72 = arith.constant 2048 : i32
      %sub3A = arith.constant 1 : i32
      %sub3A_73 = arith.subi %scan3A_71#6, %sub3A : i32
      %select_n3A_74 = arith.constant true
      %select_n3A_75 = arith.select %select_n3A_74, %sub3A_73, %scan3A_71#6 : i32
      %eq3A_76 = arith.constant -1 : i32
      %eq3A_77 = arith.cmpi eq, %select_n3A_75, %eq3A_76 : i32
      %select_n3A_78 = arith.constant 2047 : i32
      %select_n3A_79 = arith.select %eq3A_77, %select_n3A_78, %select_n3A_75 : i32
      %add3A_80 = arith.addi %select_n3A_79, %mul3A_6 : i32
      %sub3A_81 = arith.constant 1 : i32
      %sub3A_82 = arith.subi %select_n3A_79, %sub3A_81 : i32
      %select_n3A_83 = arith.constant true
      %select_n3A_84 = arith.select %select_n3A_83, %sub3A_82, %select_n3A_79 : i32
      %eq3A_85 = arith.constant -1 : i32
      %eq3A_86 = arith.cmpi eq, %select_n3A_84, %eq3A_85 : i32
      %select_n3A_87 = arith.constant 2047 : i32
      %select_n3A_88 = arith.select %eq3A_86, %select_n3A_87, %select_n3A_84 : i32
      %add3A_89 = arith.addi %select_n3A_88, %mul3A_6 : i32
      %add3A_90 = arith.constant 1 : i32
      %add3A_91 = arith.addi %select_n3A_79, %add3A_90 : i32
      %select_n3A_92 = arith.constant true
      %select_n3A_93 = arith.select %select_n3A_92, %add3A_91, %select_n3A_79 : i32
      %eq3A_94 = arith.constant 2048 : i32
      %eq3A_95 = arith.cmpi eq, %select_n3A_93, %eq3A_94 : i32
      %select_n3A_96 = arith.constant 0 : i32
      %select_n3A_97 = arith.select %eq3A_95, %select_n3A_96, %select_n3A_93 : i32
      %add3A_98 = arith.addi %select_n3A_97, %mul3A_6 : i32
      %add3A_99 = arith.constant 1 : i32
      %add3A_100 = arith.addi %select_n3A_97, %add3A_99 : i32
      %select_n3A_101 = arith.constant true
      %select_n3A_102 = arith.select %select_n3A_101, %add3A_100, %select_n3A_97 : i32
      %eq3A_103 = arith.constant 2048 : i32
      %eq3A_104 = arith.cmpi eq, %select_n3A_102, %eq3A_103 : i32
      %select_n3A_105 = arith.constant 0 : i32
      %select_n3A_106 = arith.select %eq3A_104, %select_n3A_105, %select_n3A_102 : i32
      %add3A_107 = arith.addi %select_n3A_106, %mul3A_6 : i32
      "tpu.trace_start"() <{level = 10 : i32, message = "ep_finalize"}> : () -> ()
      %rem3A_108 = arith.constant 2 : i32
      %rem3A_109 = arith.remui %scan3A_71#3, %rem3A_108 : i32
      %mul3A_110 = arith.constant 4 : i32
      %mul3A_111 = arith.muli %mul3A_110, %add3A_80 : i32
      %dma_wait3A = arith.constant 0 : i32
      %dma_wait3A_112 = arith.constant 0 : i32
      %dma_wait3A_113 = tpu.memref_slice %run_scoped3A_8[%rem3A_109, %dma_wait3A, %dma_wait3A_112] : memref<2x4x128xf32, #tpu.memory_space<vmem>> -> memref<1x4x128xf32, #tpu.memory_space<vmem>>
      %dma_wait3A_114 = tpu.memref_squeeze %dma_wait3A_113 : memref<1x4x128xf32, #tpu.memory_space<vmem>> -> memref<4x128xf32, #tpu.memory_space<vmem>>
      %dma_wait3A_115 = arith.constant 0 : i32
      %dma_wait3A_116 = tpu.memref_slice %arg5[%mul3A_111, %dma_wait3A_115] : memref<262144x128xf32, #tpu.memory_space<hbm>> -> memref<4x128xf32, #tpu.memory_space<hbm>>
      %dma_wait3A_117 = tpu.memref_slice %run_scoped3A_9[%rem3A_109] : memref<2x!tpu.dma_semaphore, #tpu.memory_space<semaphore_mem>> -> memref<1x!tpu.dma_semaphore, #tpu.memory_space<semaphore_mem>>
      %dma_wait3A_118 = tpu.memref_squeeze %dma_wait3A_117 : memref<1x!tpu.dma_semaphore, #tpu.memory_space<semaphore_mem>> -> memref<!tpu.dma_semaphore, #tpu.memory_space<semaphore_mem>>
      %dma_wait3A_119 = arith.constant 0 : i32
      %dma_wait3A_120 = tpu.memref_slice %arg5[%mul3A_111, %dma_wait3A_119] : memref<262144x128xf32, #tpu.memory_space<hbm>> -> memref<4x128xf32, #tpu.memory_space<hbm>>
      %dma_wait3A_121 = arith.constant 0 : i32
      %dma_wait3A_122 = arith.constant 0 : i32
      %dma_wait3A_123 = tpu.memref_slice %run_scoped3A_8[%rem3A_109, %dma_wait3A_121, %dma_wait3A_122] : memref<2x4x128xf32, #tpu.memory_space<vmem>> -> memref<1x4x128xf32, #tpu.memory_space<vmem>>
      %dma_wait3A_124 = tpu.memref_squeeze %dma_wait3A_123 : memref<1x4x128xf32, #tpu.memory_space<vmem>> -> memref<4x128xf32, #tpu.memory_space<vmem>>
      tpu.wait_dma2 semaphore(%dma_wait3A_118 : memref<!tpu.dma_semaphore, #tpu.memory_space<semaphore_mem>>) src(%dma_wait3A_124 : memref<4x128xf32, #tpu.memory_space<vmem>>) dst(%dma_wait3A_120 : memref<4x128xf32, #tpu.memory_space<hbm>>)
      %rem3A_125 = arith.constant 2 : i32
      %rem3A_126 = arith.remui %scan3A_71#5, %rem3A_125 : i32
      %mul3A_127 = arith.constant 4 : i32
      %mul3A_128 = arith.muli %mul3A_127, %add3A_80 : i32
      %dma_wait3A_129 = arith.constant 0 : i32
      %dma_wait3A_130 = arith.constant 0 : i32
      %dma_wait3A_131 = tpu.memref_slice %run_scoped3A_10[%rem3A_126, %dma_wait3A_129, %dma_wait3A_130] : memref<2x4x128xf32, #tpu.memory_space<vmem>> -> memref<1x4x128xf32, #tpu.memory_space<vmem>>
      %dma_wait3A_132 = tpu.memref_squeeze %dma_wait3A_131 : memref<1x4x128xf32, #tpu.memory_space<vmem>> -> memref<4x128xf32, #tpu.memory_space<vmem>>
      %dma_wait3A_133 = arith.constant 0 : i32
      %dma_wait3A_134 = tpu.memref_slice %arg6[%mul3A_128, %dma_wait3A_133] : memref<262144x128xf32, #tpu.memory_space<hbm>> -> memref<4x128xf32, #tpu.memory_space<hbm>>
      %dma_wait3A_135 = tpu.memref_slice %run_scoped3A_11[%rem3A_126] : memref<2x!tpu.dma_semaphore, #tpu.memory_space<semaphore_mem>> -> memref<1x!tpu.dma_semaphore, #tpu.memory_space<semaphore_mem>>
      %dma_wait3A_136 = tpu.memref_squeeze %dma_wait3A_135 : memref<1x!tpu.dma_semaphore, #tpu.memory_space<semaphore_mem>> -> memref<!tpu.dma_semaphore, #tpu.memory_space<semaphore_mem>>
      %dma_wait3A_137 = arith.constant 0 : i32
      %dma_wait3A_138 = tpu.memref_slice %arg6[%mul3A_128, %dma_wait3A_137] : memref<262144x128xf32, #tpu.memory_space<hbm>> -> memref<4x128xf32, #tpu.memory_space<hbm>>
      %dma_wait3A_139 = arith.constant 0 : i32
      %dma_wait3A_140 = arith.constant 0 : i32
      %dma_wait3A_141 = tpu.memref_slice %run_scoped3A_10[%rem3A_126, %dma_wait3A_139, %dma_wait3A_140] : memref<2x4x128xf32, #tpu.memory_space<vmem>> -> memref<1x4x128xf32, #tpu.memory_space<vmem>>
      %dma_wait3A_142 = tpu.memref_squeeze %dma_wait3A_141 : memref<1x4x128xf32, #tpu.memory_space<vmem>> -> memref<4x128xf32, #tpu.memory_space<vmem>>
      tpu.wait_dma2 semaphore(%dma_wait3A_136 : memref<!tpu.dma_semaphore, #tpu.memory_space<semaphore_mem>>) src(%dma_wait3A_142 : memref<4x128xf32, #tpu.memory_space<vmem>>) dst(%dma_wait3A_138 : memref<4x128xf32, #tpu.memory_space<hbm>>)
      "tpu.trace_stop"() : () -> ()
      tpu.yield
    }) : () -> ()
    return
  }
}

module attributes {stable_mosaic.version = 14 : i64} {
  func.func @_idx_body(%arg0: i32, %arg1: memref<1024x3xf32, #tpu.memory_space<vmem>>, %arg2: memref<1x128xf32, #tpu.memory_space<vmem>>, %arg3: memref<1x128xi32, #tpu.memory_space<vmem>>, %arg4: memref<1x128xi32, #tpu.memory_space<vmem>>, %arg5: memref<1x128xi32, #tpu.memory_space<vmem>>, %arg6: memref<1x128xi32, #tpu.memory_space<vmem>>, %arg7: memref<1x128xi32, #tpu.memory_space<vmem>>, %arg8: memref<1x128xi32, #tpu.memory_space<vmem>>, %arg9: memref<1x128xi32, #tpu.memory_space<vmem>>, %arg10: memref<1x128xi32, #tpu.memory_space<vmem>>, %arg11: memref<1024x128xi32, #tpu.memory_space<vmem>>) attributes {dimension_semantics = [#tpu.dimension_semantics<parallel>], iteration_bounds = array<i64: 256>, scalar_prefetch = 0 : i64, scratch_operands = 0 : i64, tpu.core_type = #tpu.core_type<tc>, window_params = [{transform_indices = @transform_0, window_bounds = array<i64: 1024, 3>}, {pipeline_mode = #tpu.pipeline_mode<synchronous>, transform_indices = @transform_1, window_bounds = array<i64: 1, 128>}, {pipeline_mode = #tpu.pipeline_mode<synchronous>, transform_indices = @transform_2, window_bounds = array<i64: 1, 128>}, {pipeline_mode = #tpu.pipeline_mode<synchronous>, transform_indices = @transform_3, window_bounds = array<i64: 1, 128>}, {pipeline_mode = #tpu.pipeline_mode<synchronous>, transform_indices = @transform_4, window_bounds = array<i64: 1, 128>}, {pipeline_mode = #tpu.pipeline_mode<synchronous>, transform_indices = @transform_5, window_bounds = array<i64: 1, 128>}, {pipeline_mode = #tpu.pipeline_mode<synchronous>, transform_indices = @transform_6, window_bounds = array<i64: 1, 128>}, {pipeline_mode = #tpu.pipeline_mode<synchronous>, transform_indices = @transform_7, window_bounds = array<i64: 1, 128>}, {pipeline_mode = #tpu.pipeline_mode<synchronous>, transform_indices = @transform_8, window_bounds = array<i64: 1, 128>}, {pipeline_mode = #tpu.pipeline_mode<synchronous>, transform_indices = @transform_9, window_bounds = array<i64: 1, 128>}, {transform_indices = @transform_10, window_bounds = array<i64: 1024, 128>}]} {
    %get3A = arith.constant 0 : index
    %get3A_0 = arith.constant 0 : index
    %get3A_1 = vector.load %arg1[%get3A, %get3A_0] : memref<1024x3xf32, #tpu.memory_space<vmem>>, vector<1024x1xf32>
    %get3A_2 = arith.constant 0 : index
    %get3A_3 = arith.constant 1 : index
    %get3A_4 = vector.load %arg1[%get3A_2, %get3A_3] : memref<1024x3xf32, #tpu.memory_space<vmem>>, vector<1024x1xf32>
    %get3A_5 = arith.constant 0 : index
    %get3A_6 = arith.constant 2 : index
    %get3A_7 = vector.load %arg1[%get3A_5, %get3A_6] : memref<1024x3xf32, #tpu.memory_space<vmem>>, vector<1024x1xf32>
    %get3A_8 = arith.constant 0 : index
    %get3A_9 = arith.constant 0 : index
    %get3A_10 = vector.load %arg2[%get3A_8, %get3A_9] : memref<1x128xf32, #tpu.memory_space<vmem>>, vector<1x128xf32>
    %get3A_11 = arith.constant 0 : index
    %get3A_12 = arith.constant 0 : index
    %get3A_13 = vector.load %arg6[%get3A_11, %get3A_12] : memref<1x128xi32, #tpu.memory_space<vmem>>, vector<1x128xi32>
    %mul3A = vector.broadcast %get3A_1 : vector<1024x1xf32> to vector<1024x128xf32>
    %mul3A_14 = vector.broadcast %get3A_10 : vector<1x128xf32> to vector<1024x128xf32>
    %mul3A_15 = arith.mulf %mul3A, %mul3A_14 : vector<1024x128xf32>
    %add3A = arith.constant 5.000000e-01 : f32
    %add3A_16 = vector.broadcast %add3A : f32 to vector<1024x128xf32>
    %add3A_17 = arith.addf %mul3A_15, %add3A_16 : vector<1024x128xf32>
    %floor3A = math.floor %add3A_17 : vector<1024x128xf32>
    %convert_element_type3A = arith.fptosi %floor3A : vector<1024x128xf32> to vector<1024x128xi32>
    %get3A_18 = arith.constant 0 : index
    %get3A_19 = arith.constant 0 : index
    %get3A_20 = vector.load %arg3[%get3A_18, %get3A_19] : memref<1x128xi32, #tpu.memory_space<vmem>>, vector<1x128xi32>
    %add3A_21 = vector.broadcast %get3A_20 : vector<1x128xi32> to vector<1024x128xi32>
    %add3A_22 = arith.addi %convert_element_type3A, %add3A_21 : vector<1024x128xi32>
    %min3A = vector.broadcast %get3A_13 : vector<1x128xi32> to vector<1024x128xi32>
    %min3A_23 = arith.minsi %add3A_22, %min3A : vector<1024x128xi32>
    %mul3A_24 = vector.broadcast %get3A_4 : vector<1024x1xf32> to vector<1024x128xf32>
    %mul3A_25 = vector.broadcast %get3A_10 : vector<1x128xf32> to vector<1024x128xf32>
    %mul3A_26 = arith.mulf %mul3A_24, %mul3A_25 : vector<1024x128xf32>
    %add3A_27 = arith.constant 5.000000e-01 : f32
    %add3A_28 = vector.broadcast %add3A_27 : f32 to vector<1024x128xf32>
    %add3A_29 = arith.addf %mul3A_26, %add3A_28 : vector<1024x128xf32>
    %floor3A_30 = math.floor %add3A_29 : vector<1024x128xf32>
    %convert_element_type3A_31 = arith.fptosi %floor3A_30 : vector<1024x128xf32> to vector<1024x128xi32>
    %get3A_32 = arith.constant 0 : index
    %get3A_33 = arith.constant 0 : index
    %get3A_34 = vector.load %arg4[%get3A_32, %get3A_33] : memref<1x128xi32, #tpu.memory_space<vmem>>, vector<1x128xi32>
    %add3A_35 = vector.broadcast %get3A_34 : vector<1x128xi32> to vector<1024x128xi32>
    %add3A_36 = arith.addi %convert_element_type3A_31, %add3A_35 : vector<1024x128xi32>
    %min3A_37 = vector.broadcast %get3A_13 : vector<1x128xi32> to vector<1024x128xi32>
    %min3A_38 = arith.minsi %add3A_36, %min3A_37 : vector<1024x128xi32>
    %mul3A_39 = vector.broadcast %get3A_7 : vector<1024x1xf32> to vector<1024x128xf32>
    %mul3A_40 = vector.broadcast %get3A_10 : vector<1x128xf32> to vector<1024x128xf32>
    %mul3A_41 = arith.mulf %mul3A_39, %mul3A_40 : vector<1024x128xf32>
    %add3A_42 = arith.constant 5.000000e-01 : f32
    %add3A_43 = vector.broadcast %add3A_42 : f32 to vector<1024x128xf32>
    %add3A_44 = arith.addf %mul3A_41, %add3A_43 : vector<1024x128xf32>
    %floor3A_45 = math.floor %add3A_44 : vector<1024x128xf32>
    %convert_element_type3A_46 = arith.fptosi %floor3A_45 : vector<1024x128xf32> to vector<1024x128xi32>
    %get3A_47 = arith.constant 0 : index
    %get3A_48 = arith.constant 0 : index
    %get3A_49 = vector.load %arg5[%get3A_47, %get3A_48] : memref<1x128xi32, #tpu.memory_space<vmem>>, vector<1x128xi32>
    %add3A_50 = vector.broadcast %get3A_49 : vector<1x128xi32> to vector<1024x128xi32>
    %add3A_51 = arith.addi %convert_element_type3A_46, %add3A_50 : vector<1024x128xi32>
    %min3A_52 = vector.broadcast %get3A_13 : vector<1x128xi32> to vector<1024x128xi32>
    %min3A_53 = arith.minsi %add3A_51, %min3A_52 : vector<1024x128xi32>
    %mul3A_54 = arith.constant -1640531535 : i32
    %mul3A_55 = vector.broadcast %mul3A_54 : i32 to vector<1024x128xi32>
    %mul3A_56 = arith.muli %min3A_38, %mul3A_55 : vector<1024x128xi32>
    %xor3A = arith.xori %min3A_23, %mul3A_56 : vector<1024x128xi32>
    %mul3A_57 = arith.constant 805459861 : i32
    %mul3A_58 = vector.broadcast %mul3A_57 : i32 to vector<1024x128xi32>
    %mul3A_59 = arith.muli %min3A_53, %mul3A_58 : vector<1024x128xi32>
    %xor3A_60 = arith.xori %xor3A, %mul3A_59 : vector<1024x128xi32>
    %and3A = arith.constant 524287 : i32
    %and3A_61 = vector.broadcast %and3A : i32 to vector<1024x128xi32>
    %and3A_62 = arith.andi %xor3A_60, %and3A_61 : vector<1024x128xi32>
    %get3A_63 = arith.constant 0 : index
    %get3A_64 = arith.constant 0 : index
    %get3A_65 = vector.load %arg7[%get3A_63, %get3A_64] : memref<1x128xi32, #tpu.memory_space<vmem>>, vector<1x128xi32>
    %mul3A_66 = vector.broadcast %get3A_65 : vector<1x128xi32> to vector<1024x128xi32>
    %mul3A_67 = arith.muli %min3A_38, %mul3A_66 : vector<1024x128xi32>
    %add3A_68 = arith.addi %min3A_23, %mul3A_67 : vector<1024x128xi32>
    %get3A_69 = arith.constant 0 : index
    %get3A_70 = arith.constant 0 : index
    %get3A_71 = vector.load %arg8[%get3A_69, %get3A_70] : memref<1x128xi32, #tpu.memory_space<vmem>>, vector<1x128xi32>
    %mul3A_72 = vector.broadcast %get3A_71 : vector<1x128xi32> to vector<1024x128xi32>
    %mul3A_73 = arith.muli %min3A_53, %mul3A_72 : vector<1024x128xi32>
    %add3A_74 = arith.addi %add3A_68, %mul3A_73 : vector<1024x128xi32>
    %get3A_75 = arith.constant 0 : index
    %get3A_76 = arith.constant 0 : index
    %get3A_77 = vector.load %arg10[%get3A_75, %get3A_76] : memref<1x128xi32, #tpu.memory_space<vmem>>, vector<1x128xi32>
    %ne3A = arith.constant 0 : i32
    %ne3A_78 = vector.broadcast %ne3A : i32 to vector<1x128xi32>
    %ne3A_79 = arith.cmpi ne, %get3A_77, %ne3A_78 : vector<1x128xi32>
    %broadcast_in_dim3A = vector.shape_cast %ne3A_79 : vector<1x128xi1> to vector<1x128xi1>
    %broadcast_in_dim3A_80 = vector.broadcast %broadcast_in_dim3A : vector<1x128xi1> to vector<1024x128xi1>
    %select_n3A = arith.select %broadcast_in_dim3A_80, %and3A_62, %add3A_74 : vector<1024x128xi1>, vector<1024x128xi32>
    %get3A_81 = arith.constant 0 : index
    %get3A_82 = arith.constant 0 : index
    %get3A_83 = vector.load %arg9[%get3A_81, %get3A_82] : memref<1x128xi32, #tpu.memory_space<vmem>>, vector<1x128xi32>
    %add3A_84 = vector.broadcast %get3A_83 : vector<1x128xi32> to vector<1024x128xi32>
    %add3A_85 = arith.addi %select_n3A, %add3A_84 : vector<1024x128xi32>
    %swap3A = arith.constant 0 : index
    %swap3A_86 = arith.constant 0 : index
    %swap3A_87 = vector.load %arg11[%swap3A, %swap3A_86] : memref<1024x128xi32, #tpu.memory_space<vmem>>, vector<1024x128xi32>
    tpu.vector_store %arg11[%swap3A, %swap3A_86], %add3A_85 {strides = array<i32>} : memref<1024x128xi32, #tpu.memory_space<vmem>>, vector<1024x128xi32>,
    return
  }
  func.func @transform_0(%arg0: i32) -> (i32, i32) {
    %c0_i32 = arith.constant 0 : i32
    %c0_i32_0 = arith.constant 0 : i32
    return %arg0, %c0_i32 : i32, i32
  }
  func.func @transform_1(%arg0: i32) -> (i32, i32) {
    %c0_i32 = arith.constant 0 : i32
    %c0_i32_0 = arith.constant 0 : i32
    %c0_i32_1 = arith.constant 0 : i32
    return %c0_i32, %c0_i32_0 : i32, i32
  }
  func.func @transform_2(%arg0: i32) -> (i32, i32) {
    %c0_i32 = arith.constant 0 : i32
    %c0_i32_0 = arith.constant 0 : i32
    %c0_i32_1 = arith.constant 0 : i32
    return %c0_i32, %c0_i32_0 : i32, i32
  }
  func.func @transform_3(%arg0: i32) -> (i32, i32) {
    %c0_i32 = arith.constant 0 : i32
    %c0_i32_0 = arith.constant 0 : i32
    %c0_i32_1 = arith.constant 0 : i32
    return %c0_i32, %c0_i32_0 : i32, i32
  }
  func.func @transform_4(%arg0: i32) -> (i32, i32) {
    %c0_i32 = arith.constant 0 : i32
    %c0_i32_0 = arith.constant 0 : i32
    %c0_i32_1 = arith.constant 0 : i32
    return %c0_i32, %c0_i32_0 : i32, i32
  }
  func.func @transform_5(%arg0: i32) -> (i32, i32) {
    %c0_i32 = arith.constant 0 : i32
    %c0_i32_0 = arith.constant 0 : i32
    %c0_i32_1 = arith.constant 0 : i32
    return %c0_i32, %c0_i32_0 : i32, i32
  }
  func.func @transform_6(%arg0: i32) -> (i32, i32) {
    %c0_i32 = arith.constant 0 : i32
    %c0_i32_0 = arith.constant 0 : i32
    %c0_i32_1 = arith.constant 0 : i32
    return %c0_i32, %c0_i32_0 : i32, i32
  }
  func.func @transform_7(%arg0: i32) -> (i32, i32) {
    %c0_i32 = arith.constant 0 : i32
    %c0_i32_0 = arith.constant 0 : i32
    %c0_i32_1 = arith.constant 0 : i32
    return %c0_i32, %c0_i32_0 : i32, i32
  }
  func.func @transform_8(%arg0: i32) -> (i32, i32) {
    %c0_i32 = arith.constant 0 : i32
    %c0_i32_0 = arith.constant 0 : i32
    %c0_i32_1 = arith.constant 0 : i32
    return %c0_i32, %c0_i32_0 : i32, i32
  }
  func.func @transform_9(%arg0: i32) -> (i32, i32) {
    %c0_i32 = arith.constant 0 : i32
    %c0_i32_0 = arith.constant 0 : i32
    %c0_i32_1 = arith.constant 0 : i32
    return %c0_i32, %c0_i32_0 : i32, i32
  }
  func.func @transform_10(%arg0: i32) -> (i32, i32) {
    %c0_i32 = arith.constant 0 : i32
    %c0_i32_0 = arith.constant 0 : i32
    return %arg0, %c0_i32 : i32, i32
  }
}

module attributes {stable_mosaic.version = 14 : i64} {
  func.func @_mlp_body(%arg0: i32, %arg1: memref<1024x3xf32, #tpu.memory_space<vmem>>, %arg2: memref<1024x128xf32, #tpu.memory_space<vmem>>, %arg3: memref<1024x128xf32, #tpu.memory_space<vmem>>, %arg4: memref<1x128xf32, #tpu.memory_space<vmem>>, %arg5: memref<1x128xf32, #tpu.memory_space<vmem>>, %arg6: memref<1x128xf32, #tpu.memory_space<vmem>>, %arg7: memref<1x128xf32, #tpu.memory_space<vmem>>, %arg8: memref<128x64xf32, #tpu.memory_space<vmem>>, %arg9: memref<128x64xf32, #tpu.memory_space<vmem>>, %arg10: memref<1x64xf32, #tpu.memory_space<vmem>>, %arg11: memref<64x64xf32, #tpu.memory_space<vmem>>, %arg12: memref<1x64xf32, #tpu.memory_space<vmem>>, %arg13: memref<64x64xf32, #tpu.memory_space<vmem>>, %arg14: memref<1x64xf32, #tpu.memory_space<vmem>>, %arg15: memref<1x64xf32, #tpu.memory_space<vmem>>, %arg16: memref<1x1xf32, #tpu.memory_space<vmem>>, %arg17: memref<1024x1xf32, #tpu.memory_space<vmem>>) attributes {dimension_semantics = [#tpu.dimension_semantics<parallel>], iteration_bounds = array<i64: 256>, scalar_prefetch = 0 : i64, scratch_operands = 0 : i64, tpu.core_type = #tpu.core_type<tc>, window_params = [{transform_indices = @transform_0, window_bounds = array<i64: 1024, 3>}, {transform_indices = @transform_1, window_bounds = array<i64: 1024, 128>}, {transform_indices = @transform_2, window_bounds = array<i64: 1024, 128>}, {pipeline_mode = #tpu.pipeline_mode<synchronous>, transform_indices = @transform_3, window_bounds = array<i64: 1, 128>}, {pipeline_mode = #tpu.pipeline_mode<synchronous>, transform_indices = @transform_4, window_bounds = array<i64: 1, 128>}, {pipeline_mode = #tpu.pipeline_mode<synchronous>, transform_indices = @transform_5, window_bounds = array<i64: 1, 128>}, {pipeline_mode = #tpu.pipeline_mode<synchronous>, transform_indices = @transform_6, window_bounds = array<i64: 1, 128>}, {pipeline_mode = #tpu.pipeline_mode<synchronous>, transform_indices = @transform_7, window_bounds = array<i64: 128, 64>}, {pipeline_mode = #tpu.pipeline_mode<synchronous>, transform_indices = @transform_8, window_bounds = array<i64: 128, 64>}, {pipeline_mode = #tpu.pipeline_mode<synchronous>, transform_indices = @transform_9, window_bounds = array<i64: 1, 64>}, {pipeline_mode = #tpu.pipeline_mode<synchronous>, transform_indices = @transform_10, window_bounds = array<i64: 64, 64>}, {pipeline_mode = #tpu.pipeline_mode<synchronous>, transform_indices = @transform_11, window_bounds = array<i64: 1, 64>}, {pipeline_mode = #tpu.pipeline_mode<synchronous>, transform_indices = @transform_12, window_bounds = array<i64: 64, 64>}, {pipeline_mode = #tpu.pipeline_mode<synchronous>, transform_indices = @transform_13, window_bounds = array<i64: 1, 64>}, {pipeline_mode = #tpu.pipeline_mode<synchronous>, transform_indices = @transform_14, window_bounds = array<i64: 1, 64>}, {pipeline_mode = #tpu.pipeline_mode<synchronous>, transform_indices = @transform_15, window_bounds = array<i64: 1, 1>}, {transform_indices = @transform_16, window_bounds = array<i64: 1024, 1>}]} {
    %get3A = arith.constant 0 : index
    %get3A_0 = arith.constant 0 : index
    %get3A_1 = vector.load %arg1[%get3A, %get3A_0] : memref<1024x3xf32, #tpu.memory_space<vmem>>, vector<1024x1xf32>
    %get3A_2 = arith.constant 0 : index
    %get3A_3 = arith.constant 1 : index
    %get3A_4 = vector.load %arg1[%get3A_2, %get3A_3] : memref<1024x3xf32, #tpu.memory_space<vmem>>, vector<1024x1xf32>
    %get3A_5 = arith.constant 0 : index
    %get3A_6 = arith.constant 2 : index
    %get3A_7 = vector.load %arg1[%get3A_5, %get3A_6] : memref<1024x3xf32, #tpu.memory_space<vmem>>, vector<1024x1xf32>
    %get3A_8 = arith.constant 0 : index
    %get3A_9 = arith.constant 0 : index
    %get3A_10 = vector.load %arg4[%get3A_8, %get3A_9] : memref<1x128xf32, #tpu.memory_space<vmem>>, vector<1x128xf32>
    %mul3A = vector.broadcast %get3A_1 : vector<1024x1xf32> to vector<1024x128xf32>
    %mul3A_11 = vector.broadcast %get3A_10 : vector<1x128xf32> to vector<1024x128xf32>
    %mul3A_12 = arith.mulf %mul3A, %mul3A_11 : vector<1024x128xf32>
    %add3A = arith.constant 5.000000e-01 : f32
    %add3A_13 = vector.broadcast %add3A : f32 to vector<1024x128xf32>
    %add3A_14 = arith.addf %mul3A_12, %add3A_13 : vector<1024x128xf32>
    %mul3A_15 = vector.broadcast %get3A_4 : vector<1024x1xf32> to vector<1024x128xf32>
    %mul3A_16 = vector.broadcast %get3A_10 : vector<1x128xf32> to vector<1024x128xf32>
    %mul3A_17 = arith.mulf %mul3A_15, %mul3A_16 : vector<1024x128xf32>
    %add3A_18 = arith.constant 5.000000e-01 : f32
    %add3A_19 = vector.broadcast %add3A_18 : f32 to vector<1024x128xf32>
    %add3A_20 = arith.addf %mul3A_17, %add3A_19 : vector<1024x128xf32>
    %mul3A_21 = vector.broadcast %get3A_7 : vector<1024x1xf32> to vector<1024x128xf32>
    %mul3A_22 = vector.broadcast %get3A_10 : vector<1x128xf32> to vector<1024x128xf32>
    %mul3A_23 = arith.mulf %mul3A_21, %mul3A_22 : vector<1024x128xf32>
    %add3A_24 = arith.constant 5.000000e-01 : f32
    %add3A_25 = vector.broadcast %add3A_24 : f32 to vector<1024x128xf32>
    %add3A_26 = arith.addf %mul3A_23, %add3A_25 : vector<1024x128xf32>
    %floor3A = math.floor %add3A_14 : vector<1024x128xf32>
    %sub3A = arith.subf %add3A_14, %floor3A : vector<1024x128xf32>
    %floor3A_27 = math.floor %add3A_20 : vector<1024x128xf32>
    %sub3A_28 = arith.subf %add3A_20, %floor3A_27 : vector<1024x128xf32>
    %floor3A_29 = math.floor %add3A_26 : vector<1024x128xf32>
    %sub3A_30 = arith.subf %add3A_26, %floor3A_29 : vector<1024x128xf32>
    %get3A_31 = arith.constant 0 : index
    %get3A_32 = arith.constant 0 : index
    %get3A_33 = vector.load %arg5[%get3A_31, %get3A_32] : memref<1x128xf32, #tpu.memory_space<vmem>>, vector<1x128xf32>
    %get3A_34 = arith.constant 0 : index
    %get3A_35 = arith.constant 0 : index
    %get3A_36 = vector.load %arg6[%get3A_34, %get3A_35] : memref<1x128xf32, #tpu.memory_space<vmem>>, vector<1x128xf32>
    %get3A_37 = arith.constant 0 : index
    %get3A_38 = arith.constant 0 : index
    %get3A_39 = vector.load %arg7[%get3A_37, %get3A_38] : memref<1x128xf32, #tpu.memory_space<vmem>>, vector<1x128xf32>
    %mul3A_40 = vector.broadcast %get3A_33 : vector<1x128xf32> to vector<1024x128xf32>
    %mul3A_41 = arith.mulf %mul3A_40, %sub3A : vector<1024x128xf32>
    %sub3A_42 = arith.constant 1.000000e+00 : f32
    %sub3A_43 = vector.broadcast %sub3A_42 : f32 to vector<1x128xf32>
    %sub3A_44 = arith.subf %sub3A_43, %get3A_33 : vector<1x128xf32>
    %sub3A_45 = arith.constant 1.000000e+00 : f32
    %sub3A_46 = vector.broadcast %sub3A_45 : f32 to vector<1024x128xf32>
    %sub3A_47 = arith.subf %sub3A_46, %sub3A : vector<1024x128xf32>
    %mul3A_48 = vector.broadcast %sub3A_44 : vector<1x128xf32> to vector<1024x128xf32>
    %mul3A_49 = arith.mulf %mul3A_48, %sub3A_47 : vector<1024x128xf32>
    %add3A_50 = arith.addf %mul3A_41, %mul3A_49 : vector<1024x128xf32>
    %mul3A_51 = vector.broadcast %get3A_36 : vector<1x128xf32> to vector<1024x128xf32>
    %mul3A_52 = arith.mulf %mul3A_51, %sub3A_28 : vector<1024x128xf32>
    %sub3A_53 = arith.constant 1.000000e+00 : f32
    %sub3A_54 = vector.broadcast %sub3A_53 : f32 to vector<1x128xf32>
    %sub3A_55 = arith.subf %sub3A_54, %get3A_36 : vector<1x128xf32>
    %sub3A_56 = arith.constant 1.000000e+00 : f32
    %sub3A_57 = vector.broadcast %sub3A_56 : f32 to vector<1024x128xf32>
    %sub3A_58 = arith.subf %sub3A_57, %sub3A_28 : vector<1024x128xf32>
    %mul3A_59 = vector.broadcast %sub3A_55 : vector<1x128xf32> to vector<1024x128xf32>
    %mul3A_60 = arith.mulf %mul3A_59, %sub3A_58 : vector<1024x128xf32>
    %add3A_61 = arith.addf %mul3A_52, %mul3A_60 : vector<1024x128xf32>
    %mul3A_62 = vector.broadcast %get3A_39 : vector<1x128xf32> to vector<1024x128xf32>
    %mul3A_63 = arith.mulf %mul3A_62, %sub3A_30 : vector<1024x128xf32>
    %sub3A_64 = arith.constant 1.000000e+00 : f32
    %sub3A_65 = vector.broadcast %sub3A_64 : f32 to vector<1x128xf32>
    %sub3A_66 = arith.subf %sub3A_65, %get3A_39 : vector<1x128xf32>
    %sub3A_67 = arith.constant 1.000000e+00 : f32
    %sub3A_68 = vector.broadcast %sub3A_67 : f32 to vector<1024x128xf32>
    %sub3A_69 = arith.subf %sub3A_68, %sub3A_30 : vector<1024x128xf32>
    %mul3A_70 = vector.broadcast %sub3A_66 : vector<1x128xf32> to vector<1024x128xf32>
    %mul3A_71 = arith.mulf %mul3A_70, %sub3A_69 : vector<1024x128xf32>
    %add3A_72 = arith.addf %mul3A_63, %mul3A_71 : vector<1024x128xf32>
    %mul3A_73 = arith.mulf %add3A_50, %add3A_61 : vector<1024x128xf32>
    %mul3A_74 = arith.mulf %mul3A_73, %add3A_72 : vector<1024x128xf32>
    %get3A_75 = arith.constant 0 : index
    %get3A_76 = arith.constant 0 : index
    %get3A_77 = vector.load %arg2[%get3A_75, %get3A_76] : memref<1024x128xf32, #tpu.memory_space<vmem>>, vector<1024x128xf32>
    %mul3A_78 = arith.mulf %mul3A_74, %get3A_77 : vector<1024x128xf32>
    %get3A_79 = arith.constant 0 : index
    %get3A_80 = arith.constant 0 : index
    %get3A_81 = vector.load %arg3[%get3A_79, %get3A_80] : memref<1024x128xf32, #tpu.memory_space<vmem>>, vector<1024x128xf32>
    %mul3A_82 = arith.mulf %mul3A_74, %get3A_81 : vector<1024x128xf32>
    %get3A_83 = arith.constant 0 : index
    %get3A_84 = arith.constant 0 : index
    %get3A_85 = vector.load %arg8[%get3A_83, %get3A_84] : memref<128x64xf32, #tpu.memory_space<vmem>>, vector<128x64xf32>
    %dot_general3A = arith.constant dense<0.000000e+00> : vector<1024x64xf32>
    %dot_general3A_86 = tpu.matmul %mul3A_78, %get3A_85, %dot_general3A {dimension_numbers = #tpu.dot_dimension_numbers<[1], [0], [0], [1], [0, 0, 1, 1], [], []>, transpose_lhs_hint = false} : vector<1024x128xf32>, vector<128x64xf32>, vector<1024x64xf32> -> vector<1024x64xf32>
    %get3A_87 = arith.constant 0 : index
    %get3A_88 = arith.constant 0 : index
    %get3A_89 = vector.load %arg9[%get3A_87, %get3A_88] : memref<128x64xf32, #tpu.memory_space<vmem>>, vector<128x64xf32>
    %dot_general3A_90 = arith.constant dense<0.000000e+00> : vector<1024x64xf32>
    %dot_general3A_91 = tpu.matmul %mul3A_82, %get3A_89, %dot_general3A_90 {dimension_numbers = #tpu.dot_dimension_numbers<[1], [0], [0], [1], [0, 0, 1, 1], [], []>, transpose_lhs_hint = false} : vector<1024x128xf32>, vector<128x64xf32>, vector<1024x64xf32> -> vector<1024x64xf32>
    %add3A_92 = arith.addf %dot_general3A_86, %dot_general3A_91 : vector<1024x64xf32>
    %get3A_93 = arith.constant 0 : index
    %get3A_94 = arith.constant 0 : index
    %get3A_95 = vector.load %arg10[%get3A_93, %get3A_94] : memref<1x64xf32, #tpu.memory_space<vmem>>, vector<1x64xf32>
    %add3A_96 = vector.broadcast %get3A_95 : vector<1x64xf32> to vector<1024x64xf32>
    %add3A_97 = arith.addf %add3A_92, %add3A_96 : vector<1024x64xf32>
    %max3A = arith.constant 0.000000e+00 : f32
    %max3A_98 = vector.broadcast %max3A : f32 to vector<1024x64xf32>
    %max3A_99 = arith.maximumf %add3A_97, %max3A_98 : vector<1024x64xf32>
    %get3A_100 = arith.constant 0 : index
    %get3A_101 = arith.constant 0 : index
    %get3A_102 = vector.load %arg11[%get3A_100, %get3A_101] : memref<64x64xf32, #tpu.memory_space<vmem>>, vector<64x64xf32>
    %dot_general3A_103 = arith.constant dense<0.000000e+00> : vector<1024x64xf32>
    %dot_general3A_104 = tpu.matmul %max3A_99, %get3A_102, %dot_general3A_103 {dimension_numbers = #tpu.dot_dimension_numbers<[1], [0], [0], [1], [0, 0, 1, 1], [], []>, transpose_lhs_hint = false} : vector<1024x64xf32>, vector<64x64xf32>, vector<1024x64xf32> -> vector<1024x64xf32>
    %get3A_105 = arith.constant 0 : index
    %get3A_106 = arith.constant 0 : index
    %get3A_107 = vector.load %arg12[%get3A_105, %get3A_106] : memref<1x64xf32, #tpu.memory_space<vmem>>, vector<1x64xf32>
    %add3A_108 = vector.broadcast %get3A_107 : vector<1x64xf32> to vector<1024x64xf32>
    %add3A_109 = arith.addf %dot_general3A_104, %add3A_108 : vector<1024x64xf32>
    %max3A_110 = arith.constant 0.000000e+00 : f32
    %max3A_111 = vector.broadcast %max3A_110 : f32 to vector<1024x64xf32>
    %max3A_112 = arith.maximumf %add3A_109, %max3A_111 : vector<1024x64xf32>
    %get3A_113 = arith.constant 0 : index
    %get3A_114 = arith.constant 0 : index
    %get3A_115 = vector.load %arg13[%get3A_113, %get3A_114] : memref<64x64xf32, #tpu.memory_space<vmem>>, vector<64x64xf32>
    %dot_general3A_116 = arith.constant dense<0.000000e+00> : vector<1024x64xf32>
    %dot_general3A_117 = tpu.matmul %max3A_112, %get3A_115, %dot_general3A_116 {dimension_numbers = #tpu.dot_dimension_numbers<[1], [0], [0], [1], [0, 0, 1, 1], [], []>, transpose_lhs_hint = false} : vector<1024x64xf32>, vector<64x64xf32>, vector<1024x64xf32> -> vector<1024x64xf32>
    %get3A_118 = arith.constant 0 : index
    %get3A_119 = arith.constant 0 : index
    %get3A_120 = vector.load %arg14[%get3A_118, %get3A_119] : memref<1x64xf32, #tpu.memory_space<vmem>>, vector<1x64xf32>
    %add3A_121 = vector.broadcast %get3A_120 : vector<1x64xf32> to vector<1024x64xf32>
    %add3A_122 = arith.addf %dot_general3A_117, %add3A_121 : vector<1024x64xf32>
    %max3A_123 = arith.constant 0.000000e+00 : f32
    %max3A_124 = vector.broadcast %max3A_123 : f32 to vector<1024x64xf32>
    %max3A_125 = arith.maximumf %add3A_122, %max3A_124 : vector<1024x64xf32>
    %get3A_126 = arith.constant 0 : index
    %get3A_127 = arith.constant 0 : index
    %get3A_128 = vector.load %arg15[%get3A_126, %get3A_127] : memref<1x64xf32, #tpu.memory_space<vmem>>, vector<1x64xf32>
    %mul3A_129 = vector.broadcast %get3A_128 : vector<1x64xf32> to vector<1024x64xf32>
    %mul3A_130 = arith.mulf %max3A_125, %mul3A_129 : vector<1024x64xf32>
    %reduce_sum3A = arith.constant dense<0.000000e+00> : vector<1024xf32>
    %reduce_sum3A_131 = vector.multi_reduction <add>, %mul3A_130, %reduce_sum3A [1] : vector<1024x64xf32> to vector<1024xf32>
    %broadcast_in_dim3A = vector.shape_cast %reduce_sum3A_131 : vector<1024xf32> to vector<1024x1xf32>
    %get3A_132 = arith.constant 0 : index
    %get3A_133 = arith.constant 0 : index
    %get3A_134 = vector.load %arg16[%get3A_132, %get3A_133] : memref<1x1xf32, #tpu.memory_space<vmem>>, vector<1x1xf32>
    %add3A_135 = vector.broadcast %get3A_134 : vector<1x1xf32> to vector<1024x1xf32>
    %add3A_136 = arith.addf %broadcast_in_dim3A, %add3A_135 : vector<1024x1xf32>
    %swap3A = arith.constant 0 : index
    %swap3A_137 = arith.constant 0 : index
    %swap3A_138 = vector.load %arg17[%swap3A, %swap3A_137] : memref<1024x1xf32, #tpu.memory_space<vmem>>, vector<1024x1xf32>
    tpu.vector_store %arg17[%swap3A, %swap3A_137], %add3A_136 {strides = array<i32>} : memref<1024x1xf32, #tpu.memory_space<vmem>>, vector<1024x1xf32>,
    return
  }
  func.func @transform_0(%arg0: i32) -> (i32, i32) {
    %c0_i32 = arith.constant 0 : i32
    %c0_i32_0 = arith.constant 0 : i32
    return %arg0, %c0_i32 : i32, i32
  }
  func.func @transform_1(%arg0: i32) -> (i32, i32) {
    %c0_i32 = arith.constant 0 : i32
    %c0_i32_0 = arith.constant 0 : i32
    return %arg0, %c0_i32 : i32, i32
  }
  func.func @transform_2(%arg0: i32) -> (i32, i32) {
    %c0_i32 = arith.constant 0 : i32
    %c0_i32_0 = arith.constant 0 : i32
    return %arg0, %c0_i32 : i32, i32
  }
  func.func @transform_3(%arg0: i32) -> (i32, i32) {
    %c0_i32 = arith.constant 0 : i32
    %c0_i32_0 = arith.constant 0 : i32
    %c0_i32_1 = arith.constant 0 : i32
    return %c0_i32, %c0_i32_0 : i32, i32
  }
  func.func @transform_4(%arg0: i32) -> (i32, i32) {
    %c0_i32 = arith.constant 0 : i32
    %c0_i32_0 = arith.constant 0 : i32
    %c0_i32_1 = arith.constant 0 : i32
    return %c0_i32, %c0_i32_0 : i32, i32
  }
  func.func @transform_5(%arg0: i32) -> (i32, i32) {
    %c0_i32 = arith.constant 0 : i32
    %c0_i32_0 = arith.constant 0 : i32
    %c0_i32_1 = arith.constant 0 : i32
    return %c0_i32, %c0_i32_0 : i32, i32
  }
  func.func @transform_6(%arg0: i32) -> (i32, i32) {
    %c0_i32 = arith.constant 0 : i32
    %c0_i32_0 = arith.constant 0 : i32
    %c0_i32_1 = arith.constant 0 : i32
    return %c0_i32, %c0_i32_0 : i32, i32
  }
  func.func @transform_7(%arg0: i32) -> (i32, i32) {
    %c0_i32 = arith.constant 0 : i32
    %c0_i32_0 = arith.constant 0 : i32
    %c0_i32_1 = arith.constant 0 : i32
    return %c0_i32, %c0_i32_0 : i32, i32
  }
  func.func @transform_8(%arg0: i32) -> (i32, i32) {
    %c0_i32 = arith.constant 0 : i32
    %c0_i32_0 = arith.constant 0 : i32
    %c0_i32_1 = arith.constant 0 : i32
    return %c0_i32, %c0_i32_0 : i32, i32
  }
  func.func @transform_9(%arg0: i32) -> (i32, i32) {
    %c0_i32 = arith.constant 0 : i32
    %c0_i32_0 = arith.constant 0 : i32
    %c0_i32_1 = arith.constant 0 : i32
    return %c0_i32, %c0_i32_0 : i32, i32
  }
  func.func @transform_10(%arg0: i32) -> (i32, i32) {
    %c0_i32 = arith.constant 0 : i32
    %c0_i32_0 = arith.constant 0 : i32
    %c0_i32_1 = arith.constant 0 : i32
    return %c0_i32, %c0_i32_0 : i32, i32
  }
  func.func @transform_11(%arg0: i32) -> (i32, i32) {
    %c0_i32 = arith.constant 0 : i32
    %c0_i32_0 = arith.constant 0 : i32
    %c0_i32_1 = arith.constant 0 : i32
    return %c0_i32, %c0_i32_0 : i32, i32
  }
  func.func @transform_12(%arg0: i32) -> (i32, i32) {
    %c0_i32 = arith.constant 0 : i32
    %c0_i32_0 = arith.constant 0 : i32
    %c0_i32_1 = arith.constant 0 : i32
    return %c0_i32, %c0_i32_0 : i32, i32
  }
  func.func @transform_13(%arg0: i32) -> (i32, i32) {
    %c0_i32 = arith.constant 0 : i32
    %c0_i32_0 = arith.constant 0 : i32
    %c0_i32_1 = arith.constant 0 : i32
    return %c0_i32, %c0_i32_0 : i32, i32
  }
  func.func @transform_14(%arg0: i32) -> (i32, i32) {
    %c0_i32 = arith.constant 0 : i32
    %c0_i32_0 = arith.constant 0 : i32
    %c0_i32_1 = arith.constant 0 : i32
    return %c0_i32, %c0_i32_0 : i32, i32
  }
  func.func @transform_15(%arg0: i32) -> (i32, i32) {
    %c0_i32 = arith.constant 0 : i32
    %c0_i32_0 = arith.constant 0 : i32
    %c0_i32_1 = arith.constant 0 : i32
    return %c0_i32, %c0_i32_0 : i32, i32
  }
  func.func @transform_16(%arg0: i32) -> (i32, i32) {
    %c0_i32 = arith.constant 0 : i32
    %c0_i32_0 = arith.constant 0 : i32
    return %arg0, %c0_i32 : i32, i32
  }
}

</mosaic_0001>

<sc_bundles>
// kernel: kernel.14.cloned.1.call-start
scs
__scs_entry_jumppad:
0x0: {  	(pc) =	sbr.rel $0x88, $3  }
0x1: {  	(tag) =	ssettag $0x0;
	lr =	simm.s32 $0x1  }
0x2: {  	[smem:$0x3F97] =	sst lr;
	_ =	strace $0xD0000000  }
0x3: {  	_ = 	snop  }
0x4: {  	_ = 	snop  }
0x5: {  	_ = 	snop  }
0x6: {  	_ = 	snop  }
0x7: {  	_ = 	snop  }
__scs_overlays_trampoline_lowered:
0x8: {  	[smem:$0x3FA6] =	sst s0  }
0x9: {  	[smem:$0x3FA7] =	sst s1  }
0xa: {  	[smem:$0x3FA8] =	sst s2  }
0xb: {  	[smem:$0x3FA9] =	sst s3  }
0xc: {  	[smem:$0x3FAA] =	sst s4  }
0xd: {  	[smem:$0x3FAB] =	sst s5  }
0xe: {  	[smem:$0x3FAC] =	sst s6  }
0xf: {  	[smem:$0x3FAD] =	sst s7  }
0x10: {  	[smem:$0x3FAE] =	sst s8  }
0x11: {  	[smem:$0x3FAF] =	sst s9;
	s0 =	simm.s32 @!p0 $0x0  }
0x12: {  	s1 =	sld [smem:$0x3F95];
	s0 =	simm.s32 @p0 $0x1  }
0x13: {  	[smem:$0x3FB0] =	sst s0;
	s0 =	simm.s32 @!p1 $0x0  }
0x14: {  	s2 =	sld [smem:$0x3F94];
	s0 =	simm.s32 @p1 $0x1  }
0x15: {  	[smem:$0x3FB1] =	sst s0;
	s0 =	simm.s32 @!p2 $0x0  }
0x16: {  	s3 =	sld [smem:$0x3FDB];
	s0 =	simm.s32 @p2 $0x1  }
0x17: {  	s4 =	simm.s32 $0x1BF5;
	[smem:$0x3FB3] =	sst s0  }
0x18: {  	s0 =	sld [smem:$0x3F96];
	_ =	swait.ge [sflag:s4], $0x0  }
0x19: {  	s7 =	sld [smem:$0x3F97]  }
0x1a: {  	s8 =	sadd.s32 $0xFFFFE003, lr  }
0x1b: {  	s9 =	sadd.s32 $0xFFFFFEF7, lr;
	s5 =	simm.s32 $0xFFFFFFFF;
	p2 =	slt.u32 s8, $0xFFFFF086  }
0x1c: {  	p1 =	slt.u32 s9, $0xF7A;
	s5 =	simm.s32 @!p2 $0x0  }
0x1d: {  	s5 =	simm.s32 @p1 $0x1;
	p0 =	seq.s32 s7, s2  }
0x1e: {  	s7 =	smul.u32 @!p0 $0xF7A, s2;
	p2 =	seq.s32 @!p0 s5, $0x0  }
0x1f: {  	s9 =	smul.u32 $0xF7A, s1;
	s8 =	simm.s32 @!p0 $0x1BF5;
	p2 =	por !p2, p0  }
0x20: {  	[sflag:s8] =	ssyncset.s32 @!p0 $0xFFFFF086;
	s6 =	sadd.s32 @!p0 s3, s7;
	s7 =	simm.s32 @!p0 $0x108  }
0x21: {  	s3 =	sadd.s32 s3, s9;
	s6 =	sadd.s32 @!p0 $0x88, s6;
	s7 =	simm.s32 @p2 $0x1082  }
0x22: {  	[simem:s7], [sflag:s8] =	dma.local @!p0 [hbm:s6], $0xF7A  }
0x23: {  	s9 =	sor.u32 $0xD0000000, s2;
	s6 =	simm.s32 $0x108;
	_ =	swait.ge @!p0 [sflag:s8], $0x0  }
0x24: {  	s3 =	sadd.s32 $0x88, s3;
	s6 =	simm.s32 @!p1 $0x1082;
	[sflag:s4] =	ssyncset.s32 $0xFFFFF086  }
0x25: {  	[simem:s6], [sflag:s4] =	dma.local [hbm:s3], $0xF7A  }
0x26: {  	[smem:$0x3F97] =	sst s1;
	(tag) =	ssettag s2;
	_ =	strace s9  }
0x27: {  	s1 =	sld [smem:$0x3FA7]  }
0x28: {  	s2 =	sld [smem:$0x3FA8]  }
0x29: {  	s4 =	sld [smem:$0x3FAA]  }
0x2a: {  	p0 =	seq.s32 s5, $0x0;
	s5 =	sld [smem:$0x3FAB]  }
0x2b: {  	s6 =	sld [smem:$0x3FAC]  }
0x2c: {  	s7 =	sld [smem:$0x3FAD]  }
0x2d: {  	s3 =	simm.s32 $0x108;
	s8 =	sld [smem:$0x3FAE]  }
0x2e: {  	s3 =	simm.s32 @!p0 $0x1082;
	s9 =	sld [smem:$0x3FAF]  }
0x2f: {  	lr =	sadd.s32 s0, s3;
	s0 =	sld [smem:$0x3FA6]  }
0x30: {  	s3 =	sld [smem:$0x3FA9]  }
0x31: {  	[smem:$0x3FB2] =	sst s10  }
0x32: {  	s10 =	sld [smem:$0x3FB0];
	_ =	sdelay $0x3  }
0x33: {  	p0 =	seq.s32 s10, $0x1;
	s10 =	sld [smem:$0x3FB2];
	_ =	sdelay $0x3  }
0x34: {  	[smem:$0x3FB2] =	sst s10  }
0x35: {  	s10 =	sld [smem:$0x3FB1];
	_ =	sdelay $0x3  }
0x36: {  	p1 =	seq.s32 s10, $0x1;
	s10 =	sld [smem:$0x3FB2];
	_ =	sdelay $0x3  }
0x37: {  	[smem:$0x3FB2] =	sst s10  }
0x38: {  	s10 =	sld [smem:$0x3FB3]  }
0x39: {  	_ = 	snop;
	(pc) =	sbr.ind lr, $3  }
0x3a: {  	_ = 	snop  }
0x3b: {  	_ = 	snop  }
0x3c: {  	p2 =	seq.s32 s10, $0x1;
	s10 =	sld [smem:$0x3FB2]  }
0x3d: {  	_ =	shalt  }
0x3e: {  	_ =	shalt  }
0x3f: {  	_ =	shalt  }
0x40: {  	_ =	shalt  }
0x41: {  	_ =	shalt  }
0x42: {  	_ =	shalt  }
0x43: {  	_ =	shalt  }
0x44: {  	_ =	shalt  }
0x45: {  	_ =	shalt  }
0x46: {  	_ =	shalt  }
0x47: {  	_ =	shalt  }
0x48: {  	_ =	shalt  }
0x49: {  	_ =	shalt  }
0x4a: {  	_ =	shalt  }
0x4b: {  	_ =	shalt  }
0x4c: {  	_ =	shalt  }
0x4d: {  	_ =	shalt  }
0x4e: {  	_ =	shalt  }
0x4f: {  	_ =	shalt  }
0x50: {  	_ =	shalt  }
0x51: {  	_ =	shalt  }
0x52: {  	_ =	shalt  }
0x53: {  	_ =	shalt  }
0x54: {  	_ =	shalt  }
0x55: {  	_ =	shalt  }
0x56: {  	_ =	shalt  }
0x57: {  	_ =	shalt  }
0x58: {  	_ =	shalt  }
0x59: {  	_ =	shalt  }
0x5a: {  	_ =	shalt  }
0x5b: {  	_ =	shalt  }
0x5c: {  	_ =	shalt  }
0x5d: {  	_ =	shalt  }
0x5e: {  	_ =	shalt  }
0x5f: {  	_ =	shalt  }
0x60: {  	_ =	shalt  }
0x61: {  	_ =	shalt  }
0x62: {  	_ =	shalt  }
0x63: {  	_ =	shalt  }
0x64: {  	_ =	shalt  }
0x65: {  	_ =	shalt  }
0x66: {  	_ =	shalt  }
0x67: {  	_ =	shalt  }
0x68: {  	_ =	shalt  }
0x69: {  	_ =	shalt  }
0x6a: {  	_ =	shalt  }
0x6b: {  	_ =	shalt  }
0x6c: {  	_ =	shalt  }
0x6d: {  	_ =	shalt  }
0x6e: {  	_ =	shalt  }
0x6f: {  	_ =	shalt  }
0x70: {  	_ =	shalt  }
0x71: {  	_ =	shalt  }
0x72: {  	_ =	shalt  }
0x73: {  	_ =	shalt  }
0x74: {  	_ =	shalt  }
0x75: {  	_ =	shalt  }
0x76: {  	_ =	shalt  }
0x77: {  	_ =	shalt  }
0x78: {  	_ =	shalt  }
0x79: {  	_ =	shalt  }
0x7a: {  	_ =	shalt  }
0x7b: {  	_ =	shalt  }
0x7c: {  	_ =	shalt  }
0x7d: {  	_ =	shalt  }
0x7e: {  	_ =	shalt  }
0x7f: {  	_ =	shalt  }
0x80: {  	_ =	shalt  }
0x81: {  	_ =	shalt  }
0x82: {  	_ =	shalt  }
0x83: {  	_ =	shalt  }
0x84: {  	_ =	shalt  }
0x85: {  	_ =	shalt  }
0x86: {  	_ =	shalt  }
0x87: {  	_ =	shalt  }
.Lfunc_end0:
.L_simem_size_0:
called_computation_lowered:
.L_overlay_start_0:
0x88: {  	s2 =	sld [smem:$0x3FD9]  }
0x89: {  	s3 =	sld [smem:$0x3FFE];
	_ =	sdelay $0x1  }
0x8a: {  	s1 =	srdreg.scid  }
0x8b: {  	s0 =	sand.u32 $0x1, s1  }
0x8c: {  	s17 =	sshll.u32 s0, $0xA;
	s2 =	sadd.s32 s3, s2  }
0x8d: {  	s2 =	sadd.s32 s2, s17  }
0x8e: {  	[smem:$0x3FBE] =	sst s2  }
0x8f: {  	_ = 	snop  }
0x90: {  	(tm) =	ssettm $0x1  }
0x91: {  	s18 =	sld [smem:$0x3FFB];
	_ =	sdelay $0x3  }
0x92: {  	_ =	strace s18  }
0x93: {  	s2 =	sld [smem:$0x3FFC];
	_ =	sdelay $0x3  }
0x94: {  	_ =	strace s2  }
0x95: {  	s2 =	sld [smem:$0x3FFD];
	_ =	sdelay $0x3  }
0x96: {  	_ =	strace s2  }
0x97: {  	_ =	strace $0x8FFFFFFF  }
0x98: {  	s19 =	sld [smem:$0x3FDB];
	_ =	sdelay $0x1  }
0x99: {  	s20 =	simm.s32 $_scs_section_size  }
0x9a: {  	s4 =	simm.s32 $_size__tile_overlayer_lowered;
	s5 =	simm.s32 $_tile_overlayer_lowered  }
0x9b: {  	s6 =	simm.s32 $0x1BFF;
	s21 =	sshll.u32 s5, $0x1;
	s3 =	sadd.s32 s20, s19  }
0x9c: {  	s22 =	simm.s32 $0x0;
	s4 =	sshll.u32 s4, $0x1;
	s5 =	sadd.s32 s21, s3  }
0x9d: {  	[timem:s22], [sflag:s6] =	dma.local [hbm:s5], s4  }
0x9e: {  	_ =	swait.ge [sflag:s6], s4  }
0x9f: {  	s4 =	ssub.s32 $0x0, s4;
	[sflag:s6] =	ssyncset.done $0x0  }
0xa0: {  	[sflag:s6] =	ssyncadd.s32 s4;
	_ =	sdelay $0x1  }
0xa1: {  	s23 =	simm.s32 $0x1B8B  }
0xa2: {  	_ =	swait.ge [sflag:s23], $0x1  }
0xa3: {  	[sflag:s23] =	ssyncset.done $0x0  }
0xa4: {  	[sflag:s23] =	ssyncadd.s32 $0xFFFFFFFF  }
0xa5: {  	s4 =	sld [smem:$0x0]  }
0xa6: {  	s5 =	sand.u32 $0xFFFFFFFE, s1  }
0xa7: {  	p0 =	sne.s32 s1, s5  }
0xa8: {  	s5 =	sshll.u32 @p0 s5, $0xE  }
0xa9: {  	s5 =	sadd.s32 @p0 $0x11B8D, s5;
	s6 =	sshll.u32 @p0 s4, $0x11  }
0xaa: {  	s5 =	sor.u32 @p0 s6, s5  }
0xab: {  	[sflag:s5] =	ssyncadd.remote.s32 @p0 $0x1;
	_ =	sdelay $0x1  }
0xac: {  	s5 =	simm.s32 @p0 $0x1B8D  }
0xad: {  	_ =	swait.eq @p0 [sflag:s5], $0x1  }
0xae: {  	[sflag:s5] =	ssyncadd.s32 @p0 $0xFFFFFFFF  }
0xaf: {  	s6 =	sshll.u32 @!p0 s1, $0xE  }
0xb0: {  	s6 =	sor.u32 @!p0 $0x4000, s6;
	s5 =	simm.s32 @!p0 $0x1B8D  }
0xb1: {  	s4 =	sshll.u32 @!p0 s4, $0x11;
	s6 =	sadd.s32 @!p0 $0x11B8D, s6;
	_ =	swait.eq @!p0 [sflag:s5], $0x1  }
0xb2: {  	s4 =	sor.u32 @!p0 s4, s6;
	[sflag:s5] =	ssyncadd.s32 @!p0 $0xFFFFFFFF  }
0xb3: {  	s25 =	simm.s32 $0x1B8E;
	s24 =	sld [smem:$0x3FFE];
	[sflag:s4] =	ssyncadd.remote.s32 @!p0 $0x1  }
0xb4: {  	s26 =	simm.s32 $execute0_lowered;
	[smem:$0x3FD2] =	sst s25  }
0xb5: {  	s5 =	sshll.u32 s26, $0x1;
	_ =	strace $0x80000052;
	[dreg:$0x1] =	wrdreg $0xFFFFFFFF  }
0xb6: {  	s28 =	simm.s32 $_size_execute0_lowered;
	s3 =	sadd.s32 s3, s5;
	[dreg:$0x0] =	wrdreg $0x0  }
0xb7: {  	s5 =	sshll.u32 s28, $0x1;
	[dreg:$0x2] =	wrdreg s3  }
0xb8: {  	[dreg:$0x3] =	wrdreg s5  }
0xb9: {  	[dreg:$0x4] =	wrdreg $0xC0  }
0xba: {  	_ =	task [dreg:s22], $0x5FFFF  }
0xbb: {  	[dreg:$0x1] =	wrdreg $0xFFFFFFFF  }
0xbc: {  	[dreg:$0x0] =	wrdreg $0x60  }
0xbd: {  	[dreg:$0x2] =	wrdreg s24  }
0xbe: {  	[dreg:$0x3] =	wrdreg $0x9  }
0xbf: {  	_ =	task.clear_ibuf [dreg:s22], $0x4FFFF;
	_ =	strace $0x90000052  }
0xc0: {  	s29 =	simm.s32 $0x9;
	_ =	strace $0x8000005D  }
0xc1: {  	_ =	swait.ge [sflag:s29], $0x1  }
0xc2: {  	[sflag:s29] =	ssyncadd.s32 $0xFFFFFFFF  }
0xc3: {  	_ =	strace $0x9000005D  }
0xc4: {  	_ =	sfence  }
0xc5: {  	s30 =	sld [smem:$0x0];
	_ =	sdelay $0x2  }
0xc6: {  	s31 =	sshll.u32 s1, $0xD;
	s1 =	sshrl.u32 s1, $0x2  }
0xc7: {  	s4 =	sand.u32 $0x4000, s31;
	s1 =	sadd.s32 s1, s30  }
0xc8: {  	s0 =	sor.u32 s4, s0;
	s1 =	sshll.u32 s1, $0x11  }
0xc9: {  	s0 =	sor.u32 s1, s0  }
0xca: {  	s0 =	sadd.s32 $0x8F2B, s0  }
0xcb: {  	[sflag:s0] =	ssyncadd.remote.s32 $0x1  }
0xcc: {  	_ =	sfence.sel $0xFFFF  }
0xcd: {  	[dreg:$0x0] =	wrdreg $0xFFFFFFFF;
	(pc) =	sbr.abs _section_cstart, $3  }
0xce: {  	[dreg:$0x1] =	wrdreg $0xFFFFFFFF  }
0xcf: {  	_ =	task.clear_ibuf [dreg:s22], $0x2FFFF;
	_ =	strace $0x9FFFFFFF  }
0xd0: {  	(tm) =	ssettm $0x7FFFFFFF  }
0xd1: {  	_ =	shalt  }
tec
execute0_lowered:
.L_overlay_start_1:
0x0: {  	(tag) =	ssettag $0x1  }
0x1: {  	s7 =	rddreg [dreg:$0x0];
	s1 =	simm.s32 $0x0;
	s3 =	srdreg.scid  }
0x2: {  	s12 =	simm.s32 $0x1;
	s13 =	simm.s32 $0x0;
	[smem:$0x7FF] =	sst s1  }
0x3: {  	s2 =	sadd.s32 $0xC3400, s7;
	s4 =	sadd.s32 $0x9200, s7;
	s5 =	sadd.s32 $0x15BD600, s7  }
0x4: {  	s6 =	sand.u32 $0x1, s3;
	s3 =	stileid.u32;
	_ =	strace $0x80000053  }
0x5: {  	s8 =	ssub.s32 $0x2, s6;
	s9 =	sshll.u32 s6, $0x4;
	s6 =	sadd.s32 $0x19BD600, s7  }
0x6: {  	s7 =	sadd.s32 $0x1DBD600, s7;
	s10 =	sshrl.u32 s8, $0x1;
	s9 =	sor.u32 s3, s9  }
0x7: {  	s10 =	ssub.s32 s8, s10;
	s11 =	sshll.u32 s9, $0x11;
	s8 =	sshll.u32 s9, $0xB  }
0x8: {  	s9 =	sadd.s32 s5, s11;
	s10 =	smax.u32 s10, $0x1;
	s11 =	simm.s32 $0x80  }
.LBB2_1:
0x9: {  	_ =	strace $0x80000054  }
0xa: {  	s15 =	simm.s32 $0x800;
	s22 =	simm.s32 $0x0;
	s14 =	simm.s32 $0x0  }
0xb: {  	s16 =	simm.s32 $0x0;
	s20 =	simm.s32 $0x0;
	s17 =	simm.s32 $0x0  }
0xc: {  	[tilespmem:s1], [sflag:$0x2] =	stream.linear.gather [hbm4b:s9+s1], $0x200, $0x200038;
	[tilespmem:$0xC00] =	vst v63  }
0xd: {  	s18 =	simm.s32 $0x0;
	s19 =	simm.s32 $0x1;
	_ =	strace $0x90000054  }
.LBB2_2:
0xe: {  	s21 =	sadd.s32 $0x1, s22  }
0xf: {  	p0 =	seq.s32 s21, $0x800  }
0x10: {  	s21 =	simm.s32 @p0 $0x0  }
0x11: {  	p1 =	sne.s32 s15, $0x1;
	p0 =	sne.s32 s22, s21  }
0x12: {  	p0 =	por !p1, !p0  }
0x13: {  	p0 =	por !p0, !p0  }
0x14: {  	s23 =	sadd.s32 @p0 s8, s21  }
0x15: {  	s24 =	sshll.u32 @p0 s21, $0x9;
	s23 =	sshll.u32 @p0 s23, $0x9  }
0x16: {  	s24 =	sand.u32 @p0 $0x200, s24;
	s23 =	sand.u32 @p0 $0xFFFFFC00, s23  }
0x17: {  	_ =	strace @p0 $0x80000055;
	s23 =	sor.u32 @p0 s24, s23  }
0x18: {  	s26 =	simm.s32 @p0 $0x0;
	s24 =	sand.u32 @p0 $0x1, s19;
	s23 =	sshrl.u32 @p0 s23, $0x3  }
0x19: {  	s25 =	sshll.u32 @p0 s24, $0x9;
	s24 =	sor.u32 @p0 $0x2, s24;
	s23 =	sadd.s32 @p0 s5, s23  }
0x1a: {  	[tilespmem:s25], [sflag:s24] =	stream.linear.gather @p0 [hbm4b:s23+s26], $0x200, $0x200038;
	[tilespmem:$0xC00] =	vst v63  }
0x1b: {  	s29 =	sand.u32 $0x1, s18;
	_ =	strace @p0 $0x90000055  }
0x1c: {  	s23 =	sor.u32 $0x2, s29;
	_ =	strace $0x80000056  }
0x1d: {  	_ =	swait.ge [sflag:s23], $0x200  }
0x1e: {  	s30 =	sshll.u32 s18, $0x9;
	[sflag:s23] =	ssyncset.done $0x0  }
0x1f: {  	s24 =	sand.u32 $0x1, s17;
	s29 =	sand.u32 $0x200, s30;
	[sflag:s23] =	ssyncadd.s32 $0xFFFFFE00  }
0x20: {  	s28 =	sshll.u32 s24, $0x9;
	s23 =	sand.u32 $0x1, s16;
	_ =	strace $0x90000056  }
0x21: {  	s26 =	sor.u32 $0x400, s28;
	s30 =	sshll.u32 s23, $0x9;
	_ =	strace $0x80000057  }
0x22: {  	[tilespmem:s26], [sflag:$0x1] =	stream.indirect.gather [hbm4b:s2+s11], $0x1, s29, s11, $0x2000b8;
	[tilespmem:$0xC00] =	vst v63  }
0x23: {  	s25 =	sor.u32 $0x800, s30  }
0x24: {  	[tilespmem:s25], [sflag:$0x1] =	stream.indirect.gather [hbm4b:s4+s11], $0x1, s29, s11, $0x2000b8;
	[tilespmem:$0xC00] =	vst v63  }
0x25: {  	s0 =	sor.u32 $0x80, s29;
	s31 =	sor.u32 $0x480, s28  }
0x26: {  	[tilespmem:s31], [sflag:$0x1] =	stream.indirect.gather [hbm4b:s2+s11], $0x1, s0, s11, $0x2000b8;
	[tilespmem:$0xC00] =	vst v63  }
0x27: {  	s31 =	sor.u32 $0x880, s30  }
0x28: {  	[tilespmem:s31], [sflag:$0x1] =	stream.indirect.gather [hbm4b:s4+s11], $0x1, s0, s11, $0x2000b8;
	[tilespmem:$0xC00] =	vst v63  }
0x29: {  	s0 =	sor.u32 $0x500, s28;
	s31 =	sor.u32 $0x100, s29  }
0x2a: {  	[tilespmem:s0], [sflag:$0x1] =	stream.indirect.gather [hbm4b:s2+s11], $0x1, s31, s11, $0x2000b8;
	[tilespmem:$0xC00] =	vst v63  }
0x2b: {  	s0 =	sor.u32 $0x900, s30  }
0x2c: {  	[tilespmem:s0], [sflag:$0x1] =	stream.indirect.gather [hbm4b:s4+s11], $0x1, s31, s11, $0x2000b8;
	[tilespmem:$0xC00] =	vst v63  }
0x2d: {  	s29 =	sor.u32 $0x180, s29;
	s31 =	sor.u32 $0x580, s28  }
0x2e: {  	[tilespmem:s31], [sflag:$0x1] =	stream.indirect.gather [hbm4b:s2+s11], $0x1, s29, s11, $0x2000b8;
	[tilespmem:$0xC00] =	vst v63  }
0x2f: {  	s31 =	sor.u32 $0x980, s30  }
0x30: {  	[tilespmem:s31], [sflag:$0x1] =	stream.indirect.gather [hbm4b:s4+s11], $0x1, s29, s11, $0x2000b8;
	[tilespmem:$0xC00] =	vst v63  }
0x31: {  	_ =	swait.ge [sflag:s12], $0x80  }
0x32: {  	[sflag:s12] =	ssyncset.done $0x0  }
0x33: {  	[sflag:s12] =	ssyncadd.s32 $0xFFFFFF80  }
0x34: {  	_ =	swait.ge [sflag:s12], $0x80  }
0x35: {  	[sflag:s12] =	ssyncset.done $0x0  }
0x36: {  	[sflag:s12] =	ssyncadd.s32 $0xFFFFFF80  }
0x37: {  	_ =	swait.ge [sflag:s12], $0x80  }
0x38: {  	[sflag:s12] =	ssyncset.done $0x0  }
0x39: {  	[sflag:s12] =	ssyncadd.s32 $0xFFFFFF80  }
0x3a: {  	_ =	swait.ge [sflag:s12], $0x80  }
0x3b: {  	[sflag:s12] =	ssyncset.done $0x0  }
0x3c: {  	[sflag:s12] =	ssyncadd.s32 $0xFFFFFF80  }
0x3d: {  	_ =	swait.ge [sflag:s12], $0x80  }
0x3e: {  	[sflag:s12] =	ssyncset.done $0x0  }
0x3f: {  	[sflag:s12] =	ssyncadd.s32 $0xFFFFFF80  }
0x40: {  	_ =	swait.ge [sflag:s12], $0x80  }
0x41: {  	[sflag:s12] =	ssyncset.done $0x0  }
0x42: {  	p1 =	seq.s32 s15, $0x1;
	[sflag:s12] =	ssyncadd.s32 $0xFFFFFF80  }
0x43: {  	p2 =	seq.s32 @!p1 s22, s21;
	_ =	swait.ge [sflag:s12], $0x80  }
0x44: {  	p1 =	por p1, !p2;
	[sflag:s12] =	ssyncset.done $0x0  }
0x45: {  	s0 =	sadd.s32 @p1 s8, s22;
	[sflag:s12] =	ssyncadd.s32 $0xFFFFFF80  }
0x46: {  	s22 =	sshll.u32 @p1 s22, $0x9;
	s0 =	sshll.u32 @p1 s0, $0x9;
	_ =	swait.ge [sflag:s12], $0x80  }
0x47: {  	s22 =	sand.u32 @p1 $0x200, s22;
	s0 =	sand.u32 @p1 $0xFFFFFC00, s0;
	[sflag:s12] =	ssyncset.done $0x0  }
0x48: {  	s0 =	sor.u32 @p1 s22, s0;
	[sflag:s12] =	ssyncadd.s32 $0xFFFFFF80  }
0x49: {  	s0 =	sshrl.u32 @p1 s0, $0x3;
	_ =	strace $0x90000057  }
0x4a: {  	s22 =	sor.u32 @p1 $0x4, s24;
	s24 =	sadd.s32 @p1 s6, s0;
	_ =	strace @p1 $0x80000058  }
0x4b: {  	[hbm4b:s24+s1] =	stream.linear.scatter @p1 [tilespmem:s26], [sflag:s22], $0x200, $0x200038;
	[tilespmem:$0xC00] =	vst v63  }
0x4c: {  	s17 =	sadd.s32 @p1 $0x1, s17;
	s28 =	simm.s32 $0x0;
	_ =	strace @p1 $0x90000058  }
0x4d: {  	s0 =	sadd.s32 @p1 s7, s0;
	s22 =	sor.u32 @p1 $0x6, s23;
	_ =	strace @p1 $0x80000059  }
0x4e: {  	[hbm4b:s0+s1] =	stream.linear.scatter @p1 [tilespmem:s25], [sflag:s22], $0x200, $0x200038;
	[tilespmem:$0xC00] =	vst v63  }
0x4f: {  	s28 =	simm.s32 @p1 $0x1;
	_ =	strace @p1 $0x90000059;
	p1 =	seq.s32 s15, $0x800  }
0x50: {  	s0 =	sand.u32 @!p1 $0x1, s20  }
0x51: {  	_ =	strace @!p1 $0x8000005A;
	s0 =	sor.u32 @!p1 $0x4, s0  }
0x52: {  	_ =	swait.ge @!p1 [sflag:s0], $0x200  }
0x53: {  	s22 =	simm.s32 $0x1;
	[sflag:s0] =	ssyncset.done @!p1 $0x0  }
0x54: {  	s22 =	simm.s32 @!p0 $0x0;
	[sflag:s0] =	ssyncadd.s32 @!p1 $0xFFFFFE00  }
0x55: {  	s15 =	sadd.s32 $0xFFFFFFFF, s15;
	s0 =	sand.u32 @!p1 $0x1, s14;
	_ =	strace @!p1 $0x9000005A  }
0x56: {  	p0 =	sne.s32 s15, $0x0;
	s0 =	sor.u32 @!p1 $0x6, s0;
	_ =	strace @!p1 $0x8000005B  }
.Ltmp0:
0x57: {  	s16 =	sadd.s32 s16, s28;
	_ =	swait.ge @!p1 [sflag:s0], $0x200;
	(pc) =	sbr.rel @p0 .LBB2_2-.Ltmp0, $4  }
0x58: {  	s18 =	sadd.s32 s18, s28;
	s19 =	sadd.s32 s22, s19;
	[sflag:s0] =	ssyncset.done @!p1 $0x0  }
0x59: {  	s23 =	sadd.s32 @!p1 $0x1, s20;
	[sflag:s0] =	ssyncadd.s32 @!p1 $0xFFFFFE00;
	s0 =	simm.s32 @!p1 $0x1  }
0x5a: {  	s22 =	smov.u32 s21;
	s23 =	smov.u32 @p1 s20;
	s0 =	simm.s32 @p1 $0x0  }
0x5b: {  	s20 =	smov.u32 s23;
	_ =	strace @!p1 $0x9000005B;
	s14 =	sadd.s32 s14, s0  }
0x5c: {  	s0 =	sand.u32 $0x1, s23  }
0x5d: {  	_ =	strace $0x8000005C;
	s0 =	sor.u32 $0x4, s0  }
0x5e: {  	s13 =	sadd.s32 $0x1, s13;
	_ =	swait.ge [sflag:s0], $0x200  }
0x5f: {  	s14 =	sand.u32 $0x1, s14;
	p0 =	sne.s32 s13, s10;
	[sflag:s0] =	ssyncset.done $0x0  }
.Ltmp1:
0x60: {  	s31 =	sor.u32 $0x6, s14;
	[sflag:s0] =	ssyncadd.s32 $0xFFFFFE00;
	(pc) =	sbr.rel @p0 .LBB2_1-.Ltmp1, $4  }
0x61: {  	_ =	swait.ge [sflag:s31], $0x200  }
0x62: {  	[sflag:s31] =	ssyncset.done $0x0  }
0x63: {  	[sflag:s31] =	ssyncadd.s32 $0xFFFFFE00  }
0x64: {  	_ =	strace $0x9000005C  }
0x65: {  	_ =	sfence.sel $0x180000  }
0x66: {  	[bflag:$0x0] =	sbarrier.arrive $0xFFFF  }
0x67: {  	_ =	strace $0x90000053  }
0x68: {  	[bflag:$0x2] =	sbarrier.arrive $0xFFFF  }
0x69: {  	p0 =	sne.s32 s3, $0x0;
	s0 =	rddreg [dreg:$0x1]  }
0x6a: {  	s0 =	sadd.s32 @!p0 $0x100000, s0  }
0x6b: {  	[sflag:s0] =	ssyncadd.tile.s32 @!p0 $0x1;
	_ =	shalt  }
.Lfunc_end2:
_tile_overlayer_lowered:
.L_overlay_start_2:
0x6c: {  	(tag) =	ssettag $0x2  }
0x6d: {  	s0 =	rddreg [dreg:$0x0];
	s2 =	stileid.u32  }
0x6e: {  	s1 =	rddreg [dreg:$0x1];
	p0 =	sne.s32 s2, $0x0  }
0x6f: {  	s3 =	rddreg [dreg:$0x2];
	[bflag:$0x3] =	sbarrier.arrive $0xFFFF;
	s2 =	simm.s32 @!p0 $0x1C02  }
0x70: {  	[timem:s3], [sflag:s2] =	dma.local @!p0 [hbm:s0], s1  }
0x71: {  	s0 =	simm.s32 @!p0 $0x2  }
0x72: {  	_ =	swait.ge @!p0 [sflag:s0], s1  }
0x73: {  	s1 =	ssub.s32 @!p0 $0x0, s1;
	[sflag:s0] =	ssyncset.done @!p0 $0x0  }
0x74: {  	[sflag:s0] =	ssyncadd.s32 @!p0 s1  }
0x75: {  	[bflag:$0x3] =	sbarrier.arrive $0xFFFF  }
0x76: {  	_ =	shalt  }

// kernel: kernel.17.cloned.1.call-start
scs
__scs_entry_jumppad:
0x0: {  	(pc) =	sbr.rel $0x88, $3  }
0x1: {  	(tag) =	ssettag $0x0;
	lr =	simm.s32 $0x1  }
0x2: {  	[smem:$0x3F97] =	sst lr;
	_ =	strace $0xD0000000  }
0x3: {  	_ = 	snop  }
0x4: {  	_ = 	snop  }
0x5: {  	_ = 	snop  }
0x6: {  	_ = 	snop  }
0x7: {  	_ = 	snop  }
__scs_overlays_trampoline_lowered:
0x8: {  	[smem:$0x3FA6] =	sst s0  }
0x9: {  	[smem:$0x3FA7] =	sst s1  }
0xa: {  	[smem:$0x3FA8] =	sst s2  }
0xb: {  	[smem:$0x3FA9] =	sst s3  }
0xc: {  	[smem:$0x3FAA] =	sst s4  }
0xd: {  	[smem:$0x3FAB] =	sst s5  }
0xe: {  	[smem:$0x3FAC] =	sst s6  }
0xf: {  	[smem:$0x3FAD] =	sst s7  }
0x10: {  	[smem:$0x3FAE] =	sst s8  }
0x11: {  	[smem:$0x3FAF] =	sst s9;
	s0 =	simm.s32 @!p0 $0x0  }
0x12: {  	s1 =	sld [smem:$0x3F95];
	s0 =	simm.s32 @p0 $0x1  }
0x13: {  	[smem:$0x3FB0] =	sst s0;
	s0 =	simm.s32 @!p1 $0x0  }
0x14: {  	s2 =	sld [smem:$0x3F94];
	s0 =	simm.s32 @p1 $0x1  }
0x15: {  	[smem:$0x3FB1] =	sst s0;
	s0 =	simm.s32 @!p2 $0x0  }
0x16: {  	s3 =	sld [smem:$0x3FDB];
	s0 =	simm.s32 @p2 $0x1  }
0x17: {  	s4 =	simm.s32 $0x1BF5;
	[smem:$0x3FB3] =	sst s0  }
0x18: {  	s0 =	sld [smem:$0x3F96];
	_ =	swait.ge [sflag:s4], $0x0  }
0x19: {  	s7 =	sld [smem:$0x3F97]  }
0x1a: {  	s8 =	sadd.s32 $0xFFFFE003, lr  }
0x1b: {  	s9 =	sadd.s32 $0xFFFFFEF7, lr;
	s5 =	simm.s32 $0xFFFFFFFF;
	p2 =	slt.u32 s8, $0xFFFFF086  }
0x1c: {  	p1 =	slt.u32 s9, $0xF7A;
	s5 =	simm.s32 @!p2 $0x0  }
0x1d: {  	s5 =	simm.s32 @p1 $0x1;
	p0 =	seq.s32 s7, s2  }
0x1e: {  	s7 =	smul.u32 @!p0 $0xF7A, s2;
	p2 =	seq.s32 @!p0 s5, $0x0  }
0x1f: {  	s9 =	smul.u32 $0xF7A, s1;
	s8 =	simm.s32 @!p0 $0x1BF5;
	p2 =	por !p2, p0  }
0x20: {  	[sflag:s8] =	ssyncset.s32 @!p0 $0xFFFFF086;
	s6 =	sadd.s32 @!p0 s3, s7;
	s7 =	simm.s32 @!p0 $0x108  }
0x21: {  	s3 =	sadd.s32 s3, s9;
	s6 =	sadd.s32 @!p0 $0x88, s6;
	s7 =	simm.s32 @p2 $0x1082  }
0x22: {  	[simem:s7], [sflag:s8] =	dma.local @!p0 [hbm:s6], $0xF7A  }
0x23: {  	s9 =	sor.u32 $0xD0000000, s2;
	s6 =	simm.s32 $0x108;
	_ =	swait.ge @!p0 [sflag:s8], $0x0  }
0x24: {  	s3 =	sadd.s32 $0x88, s3;
	s6 =	simm.s32 @!p1 $0x1082;
	[sflag:s4] =	ssyncset.s32 $0xFFFFF086  }
0x25: {  	[simem:s6], [sflag:s4] =	dma.local [hbm:s3], $0xF7A  }
0x26: {  	[smem:$0x3F97] =	sst s1;
	(tag) =	ssettag s2;
	_ =	strace s9  }
0x27: {  	s1 =	sld [smem:$0x3FA7]  }
0x28: {  	s2 =	sld [smem:$0x3FA8]  }
0x29: {  	s4 =	sld [smem:$0x3FAA]  }
0x2a: {  	p0 =	seq.s32 s5, $0x0;
	s5 =	sld [smem:$0x3FAB]  }
0x2b: {  	s6 =	sld [smem:$0x3FAC]  }
0x2c: {  	s7 =	sld [smem:$0x3FAD]  }
0x2d: {  	s3 =	simm.s32 $0x108;
	s8 =	sld [smem:$0x3FAE]  }
0x2e: {  	s3 =	simm.s32 @!p0 $0x1082;
	s9 =	sld [smem:$0x3FAF]  }
0x2f: {  	lr =	sadd.s32 s0, s3;
	s0 =	sld [smem:$0x3FA6]  }
0x30: {  	s3 =	sld [smem:$0x3FA9]  }
0x31: {  	[smem:$0x3FB2] =	sst s10  }
0x32: {  	s10 =	sld [smem:$0x3FB0];
	_ =	sdelay $0x3  }
0x33: {  	p0 =	seq.s32 s10, $0x1;
	s10 =	sld [smem:$0x3FB2];
	_ =	sdelay $0x3  }
0x34: {  	[smem:$0x3FB2] =	sst s10  }
0x35: {  	s10 =	sld [smem:$0x3FB1];
	_ =	sdelay $0x3  }
0x36: {  	p1 =	seq.s32 s10, $0x1;
	s10 =	sld [smem:$0x3FB2];
	_ =	sdelay $0x3  }
0x37: {  	[smem:$0x3FB2] =	sst s10  }
0x38: {  	s10 =	sld [smem:$0x3FB3]  }
0x39: {  	_ = 	snop;
	(pc) =	sbr.ind lr, $3  }
0x3a: {  	_ = 	snop  }
0x3b: {  	_ = 	snop  }
0x3c: {  	p2 =	seq.s32 s10, $0x1;
	s10 =	sld [smem:$0x3FB2]  }
0x3d: {  	_ =	shalt  }
0x3e: {  	_ =	shalt  }
0x3f: {  	_ =	shalt  }
0x40: {  	_ =	shalt  }
0x41: {  	_ =	shalt  }
0x42: {  	_ =	shalt  }
0x43: {  	_ =	shalt  }
0x44: {  	_ =	shalt  }
0x45: {  	_ =	shalt  }
0x46: {  	_ =	shalt  }
0x47: {  	_ =	shalt  }
0x48: {  	_ =	shalt  }
0x49: {  	_ =	shalt  }
0x4a: {  	_ =	shalt  }
0x4b: {  	_ =	shalt  }
0x4c: {  	_ =	shalt  }
0x4d: {  	_ =	shalt  }
0x4e: {  	_ =	shalt  }
0x4f: {  	_ =	shalt  }
0x50: {  	_ =	shalt  }
0x51: {  	_ =	shalt  }
0x52: {  	_ =	shalt  }
0x53: {  	_ =	shalt  }
0x54: {  	_ =	shalt  }
0x55: {  	_ =	shalt  }
0x56: {  	_ =	shalt  }
0x57: {  	_ =	shalt  }
0x58: {  	_ =	shalt  }
0x59: {  	_ =	shalt  }
0x5a: {  	_ =	shalt  }
0x5b: {  	_ =	shalt  }
0x5c: {  	_ =	shalt  }
0x5d: {  	_ =	shalt  }
0x5e: {  	_ =	shalt  }
0x5f: {  	_ =	shalt  }
0x60: {  	_ =	shalt  }
0x61: {  	_ =	shalt  }
0x62: {  	_ =	shalt  }
0x63: {  	_ =	shalt  }
0x64: {  	_ =	shalt  }
0x65: {  	_ =	shalt  }
0x66: {  	_ =	shalt  }
0x67: {  	_ =	shalt  }
0x68: {  	_ =	shalt  }
0x69: {  	_ =	shalt  }
0x6a: {  	_ =	shalt  }
0x6b: {  	_ =	shalt  }
0x6c: {  	_ =	shalt  }
0x6d: {  	_ =	shalt  }
0x6e: {  	_ =	shalt  }
0x6f: {  	_ =	shalt  }
0x70: {  	_ =	shalt  }
0x71: {  	_ =	shalt  }
0x72: {  	_ =	shalt  }
0x73: {  	_ =	shalt  }
0x74: {  	_ =	shalt  }
0x75: {  	_ =	shalt  }
0x76: {  	_ =	shalt  }
0x77: {  	_ =	shalt  }
0x78: {  	_ =	shalt  }
0x79: {  	_ =	shalt  }
0x7a: {  	_ =	shalt  }
0x7b: {  	_ =	shalt  }
0x7c: {  	_ =	shalt  }
0x7d: {  	_ =	shalt  }
0x7e: {  	_ =	shalt  }
0x7f: {  	_ =	shalt  }
0x80: {  	_ =	shalt  }
0x81: {  	_ =	shalt  }
0x82: {  	_ =	shalt  }
0x83: {  	_ =	shalt  }
0x84: {  	_ =	shalt  }
0x85: {  	_ =	shalt  }
0x86: {  	_ =	shalt  }
0x87: {  	_ =	shalt  }
.Lfunc_end0:
.L_simem_size_0:
called_computation.1_lowered:
.L_overlay_start_0:
0x88: {  	s2 =	sld [smem:$0x3FD9]  }
0x89: {  	s3 =	sld [smem:$0x3FFE];
	_ =	sdelay $0x1  }
0x8a: {  	s1 =	srdreg.scid  }
0x8b: {  	s0 =	sand.u32 $0x1, s1  }
0x8c: {  	s16 =	sshll.u32 s0, $0xA;
	s2 =	sadd.s32 s3, s2  }
0x8d: {  	s2 =	sadd.s32 s2, s16  }
0x8e: {  	[smem:$0x3FBE] =	sst s2  }
0x8f: {  	_ = 	snop  }
0x90: {  	(tm) =	ssettm $0x1  }
0x91: {  	s17 =	sld [smem:$0x3FFB];
	_ =	sdelay $0x3  }
0x92: {  	_ =	strace s17  }
0x93: {  	s2 =	sld [smem:$0x3FFC];
	_ =	sdelay $0x3  }
0x94: {  	_ =	strace s2  }
0x95: {  	s2 =	sld [smem:$0x3FFD];
	_ =	sdelay $0x3  }
0x96: {  	_ =	strace s2  }
0x97: {  	_ =	strace $0x8FFFFFFF  }
0x98: {  	s18 =	sld [smem:$0x3FDB];
	_ =	sdelay $0x1  }
0x99: {  	s19 =	simm.s32 $_scs_section_size  }
0x9a: {  	s4 =	simm.s32 $_size__tile_overlayer_lowered;
	s5 =	simm.s32 $_tile_overlayer_lowered  }
0x9b: {  	s22 =	simm.s32 $0x1BFF;
	s21 =	sshll.u32 s5, $0x1;
	s2 =	sadd.s32 s19, s18  }
0x9c: {  	s6 =	simm.s32 $0x0;
	s20 =	sshll.u32 s4, $0x1;
	s4 =	sadd.s32 s21, s2  }
0x9d: {  	[timem:s6], [sflag:s22] =	dma.local [hbm:s4], s20  }
0x9e: {  	_ =	swait.ge [sflag:s22], s20  }
0x9f: {  	s3 =	ssub.s32 $0x0, s20;
	[sflag:s22] =	ssyncset.done $0x0  }
0xa0: {  	[sflag:s22] =	ssyncadd.s32 s3;
	_ =	sdelay $0x1  }
0xa1: {  	s23 =	simm.s32 $0x1B8B  }
0xa2: {  	_ =	swait.ge [sflag:s23], $0x1  }
0xa3: {  	[sflag:s23] =	ssyncset.done $0x0  }
0xa4: {  	s25 =	simm.s32 $0x1B8E;
	s24 =	sld [smem:$0x3FFE];
	[sflag:s23] =	ssyncadd.s32 $0xFFFFFFFF  }
0xa5: {  	s26 =	simm.s32 $execute0_lowered;
	[smem:$0x3FD2] =	sst s25  }
0xa6: {  	s4 =	sshll.u32 s26, $0x1;
	_ =	strace $0x80000046;
	[dreg:$0x1] =	wrdreg $0xFFFFFFFF  }
0xa7: {  	s28 =	simm.s32 $_size_execute0_lowered;
	s2 =	sadd.s32 s2, s4;
	[dreg:$0x0] =	wrdreg $0x0  }
0xa8: {  	s4 =	sshll.u32 s28, $0x1;
	[dreg:$0x2] =	wrdreg s2  }
0xa9: {  	[dreg:$0x3] =	wrdreg s4  }
0xaa: {  	[dreg:$0x4] =	wrdreg $0xC0  }
0xab: {  	_ =	task [dreg:s6], $0x5FFFF  }
0xac: {  	[dreg:$0x1] =	wrdreg $0xFFFFFFFF  }
0xad: {  	[dreg:$0x0] =	wrdreg $0x60  }
0xae: {  	[dreg:$0x2] =	wrdreg s24  }
0xaf: {  	[dreg:$0x3] =	wrdreg $0xA  }
0xb0: {  	_ =	task.clear_ibuf [dreg:s6], $0x4FFFF;
	_ =	strace $0x90000046  }
0xb1: {  	s29 =	simm.s32 $0xA;
	_ =	strace $0x80000051  }
0xb2: {  	_ =	swait.ge [sflag:s29], $0x1  }
0xb3: {  	[sflag:s29] =	ssyncadd.s32 $0xFFFFFFFF  }
0xb4: {  	_ =	strace $0x90000051  }
0xb5: {  	_ =	sfence  }
0xb6: {  	s30 =	sld [smem:$0x0];
	_ =	sdelay $0x2  }
0xb7: {  	s31 =	sshll.u32 s1, $0xD;
	s1 =	sshrl.u32 s1, $0x2  }
0xb8: {  	s3 =	sand.u32 $0x4000, s31;
	s1 =	sadd.s32 s1, s30  }
0xb9: {  	s0 =	sor.u32 s3, s0;
	s1 =	sshll.u32 s1, $0x11  }
0xba: {  	s0 =	sor.u32 s1, s0  }
0xbb: {  	s0 =	sadd.s32 $0x8F2B, s0  }
0xbc: {  	[sflag:s0] =	ssyncadd.remote.s32 $0x1  }
0xbd: {  	_ =	sfence.sel $0xFFFF  }
0xbe: {  	[dreg:$0x0] =	wrdreg $0xFFFFFFFF;
	(pc) =	sbr.abs _section_cstart, $3  }
0xbf: {  	[dreg:$0x1] =	wrdreg $0xFFFFFFFF  }
0xc0: {  	_ =	task.clear_ibuf [dreg:s6], $0x2FFFF;
	_ =	strace $0x9FFFFFFF  }
0xc1: {  	(tm) =	ssettm $0x7FFFFFFF  }
tec
execute0_lowered:
.L_overlay_start_1:
0x0: {  	(tag) =	ssettag $0x1  }
0x1: {  	s7 =	rddreg [dreg:$0x0];
	s1 =	simm.s32 $0x0;
	s3 =	srdreg.scid  }
0x2: {  	s12 =	simm.s32 $0x1;
	s13 =	simm.s32 $0x0;
	[smem:$0x7FF] =	sst s1  }
0x3: {  	s2 =	sadd.s32 $0xC3400, s7;
	s4 =	sadd.s32 $0x9200, s7;
	s5 =	sadd.s32 $0x5BD600, s7  }
0x4: {  	s6 =	sand.u32 $0x1, s3;
	s3 =	stileid.u32;
	_ =	strace $0x80000047  }
0x5: {  	s8 =	ssub.s32 $0x2, s6;
	s9 =	sshll.u32 s6, $0x4;
	s6 =	sadd.s32 $0x9BD600, s7  }
0x6: {  	s7 =	sadd.s32 $0xDBD600, s7;
	s10 =	sshrl.u32 s8, $0x1;
	s9 =	sor.u32 s3, s9  }
0x7: {  	s10 =	ssub.s32 s8, s10;
	s11 =	sshll.u32 s9, $0x11;
	s8 =	sshll.u32 s9, $0xB  }
0x8: {  	s9 =	sadd.s32 s5, s11;
	s10 =	smax.u32 s10, $0x1;
	s11 =	simm.s32 $0x80  }
.LBB2_1:
0x9: {  	_ =	strace $0x80000048  }
0xa: {  	s15 =	simm.s32 $0x800;
	s22 =	simm.s32 $0x0;
	s14 =	simm.s32 $0x0  }
0xb: {  	s16 =	simm.s32 $0x0;
	s20 =	simm.s32 $0x0;
	s17 =	simm.s32 $0x0  }
0xc: {  	[tilespmem:s1], [sflag:$0x2] =	stream.linear.gather [hbm4b:s9+s1], $0x200, $0x200038;
	[tilespmem:$0xC00] =	vst v63  }
0xd: {  	s18 =	simm.s32 $0x0;
	s19 =	simm.s32 $0x1;
	_ =	strace $0x90000048  }
.LBB2_2:
0xe: {  	s21 =	sadd.s32 $0x1, s22  }
0xf: {  	p0 =	seq.s32 s21, $0x800  }
0x10: {  	s21 =	simm.s32 @p0 $0x0  }
0x11: {  	p1 =	sne.s32 s15, $0x1;
	p0 =	sne.s32 s22, s21  }
0x12: {  	p0 =	por !p1, !p0  }
0x13: {  	p0 =	por !p0, !p0  }
0x14: {  	s23 =	sadd.s32 @p0 s8, s21  }
0x15: {  	s24 =	sshll.u32 @p0 s21, $0x9;
	s23 =	sshll.u32 @p0 s23, $0x9  }
0x16: {  	s24 =	sand.u32 @p0 $0x200, s24;
	s23 =	sand.u32 @p0 $0xFFFFFC00, s23  }
0x17: {  	_ =	strace @p0 $0x80000049;
	s23 =	sor.u32 @p0 s24, s23  }
0x18: {  	s26 =	simm.s32 @p0 $0x0;
	s24 =	sand.u32 @p0 $0x1, s19;
	s23 =	sshrl.u32 @p0 s23, $0x3  }
0x19: {  	s25 =	sshll.u32 @p0 s24, $0x9;
	s24 =	sor.u32 @p0 $0x2, s24;
	s23 =	sadd.s32 @p0 s5, s23  }
0x1a: {  	[tilespmem:s25], [sflag:s24] =	stream.linear.gather @p0 [hbm4b:s23+s26], $0x200, $0x200038;
	[tilespmem:$0xC00] =	vst v63  }
0x1b: {  	s29 =	sand.u32 $0x1, s18;
	_ =	strace @p0 $0x90000049  }
0x1c: {  	s23 =	sor.u32 $0x2, s29;
	_ =	strace $0x8000004A  }
0x1d: {  	_ =	swait.ge [sflag:s23], $0x200  }
0x1e: {  	s30 =	sshll.u32 s18, $0x9;
	[sflag:s23] =	ssyncset.done $0x0  }
0x1f: {  	s24 =	sand.u32 $0x1, s17;
	s29 =	sand.u32 $0x200, s30;
	[sflag:s23] =	ssyncadd.s32 $0xFFFFFE00  }
0x20: {  	s28 =	sshll.u32 s24, $0x9;
	s23 =	sand.u32 $0x1, s16;
	_ =	strace $0x9000004A  }
0x21: {  	s26 =	sor.u32 $0x400, s28;
	s30 =	sshll.u32 s23, $0x9;
	_ =	strace $0x8000004B  }
0x22: {  	[tilespmem:s26], [sflag:$0x1] =	stream.indirect.gather [hbm4b:s2+s11], $0x1, s29, s11, $0x2000b8;
	[tilespmem:$0xC00] =	vst v63  }
0x23: {  	s25 =	sor.u32 $0x800, s30  }
0x24: {  	[tilespmem:s25], [sflag:$0x1] =	stream.indirect.gather [hbm4b:s4+s11], $0x1, s29, s11, $0x2000b8;
	[tilespmem:$0xC00] =	vst v63  }
0x25: {  	s0 =	sor.u32 $0x80, s29;
	s31 =	sor.u32 $0x480, s28  }
0x26: {  	[tilespmem:s31], [sflag:$0x1] =	stream.indirect.gather [hbm4b:s2+s11], $0x1, s0, s11, $0x2000b8;
	[tilespmem:$0xC00] =	vst v63  }
0x27: {  	s31 =	sor.u32 $0x880, s30  }
0x28: {  	[tilespmem:s31], [sflag:$0x1] =	stream.indirect.gather [hbm4b:s4+s11], $0x1, s0, s11, $0x2000b8;
	[tilespmem:$0xC00] =	vst v63  }
0x29: {  	s0 =	sor.u32 $0x500, s28;
	s31 =	sor.u32 $0x100, s29  }
0x2a: {  	[tilespmem:s0], [sflag:$0x1] =	stream.indirect.gather [hbm4b:s2+s11], $0x1, s31, s11, $0x2000b8;
	[tilespmem:$0xC00] =	vst v63  }
0x2b: {  	s0 =	sor.u32 $0x900, s30  }
0x2c: {  	[tilespmem:s0], [sflag:$0x1] =	stream.indirect.gather [hbm4b:s4+s11], $0x1, s31, s11, $0x2000b8;
	[tilespmem:$0xC00] =	vst v63  }
0x2d: {  	s29 =	sor.u32 $0x180, s29;
	s31 =	sor.u32 $0x580, s28  }
0x2e: {  	[tilespmem:s31], [sflag:$0x1] =	stream.indirect.gather [hbm4b:s2+s11], $0x1, s29, s11, $0x2000b8;
	[tilespmem:$0xC00] =	vst v63  }
0x2f: {  	s31 =	sor.u32 $0x980, s30  }
0x30: {  	[tilespmem:s31], [sflag:$0x1] =	stream.indirect.gather [hbm4b:s4+s11], $0x1, s29, s11, $0x2000b8;
	[tilespmem:$0xC00] =	vst v63  }
0x31: {  	_ =	swait.ge [sflag:s12], $0x80  }
0x32: {  	[sflag:s12] =	ssyncset.done $0x0  }
0x33: {  	[sflag:s12] =	ssyncadd.s32 $0xFFFFFF80  }
0x34: {  	_ =	swait.ge [sflag:s12], $0x80  }
0x35: {  	[sflag:s12] =	ssyncset.done $0x0  }
0x36: {  	[sflag:s12] =	ssyncadd.s32 $0xFFFFFF80  }
0x37: {  	_ =	swait.ge [sflag:s12], $0x80  }
0x38: {  	[sflag:s12] =	ssyncset.done $0x0  }
0x39: {  	[sflag:s12] =	ssyncadd.s32 $0xFFFFFF80  }
0x3a: {  	_ =	swait.ge [sflag:s12], $0x80  }
0x3b: {  	[sflag:s12] =	ssyncset.done $0x0  }
0x3c: {  	[sflag:s12] =	ssyncadd.s32 $0xFFFFFF80  }
0x3d: {  	_ =	swait.ge [sflag:s12], $0x80  }
0x3e: {  	[sflag:s12] =	ssyncset.done $0x0  }
0x3f: {  	[sflag:s12] =	ssyncadd.s32 $0xFFFFFF80  }
0x40: {  	_ =	swait.ge [sflag:s12], $0x80  }
0x41: {  	[sflag:s12] =	ssyncset.done $0x0  }
0x42: {  	p1 =	seq.s32 s15, $0x1;
	[sflag:s12] =	ssyncadd.s32 $0xFFFFFF80  }
0x43: {  	p2 =	seq.s32 @!p1 s22, s21;
	_ =	swait.ge [sflag:s12], $0x80  }
0x44: {  	p1 =	por p1, !p2;
	[sflag:s12] =	ssyncset.done $0x0  }
0x45: {  	s0 =	sadd.s32 @p1 s8, s22;
	[sflag:s12] =	ssyncadd.s32 $0xFFFFFF80  }
0x46: {  	s22 =	sshll.u32 @p1 s22, $0x9;
	s0 =	sshll.u32 @p1 s0, $0x9;
	_ =	swait.ge [sflag:s12], $0x80  }
0x47: {  	s22 =	sand.u32 @p1 $0x200, s22;
	s0 =	sand.u32 @p1 $0xFFFFFC00, s0;
	[sflag:s12] =	ssyncset.done $0x0  }
0x48: {  	s0 =	sor.u32 @p1 s22, s0;
	[sflag:s12] =	ssyncadd.s32 $0xFFFFFF80  }
0x49: {  	s0 =	sshrl.u32 @p1 s0, $0x3;
	_ =	strace $0x9000004B  }
0x4a: {  	s22 =	sor.u32 @p1 $0x4, s24;
	s24 =	sadd.s32 @p1 s6, s0;
	_ =	strace @p1 $0x8000004C  }
0x4b: {  	[hbm4b:s24+s1] =	stream.linear.scatter @p1 [tilespmem:s26], [sflag:s22], $0x200, $0x200038;
	[tilespmem:$0xC00] =	vst v63  }
0x4c: {  	s17 =	sadd.s32 @p1 $0x1, s17;
	s28 =	simm.s32 $0x0;
	_ =	strace @p1 $0x9000004C  }
0x4d: {  	s0 =	sadd.s32 @p1 s7, s0;
	s22 =	sor.u32 @p1 $0x6, s23;
	_ =	strace @p1 $0x8000004D  }
0x4e: {  	[hbm4b:s0+s1] =	stream.linear.scatter @p1 [tilespmem:s25], [sflag:s22], $0x200, $0x200038;
	[tilespmem:$0xC00] =	vst v63  }
0x4f: {  	s28 =	simm.s32 @p1 $0x1;
	_ =	strace @p1 $0x9000004D;
	p1 =	seq.s32 s15, $0x800  }
0x50: {  	s0 =	sand.u32 @!p1 $0x1, s20  }
0x51: {  	_ =	strace @!p1 $0x8000004E;
	s0 =	sor.u32 @!p1 $0x4, s0  }
0x52: {  	_ =	swait.ge @!p1 [sflag:s0], $0x200  }
0x53: {  	s22 =	simm.s32 $0x1;
	[sflag:s0] =	ssyncset.done @!p1 $0x0  }
0x54: {  	s22 =	simm.s32 @!p0 $0x0;
	[sflag:s0] =	ssyncadd.s32 @!p1 $0xFFFFFE00  }
0x55: {  	s15 =	sadd.s32 $0xFFFFFFFF, s15;
	s0 =	sand.u32 @!p1 $0x1, s14;
	_ =	strace @!p1 $0x9000004E  }
0x56: {  	p0 =	sne.s32 s15, $0x0;
	s0 =	sor.u32 @!p1 $0x6, s0;
	_ =	strace @!p1 $0x8000004F  }
.Ltmp0:
0x57: {  	s16 =	sadd.s32 s16, s28;
	_ =	swait.ge @!p1 [sflag:s0], $0x200;
	(pc) =	sbr.rel @p0 .LBB2_2-.Ltmp0, $4  }
0x58: {  	s18 =	sadd.s32 s18, s28;
	s19 =	sadd.s32 s22, s19;
	[sflag:s0] =	ssyncset.done @!p1 $0x0  }
0x59: {  	s23 =	sadd.s32 @!p1 $0x1, s20;
	[sflag:s0] =	ssyncadd.s32 @!p1 $0xFFFFFE00;
	s0 =	simm.s32 @!p1 $0x1  }
0x5a: {  	s22 =	smov.u32 s21;
	s23 =	smov.u32 @p1 s20;
	s0 =	simm.s32 @p1 $0x0  }
0x5b: {  	s20 =	smov.u32 s23;
	_ =	strace @!p1 $0x9000004F;
	s14 =	sadd.s32 s14, s0  }
0x5c: {  	s0 =	sand.u32 $0x1, s23  }
0x5d: {  	_ =	strace $0x80000050;
	s0 =	sor.u32 $0x4, s0  }
0x5e: {  	s13 =	sadd.s32 $0x1, s13;
	_ =	swait.ge [sflag:s0], $0x200  }
0x5f: {  	s14 =	sand.u32 $0x1, s14;
	p0 =	sne.s32 s13, s10;
	[sflag:s0] =	ssyncset.done $0x0  }
.Ltmp1:
0x60: {  	s31 =	sor.u32 $0x6, s14;
	[sflag:s0] =	ssyncadd.s32 $0xFFFFFE00;
	(pc) =	sbr.rel @p0 .LBB2_1-.Ltmp1, $4  }
0x61: {  	_ =	swait.ge [sflag:s31], $0x200  }
0x62: {  	[sflag:s31] =	ssyncset.done $0x0  }
0x63: {  	[sflag:s31] =	ssyncadd.s32 $0xFFFFFE00  }
0x64: {  	_ =	strace $0x90000050  }
0x65: {  	_ =	sfence.sel $0x180000  }
0x66: {  	[bflag:$0x0] =	sbarrier.arrive $0xFFFF  }
0x67: {  	_ =	strace $0x90000047  }
0x68: {  	[bflag:$0x2] =	sbarrier.arrive $0xFFFF  }
0x69: {  	p0 =	sne.s32 s3, $0x0;
	s0 =	rddreg [dreg:$0x1]  }
0x6a: {  	s0 =	sadd.s32 @!p0 $0x100000, s0  }
0x6b: {  	[sflag:s0] =	ssyncadd.tile.s32 @!p0 $0x1;
	_ =	shalt  }
.Lfunc_end2:
_tile_overlayer_lowered:
.L_overlay_start_2:
0x6c: {  	(tag) =	ssettag $0x2  }
0x6d: {  	s0 =	rddreg [dreg:$0x0];
	s2 =	stileid.u32  }
0x6e: {  	s1 =	rddreg [dreg:$0x1];
	p0 =	sne.s32 s2, $0x0  }
0x6f: {  	s3 =	rddreg [dreg:$0x2];
	[bflag:$0x3] =	sbarrier.arrive $0xFFFF;
	s2 =	simm.s32 @!p0 $0x1C02  }
0x70: {  	[timem:s3], [sflag:s2] =	dma.local @!p0 [hbm:s0], s1  }
0x71: {  	s0 =	simm.s32 @!p0 $0x2  }
0x72: {  	_ =	swait.ge @!p0 [sflag:s0], s1  }
0x73: {  	s1 =	ssub.s32 @!p0 $0x0, s1;
	[sflag:s0] =	ssyncset.done @!p0 $0x0  }
0x74: {  	[sflag:s0] =	ssyncadd.s32 @!p0 s1  }
0x75: {  	[bflag:$0x3] =	sbarrier.arrive $0xFFFF  }
0x76: {  	_ =	shalt  }

// kernel: kernel.20.cloned.1.call-start
scs
__scs_entry_jumppad:
0x0: {  	(pc) =	sbr.rel $0x88, $3  }
0x1: {  	(tag) =	ssettag $0x0;
	lr =	simm.s32 $0x1  }
0x2: {  	[smem:$0x3F97] =	sst lr;
	_ =	strace $0xD0000000  }
0x3: {  	_ = 	snop  }
0x4: {  	_ = 	snop  }
0x5: {  	_ = 	snop  }
0x6: {  	_ = 	snop  }
0x7: {  	_ = 	snop  }
__scs_overlays_trampoline_lowered:
0x8: {  	[smem:$0x3FA6] =	sst s0  }
0x9: {  	[smem:$0x3FA7] =	sst s1  }
0xa: {  	[smem:$0x3FA8] =	sst s2  }
0xb: {  	[smem:$0x3FA9] =	sst s3  }
0xc: {  	[smem:$0x3FAA] =	sst s4  }
0xd: {  	[smem:$0x3FAB] =	sst s5  }
0xe: {  	[smem:$0x3FAC] =	sst s6  }
0xf: {  	[smem:$0x3FAD] =	sst s7  }
0x10: {  	[smem:$0x3FAE] =	sst s8  }
0x11: {  	[smem:$0x3FAF] =	sst s9;
	s0 =	simm.s32 @!p0 $0x0  }
0x12: {  	s1 =	sld [smem:$0x3F95];
	s0 =	simm.s32 @p0 $0x1  }
0x13: {  	[smem:$0x3FB0] =	sst s0;
	s0 =	simm.s32 @!p1 $0x0  }
0x14: {  	s2 =	sld [smem:$0x3F94];
	s0 =	simm.s32 @p1 $0x1  }
0x15: {  	[smem:$0x3FB1] =	sst s0;
	s0 =	simm.s32 @!p2 $0x0  }
0x16: {  	s3 =	sld [smem:$0x3FDB];
	s0 =	simm.s32 @p2 $0x1  }
0x17: {  	s4 =	simm.s32 $0x1BF5;
	[smem:$0x3FB3] =	sst s0  }
0x18: {  	s0 =	sld [smem:$0x3F96];
	_ =	swait.ge [sflag:s4], $0x0  }
0x19: {  	s7 =	sld [smem:$0x3F97]  }
0x1a: {  	s8 =	sadd.s32 $0xFFFFE003, lr  }
0x1b: {  	s9 =	sadd.s32 $0xFFFFFEF7, lr;
	s5 =	simm.s32 $0xFFFFFFFF;
	p2 =	slt.u32 s8, $0xFFFFF086  }
0x1c: {  	p1 =	slt.u32 s9, $0xF7A;
	s5 =	simm.s32 @!p2 $0x0  }
0x1d: {  	s5 =	simm.s32 @p1 $0x1;
	p0 =	seq.s32 s7, s2  }
0x1e: {  	s7 =	smul.u32 @!p0 $0xF7A, s2;
	p2 =	seq.s32 @!p0 s5, $0x0  }
0x1f: {  	s9 =	smul.u32 $0xF7A, s1;
	s8 =	simm.s32 @!p0 $0x1BF5;
	p2 =	por !p2, p0  }
0x20: {  	[sflag:s8] =	ssyncset.s32 @!p0 $0xFFFFF086;
	s6 =	sadd.s32 @!p0 s3, s7;
	s7 =	simm.s32 @!p0 $0x108  }
0x21: {  	s3 =	sadd.s32 s3, s9;
	s6 =	sadd.s32 @!p0 $0x88, s6;
	s7 =	simm.s32 @p2 $0x1082  }
0x22: {  	[simem:s7], [sflag:s8] =	dma.local @!p0 [hbm:s6], $0xF7A  }
0x23: {  	s9 =	sor.u32 $0xD0000000, s2;
	s6 =	simm.s32 $0x108;
	_ =	swait.ge @!p0 [sflag:s8], $0x0  }
0x24: {  	s3 =	sadd.s32 $0x88, s3;
	s6 =	simm.s32 @!p1 $0x1082;
	[sflag:s4] =	ssyncset.s32 $0xFFFFF086  }
0x25: {  	[simem:s6], [sflag:s4] =	dma.local [hbm:s3], $0xF7A  }
0x26: {  	[smem:$0x3F97] =	sst s1;
	(tag) =	ssettag s2;
	_ =	strace s9  }
0x27: {  	s1 =	sld [smem:$0x3FA7]  }
0x28: {  	s2 =	sld [smem:$0x3FA8]  }
0x29: {  	s4 =	sld [smem:$0x3FAA]  }
0x2a: {  	p0 =	seq.s32 s5, $0x0;
	s5 =	sld [smem:$0x3FAB]  }
0x2b: {  	s6 =	sld [smem:$0x3FAC]  }
0x2c: {  	s7 =	sld [smem:$0x3FAD]  }
0x2d: {  	s3 =	simm.s32 $0x108;
	s8 =	sld [smem:$0x3FAE]  }
0x2e: {  	s3 =	simm.s32 @!p0 $0x1082;
	s9 =	sld [smem:$0x3FAF]  }
0x2f: {  	lr =	sadd.s32 s0, s3;
	s0 =	sld [smem:$0x3FA6]  }
0x30: {  	s3 =	sld [smem:$0x3FA9]  }
0x31: {  	[smem:$0x3FB2] =	sst s10  }
0x32: {  	s10 =	sld [smem:$0x3FB0];
	_ =	sdelay $0x3  }
0x33: {  	p0 =	seq.s32 s10, $0x1;
	s10 =	sld [smem:$0x3FB2];
	_ =	sdelay $0x3  }
0x34: {  	[smem:$0x3FB2] =	sst s10  }
0x35: {  	s10 =	sld [smem:$0x3FB1];
	_ =	sdelay $0x3  }
0x36: {  	p1 =	seq.s32 s10, $0x1;
	s10 =	sld [smem:$0x3FB2];
	_ =	sdelay $0x3  }
0x37: {  	[smem:$0x3FB2] =	sst s10  }
0x38: {  	s10 =	sld [smem:$0x3FB3]  }
0x39: {  	_ = 	snop;
	(pc) =	sbr.ind lr, $3  }
0x3a: {  	_ = 	snop  }
0x3b: {  	_ = 	snop  }
0x3c: {  	p2 =	seq.s32 s10, $0x1;
	s10 =	sld [smem:$0x3FB2]  }
0x3d: {  	_ =	shalt  }
0x3e: {  	_ =	shalt  }
0x3f: {  	_ =	shalt  }
0x40: {  	_ =	shalt  }
0x41: {  	_ =	shalt  }
0x42: {  	_ =	shalt  }
0x43: {  	_ =	shalt  }
0x44: {  	_ =	shalt  }
0x45: {  	_ =	shalt  }
0x46: {  	_ =	shalt  }
0x47: {  	_ =	shalt  }
0x48: {  	_ =	shalt  }
0x49: {  	_ =	shalt  }
0x4a: {  	_ =	shalt  }
0x4b: {  	_ =	shalt  }
0x4c: {  	_ =	shalt  }
0x4d: {  	_ =	shalt  }
0x4e: {  	_ =	shalt  }
0x4f: {  	_ =	shalt  }
0x50: {  	_ =	shalt  }
0x51: {  	_ =	shalt  }
0x52: {  	_ =	shalt  }
0x53: {  	_ =	shalt  }
0x54: {  	_ =	shalt  }
0x55: {  	_ =	shalt  }
0x56: {  	_ =	shalt  }
0x57: {  	_ =	shalt  }
0x58: {  	_ =	shalt  }
0x59: {  	_ =	shalt  }
0x5a: {  	_ =	shalt  }
0x5b: {  	_ =	shalt  }
0x5c: {  	_ =	shalt  }
0x5d: {  	_ =	shalt  }
0x5e: {  	_ =	shalt  }
0x5f: {  	_ =	shalt  }
0x60: {  	_ =	shalt  }
0x61: {  	_ =	shalt  }
0x62: {  	_ =	shalt  }
0x63: {  	_ =	shalt  }
0x64: {  	_ =	shalt  }
0x65: {  	_ =	shalt  }
0x66: {  	_ =	shalt  }
0x67: {  	_ =	shalt  }
0x68: {  	_ =	shalt  }
0x69: {  	_ =	shalt  }
0x6a: {  	_ =	shalt  }
0x6b: {  	_ =	shalt  }
0x6c: {  	_ =	shalt  }
0x6d: {  	_ =	shalt  }
0x6e: {  	_ =	shalt  }
0x6f: {  	_ =	shalt  }
0x70: {  	_ =	shalt  }
0x71: {  	_ =	shalt  }
0x72: {  	_ =	shalt  }
0x73: {  	_ =	shalt  }
0x74: {  	_ =	shalt  }
0x75: {  	_ =	shalt  }
0x76: {  	_ =	shalt  }
0x77: {  	_ =	shalt  }
0x78: {  	_ =	shalt  }
0x79: {  	_ =	shalt  }
0x7a: {  	_ =	shalt  }
0x7b: {  	_ =	shalt  }
0x7c: {  	_ =	shalt  }
0x7d: {  	_ =	shalt  }
0x7e: {  	_ =	shalt  }
0x7f: {  	_ =	shalt  }
0x80: {  	_ =	shalt  }
0x81: {  	_ =	shalt  }
0x82: {  	_ =	shalt  }
0x83: {  	_ =	shalt  }
0x84: {  	_ =	shalt  }
0x85: {  	_ =	shalt  }
0x86: {  	_ =	shalt  }
0x87: {  	_ =	shalt  }
.Lfunc_end0:
.L_simem_size_0:
called_computation.2_lowered:
.L_overlay_start_0:
0x88: {  	s2 =	sld [smem:$0x3FD9]  }
0x89: {  	s3 =	sld [smem:$0x3FFE];
	_ =	sdelay $0x1  }
0x8a: {  	s1 =	srdreg.scid  }
0x8b: {  	s0 =	sand.u32 $0x1, s1  }
0x8c: {  	s17 =	sshll.u32 s0, $0xA;
	s2 =	sadd.s32 s3, s2  }
0x8d: {  	s2 =	sadd.s32 s2, s17  }
0x8e: {  	[smem:$0x3FBE] =	sst s2  }
0x8f: {  	_ = 	snop  }
0x90: {  	(tm) =	ssettm $0x1  }
0x91: {  	s18 =	sld [smem:$0x3FFB];
	_ =	sdelay $0x3  }
0x92: {  	_ =	strace s18  }
0x93: {  	s2 =	sld [smem:$0x3FFC];
	_ =	sdelay $0x3  }
0x94: {  	_ =	strace s2  }
0x95: {  	s2 =	sld [smem:$0x3FFD];
	_ =	sdelay $0x3  }
0x96: {  	_ =	strace s2  }
0x97: {  	_ =	strace $0x8FFFFFFF  }
0x98: {  	s19 =	sld [smem:$0x3FDB];
	_ =	sdelay $0x1  }
0x99: {  	s20 =	simm.s32 $_scs_section_size  }
0x9a: {  	s4 =	simm.s32 $_size__tile_overlayer_lowered;
	s5 =	simm.s32 $_tile_overlayer_lowered  }
0x9b: {  	s6 =	simm.s32 $0x1BFF;
	s21 =	sshll.u32 s5, $0x1;
	s3 =	sadd.s32 s20, s19  }
0x9c: {  	s22 =	simm.s32 $0x0;
	s4 =	sshll.u32 s4, $0x1;
	s5 =	sadd.s32 s21, s3  }
0x9d: {  	[timem:s22], [sflag:s6] =	dma.local [hbm:s5], s4  }
0x9e: {  	_ =	swait.ge [sflag:s6], s4  }
0x9f: {  	s4 =	ssub.s32 $0x0, s4;
	[sflag:s6] =	ssyncset.done $0x0  }
0xa0: {  	[sflag:s6] =	ssyncadd.s32 s4;
	_ =	sdelay $0x1  }
0xa1: {  	s23 =	simm.s32 $0x1B8B  }
0xa2: {  	_ =	swait.ge [sflag:s23], $0x1  }
0xa3: {  	[sflag:s23] =	ssyncset.done $0x0  }
0xa4: {  	[sflag:s23] =	ssyncadd.s32 $0xFFFFFFFF  }
0xa5: {  	s4 =	sld [smem:$0x0]  }
0xa6: {  	s5 =	sand.u32 $0xFFFFFFFE, s1  }
0xa7: {  	p0 =	sne.s32 s1, s5  }
0xa8: {  	s5 =	sshll.u32 @p0 s5, $0xE  }
0xa9: {  	s5 =	sadd.s32 @p0 $0x11B8D, s5;
	s6 =	sshll.u32 @p0 s4, $0x11  }
0xaa: {  	s5 =	sor.u32 @p0 s6, s5  }
0xab: {  	[sflag:s5] =	ssyncadd.remote.s32 @p0 $0x1;
	_ =	sdelay $0x1  }
0xac: {  	s5 =	simm.s32 @p0 $0x1B8D  }
0xad: {  	_ =	swait.eq @p0 [sflag:s5], $0x1  }
0xae: {  	[sflag:s5] =	ssyncadd.s32 @p0 $0xFFFFFFFF  }
0xaf: {  	s6 =	sshll.u32 @!p0 s1, $0xE  }
0xb0: {  	s6 =	sor.u32 @!p0 $0x4000, s6;
	s5 =	simm.s32 @!p0 $0x1B8D  }
0xb1: {  	s4 =	sshll.u32 @!p0 s4, $0x11;
	s6 =	sadd.s32 @!p0 $0x11B8D, s6;
	_ =	swait.eq @!p0 [sflag:s5], $0x1  }
0xb2: {  	s4 =	sor.u32 @!p0 s4, s6;
	[sflag:s5] =	ssyncadd.s32 @!p0 $0xFFFFFFFF  }
0xb3: {  	s25 =	simm.s32 $0x1B8E;
	s24 =	sld [smem:$0x3FFE];
	[sflag:s4] =	ssyncadd.remote.s32 @!p0 $0x1  }
0xb4: {  	s26 =	simm.s32 $execute0_lowered;
	[smem:$0x3FD2] =	sst s25  }
0xb5: {  	s5 =	sshll.u32 s26, $0x1;
	_ =	strace $0x8000005E;
	[dreg:$0x1] =	wrdreg $0xFFFFFFFF  }
0xb6: {  	s28 =	simm.s32 $_size_execute0_lowered;
	s3 =	sadd.s32 s3, s5;
	[dreg:$0x0] =	wrdreg $0x0  }
0xb7: {  	s5 =	sshll.u32 s28, $0x1;
	[dreg:$0x2] =	wrdreg s3  }
0xb8: {  	[dreg:$0x3] =	wrdreg s5  }
0xb9: {  	[dreg:$0x4] =	wrdreg $0xC0  }
0xba: {  	_ =	task [dreg:s22], $0x5FFFF  }
0xbb: {  	[dreg:$0x1] =	wrdreg $0xFFFFFFFF  }
0xbc: {  	[dreg:$0x0] =	wrdreg $0x60  }
0xbd: {  	[dreg:$0x2] =	wrdreg s24  }
0xbe: {  	[dreg:$0x3] =	wrdreg $0xB  }
0xbf: {  	_ =	task.clear_ibuf [dreg:s22], $0x4FFFF;
	_ =	strace $0x9000005E  }
0xc0: {  	s29 =	simm.s32 $0xB;
	_ =	strace $0x80000069  }
0xc1: {  	_ =	swait.ge [sflag:s29], $0x1  }
0xc2: {  	[sflag:s29] =	ssyncadd.s32 $0xFFFFFFFF  }
0xc3: {  	_ =	strace $0x90000069  }
0xc4: {  	_ =	sfence  }
0xc5: {  	s30 =	sld [smem:$0x0];
	_ =	sdelay $0x2  }
0xc6: {  	s31 =	sshll.u32 s1, $0xD;
	s1 =	sshrl.u32 s1, $0x2  }
0xc7: {  	s4 =	sand.u32 $0x4000, s31;
	s1 =	sadd.s32 s1, s30  }
0xc8: {  	s0 =	sor.u32 s4, s0;
	s1 =	sshll.u32 s1, $0x11  }
0xc9: {  	s0 =	sor.u32 s1, s0  }
0xca: {  	s0 =	sadd.s32 $0x8F2B, s0  }
0xcb: {  	[sflag:s0] =	ssyncadd.remote.s32 $0x1  }
0xcc: {  	_ =	sfence.sel $0xFFFF  }
0xcd: {  	[dreg:$0x0] =	wrdreg $0xFFFFFFFF;
	(pc) =	sbr.abs _section_cstart, $3  }
0xce: {  	[dreg:$0x1] =	wrdreg $0xFFFFFFFF  }
0xcf: {  	_ =	task.clear_ibuf [dreg:s22], $0x2FFFF;
	_ =	strace $0x9FFFFFFF  }
0xd0: {  	(tm) =	ssettm $0x7FFFFFFF  }
0xd1: {  	_ =	shalt  }
tec
execute0_lowered:
.L_overlay_start_1:
0x0: {  	(tag) =	ssettag $0x1  }
0x1: {  	s7 =	rddreg [dreg:$0x0];
	s1 =	simm.s32 $0x0;
	s3 =	srdreg.scid  }
0x2: {  	s12 =	simm.s32 $0x1;
	s13 =	simm.s32 $0x0;
	[smem:$0x7FF] =	sst s1  }
0x3: {  	s2 =	sadd.s32 $0xC3400, s7;
	s4 =	sadd.s32 $0x9200, s7;
	s5 =	sadd.s32 $0x25BD600, s7  }
0x4: {  	s6 =	sand.u32 $0x1, s3;
	s3 =	stileid.u32;
	_ =	strace $0x8000005F  }
0x5: {  	s8 =	ssub.s32 $0x2, s6;
	s9 =	sshll.u32 s6, $0x4;
	s6 =	sadd.s32 $0x29BD600, s7  }
0x6: {  	s7 =	sadd.s32 $0x2DBD600, s7;
	s10 =	sshrl.u32 s8, $0x1;
	s9 =	sor.u32 s3, s9  }
0x7: {  	s10 =	ssub.s32 s8, s10;
	s11 =	sshll.u32 s9, $0x11;
	s8 =	sshll.u32 s9, $0xB  }
0x8: {  	s9 =	sadd.s32 s5, s11;
	s10 =	smax.u32 s10, $0x1;
	s11 =	simm.s32 $0x80  }
.LBB2_1:
0x9: {  	_ =	strace $0x80000060  }
0xa: {  	s15 =	simm.s32 $0x800;
	s22 =	simm.s32 $0x0;
	s14 =	simm.s32 $0x0  }
0xb: {  	s16 =	simm.s32 $0x0;
	s20 =	simm.s32 $0x0;
	s17 =	simm.s32 $0x0  }
0xc: {  	[tilespmem:s1], [sflag:$0x2] =	stream.linear.gather [hbm4b:s9+s1], $0x200, $0x200038;
	[tilespmem:$0xC00] =	vst v63  }
0xd: {  	s18 =	simm.s32 $0x0;
	s19 =	simm.s32 $0x1;
	_ =	strace $0x90000060  }
.LBB2_2:
0xe: {  	s21 =	sadd.s32 $0x1, s22  }
0xf: {  	p0 =	seq.s32 s21, $0x800  }
0x10: {  	s21 =	simm.s32 @p0 $0x0  }
0x11: {  	p1 =	sne.s32 s15, $0x1;
	p0 =	sne.s32 s22, s21  }
0x12: {  	p0 =	por !p1, !p0  }
0x13: {  	p0 =	por !p0, !p0  }
0x14: {  	s23 =	sadd.s32 @p0 s8, s21  }
0x15: {  	s24 =	sshll.u32 @p0 s21, $0x9;
	s23 =	sshll.u32 @p0 s23, $0x9  }
0x16: {  	s24 =	sand.u32 @p0 $0x200, s24;
	s23 =	sand.u32 @p0 $0xFFFFFC00, s23  }
0x17: {  	_ =	strace @p0 $0x80000061;
	s23 =	sor.u32 @p0 s24, s23  }
0x18: {  	s26 =	simm.s32 @p0 $0x0;
	s24 =	sand.u32 @p0 $0x1, s19;
	s23 =	sshrl.u32 @p0 s23, $0x3  }
0x19: {  	s25 =	sshll.u32 @p0 s24, $0x9;
	s24 =	sor.u32 @p0 $0x2, s24;
	s23 =	sadd.s32 @p0 s5, s23  }
0x1a: {  	[tilespmem:s25], [sflag:s24] =	stream.linear.gather @p0 [hbm4b:s23+s26], $0x200, $0x200038;
	[tilespmem:$0xC00] =	vst v63  }
0x1b: {  	s29 =	sand.u32 $0x1, s18;
	_ =	strace @p0 $0x90000061  }
0x1c: {  	s23 =	sor.u32 $0x2, s29;
	_ =	strace $0x80000062  }
0x1d: {  	_ =	swait.ge [sflag:s23], $0x200  }
0x1e: {  	s30 =	sshll.u32 s18, $0x9;
	[sflag:s23] =	ssyncset.done $0x0  }
0x1f: {  	s24 =	sand.u32 $0x1, s17;
	s29 =	sand.u32 $0x200, s30;
	[sflag:s23] =	ssyncadd.s32 $0xFFFFFE00  }
0x20: {  	s28 =	sshll.u32 s24, $0x9;
	s23 =	sand.u32 $0x1, s16;
	_ =	strace $0x90000062  }
0x21: {  	s26 =	sor.u32 $0x400, s28;
	s30 =	sshll.u32 s23, $0x9;
	_ =	strace $0x80000063  }
0x22: {  	[tilespmem:s26], [sflag:$0x1] =	stream.indirect.gather [hbm4b:s2+s11], $0x1, s29, s11, $0x2000b8;
	[tilespmem:$0xC00] =	vst v63  }
0x23: {  	s25 =	sor.u32 $0x800, s30  }
0x24: {  	[tilespmem:s25], [sflag:$0x1] =	stream.indirect.gather [hbm4b:s4+s11], $0x1, s29, s11, $0x2000b8;
	[tilespmem:$0xC00] =	vst v63  }
0x25: {  	s0 =	sor.u32 $0x80, s29;
	s31 =	sor.u32 $0x480, s28  }
0x26: {  	[tilespmem:s31], [sflag:$0x1] =	stream.indirect.gather [hbm4b:s2+s11], $0x1, s0, s11, $0x2000b8;
	[tilespmem:$0xC00] =	vst v63  }
0x27: {  	s31 =	sor.u32 $0x880, s30  }
0x28: {  	[tilespmem:s31], [sflag:$0x1] =	stream.indirect.gather [hbm4b:s4+s11], $0x1, s0, s11, $0x2000b8;
	[tilespmem:$0xC00] =	vst v63  }
0x29: {  	s0 =	sor.u32 $0x500, s28;
	s31 =	sor.u32 $0x100, s29  }
0x2a: {  	[tilespmem:s0], [sflag:$0x1] =	stream.indirect.gather [hbm4b:s2+s11], $0x1, s31, s11, $0x2000b8;
	[tilespmem:$0xC00] =	vst v63  }
0x2b: {  	s0 =	sor.u32 $0x900, s30  }
0x2c: {  	[tilespmem:s0], [sflag:$0x1] =	stream.indirect.gather [hbm4b:s4+s11], $0x1, s31, s11, $0x2000b8;
	[tilespmem:$0xC00] =	vst v63  }
0x2d: {  	s29 =	sor.u32 $0x180, s29;
	s31 =	sor.u32 $0x580, s28  }
0x2e: {  	[tilespmem:s31], [sflag:$0x1] =	stream.indirect.gather [hbm4b:s2+s11], $0x1, s29, s11, $0x2000b8;
	[tilespmem:$0xC00] =	vst v63  }
0x2f: {  	s31 =	sor.u32 $0x980, s30  }
0x30: {  	[tilespmem:s31], [sflag:$0x1] =	stream.indirect.gather [hbm4b:s4+s11], $0x1, s29, s11, $0x2000b8;
	[tilespmem:$0xC00] =	vst v63  }
0x31: {  	_ =	swait.ge [sflag:s12], $0x80  }
0x32: {  	[sflag:s12] =	ssyncset.done $0x0  }
0x33: {  	[sflag:s12] =	ssyncadd.s32 $0xFFFFFF80  }
0x34: {  	_ =	swait.ge [sflag:s12], $0x80  }
0x35: {  	[sflag:s12] =	ssyncset.done $0x0  }
0x36: {  	[sflag:s12] =	ssyncadd.s32 $0xFFFFFF80  }
0x37: {  	_ =	swait.ge [sflag:s12], $0x80  }
0x38: {  	[sflag:s12] =	ssyncset.done $0x0  }
0x39: {  	[sflag:s12] =	ssyncadd.s32 $0xFFFFFF80  }
0x3a: {  	_ =	swait.ge [sflag:s12], $0x80  }
0x3b: {  	[sflag:s12] =	ssyncset.done $0x0  }
0x3c: {  	[sflag:s12] =	ssyncadd.s32 $0xFFFFFF80  }
0x3d: {  	_ =	swait.ge [sflag:s12], $0x80  }
0x3e: {  	[sflag:s12] =	ssyncset.done $0x0  }
0x3f: {  	[sflag:s12] =	ssyncadd.s32 $0xFFFFFF80  }
0x40: {  	_ =	swait.ge [sflag:s12], $0x80  }
0x41: {  	[sflag:s12] =	ssyncset.done $0x0  }
0x42: {  	p1 =	seq.s32 s15, $0x1;
	[sflag:s12] =	ssyncadd.s32 $0xFFFFFF80  }
0x43: {  	p2 =	seq.s32 @!p1 s22, s21;
	_ =	swait.ge [sflag:s12], $0x80  }
0x44: {  	p1 =	por p1, !p2;
	[sflag:s12] =	ssyncset.done $0x0  }
0x45: {  	s0 =	sadd.s32 @p1 s8, s22;
	[sflag:s12] =	ssyncadd.s32 $0xFFFFFF80  }
0x46: {  	s22 =	sshll.u32 @p1 s22, $0x9;
	s0 =	sshll.u32 @p1 s0, $0x9;
	_ =	swait.ge [sflag:s12], $0x80  }
0x47: {  	s22 =	sand.u32 @p1 $0x200, s22;
	s0 =	sand.u32 @p1 $0xFFFFFC00, s0;
	[sflag:s12] =	ssyncset.done $0x0  }
0x48: {  	s0 =	sor.u32 @p1 s22, s0;
	[sflag:s12] =	ssyncadd.s32 $0xFFFFFF80  }
0x49: {  	s0 =	sshrl.u32 @p1 s0, $0x3;
	_ =	strace $0x90000063  }
0x4a: {  	s22 =	sor.u32 @p1 $0x4, s24;
	s24 =	sadd.s32 @p1 s6, s0;
	_ =	strace @p1 $0x80000064  }
0x4b: {  	[hbm4b:s24+s1] =	stream.linear.scatter @p1 [tilespmem:s26], [sflag:s22], $0x200, $0x200038;
	[tilespmem:$0xC00] =	vst v63  }
0x4c: {  	s17 =	sadd.s32 @p1 $0x1, s17;
	s28 =	simm.s32 $0x0;
	_ =	strace @p1 $0x90000064  }
0x4d: {  	s0 =	sadd.s32 @p1 s7, s0;
	s22 =	sor.u32 @p1 $0x6, s23;
	_ =	strace @p1 $0x80000065  }
0x4e: {  	[hbm4b:s0+s1] =	stream.linear.scatter @p1 [tilespmem:s25], [sflag:s22], $0x200, $0x200038;
	[tilespmem:$0xC00] =	vst v63  }
0x4f: {  	s28 =	simm.s32 @p1 $0x1;
	_ =	strace @p1 $0x90000065;
	p1 =	seq.s32 s15, $0x800  }
0x50: {  	s0 =	sand.u32 @!p1 $0x1, s20  }
0x51: {  	_ =	strace @!p1 $0x80000066;
	s0 =	sor.u32 @!p1 $0x4, s0  }
0x52: {  	_ =	swait.ge @!p1 [sflag:s0], $0x200  }
0x53: {  	s22 =	simm.s32 $0x1;
	[sflag:s0] =	ssyncset.done @!p1 $0x0  }
0x54: {  	s22 =	simm.s32 @!p0 $0x0;
	[sflag:s0] =	ssyncadd.s32 @!p1 $0xFFFFFE00  }
0x55: {  	s15 =	sadd.s32 $0xFFFFFFFF, s15;
	s0 =	sand.u32 @!p1 $0x1, s14;
	_ =	strace @!p1 $0x90000066  }
0x56: {  	p0 =	sne.s32 s15, $0x0;
	s0 =	sor.u32 @!p1 $0x6, s0;
	_ =	strace @!p1 $0x80000067  }
.Ltmp0:
0x57: {  	s16 =	sadd.s32 s16, s28;
	_ =	swait.ge @!p1 [sflag:s0], $0x200;
	(pc) =	sbr.rel @p0 .LBB2_2-.Ltmp0, $4  }
0x58: {  	s18 =	sadd.s32 s18, s28;
	s19 =	sadd.s32 s22, s19;
	[sflag:s0] =	ssyncset.done @!p1 $0x0  }
0x59: {  	s23 =	sadd.s32 @!p1 $0x1, s20;
	[sflag:s0] =	ssyncadd.s32 @!p1 $0xFFFFFE00;
	s0 =	simm.s32 @!p1 $0x1  }
0x5a: {  	s22 =	smov.u32 s21;
	s23 =	smov.u32 @p1 s20;
	s0 =	simm.s32 @p1 $0x0  }
0x5b: {  	s20 =	smov.u32 s23;
	_ =	strace @!p1 $0x90000067;
	s14 =	sadd.s32 s14, s0  }
0x5c: {  	s0 =	sand.u32 $0x1, s23  }
0x5d: {  	_ =	strace $0x80000068;
	s0 =	sor.u32 $0x4, s0  }
0x5e: {  	s13 =	sadd.s32 $0x1, s13;
	_ =	swait.ge [sflag:s0], $0x200  }
0x5f: {  	s14 =	sand.u32 $0x1, s14;
	p0 =	sne.s32 s13, s10;
	[sflag:s0] =	ssyncset.done $0x0  }
.Ltmp1:
0x60: {  	s31 =	sor.u32 $0x6, s14;
	[sflag:s0] =	ssyncadd.s32 $0xFFFFFE00;
	(pc) =	sbr.rel @p0 .LBB2_1-.Ltmp1, $4  }
0x61: {  	_ =	swait.ge [sflag:s31], $0x200  }
0x62: {  	[sflag:s31] =	ssyncset.done $0x0  }
0x63: {  	[sflag:s31] =	ssyncadd.s32 $0xFFFFFE00  }
0x64: {  	_ =	strace $0x90000068  }
0x65: {  	_ =	sfence.sel $0x180000  }
0x66: {  	[bflag:$0x0] =	sbarrier.arrive $0xFFFF  }
0x67: {  	_ =	strace $0x9000005F  }
0x68: {  	[bflag:$0x2] =	sbarrier.arrive $0xFFFF  }
0x69: {  	p0 =	sne.s32 s3, $0x0;
	s0 =	rddreg [dreg:$0x1]  }
0x6a: {  	s0 =	sadd.s32 @!p0 $0x100000, s0  }
0x6b: {  	[sflag:s0] =	ssyncadd.tile.s32 @!p0 $0x1;
	_ =	shalt  }
.Lfunc_end2:
_tile_overlayer_lowered:
.L_overlay_start_2:
0x6c: {  	(tag) =	ssettag $0x2  }
0x6d: {  	s0 =	rddreg [dreg:$0x0];
	s2 =	stileid.u32  }
0x6e: {  	s1 =	rddreg [dreg:$0x1];
	p0 =	sne.s32 s2, $0x0  }
0x6f: {  	s3 =	rddreg [dreg:$0x2];
	[bflag:$0x3] =	sbarrier.arrive $0xFFFF;
	s2 =	simm.s32 @!p0 $0x1C02  }
0x70: {  	[timem:s3], [sflag:s2] =	dma.local @!p0 [hbm:s0], s1  }
0x71: {  	s0 =	simm.s32 @!p0 $0x2  }
0x72: {  	_ =	swait.ge @!p0 [sflag:s0], s1  }
0x73: {  	s1 =	ssub.s32 @!p0 $0x0, s1;
	[sflag:s0] =	ssyncset.done @!p0 $0x0  }
0x74: {  	[sflag:s0] =	ssyncadd.s32 @!p0 s1  }
0x75: {  	[bflag:$0x3] =	sbarrier.arrive $0xFFFF  }
0x76: {  	_ =	shalt  }

// kernel: kernel.23.cloned.1.call-start
scs
__scs_entry_jumppad:
0x0: {  	(pc) =	sbr.rel $0x88, $3  }
0x1: {  	(tag) =	ssettag $0x0;
	lr =	simm.s32 $0x1  }
0x2: {  	[smem:$0x3F97] =	sst lr;
	_ =	strace $0xD0000000  }
0x3: {  	_ = 	snop  }
0x4: {  	_ = 	snop  }
0x5: {  	_ = 	snop  }
0x6: {  	_ = 	snop  }
0x7: {  	_ = 	snop  }
__scs_overlays_trampoline_lowered:
0x8: {  	[smem:$0x3FA6] =	sst s0  }
0x9: {  	[smem:$0x3FA7] =	sst s1  }
0xa: {  	[smem:$0x3FA8] =	sst s2  }
0xb: {  	[smem:$0x3FA9] =	sst s3  }
0xc: {  	[smem:$0x3FAA] =	sst s4  }
0xd: {  	[smem:$0x3FAB] =	sst s5  }
0xe: {  	[smem:$0x3FAC] =	sst s6  }
0xf: {  	[smem:$0x3FAD] =	sst s7  }
0x10: {  	[smem:$0x3FAE] =	sst s8  }
0x11: {  	[smem:$0x3FAF] =	sst s9;
	s0 =	simm.s32 @!p0 $0x0  }
0x12: {  	s1 =	sld [smem:$0x3F95];
	s0 =	simm.s32 @p0 $0x1  }
0x13: {  	[smem:$0x3FB0] =	sst s0;
	s0 =	simm.s32 @!p1 $0x0  }
0x14: {  	s2 =	sld [smem:$0x3F94];
	s0 =	simm.s32 @p1 $0x1  }
0x15: {  	[smem:$0x3FB1] =	sst s0;
	s0 =	simm.s32 @!p2 $0x0  }
0x16: {  	s3 =	sld [smem:$0x3FDB];
	s0 =	simm.s32 @p2 $0x1  }
0x17: {  	s4 =	simm.s32 $0x1BF5;
	[smem:$0x3FB3] =	sst s0  }
0x18: {  	s0 =	sld [smem:$0x3F96];
	_ =	swait.ge [sflag:s4], $0x0  }
0x19: {  	s7 =	sld [smem:$0x3F97]  }
0x1a: {  	s8 =	sadd.s32 $0xFFFFE003, lr  }
0x1b: {  	s9 =	sadd.s32 $0xFFFFFEF7, lr;
	s5 =	simm.s32 $0xFFFFFFFF;
	p2 =	slt.u32 s8, $0xFFFFF086  }
0x1c: {  	p1 =	slt.u32 s9, $0xF7A;
	s5 =	simm.s32 @!p2 $0x0  }
0x1d: {  	s5 =	simm.s32 @p1 $0x1;
	p0 =	seq.s32 s7, s2  }
0x1e: {  	s7 =	smul.u32 @!p0 $0xF7A, s2;
	p2 =	seq.s32 @!p0 s5, $0x0  }
0x1f: {  	s9 =	smul.u32 $0xF7A, s1;
	s8 =	simm.s32 @!p0 $0x1BF5;
	p2 =	por !p2, p0  }
0x20: {  	[sflag:s8] =	ssyncset.s32 @!p0 $0xFFFFF086;
	s6 =	sadd.s32 @!p0 s3, s7;
	s7 =	simm.s32 @!p0 $0x108  }
0x21: {  	s3 =	sadd.s32 s3, s9;
	s6 =	sadd.s32 @!p0 $0x88, s6;
	s7 =	simm.s32 @p2 $0x1082  }
0x22: {  	[simem:s7], [sflag:s8] =	dma.local @!p0 [hbm:s6], $0xF7A  }
0x23: {  	s9 =	sor.u32 $0xD0000000, s2;
	s6 =	simm.s32 $0x108;
	_ =	swait.ge @!p0 [sflag:s8], $0x0  }
0x24: {  	s3 =	sadd.s32 $0x88, s3;
	s6 =	simm.s32 @!p1 $0x1082;
	[sflag:s4] =	ssyncset.s32 $0xFFFFF086  }
0x25: {  	[simem:s6], [sflag:s4] =	dma.local [hbm:s3], $0xF7A  }
0x26: {  	[smem:$0x3F97] =	sst s1;
	(tag) =	ssettag s2;
	_ =	strace s9  }
0x27: {  	s1 =	sld [smem:$0x3FA7]  }
0x28: {  	s2 =	sld [smem:$0x3FA8]  }
0x29: {  	s4 =	sld [smem:$0x3FAA]  }
0x2a: {  	p0 =	seq.s32 s5, $0x0;
	s5 =	sld [smem:$0x3FAB]  }
0x2b: {  	s6 =	sld [smem:$0x3FAC]  }
0x2c: {  	s7 =	sld [smem:$0x3FAD]  }
0x2d: {  	s3 =	simm.s32 $0x108;
	s8 =	sld [smem:$0x3FAE]  }
0x2e: {  	s3 =	simm.s32 @!p0 $0x1082;
	s9 =	sld [smem:$0x3FAF]  }
0x2f: {  	lr =	sadd.s32 s0, s3;
	s0 =	sld [smem:$0x3FA6]  }
0x30: {  	s3 =	sld [smem:$0x3FA9]  }
0x31: {  	[smem:$0x3FB2] =	sst s10  }
0x32: {  	s10 =	sld [smem:$0x3FB0];
	_ =	sdelay $0x3  }
0x33: {  	p0 =	seq.s32 s10, $0x1;
	s10 =	sld [smem:$0x3FB2];
	_ =	sdelay $0x3  }
0x34: {  	[smem:$0x3FB2] =	sst s10  }
0x35: {  	s10 =	sld [smem:$0x3FB1];
	_ =	sdelay $0x3  }
0x36: {  	p1 =	seq.s32 s10, $0x1;
	s10 =	sld [smem:$0x3FB2];
	_ =	sdelay $0x3  }
0x37: {  	[smem:$0x3FB2] =	sst s10  }
0x38: {  	s10 =	sld [smem:$0x3FB3]  }
0x39: {  	_ = 	snop;
	(pc) =	sbr.ind lr, $3  }
0x3a: {  	_ = 	snop  }
0x3b: {  	_ = 	snop  }
0x3c: {  	p2 =	seq.s32 s10, $0x1;
	s10 =	sld [smem:$0x3FB2]  }
0x3d: {  	_ =	shalt  }
0x3e: {  	_ =	shalt  }
0x3f: {  	_ =	shalt  }
0x40: {  	_ =	shalt  }
0x41: {  	_ =	shalt  }
0x42: {  	_ =	shalt  }
0x43: {  	_ =	shalt  }
0x44: {  	_ =	shalt  }
0x45: {  	_ =	shalt  }
0x46: {  	_ =	shalt  }
0x47: {  	_ =	shalt  }
0x48: {  	_ =	shalt  }
0x49: {  	_ =	shalt  }
0x4a: {  	_ =	shalt  }
0x4b: {  	_ =	shalt  }
0x4c: {  	_ =	shalt  }
0x4d: {  	_ =	shalt  }
0x4e: {  	_ =	shalt  }
0x4f: {  	_ =	shalt  }
0x50: {  	_ =	shalt  }
0x51: {  	_ =	shalt  }
0x52: {  	_ =	shalt  }
0x53: {  	_ =	shalt  }
0x54: {  	_ =	shalt  }
0x55: {  	_ =	shalt  }
0x56: {  	_ =	shalt  }
0x57: {  	_ =	shalt  }
0x58: {  	_ =	shalt  }
0x59: {  	_ =	shalt  }
0x5a: {  	_ =	shalt  }
0x5b: {  	_ =	shalt  }
0x5c: {  	_ =	shalt  }
0x5d: {  	_ =	shalt  }
0x5e: {  	_ =	shalt  }
0x5f: {  	_ =	shalt  }
0x60: {  	_ =	shalt  }
0x61: {  	_ =	shalt  }
0x62: {  	_ =	shalt  }
0x63: {  	_ =	shalt  }
0x64: {  	_ =	shalt  }
0x65: {  	_ =	shalt  }
0x66: {  	_ =	shalt  }
0x67: {  	_ =	shalt  }
0x68: {  	_ =	shalt  }
0x69: {  	_ =	shalt  }
0x6a: {  	_ =	shalt  }
0x6b: {  	_ =	shalt  }
0x6c: {  	_ =	shalt  }
0x6d: {  	_ =	shalt  }
0x6e: {  	_ =	shalt  }
0x6f: {  	_ =	shalt  }
0x70: {  	_ =	shalt  }
0x71: {  	_ =	shalt  }
0x72: {  	_ =	shalt  }
0x73: {  	_ =	shalt  }
0x74: {  	_ =	shalt  }
0x75: {  	_ =	shalt  }
0x76: {  	_ =	shalt  }
0x77: {  	_ =	shalt  }
0x78: {  	_ =	shalt  }
0x79: {  	_ =	shalt  }
0x7a: {  	_ =	shalt  }
0x7b: {  	_ =	shalt  }
0x7c: {  	_ =	shalt  }
0x7d: {  	_ =	shalt  }
0x7e: {  	_ =	shalt  }
0x7f: {  	_ =	shalt  }
0x80: {  	_ =	shalt  }
0x81: {  	_ =	shalt  }
0x82: {  	_ =	shalt  }
0x83: {  	_ =	shalt  }
0x84: {  	_ =	shalt  }
0x85: {  	_ =	shalt  }
0x86: {  	_ =	shalt  }
0x87: {  	_ =	shalt  }
.Lfunc_end0:
.L_simem_size_0:
called_computation.3_lowered:
.L_overlay_start_0:
0x88: {  	s2 =	sld [smem:$0x3FD9]  }
0x89: {  	s3 =	sld [smem:$0x3FFE];
	_ =	sdelay $0x1  }
0x8a: {  	s1 =	srdreg.scid  }
0x8b: {  	s0 =	sand.u32 $0x1, s1  }
0x8c: {  	s17 =	sshll.u32 s0, $0xA;
	s2 =	sadd.s32 s3, s2  }
0x8d: {  	s2 =	sadd.s32 s2, s17  }
0x8e: {  	[smem:$0x3FBE] =	sst s2  }
0x8f: {  	_ = 	snop  }
0x90: {  	(tm) =	ssettm $0x1  }
0x91: {  	s18 =	sld [smem:$0x3FFB];
	_ =	sdelay $0x3  }
0x92: {  	_ =	strace s18  }
0x93: {  	s2 =	sld [smem:$0x3FFC];
	_ =	sdelay $0x3  }
0x94: {  	_ =	strace s2  }
0x95: {  	s2 =	sld [smem:$0x3FFD];
	_ =	sdelay $0x3  }
0x96: {  	_ =	strace s2  }
0x97: {  	_ =	strace $0x8FFFFFFF  }
0x98: {  	s19 =	sld [smem:$0x3FDB];
	_ =	sdelay $0x1  }
0x99: {  	s20 =	simm.s32 $_scs_section_size  }
0x9a: {  	s4 =	simm.s32 $_size__tile_overlayer_lowered;
	s5 =	simm.s32 $_tile_overlayer_lowered  }
0x9b: {  	s6 =	simm.s32 $0x1BFF;
	s21 =	sshll.u32 s5, $0x1;
	s3 =	sadd.s32 s20, s19  }
0x9c: {  	s22 =	simm.s32 $0x0;
	s4 =	sshll.u32 s4, $0x1;
	s5 =	sadd.s32 s21, s3  }
0x9d: {  	[timem:s22], [sflag:s6] =	dma.local [hbm:s5], s4  }
0x9e: {  	_ =	swait.ge [sflag:s6], s4  }
0x9f: {  	s4 =	ssub.s32 $0x0, s4;
	[sflag:s6] =	ssyncset.done $0x0  }
0xa0: {  	[sflag:s6] =	ssyncadd.s32 s4;
	_ =	sdelay $0x1  }
0xa1: {  	s23 =	simm.s32 $0x1B8B  }
0xa2: {  	_ =	swait.ge [sflag:s23], $0x1  }
0xa3: {  	[sflag:s23] =	ssyncset.done $0x0  }
0xa4: {  	[sflag:s23] =	ssyncadd.s32 $0xFFFFFFFF  }
0xa5: {  	s4 =	sld [smem:$0x0]  }
0xa6: {  	s5 =	sand.u32 $0xFFFFFFFE, s1  }
0xa7: {  	p0 =	sne.s32 s1, s5  }
0xa8: {  	s5 =	sshll.u32 @p0 s5, $0xE  }
0xa9: {  	s5 =	sadd.s32 @p0 $0x11B8D, s5;
	s6 =	sshll.u32 @p0 s4, $0x11  }
0xaa: {  	s5 =	sor.u32 @p0 s6, s5  }
0xab: {  	[sflag:s5] =	ssyncadd.remote.s32 @p0 $0x1;
	_ =	sdelay $0x1  }
0xac: {  	s5 =	simm.s32 @p0 $0x1B8D  }
0xad: {  	_ =	swait.eq @p0 [sflag:s5], $0x1  }
0xae: {  	[sflag:s5] =	ssyncadd.s32 @p0 $0xFFFFFFFF  }
0xaf: {  	s6 =	sshll.u32 @!p0 s1, $0xE  }
0xb0: {  	s6 =	sor.u32 @!p0 $0x4000, s6;
	s5 =	simm.s32 @!p0 $0x1B8D  }
0xb1: {  	s4 =	sshll.u32 @!p0 s4, $0x11;
	s6 =	sadd.s32 @!p0 $0x11B8D, s6;
	_ =	swait.eq @!p0 [sflag:s5], $0x1  }
0xb2: {  	s4 =	sor.u32 @!p0 s4, s6;
	[sflag:s5] =	ssyncadd.s32 @!p0 $0xFFFFFFFF  }
0xb3: {  	s25 =	simm.s32 $0x1B8E;
	s24 =	sld [smem:$0x3FFE];
	[sflag:s4] =	ssyncadd.remote.s32 @!p0 $0x1  }
0xb4: {  	s26 =	simm.s32 $execute0_lowered;
	[smem:$0x3FD2] =	sst s25  }
0xb5: {  	s5 =	sshll.u32 s26, $0x1;
	_ =	strace $0x8000006A;
	[dreg:$0x1] =	wrdreg $0xFFFFFFFF  }
0xb6: {  	s28 =	simm.s32 $_size_execute0_lowered;
	s3 =	sadd.s32 s3, s5;
	[dreg:$0x0] =	wrdreg $0x0  }
0xb7: {  	s5 =	sshll.u32 s28, $0x1;
	[dreg:$0x2] =	wrdreg s3  }
0xb8: {  	[dreg:$0x3] =	wrdreg s5  }
0xb9: {  	[dreg:$0x4] =	wrdreg $0xC0  }
0xba: {  	_ =	task [dreg:s22], $0x5FFFF  }
0xbb: {  	[dreg:$0x1] =	wrdreg $0xFFFFFFFF  }
0xbc: {  	[dreg:$0x0] =	wrdreg $0x60  }
0xbd: {  	[dreg:$0x2] =	wrdreg s24  }
0xbe: {  	[dreg:$0x3] =	wrdreg $0xC  }
0xbf: {  	_ =	task.clear_ibuf [dreg:s22], $0x4FFFF;
	_ =	strace $0x9000006A  }
0xc0: {  	s29 =	simm.s32 $0xC;
	_ =	strace $0x80000075  }
0xc1: {  	_ =	swait.ge [sflag:s29], $0x1  }
0xc2: {  	[sflag:s29] =	ssyncadd.s32 $0xFFFFFFFF  }
0xc3: {  	_ =	strace $0x90000075  }
0xc4: {  	_ =	sfence  }
0xc5: {  	s30 =	sld [smem:$0x0];
	_ =	sdelay $0x2  }
0xc6: {  	s31 =	sshll.u32 s1, $0xD;
	s1 =	sshrl.u32 s1, $0x2  }
0xc7: {  	s4 =	sand.u32 $0x4000, s31;
	s1 =	sadd.s32 s1, s30  }
0xc8: {  	s0 =	sor.u32 s4, s0;
	s1 =	sshll.u32 s1, $0x11  }
0xc9: {  	s0 =	sor.u32 s1, s0  }
0xca: {  	s0 =	sadd.s32 $0x8F2B, s0  }
0xcb: {  	[sflag:s0] =	ssyncadd.remote.s32 $0x1  }
0xcc: {  	_ =	sfence.sel $0xFFFF  }
0xcd: {  	[dreg:$0x0] =	wrdreg $0xFFFFFFFF;
	(pc) =	sbr.abs _section_cstart, $3  }
0xce: {  	[dreg:$0x1] =	wrdreg $0xFFFFFFFF  }
0xcf: {  	_ =	task.clear_ibuf [dreg:s22], $0x2FFFF;
	_ =	strace $0x9FFFFFFF  }
0xd0: {  	(tm) =	ssettm $0x7FFFFFFF  }
0xd1: {  	_ =	shalt  }
tec
execute0_lowered:
.L_overlay_start_1:
0x0: {  	(tag) =	ssettag $0x1  }
0x1: {  	s7 =	rddreg [dreg:$0x0];
	s1 =	simm.s32 $0x0;
	s3 =	srdreg.scid  }
0x2: {  	s12 =	simm.s32 $0x1;
	s13 =	simm.s32 $0x0;
	[smem:$0x7FF] =	sst s1  }
0x3: {  	s2 =	sadd.s32 $0xC3400, s7;
	s4 =	sadd.s32 $0x9200, s7;
	s5 =	sadd.s32 $0x35BD600, s7  }
0x4: {  	s6 =	sand.u32 $0x1, s3;
	s3 =	stileid.u32;
	_ =	strace $0x8000006B  }
0x5: {  	s8 =	ssub.s32 $0x2, s6;
	s9 =	sshll.u32 s6, $0x4;
	s6 =	sadd.s32 $0x39BD600, s7  }
0x6: {  	s7 =	sadd.s32 $0x3DBD600, s7;
	s10 =	sshrl.u32 s8, $0x1;
	s9 =	sor.u32 s3, s9  }
0x7: {  	s10 =	ssub.s32 s8, s10;
	s11 =	sshll.u32 s9, $0x11;
	s8 =	sshll.u32 s9, $0xB  }
0x8: {  	s9 =	sadd.s32 s5, s11;
	s10 =	smax.u32 s10, $0x1;
	s11 =	simm.s32 $0x80  }
.LBB2_1:
0x9: {  	_ =	strace $0x8000006C  }
0xa: {  	s15 =	simm.s32 $0x800;
	s22 =	simm.s32 $0x0;
	s14 =	simm.s32 $0x0  }
0xb: {  	s16 =	simm.s32 $0x0;
	s20 =	simm.s32 $0x0;
	s17 =	simm.s32 $0x0  }
0xc: {  	[tilespmem:s1], [sflag:$0x2] =	stream.linear.gather [hbm4b:s9+s1], $0x200, $0x200038;
	[tilespmem:$0xC00] =	vst v63  }
0xd: {  	s18 =	simm.s32 $0x0;
	s19 =	simm.s32 $0x1;
	_ =	strace $0x9000006C  }
.LBB2_2:
0xe: {  	s21 =	sadd.s32 $0x1, s22  }
0xf: {  	p0 =	seq.s32 s21, $0x800  }
0x10: {  	s21 =	simm.s32 @p0 $0x0  }
0x11: {  	p1 =	sne.s32 s15, $0x1;
	p0 =	sne.s32 s22, s21  }
0x12: {  	p0 =	por !p1, !p0  }
0x13: {  	p0 =	por !p0, !p0  }
0x14: {  	s23 =	sadd.s32 @p0 s8, s21  }
0x15: {  	s24 =	sshll.u32 @p0 s21, $0x9;
	s23 =	sshll.u32 @p0 s23, $0x9  }
0x16: {  	s24 =	sand.u32 @p0 $0x200, s24;
	s23 =	sand.u32 @p0 $0xFFFFFC00, s23  }
0x17: {  	_ =	strace @p0 $0x8000006D;
	s23 =	sor.u32 @p0 s24, s23  }
0x18: {  	s26 =	simm.s32 @p0 $0x0;
	s24 =	sand.u32 @p0 $0x1, s19;
	s23 =	sshrl.u32 @p0 s23, $0x3  }
0x19: {  	s25 =	sshll.u32 @p0 s24, $0x9;
	s24 =	sor.u32 @p0 $0x2, s24;
	s23 =	sadd.s32 @p0 s5, s23  }
0x1a: {  	[tilespmem:s25], [sflag:s24] =	stream.linear.gather @p0 [hbm4b:s23+s26], $0x200, $0x200038;
	[tilespmem:$0xC00] =	vst v63  }
0x1b: {  	s29 =	sand.u32 $0x1, s18;
	_ =	strace @p0 $0x9000006D  }
0x1c: {  	s23 =	sor.u32 $0x2, s29;
	_ =	strace $0x8000006E  }
0x1d: {  	_ =	swait.ge [sflag:s23], $0x200  }
0x1e: {  	s30 =	sshll.u32 s18, $0x9;
	[sflag:s23] =	ssyncset.done $0x0  }
0x1f: {  	s24 =	sand.u32 $0x1, s17;
	s29 =	sand.u32 $0x200, s30;
	[sflag:s23] =	ssyncadd.s32 $0xFFFFFE00  }
0x20: {  	s28 =	sshll.u32 s24, $0x9;
	s23 =	sand.u32 $0x1, s16;
	_ =	strace $0x9000006E  }
0x21: {  	s26 =	sor.u32 $0x400, s28;
	s30 =	sshll.u32 s23, $0x9;
	_ =	strace $0x8000006F  }
0x22: {  	[tilespmem:s26], [sflag:$0x1] =	stream.indirect.gather [hbm4b:s2+s11], $0x1, s29, s11, $0x2000b8;
	[tilespmem:$0xC00] =	vst v63  }
0x23: {  	s25 =	sor.u32 $0x800, s30  }
0x24: {  	[tilespmem:s25], [sflag:$0x1] =	stream.indirect.gather [hbm4b:s4+s11], $0x1, s29, s11, $0x2000b8;
	[tilespmem:$0xC00] =	vst v63  }
0x25: {  	s0 =	sor.u32 $0x80, s29;
	s31 =	sor.u32 $0x480, s28  }
0x26: {  	[tilespmem:s31], [sflag:$0x1] =	stream.indirect.gather [hbm4b:s2+s11], $0x1, s0, s11, $0x2000b8;
	[tilespmem:$0xC00] =	vst v63  }
0x27: {  	s31 =	sor.u32 $0x880, s30  }
0x28: {  	[tilespmem:s31], [sflag:$0x1] =	stream.indirect.gather [hbm4b:s4+s11], $0x1, s0, s11, $0x2000b8;
	[tilespmem:$0xC00] =	vst v63  }
0x29: {  	s0 =	sor.u32 $0x500, s28;
	s31 =	sor.u32 $0x100, s29  }
0x2a: {  	[tilespmem:s0], [sflag:$0x1] =	stream.indirect.gather [hbm4b:s2+s11], $0x1, s31, s11, $0x2000b8;
	[tilespmem:$0xC00] =	vst v63  }
0x2b: {  	s0 =	sor.u32 $0x900, s30  }
0x2c: {  	[tilespmem:s0], [sflag:$0x1] =	stream.indirect.gather [hbm4b:s4+s11], $0x1, s31, s11, $0x2000b8;
	[tilespmem:$0xC00] =	vst v63  }
0x2d: {  	s29 =	sor.u32 $0x180, s29;
	s31 =	sor.u32 $0x580, s28  }
0x2e: {  	[tilespmem:s31], [sflag:$0x1] =	stream.indirect.gather [hbm4b:s2+s11], $0x1, s29, s11, $0x2000b8;
	[tilespmem:$0xC00] =	vst v63  }
0x2f: {  	s31 =	sor.u32 $0x980, s30  }
0x30: {  	[tilespmem:s31], [sflag:$0x1] =	stream.indirect.gather [hbm4b:s4+s11], $0x1, s29, s11, $0x2000b8;
	[tilespmem:$0xC00] =	vst v63  }
0x31: {  	_ =	swait.ge [sflag:s12], $0x80  }
0x32: {  	[sflag:s12] =	ssyncset.done $0x0  }
0x33: {  	[sflag:s12] =	ssyncadd.s32 $0xFFFFFF80  }
0x34: {  	_ =	swait.ge [sflag:s12], $0x80  }
0x35: {  	[sflag:s12] =	ssyncset.done $0x0  }
0x36: {  	[sflag:s12] =	ssyncadd.s32 $0xFFFFFF80  }
0x37: {  	_ =	swait.ge [sflag:s12], $0x80  }
0x38: {  	[sflag:s12] =	ssyncset.done $0x0  }
0x39: {  	[sflag:s12] =	ssyncadd.s32 $0xFFFFFF80  }
0x3a: {  	_ =	swait.ge [sflag:s12], $0x80  }
0x3b: {  	[sflag:s12] =	ssyncset.done $0x0  }
0x3c: {  	[sflag:s12] =	ssyncadd.s32 $0xFFFFFF80  }
0x3d: {  	_ =	swait.ge [sflag:s12], $0x80  }
0x3e: {  	[sflag:s12] =	ssyncset.done $0x0  }
0x3f: {  	[sflag:s12] =	ssyncadd.s32 $0xFFFFFF80  }
0x40: {  	_ =	swait.ge [sflag:s12], $0x80  }
0x41: {  	[sflag:s12] =	ssyncset.done $0x0  }
0x42: {  	p1 =	seq.s32 s15, $0x1;
	[sflag:s12] =	ssyncadd.s32 $0xFFFFFF80  }
0x43: {  	p2 =	seq.s32 @!p1 s22, s21;
	_ =	swait.ge [sflag:s12], $0x80  }
0x44: {  	p1 =	por p1, !p2;
	[sflag:s12] =	ssyncset.done $0x0  }
0x45: {  	s0 =	sadd.s32 @p1 s8, s22;
	[sflag:s12] =	ssyncadd.s32 $0xFFFFFF80  }
0x46: {  	s22 =	sshll.u32 @p1 s22, $0x9;
	s0 =	sshll.u32 @p1 s0, $0x9;
	_ =	swait.ge [sflag:s12], $0x80  }
0x47: {  	s22 =	sand.u32 @p1 $0x200, s22;
	s0 =	sand.u32 @p1 $0xFFFFFC00, s0;
	[sflag:s12] =	ssyncset.done $0x0  }
0x48: {  	s0 =	sor.u32 @p1 s22, s0;
	[sflag:s12] =	ssyncadd.s32 $0xFFFFFF80  }
0x49: {  	s0 =	sshrl.u32 @p1 s0, $0x3;
	_ =	strace $0x9000006F  }
0x4a: {  	s22 =	sor.u32 @p1 $0x4, s24;
	s24 =	sadd.s32 @p1 s6, s0;
	_ =	strace @p1 $0x80000070  }
0x4b: {  	[hbm4b:s24+s1] =	stream.linear.scatter @p1 [tilespmem:s26], [sflag:s22], $0x200, $0x200038;
	[tilespmem:$0xC00] =	vst v63  }
0x4c: {  	s17 =	sadd.s32 @p1 $0x1, s17;
	s28 =	simm.s32 $0x0;
	_ =	strace @p1 $0x90000070  }
0x4d: {  	s0 =	sadd.s32 @p1 s7, s0;
	s22 =	sor.u32 @p1 $0x6, s23;
	_ =	strace @p1 $0x80000071  }
0x4e: {  	[hbm4b:s0+s1] =	stream.linear.scatter @p1 [tilespmem:s25], [sflag:s22], $0x200, $0x200038;
	[tilespmem:$0xC00] =	vst v63  }
0x4f: {  	s28 =	simm.s32 @p1 $0x1;
	_ =	strace @p1 $0x90000071;
	p1 =	seq.s32 s15, $0x800  }
0x50: {  	s0 =	sand.u32 @!p1 $0x1, s20  }
0x51: {  	_ =	strace @!p1 $0x80000072;
	s0 =	sor.u32 @!p1 $0x4, s0  }
0x52: {  	_ =	swait.ge @!p1 [sflag:s0], $0x200  }
0x53: {  	s22 =	simm.s32 $0x1;
	[sflag:s0] =	ssyncset.done @!p1 $0x0  }
0x54: {  	s22 =	simm.s32 @!p0 $0x0;
	[sflag:s0] =	ssyncadd.s32 @!p1 $0xFFFFFE00  }
0x55: {  	s15 =	sadd.s32 $0xFFFFFFFF, s15;
	s0 =	sand.u32 @!p1 $0x1, s14;
	_ =	strace @!p1 $0x90000072  }
0x56: {  	p0 =	sne.s32 s15, $0x0;
	s0 =	sor.u32 @!p1 $0x6, s0;
	_ =	strace @!p1 $0x80000073  }
.Ltmp0:
0x57: {  	s16 =	sadd.s32 s16, s28;
	_ =	swait.ge @!p1 [sflag:s0], $0x200;
	(pc) =	sbr.rel @p0 .LBB2_2-.Ltmp0, $4  }
0x58: {  	s18 =	sadd.s32 s18, s28;
	s19 =	sadd.s32 s22, s19;
	[sflag:s0] =	ssyncset.done @!p1 $0x0  }
0x59: {  	s23 =	sadd.s32 @!p1 $0x1, s20;
	[sflag:s0] =	ssyncadd.s32 @!p1 $0xFFFFFE00;
	s0 =	simm.s32 @!p1 $0x1  }
0x5a: {  	s22 =	smov.u32 s21;
	s23 =	smov.u32 @p1 s20;
	s0 =	simm.s32 @p1 $0x0  }
0x5b: {  	s20 =	smov.u32 s23;
	_ =	strace @!p1 $0x90000073;
	s14 =	sadd.s32 s14, s0  }
0x5c: {  	s0 =	sand.u32 $0x1, s23  }
0x5d: {  	_ =	strace $0x80000074;
	s0 =	sor.u32 $0x4, s0  }
0x5e: {  	s13 =	sadd.s32 $0x1, s13;
	_ =	swait.ge [sflag:s0], $0x200  }
0x5f: {  	s14 =	sand.u32 $0x1, s14;
	p0 =	sne.s32 s13, s10;
	[sflag:s0] =	ssyncset.done $0x0  }
.Ltmp1:
0x60: {  	s31 =	sor.u32 $0x6, s14;
	[sflag:s0] =	ssyncadd.s32 $0xFFFFFE00;
	(pc) =	sbr.rel @p0 .LBB2_1-.Ltmp1, $4  }
0x61: {  	_ =	swait.ge [sflag:s31], $0x200  }
0x62: {  	[sflag:s31] =	ssyncset.done $0x0  }
0x63: {  	[sflag:s31] =	ssyncadd.s32 $0xFFFFFE00  }
0x64: {  	_ =	strace $0x90000074  }
0x65: {  	_ =	sfence.sel $0x180000  }
0x66: {  	[bflag:$0x0] =	sbarrier.arrive $0xFFFF  }
0x67: {  	_ =	strace $0x9000006B  }
0x68: {  	[bflag:$0x2] =	sbarrier.arrive $0xFFFF  }
0x69: {  	p0 =	sne.s32 s3, $0x0;
	s0 =	rddreg [dreg:$0x1]  }
0x6a: {  	s0 =	sadd.s32 @!p0 $0x100000, s0  }
0x6b: {  	[sflag:s0] =	ssyncadd.tile.s32 @!p0 $0x1;
	_ =	shalt  }
.Lfunc_end2:
_tile_overlayer_lowered:
.L_overlay_start_2:
0x6c: {  	(tag) =	ssettag $0x2  }
0x6d: {  	s0 =	rddreg [dreg:$0x0];
	s2 =	stileid.u32  }
0x6e: {  	s1 =	rddreg [dreg:$0x1];
	p0 =	sne.s32 s2, $0x0  }
0x6f: {  	s3 =	rddreg [dreg:$0x2];
	[bflag:$0x3] =	sbarrier.arrive $0xFFFF;
	s2 =	simm.s32 @!p0 $0x1C02  }
0x70: {  	[timem:s3], [sflag:s2] =	dma.local @!p0 [hbm:s0], s1  }
0x71: {  	s0 =	simm.s32 @!p0 $0x2  }
0x72: {  	_ =	swait.ge @!p0 [sflag:s0], s1  }
0x73: {  	s1 =	ssub.s32 @!p0 $0x0, s1;
	[sflag:s0] =	ssyncset.done @!p0 $0x0  }
0x74: {  	[sflag:s0] =	ssyncadd.s32 @!p0 s1  }
0x75: {  	[bflag:$0x3] =	sbarrier.arrive $0xFFFF  }
0x76: {  	_ =	shalt  }

</sc_bundles>
